<compile_context>
chip_gen: v7x
topology: tpu7x:2x2x1
jax: 0.10.2.dev20260603
libtpu: 0.0.44.dev20260713+nightly
codegen_flags: <defaults>
</compile_context>

<pallas_src>
import functools

import jax
import jax.numpy as jnp
from jax import lax
from jax.experimental import pallas as pl
from jax.experimental.pallas import tpu as pltpu
from jax.experimental.pallas import tpu_sc as plsc

NC = 2
NS = 16
NW = NC * NS
L = 16


def _make_sc(B, OBS, ACT):
    NBLK = ACT // 8
    NITEMS = 2 * NBLK
    BW = 2048
    NCH = B // BW
    BPW = B // NW

    mesh = plsc.VectorSubcoreMesh(
        core_axis_name="c", subcore_axis_name="s",
        num_cores=NC, num_subcores=NS)

    @functools.partial(
        pl.kernel,
        mesh=mesh,
        compiler_params=pltpu.CompilerParams(
            use_tc_tiling_on_sc=True, needs_layout_passes=False),
        out_type=(
            jax.ShapeDtypeStruct((ACT, B), jnp.float32),
            jax.ShapeDtypeStruct((ACT, B), jnp.float32),
            jax.ShapeDtypeStruct((B,), jnp.float32),
        ),
        scratch_types=[
            pltpu.VMEM((B,), jnp.int32),
            pltpu.VMEM((8 * 8 * OBS,), jnp.float32),
            pltpu.VMEM((8, BW), jnp.float32),
            pltpu.VMEM((8, BW), jnp.float32),
            pltpu.VMEM((8, BW), jnp.float32),
            pltpu.VMEM((8, BW), jnp.float32),
            pltpu.VMEM((8, BW), jnp.float32),
            pltpu.VMEM((OBS,), jnp.float32),
            pltpu.VMEM((BPW,), jnp.float32),
            pltpu.SemaphoreType.DMA,
            pltpu.SemaphoreType.DMA,
            pltpu.SemaphoreType.DMA,
            pltpu.SemaphoreType.DMA,
            pltpu.SemaphoreType.DMA,
        ],
    )
    def sc_gather(x_hbm, v_hbm, tbl_hbm,
                  qT_hbm, pT_hbm, val_hbm,
                  x_v, tbl_v, T0, T1, T2, T3, T4, v_v, val_v,
                  sw0, sw1, sw2, sw3, sw4):
        wid = lax.axis_index("s") * NC + lax.axis_index("c")
        start = (wid * NITEMS) // NW
        end = ((wid + 1) * NITEMS) // NW
        c1 = pltpu.async_copy(x_hbm, x_v, sw0)
        c2 = pltpu.async_copy(v_hbm, v_v, sw1)
        c3 = pltpu.async_copy(
            tbl_hbm.at[pl.ds(start * 8 * OBS, 8 * 8 * OBS)], tbl_v, sw2)
        c1.wait()
        c2.wait()
        c3.wait()

        T = (T0, T1, T2, T3, T4)
        sw = (sw0, sw1, sw2, sw3, sw4)
        NB = len(T)

        def drain(b):
            pltpu.make_async_copy(
                qT_hbm.at[pl.ds(0, 8), pl.ds(0, BW)], T[b], sw[b]).wait()

        def fill(buf, w, tbase):
            b0 = w * BW

            @plsc.parallel_loop(0, BW // L, unroll=4)
            def _(u):
                xi = x_v[pl.ds(b0 + u * L, L)]
                for dl in range(8):
                    buf[dl, pl.ds(u * L, L)] = plsc.load_gather(
                        tbl_v, [xi + (tbase + dl * OBS)])

        def item_body(item, carry):
            tbase = (item - start) * (8 * OBS)
            row = item * 8
            for w in range(NCH):
                b = w % NB
                if w >= NB:
                    drain(b)
                else:
                    @pl.when(item > start)
                    def _():
                        drain(b)
                fill(T[b], w, tbase)

                @pl.when(item < NBLK)
                def _():
                    pltpu.async_copy(
                        T[b],
                        qT_hbm.at[pl.ds(row, 8), pl.ds(w * BW, BW)],
                        sw[b])

                @pl.when(item >= NBLK)
                def _():
                    pltpu.async_copy(
                        T[b],
                        pT_hbm.at[pl.ds(row - ACT, 8), pl.ds(w * BW, BW)],
                        sw[b])
            return carry

        lax.fori_loop(start, end, item_body, 0)
        vbase = wid * BPW

        @plsc.parallel_loop(0, BPW // L, unroll=4)
        def _(u):
            xi = x_v[pl.ds(vbase + u * L, L)]
            val_v[pl.ds(u * L, L)] = plsc.load_gather(v_v, [xi])

        pltpu.sync_copy(val_v, val_hbm.at[pl.ds(vbase, BPW)])

        for b in range(NB):
            drain(b)

    return sc_gather


def kernel(x, v, q, pi_w):
    B = x.shape[0]
    ACT, OBS = pi_w.shape
    x32 = x.astype(jnp.int32)
    tbl = jnp.concatenate([q.T, pi_w], axis=0).reshape(-1)
    qvalT, piT, val = _make_sc(B, OBS, ACT)(x32, v, tbl)
    return (piT.T, val, qvalT.T)

# --- scband reference (transcript-rebuilt; emitter-appended) ---
"""Pipeline reference for scband-actor-critic-52278341927266 (READ-ONLY COPY).

The authoritative reference and input builder live on the scoring server;
editing this copy changes nothing except your own understanding.
"""

import jax, jax.numpy as jnp
import numpy as np

OBS = 256
ACT = 1000
B = 16384

def setup_inputs(seed: int = 0) -> dict:
    key = jax.random.key(seed)
    k1, k2, k3, k4 = jax.random.split(key, 4)
    x = jax.random.randint(k1, (B,), 0, OBS, dtype=jnp.int64) if jax.config.jax_enable_x64 else jax.random.randint(k1, (B,), 0, OBS, dtype=jnp.int32)
    # learned params sized per init_kwargs
    v = jax.random.uniform(k2, (OBS,), dtype=jnp.float32)
    q = jax.random.uniform(k3, (OBS, ACT), dtype=jnp.float32)
    # pi: nn.Linear(OBS, ACT, bias=False) -> weight [ACT, OBS], then init_weights:
    # weight = exp(weight) / exp(weight).sum(0, keepdim=True)  (columns of [ACT,OBS] sum to 1 along dim 0)
    w_raw = jax.random.uniform(k4, (ACT, OBS), minval=-jnp.sqrt(1.0/OBS), maxval=jnp.sqrt(1.0/OBS), dtype=jnp.float32)
    w_exp = jnp.exp(w_raw)
    pi_w = w_exp / w_exp.sum(axis=0, keepdims=True)
    return {"x": x, "v": v, "q": q, "pi_w": pi_w}

def reference(x, v, q, pi_w):
    # policy: one_hot(x, 256) @ pi_w.T
    oh = jax.nn.one_hot(x, OBS, dtype=jnp.float32)
    pi_out = oh @ pi_w.T                 # [B, ACT]
    # value: v[x]  (embedding gather)
    val = jnp.take(v, x, axis=0)         # [B]
    # q_value: q[x] (embedding row gather)
    qval = jnp.take(q, x, axis=0)        # [B, ACT]
    return (pi_out, val, qval)

if __name__ == "__main__":
    import jax
    _d = setup_inputs()
    print(jax.jit(kernel)(*tuple(_d.values())))

</pallas_src>

<mosaic_0001>
#map = affine_map<(d0, d1) -> (0)>
#map1 = affine_map<(d0, d1) -> (0, 0)>
module attributes {stable_mosaic.version = 14 : i64} {
  func.func @sc_gather(%arg0: i32, %arg1: i32, %arg2: memref<16384xi32, #tpu.memory_space<hbm>>, %arg3: memref<256xf32, #tpu.memory_space<hbm>>, %arg4: memref<512000xf32, #tpu.memory_space<hbm>>, %arg5: memref<1000x16384xf32, #tpu.memory_space<hbm>>, %arg6: memref<1000x16384xf32, #tpu.memory_space<hbm>>, %arg7: memref<16384xf32, #tpu.memory_space<hbm>>, %arg8: memref<16384xi32, #tpu.memory_space<vmem>>, %arg9: memref<16384xf32, #tpu.memory_space<vmem>>, %arg10: memref<8x2048xf32, #tpu.memory_space<vmem>>, %arg11: memref<8x2048xf32, #tpu.memory_space<vmem>>, %arg12: memref<8x2048xf32, #tpu.memory_space<vmem>>, %arg13: memref<8x2048xf32, #tpu.memory_space<vmem>>, %arg14: memref<8x2048xf32, #tpu.memory_space<vmem>>, %arg15: memref<256xf32, #tpu.memory_space<vmem>>, %arg16: memref<512xf32, #tpu.memory_space<vmem>>, %arg17: memref<!tpu.dma_semaphore, #tpu.memory_space<semaphore_mem>>, %arg18: memref<!tpu.dma_semaphore, #tpu.memory_space<semaphore_mem>>, %arg19: memref<!tpu.dma_semaphore, #tpu.memory_space<semaphore_mem>>, %arg20: memref<!tpu.dma_semaphore, #tpu.memory_space<semaphore_mem>>, %arg21: memref<!tpu.dma_semaphore, #tpu.memory_space<semaphore_mem>>) attributes {dimension_semantics = [#tpu.dimension_semantics<core_parallel>, #tpu.dimension_semantics<subcore_parallel>], iteration_bounds = array<i64: 2, 16>, scalar_prefetch = 0 : i64, scratch_operands = 14 : i64, tpu.core_type = #tpu.core_type<sc_vector_subcore>, window_params = [{transform_indices = #map}, {transform_indices = #map}, {transform_indices = #map}, {transform_indices = #map1}, {transform_indices = #map1}, {transform_indices = #map}]} {
    %mul3A = arith.constant 2 : i32
    %mul3A_0 = arith.muli %arg1, %mul3A : i32
    %add3A = arith.addi %mul3A_0, %arg0 : i32
    %mul3A_1 = arith.constant 250 : i32
    %mul3A_2 = arith.muli %add3A, %mul3A_1 : i32
    %jit3A = arith.constant 32 : i32
    %div3A = arith.divsi %mul3A_2, %jit3A : i32
    %sign3A = arith.constant 0 : i32
    %sign3A_3 = arith.cmpi sgt, %mul3A_2, %sign3A : i32
    %sign3A_4 = arith.extui %sign3A_3 : i1 to i32
    %sign3A_5 = arith.constant 0 : i32
    %sign3A_6 = arith.cmpi slt, %mul3A_2, %sign3A_5 : i32
    %sign3A_7 = arith.extui %sign3A_6 : i1 to i32
    %sign3A_8 = arith.subi %sign3A_4, %sign3A_7 : i32
    %sign3A_9 = arith.constant 0 : i32
    %sign3A_10 = arith.cmpi sgt, %jit3A, %sign3A_9 : i32
    %sign3A_11 = arith.extui %sign3A_10 : i1 to i32
    %sign3A_12 = arith.constant 0 : i32
    %sign3A_13 = arith.cmpi slt, %jit3A, %sign3A_12 : i32
    %sign3A_14 = arith.extui %sign3A_13 : i1 to i32
    %sign3A_15 = arith.subi %sign3A_11, %sign3A_14 : i32
    %ne3A = arith.cmpi ne, %sign3A_8, %sign3A_15 : i32
    %rem3A = arith.remsi %mul3A_2, %jit3A : i32
    %ne3A_16 = arith.constant 0 : i32
    %ne3A_17 = arith.cmpi ne, %rem3A, %ne3A_16 : i32
    %and3A = arith.andi %ne3A, %ne3A_17 : i1
    %sub3A = arith.constant 1 : i32
    %sub3A_18 = arith.subi %div3A, %sub3A : i32
    %select_n3A = arith.select %and3A, %sub3A_18, %div3A : i32
    %add3A_19 = arith.constant 1 : i32
    %add3A_20 = arith.addi %add3A, %add3A_19 : i32
    %mul3A_21 = arith.constant 250 : i32
    %mul3A_22 = arith.muli %add3A_20, %mul3A_21 : i32
    %jit3A_23 = arith.constant 32 : i32
    %div3A_24 = arith.divsi %mul3A_22, %jit3A_23 : i32
    %sign3A_25 = arith.constant 0 : i32
    %sign3A_26 = arith.cmpi sgt, %mul3A_22, %sign3A_25 : i32
    %sign3A_27 = arith.extui %sign3A_26 : i1 to i32
    %sign3A_28 = arith.constant 0 : i32
    %sign3A_29 = arith.cmpi slt, %mul3A_22, %sign3A_28 : i32
    %sign3A_30 = arith.extui %sign3A_29 : i1 to i32
    %sign3A_31 = arith.subi %sign3A_27, %sign3A_30 : i32
    %sign3A_32 = arith.constant 0 : i32
    %sign3A_33 = arith.cmpi sgt, %jit3A_23, %sign3A_32 : i32
    %sign3A_34 = arith.extui %sign3A_33 : i1 to i32
    %sign3A_35 = arith.constant 0 : i32
    %sign3A_36 = arith.cmpi slt, %jit3A_23, %sign3A_35 : i32
    %sign3A_37 = arith.extui %sign3A_36 : i1 to i32
    %sign3A_38 = arith.subi %sign3A_34, %sign3A_37 : i32
    %ne3A_39 = arith.cmpi ne, %sign3A_31, %sign3A_38 : i32
    %rem3A_40 = arith.remsi %mul3A_22, %jit3A_23 : i32
    %ne3A_41 = arith.constant 0 : i32
    %ne3A_42 = arith.cmpi ne, %rem3A_40, %ne3A_41 : i32
    %and3A_43 = arith.andi %ne3A_39, %ne3A_42 : i1
    %sub3A_44 = arith.constant 1 : i32
    %sub3A_45 = arith.subi %div3A_24, %sub3A_44 : i32
    %select_n3A_46 = arith.select %and3A_43, %sub3A_45, %div3A_24 : i32
    tpu.enqueue_dma source(%arg2 : memref<16384xi32, #tpu.memory_space<hbm>>) target(%arg8 : memref<16384xi32, #tpu.memory_space<vmem>>) target_semaphore(%arg17 : memref<!tpu.dma_semaphore, #tpu.memory_space<semaphore_mem>>)
    tpu.enqueue_dma source(%arg3 : memref<256xf32, #tpu.memory_space<hbm>>) target(%arg15 : memref<256xf32, #tpu.memory_space<vmem>>) target_semaphore(%arg18 : memref<!tpu.dma_semaphore, #tpu.memory_space<semaphore_mem>>)
    %mul3A_47 = arith.constant 8 : i32
    %mul3A_48 = arith.muli %select_n3A, %mul3A_47 : i32
    %mul3A_49 = arith.constant 256 : i32
    %mul3A_50 = arith.muli %mul3A_48, %mul3A_49 : i32
    %dma_start3A = tpu.memref_slice %arg4[%mul3A_50] : memref<512000xf32, #tpu.memory_space<hbm>> -> memref<16384xf32, #tpu.memory_space<hbm>>
    %dma_start3A_51 = tpu.memref_slice %arg4[%mul3A_50] : memref<512000xf32, #tpu.memory_space<hbm>> -> memref<16384xf32, #tpu.memory_space<hbm>>
    tpu.enqueue_dma source(%dma_start3A_51 : memref<16384xf32, #tpu.memory_space<hbm>>) target(%arg9 : memref<16384xf32, #tpu.memory_space<vmem>>) target_semaphore(%arg19 : memref<!tpu.dma_semaphore, #tpu.memory_space<semaphore_mem>>)
    tpu.wait_dma2 semaphore(%arg17 : memref<!tpu.dma_semaphore, #tpu.memory_space<semaphore_mem>>) src(%arg2 : memref<16384xi32, #tpu.memory_space<hbm>>) dst(%arg8 : memref<16384xi32, #tpu.memory_space<vmem>>)
    tpu.wait_dma2 semaphore(%arg18 : memref<!tpu.dma_semaphore, #tpu.memory_space<semaphore_mem>>) src(%arg3 : memref<256xf32, #tpu.memory_space<hbm>>) dst(%arg15 : memref<256xf32, #tpu.memory_space<vmem>>)
    %dma_wait3A = tpu.memref_slice %arg4[%mul3A_50] : memref<512000xf32, #tpu.memory_space<hbm>> -> memref<16384xf32, #tpu.memory_space<hbm>>
    %dma_wait3A_52 = tpu.memref_slice %arg4[%mul3A_50] : memref<512000xf32, #tpu.memory_space<hbm>> -> memref<16384xf32, #tpu.memory_space<hbm>>
    tpu.wait_dma2 semaphore(%arg19 : memref<!tpu.dma_semaphore, #tpu.memory_space<semaphore_mem>>) src(%dma_wait3A_52 : memref<16384xf32, #tpu.memory_space<hbm>>) dst(%arg9 : memref<16384xf32, #tpu.memory_space<vmem>>)
    %while3A = arith.constant 0 : i32
    %while3A_53 = arith.subi %select_n3A_46, %select_n3A : i32
    %while3A_54 = arith.addi %select_n3A, %while3A_53 : i32
    %while3A_55 = arith.constant 1 : i32
    %while3A_56 = arith.divsi %while3A_53, %while3A_55 : i32
    %while3A_57 = arith.muli %while3A_56, %while3A_55 : i32
    %while3A_58 = arith.addi %select_n3A, %while3A_57 : i32
    %while3A_59 = arith.constant 1 : i32
    scf.for %while3A_95 = %select_n3A to %while3A_58 step %while3A_59  : i32 {
      %sub3A_96 = arith.subi %while3A_95, %select_n3A : i32
      %mul3A_97 = arith.constant 2048 : i32
      %mul3A_98 = arith.muli %sub3A_96, %mul3A_97 : i32
      %mul3A_99 = arith.constant 8 : i32
      %mul3A_100 = arith.muli %while3A_95, %mul3A_99 : i32
      %gt3A = arith.cmpi sgt, %while3A_95, %select_n3A : i32
      %convert_element_type3A = arith.extui %gt3A : i1 to i32
      %cond3A = arith.constant 0 : i32
      %cond3A_101 = arith.cmpi ne, %convert_element_type3A, %cond3A : i32
      scf.if %cond3A_101 {
        %dma_wait3A_238 = arith.constant 0 : i32
        %dma_wait3A_239 = arith.constant 0 : i32
        %dma_wait3A_240 = tpu.memref_slice %arg5[%dma_wait3A_238, %dma_wait3A_239] : memref<1000x16384xf32, #tpu.memory_space<hbm>> -> memref<8x2048xf32, #tpu.memory_space<hbm>>
        %dma_wait3A_241 = arith.constant 0 : i32
        %dma_wait3A_242 = arith.constant 0 : i32
        %dma_wait3A_243 = tpu.memref_slice %arg5[%dma_wait3A_241, %dma_wait3A_242] : memref<1000x16384xf32, #tpu.memory_space<hbm>> -> memref<8x2048xf32, #tpu.memory_space<hbm>>
        tpu.wait_dma2 semaphore(%arg17 : memref<!tpu.dma_semaphore, #tpu.memory_space<semaphore_mem>>) src(%dma_wait3A_243 : memref<8x2048xf32, #tpu.memory_space<hbm>>) dst(%arg10 : memref<8x2048xf32, #tpu.memory_space<vmem>>)
      } else {
      }
      %parallel_loop3A_102 = arith.constant 0 : i32
      %parallel_loop3A_103 = arith.constant 128 : i32
      %parallel_loop3A_104 = arith.constant 1 : i32
      scf.for %parallel_loop3A_238 = %parallel_loop3A_102 to %parallel_loop3A_103 step %parallel_loop3A_104  : i32 {
        %parallel_loop3A_239 = arith.constant 16 : i32
        %parallel_loop3A_240 = arith.muli %parallel_loop3A_238, %parallel_loop3A_239 : i32
        %parallel_loop3A_241 = arith.constant 0 : i32
        %parallel_loop3A_242 = arith.addi %parallel_loop3A_241, %parallel_loop3A_240 : i32
        %parallel_loop3A_243 = arith.index_cast %parallel_loop3A_242 : i32 to index
        %parallel_loop3A_244 = tpu.vector_load %arg8[%parallel_loop3A_243] {strides = array<i32>} : memref<16384xi32, #tpu.memory_space<vmem>>, vector<16xi32>,
        %parallel_loop3A_245 = arith.constant 0 : i32
        %parallel_loop3A_246 = arith.addi %mul3A_98, %parallel_loop3A_245 : i32
        %parallel_loop3A_247 = vector.broadcast %parallel_loop3A_246 : i32 to vector<16xi32>
        %parallel_loop3A_248 = arith.addi %parallel_loop3A_244, %parallel_loop3A_247 : vector<16xi32>
        %parallel_loop3A_249 = tpu.vector_load_idx %arg9[%parallel_loop3A_248] : memref<16384xf32, #tpu.memory_space<vmem>>[vector<16xi32>], vector<16xf32>,
        %parallel_loop3A_250 = arith.constant 16 : i32
        %parallel_loop3A_251 = arith.muli %parallel_loop3A_238, %parallel_loop3A_250 : i32
        %parallel_loop3A_252 = arith.constant 0 : i32
        %parallel_loop3A_253 = arith.index_cast %parallel_loop3A_252 : i32 to index
        %parallel_loop3A_254 = arith.index_cast %parallel_loop3A_251 : i32 to index
        %parallel_loop3A_255 = tpu.vector_load %arg10[%parallel_loop3A_253, %parallel_loop3A_254] {strides = array<i32>} : memref<8x2048xf32, #tpu.memory_space<vmem>>, vector<16xf32>,
        tpu.vector_store %arg10[%parallel_loop3A_253, %parallel_loop3A_254], %parallel_loop3A_249 {strides = array<i32>} : memref<8x2048xf32, #tpu.memory_space<vmem>>, vector<16xf32>,
        %parallel_loop3A_256 = arith.constant 256 : i32
        %parallel_loop3A_257 = arith.addi %mul3A_98, %parallel_loop3A_256 : i32
        %parallel_loop3A_258 = vector.broadcast %parallel_loop3A_257 : i32 to vector<16xi32>
        %parallel_loop3A_259 = arith.addi %parallel_loop3A_244, %parallel_loop3A_258 : vector<16xi32>
        %parallel_loop3A_260 = tpu.vector_load_idx %arg9[%parallel_loop3A_259] : memref<16384xf32, #tpu.memory_space<vmem>>[vector<16xi32>], vector<16xf32>,
        %parallel_loop3A_261 = arith.constant 16 : i32
        %parallel_loop3A_262 = arith.muli %parallel_loop3A_238, %parallel_loop3A_261 : i32
        %parallel_loop3A_263 = arith.constant 1 : i32
        %parallel_loop3A_264 = arith.index_cast %parallel_loop3A_263 : i32 to index
        %parallel_loop3A_265 = arith.index_cast %parallel_loop3A_262 : i32 to index
        %parallel_loop3A_266 = tpu.vector_load %arg10[%parallel_loop3A_264, %parallel_loop3A_265] {strides = array<i32>} : memref<8x2048xf32, #tpu.memory_space<vmem>>, vector<16xf32>,
        tpu.vector_store %arg10[%parallel_loop3A_264, %parallel_loop3A_265], %parallel_loop3A_260 {strides = array<i32>} : memref<8x2048xf32, #tpu.memory_space<vmem>>, vector<16xf32>,
        %parallel_loop3A_267 = arith.constant 512 : i32
        %parallel_loop3A_268 = arith.addi %mul3A_98, %parallel_loop3A_267 : i32
        %parallel_loop3A_269 = vector.broadcast %parallel_loop3A_268 : i32 to vector<16xi32>
        %parallel_loop3A_270 = arith.addi %parallel_loop3A_244, %parallel_loop3A_269 : vector<16xi32>
        %parallel_loop3A_271 = tpu.vector_load_idx %arg9[%parallel_loop3A_270] : memref<16384xf32, #tpu.memory_space<vmem>>[vector<16xi32>], vector<16xf32>,
        %parallel_loop3A_272 = arith.constant 16 : i32
        %parallel_loop3A_273 = arith.muli %parallel_loop3A_238, %parallel_loop3A_272 : i32
        %parallel_loop3A_274 = arith.constant 2 : i32
        %parallel_loop3A_275 = arith.index_cast %parallel_loop3A_274 : i32 to index
        %parallel_loop3A_276 = arith.index_cast %parallel_loop3A_273 : i32 to index
        %parallel_loop3A_277 = tpu.vector_load %arg10[%parallel_loop3A_275, %parallel_loop3A_276] {strides = array<i32>} : memref<8x2048xf32, #tpu.memory_space<vmem>>, vector<16xf32>,
        tpu.vector_store %arg10[%parallel_loop3A_275, %parallel_loop3A_276], %parallel_loop3A_271 {strides = array<i32>} : memref<8x2048xf32, #tpu.memory_space<vmem>>, vector<16xf32>,
        %parallel_loop3A_278 = arith.constant 768 : i32
        %parallel_loop3A_279 = arith.addi %mul3A_98, %parallel_loop3A_278 : i32
        %parallel_loop3A_280 = vector.broadcast %parallel_loop3A_279 : i32 to vector<16xi32>
        %parallel_loop3A_281 = arith.addi %parallel_loop3A_244, %parallel_loop3A_280 : vector<16xi32>
        %parallel_loop3A_282 = tpu.vector_load_idx %arg9[%parallel_loop3A_281] : memref<16384xf32, #tpu.memory_space<vmem>>[vector<16xi32>], vector<16xf32>,
        %parallel_loop3A_283 = arith.constant 16 : i32
        %parallel_loop3A_284 = arith.muli %parallel_loop3A_238, %parallel_loop3A_283 : i32
        %parallel_loop3A_285 = arith.constant 3 : i32
        %parallel_loop3A_286 = arith.index_cast %parallel_loop3A_285 : i32 to index
        %parallel_loop3A_287 = arith.index_cast %parallel_loop3A_284 : i32 to index
        %parallel_loop3A_288 = tpu.vector_load %arg10[%parallel_loop3A_286, %parallel_loop3A_287] {strides = array<i32>} : memref<8x2048xf32, #tpu.memory_space<vmem>>, vector<16xf32>,
        tpu.vector_store %arg10[%parallel_loop3A_286, %parallel_loop3A_287], %parallel_loop3A_282 {strides = array<i32>} : memref<8x2048xf32, #tpu.memory_space<vmem>>, vector<16xf32>,
        %parallel_loop3A_289 = arith.constant 1024 : i32
        %parallel_loop3A_290 = arith.addi %mul3A_98, %parallel_loop3A_289 : i32
        %parallel_loop3A_291 = vector.broadcast %parallel_loop3A_290 : i32 to vector<16xi32>
        %parallel_loop3A_292 = arith.addi %parallel_loop3A_244, %parallel_loop3A_291 : vector<16xi32>
        %parallel_loop3A_293 = tpu.vector_load_idx %arg9[%parallel_loop3A_292] : memref<16384xf32, #tpu.memory_space<vmem>>[vector<16xi32>], vector<16xf32>,
        %parallel_loop3A_294 = arith.constant 16 : i32
        %parallel_loop3A_295 = arith.muli %parallel_loop3A_238, %parallel_loop3A_294 : i32
        %parallel_loop3A_296 = arith.constant 4 : i32
        %parallel_loop3A_297 = arith.index_cast %parallel_loop3A_296 : i32 to index
        %parallel_loop3A_298 = arith.index_cast %parallel_loop3A_295 : i32 to index
        %parallel_loop3A_299 = tpu.vector_load %arg10[%parallel_loop3A_297, %parallel_loop3A_298] {strides = array<i32>} : memref<8x2048xf32, #tpu.memory_space<vmem>>, vector<16xf32>,
        tpu.vector_store %arg10[%parallel_loop3A_297, %parallel_loop3A_298], %parallel_loop3A_293 {strides = array<i32>} : memref<8x2048xf32, #tpu.memory_space<vmem>>, vector<16xf32>,
        %parallel_loop3A_300 = arith.constant 1280 : i32
        %parallel_loop3A_301 = arith.addi %mul3A_98, %parallel_loop3A_300 : i32
        %parallel_loop3A_302 = vector.broadcast %parallel_loop3A_301 : i32 to vector<16xi32>
        %parallel_loop3A_303 = arith.addi %parallel_loop3A_244, %parallel_loop3A_302 : vector<16xi32>
        %parallel_loop3A_304 = tpu.vector_load_idx %arg9[%parallel_loop3A_303] : memref<16384xf32, #tpu.memory_space<vmem>>[vector<16xi32>], vector<16xf32>,
        %parallel_loop3A_305 = arith.constant 16 : i32
        %parallel_loop3A_306 = arith.muli %parallel_loop3A_238, %parallel_loop3A_305 : i32
        %parallel_loop3A_307 = arith.constant 5 : i32
        %parallel_loop3A_308 = arith.index_cast %parallel_loop3A_307 : i32 to index
        %parallel_loop3A_309 = arith.index_cast %parallel_loop3A_306 : i32 to index
        %parallel_loop3A_310 = tpu.vector_load %arg10[%parallel_loop3A_308, %parallel_loop3A_309] {strides = array<i32>} : memref<8x2048xf32, #tpu.memory_space<vmem>>, vector<16xf32>,
        tpu.vector_store %arg10[%parallel_loop3A_308, %parallel_loop3A_309], %parallel_loop3A_304 {strides = array<i32>} : memref<8x2048xf32, #tpu.memory_space<vmem>>, vector<16xf32>,
        %parallel_loop3A_311 = arith.constant 1536 : i32
        %parallel_loop3A_312 = arith.addi %mul3A_98, %parallel_loop3A_311 : i32
        %parallel_loop3A_313 = vector.broadcast %parallel_loop3A_312 : i32 to vector<16xi32>
        %parallel_loop3A_314 = arith.addi %parallel_loop3A_244, %parallel_loop3A_313 : vector<16xi32>
        %parallel_loop3A_315 = tpu.vector_load_idx %arg9[%parallel_loop3A_314] : memref<16384xf32, #tpu.memory_space<vmem>>[vector<16xi32>], vector<16xf32>,
        %parallel_loop3A_316 = arith.constant 16 : i32
        %parallel_loop3A_317 = arith.muli %parallel_loop3A_238, %parallel_loop3A_316 : i32
        %parallel_loop3A_318 = arith.constant 6 : i32
        %parallel_loop3A_319 = arith.index_cast %parallel_loop3A_318 : i32 to index
        %parallel_loop3A_320 = arith.index_cast %parallel_loop3A_317 : i32 to index
        %parallel_loop3A_321 = tpu.vector_load %arg10[%parallel_loop3A_319, %parallel_loop3A_320] {strides = array<i32>} : memref<8x2048xf32, #tpu.memory_space<vmem>>, vector<16xf32>,
        tpu.vector_store %arg10[%parallel_loop3A_319, %parallel_loop3A_320], %parallel_loop3A_315 {strides = array<i32>} : memref<8x2048xf32, #tpu.memory_space<vmem>>, vector<16xf32>,
        %parallel_loop3A_322 = arith.constant 1792 : i32
        %parallel_loop3A_323 = arith.addi %mul3A_98, %parallel_loop3A_322 : i32
        %parallel_loop3A_324 = vector.broadcast %parallel_loop3A_323 : i32 to vector<16xi32>
        %parallel_loop3A_325 = arith.addi %parallel_loop3A_244, %parallel_loop3A_324 : vector<16xi32>
        %parallel_loop3A_326 = tpu.vector_load_idx %arg9[%parallel_loop3A_325] : memref<16384xf32, #tpu.memory_space<vmem>>[vector<16xi32>], vector<16xf32>,
        %parallel_loop3A_327 = arith.constant 16 : i32
        %parallel_loop3A_328 = arith.muli %parallel_loop3A_238, %parallel_loop3A_327 : i32
        %parallel_loop3A_329 = arith.constant 7 : i32
        %parallel_loop3A_330 = arith.index_cast %parallel_loop3A_329 : i32 to index
        %parallel_loop3A_331 = arith.index_cast %parallel_loop3A_328 : i32 to index
        %parallel_loop3A_332 = tpu.vector_load %arg10[%parallel_loop3A_330, %parallel_loop3A_331] {strides = array<i32>} : memref<8x2048xf32, #tpu.memory_space<vmem>>, vector<16xf32>,
        tpu.vector_store %arg10[%parallel_loop3A_330, %parallel_loop3A_331], %parallel_loop3A_326 {strides = array<i32>} : memref<8x2048xf32, #tpu.memory_space<vmem>>, vector<16xf32>,
      } {sc.loop_unroll_factor = 4 : i64, sc.parallel_access}
      %lt3A = arith.constant 125 : i32
      %lt3A_105 = arith.cmpi slt, %while3A_95, %lt3A : i32
      %convert_element_type3A_106 = arith.extui %lt3A_105 : i1 to i32
      %cond3A_107 = arith.constant 0 : i32
      %cond3A_108 = arith.cmpi ne, %convert_element_type3A_106, %cond3A_107 : i32
      scf.if %cond3A_108 {
        %dma_start3A_238 = arith.constant 0 : i32
        %dma_start3A_239 = tpu.memref_slice %arg5[%mul3A_100, %dma_start3A_238] : memref<1000x16384xf32, #tpu.memory_space<hbm>> -> memref<8x2048xf32, #tpu.memory_space<hbm>>
        %dma_start3A_240 = arith.constant 0 : i32
        %dma_start3A_241 = tpu.memref_slice %arg5[%mul3A_100, %dma_start3A_240] : memref<1000x16384xf32, #tpu.memory_space<hbm>> -> memref<8x2048xf32, #tpu.memory_space<hbm>>
        tpu.enqueue_dma source(%arg10 : memref<8x2048xf32, #tpu.memory_space<vmem>>) target(%dma_start3A_241 : memref<8x2048xf32, #tpu.memory_space<hbm>>) target_semaphore(%arg17 : memref<!tpu.dma_semaphore, #tpu.memory_space<semaphore_mem>>)
      } else {
      }
      %ge3A = arith.constant 125 : i32
      %ge3A_109 = arith.cmpi sge, %while3A_95, %ge3A : i32
      %convert_element_type3A_110 = arith.extui %ge3A_109 : i1 to i32
      %cond3A_111 = arith.constant 0 : i32
      %cond3A_112 = arith.cmpi ne, %convert_element_type3A_110, %cond3A_111 : i32
      scf.if %cond3A_112 {
        %sub3A_238 = arith.constant 1000 : i32
        %sub3A_239 = arith.subi %mul3A_100, %sub3A_238 : i32
        %dma_start3A_240 = arith.constant 0 : i32
        %dma_start3A_241 = tpu.memref_slice %arg6[%sub3A_239, %dma_start3A_240] : memref<1000x16384xf32, #tpu.memory_space<hbm>> -> memref<8x2048xf32, #tpu.memory_space<hbm>>
        %dma_start3A_242 = arith.constant 0 : i32
        %dma_start3A_243 = tpu.memref_slice %arg6[%sub3A_239, %dma_start3A_242] : memref<1000x16384xf32, #tpu.memory_space<hbm>> -> memref<8x2048xf32, #tpu.memory_space<hbm>>
        tpu.enqueue_dma source(%arg10 : memref<8x2048xf32, #tpu.memory_space<vmem>>) target(%dma_start3A_243 : memref<8x2048xf32, #tpu.memory_space<hbm>>) target_semaphore(%arg17 : memref<!tpu.dma_semaphore, #tpu.memory_space<semaphore_mem>>)
      } else {
      }
      %gt3A_113 = arith.cmpi sgt, %while3A_95, %select_n3A : i32
      %convert_element_type3A_114 = arith.extui %gt3A_113 : i1 to i32
      %cond3A_115 = arith.constant 0 : i32
      %cond3A_116 = arith.cmpi ne, %convert_element_type3A_114, %cond3A_115 : i32
      scf.if %cond3A_116 {
        %dma_wait3A_238 = arith.constant 0 : i32
        %dma_wait3A_239 = arith.constant 0 : i32
        %dma_wait3A_240 = tpu.memref_slice %arg5[%dma_wait3A_238, %dma_wait3A_239] : memref<1000x16384xf32, #tpu.memory_space<hbm>> -> memref<8x2048xf32, #tpu.memory_space<hbm>>
        %dma_wait3A_241 = arith.constant 0 : i32
        %dma_wait3A_242 = arith.constant 0 : i32
        %dma_wait3A_243 = tpu.memref_slice %arg5[%dma_wait3A_241, %dma_wait3A_242] : memref<1000x16384xf32, #tpu.memory_space<hbm>> -> memref<8x2048xf32, #tpu.memory_space<hbm>>
        tpu.wait_dma2 semaphore(%arg18 : memref<!tpu.dma_semaphore, #tpu.memory_space<semaphore_mem>>) src(%dma_wait3A_243 : memref<8x2048xf32, #tpu.memory_space<hbm>>) dst(%arg11 : memref<8x2048xf32, #tpu.memory_space<vmem>>)
      } else {
      }
      %parallel_loop3A_117 = arith.constant 0 : i32
      %parallel_loop3A_118 = arith.constant 128 : i32
      %parallel_loop3A_119 = arith.constant 1 : i32
      scf.for %parallel_loop3A_238 = %parallel_loop3A_117 to %parallel_loop3A_118 step %parallel_loop3A_119  : i32 {
        %parallel_loop3A_239 = arith.constant 16 : i32
        %parallel_loop3A_240 = arith.muli %parallel_loop3A_238, %parallel_loop3A_239 : i32
        %parallel_loop3A_241 = arith.constant 2048 : i32
        %parallel_loop3A_242 = arith.addi %parallel_loop3A_241, %parallel_loop3A_240 : i32
        %parallel_loop3A_243 = arith.index_cast %parallel_loop3A_242 : i32 to index
        %parallel_loop3A_244 = tpu.vector_load %arg8[%parallel_loop3A_243] {strides = array<i32>} : memref<16384xi32, #tpu.memory_space<vmem>>, vector<16xi32>,
        %parallel_loop3A_245 = arith.constant 0 : i32
        %parallel_loop3A_246 = arith.addi %mul3A_98, %parallel_loop3A_245 : i32
        %parallel_loop3A_247 = vector.broadcast %parallel_loop3A_246 : i32 to vector<16xi32>
        %parallel_loop3A_248 = arith.addi %parallel_loop3A_244, %parallel_loop3A_247 : vector<16xi32>
        %parallel_loop3A_249 = tpu.vector_load_idx %arg9[%parallel_loop3A_248] : memref<16384xf32, #tpu.memory_space<vmem>>[vector<16xi32>], vector<16xf32>,
        %parallel_loop3A_250 = arith.constant 16 : i32
        %parallel_loop3A_251 = arith.muli %parallel_loop3A_238, %parallel_loop3A_250 : i32
        %parallel_loop3A_252 = arith.constant 0 : i32
        %parallel_loop3A_253 = arith.index_cast %parallel_loop3A_252 : i32 to index
        %parallel_loop3A_254 = arith.index_cast %parallel_loop3A_251 : i32 to index
        %parallel_loop3A_255 = tpu.vector_load %arg11[%parallel_loop3A_253, %parallel_loop3A_254] {strides = array<i32>} : memref<8x2048xf32, #tpu.memory_space<vmem>>, vector<16xf32>,
        tpu.vector_store %arg11[%parallel_loop3A_253, %parallel_loop3A_254], %parallel_loop3A_249 {strides = array<i32>} : memref<8x2048xf32, #tpu.memory_space<vmem>>, vector<16xf32>,
        %parallel_loop3A_256 = arith.constant 256 : i32
        %parallel_loop3A_257 = arith.addi %mul3A_98, %parallel_loop3A_256 : i32
        %parallel_loop3A_258 = vector.broadcast %parallel_loop3A_257 : i32 to vector<16xi32>
        %parallel_loop3A_259 = arith.addi %parallel_loop3A_244, %parallel_loop3A_258 : vector<16xi32>
        %parallel_loop3A_260 = tpu.vector_load_idx %arg9[%parallel_loop3A_259] : memref<16384xf32, #tpu.memory_space<vmem>>[vector<16xi32>], vector<16xf32>,
        %parallel_loop3A_261 = arith.constant 16 : i32
        %parallel_loop3A_262 = arith.muli %parallel_loop3A_238, %parallel_loop3A_261 : i32
        %parallel_loop3A_263 = arith.constant 1 : i32
        %parallel_loop3A_264 = arith.index_cast %parallel_loop3A_263 : i32 to index
        %parallel_loop3A_265 = arith.index_cast %parallel_loop3A_262 : i32 to index
        %parallel_loop3A_266 = tpu.vector_load %arg11[%parallel_loop3A_264, %parallel_loop3A_265] {strides = array<i32>} : memref<8x2048xf32, #tpu.memory_space<vmem>>, vector<16xf32>,
        tpu.vector_store %arg11[%parallel_loop3A_264, %parallel_loop3A_265], %parallel_loop3A_260 {strides = array<i32>} : memref<8x2048xf32, #tpu.memory_space<vmem>>, vector<16xf32>,
        %parallel_loop3A_267 = arith.constant 512 : i32
        %parallel_loop3A_268 = arith.addi %mul3A_98, %parallel_loop3A_267 : i32
        %parallel_loop3A_269 = vector.broadcast %parallel_loop3A_268 : i32 to vector<16xi32>
        %parallel_loop3A_270 = arith.addi %parallel_loop3A_244, %parallel_loop3A_269 : vector<16xi32>
        %parallel_loop3A_271 = tpu.vector_load_idx %arg9[%parallel_loop3A_270] : memref<16384xf32, #tpu.memory_space<vmem>>[vector<16xi32>], vector<16xf32>,
        %parallel_loop3A_272 = arith.constant 16 : i32
        %parallel_loop3A_273 = arith.muli %parallel_loop3A_238, %parallel_loop3A_272 : i32
        %parallel_loop3A_274 = arith.constant 2 : i32
        %parallel_loop3A_275 = arith.index_cast %parallel_loop3A_274 : i32 to index
        %parallel_loop3A_276 = arith.index_cast %parallel_loop3A_273 : i32 to index
        %parallel_loop3A_277 = tpu.vector_load %arg11[%parallel_loop3A_275, %parallel_loop3A_276] {strides = array<i32>} : memref<8x2048xf32, #tpu.memory_space<vmem>>, vector<16xf32>,
        tpu.vector_store %arg11[%parallel_loop3A_275, %parallel_loop3A_276], %parallel_loop3A_271 {strides = array<i32>} : memref<8x2048xf32, #tpu.memory_space<vmem>>, vector<16xf32>,
        %parallel_loop3A_278 = arith.constant 768 : i32
        %parallel_loop3A_279 = arith.addi %mul3A_98, %parallel_loop3A_278 : i32
        %parallel_loop3A_280 = vector.broadcast %parallel_loop3A_279 : i32 to vector<16xi32>
        %parallel_loop3A_281 = arith.addi %parallel_loop3A_244, %parallel_loop3A_280 : vector<16xi32>
        %parallel_loop3A_282 = tpu.vector_load_idx %arg9[%parallel_loop3A_281] : memref<16384xf32, #tpu.memory_space<vmem>>[vector<16xi32>], vector<16xf32>,
        %parallel_loop3A_283 = arith.constant 16 : i32
        %parallel_loop3A_284 = arith.muli %parallel_loop3A_238, %parallel_loop3A_283 : i32
        %parallel_loop3A_285 = arith.constant 3 : i32
        %parallel_loop3A_286 = arith.index_cast %parallel_loop3A_285 : i32 to index
        %parallel_loop3A_287 = arith.index_cast %parallel_loop3A_284 : i32 to index
        %parallel_loop3A_288 = tpu.vector_load %arg11[%parallel_loop3A_286, %parallel_loop3A_287] {strides = array<i32>} : memref<8x2048xf32, #tpu.memory_space<vmem>>, vector<16xf32>,
        tpu.vector_store %arg11[%parallel_loop3A_286, %parallel_loop3A_287], %parallel_loop3A_282 {strides = array<i32>} : memref<8x2048xf32, #tpu.memory_space<vmem>>, vector<16xf32>,
        %parallel_loop3A_289 = arith.constant 1024 : i32
        %parallel_loop3A_290 = arith.addi %mul3A_98, %parallel_loop3A_289 : i32
        %parallel_loop3A_291 = vector.broadcast %parallel_loop3A_290 : i32 to vector<16xi32>
        %parallel_loop3A_292 = arith.addi %parallel_loop3A_244, %parallel_loop3A_291 : vector<16xi32>
        %parallel_loop3A_293 = tpu.vector_load_idx %arg9[%parallel_loop3A_292] : memref<16384xf32, #tpu.memory_space<vmem>>[vector<16xi32>], vector<16xf32>,
        %parallel_loop3A_294 = arith.constant 16 : i32
        %parallel_loop3A_295 = arith.muli %parallel_loop3A_238, %parallel_loop3A_294 : i32
        %parallel_loop3A_296 = arith.constant 4 : i32
        %parallel_loop3A_297 = arith.index_cast %parallel_loop3A_296 : i32 to index
        %parallel_loop3A_298 = arith.index_cast %parallel_loop3A_295 : i32 to index
        %parallel_loop3A_299 = tpu.vector_load %arg11[%parallel_loop3A_297, %parallel_loop3A_298] {strides = array<i32>} : memref<8x2048xf32, #tpu.memory_space<vmem>>, vector<16xf32>,
        tpu.vector_store %arg11[%parallel_loop3A_297, %parallel_loop3A_298], %parallel_loop3A_293 {strides = array<i32>} : memref<8x2048xf32, #tpu.memory_space<vmem>>, vector<16xf32>,
        %parallel_loop3A_300 = arith.constant 1280 : i32
        %parallel_loop3A_301 = arith.addi %mul3A_98, %parallel_loop3A_300 : i32
        %parallel_loop3A_302 = vector.broadcast %parallel_loop3A_301 : i32 to vector<16xi32>
        %parallel_loop3A_303 = arith.addi %parallel_loop3A_244, %parallel_loop3A_302 : vector<16xi32>
        %parallel_loop3A_304 = tpu.vector_load_idx %arg9[%parallel_loop3A_303] : memref<16384xf32, #tpu.memory_space<vmem>>[vector<16xi32>], vector<16xf32>,
        %parallel_loop3A_305 = arith.constant 16 : i32
        %parallel_loop3A_306 = arith.muli %parallel_loop3A_238, %parallel_loop3A_305 : i32
        %parallel_loop3A_307 = arith.constant 5 : i32
        %parallel_loop3A_308 = arith.index_cast %parallel_loop3A_307 : i32 to index
        %parallel_loop3A_309 = arith.index_cast %parallel_loop3A_306 : i32 to index
        %parallel_loop3A_310 = tpu.vector_load %arg11[%parallel_loop3A_308, %parallel_loop3A_309] {strides = array<i32>} : memref<8x2048xf32, #tpu.memory_space<vmem>>, vector<16xf32>,
        tpu.vector_store %arg11[%parallel_loop3A_308, %parallel_loop3A_309], %parallel_loop3A_304 {strides = array<i32>} : memref<8x2048xf32, #tpu.memory_space<vmem>>, vector<16xf32>,
        %parallel_loop3A_311 = arith.constant 1536 : i32
        %parallel_loop3A_312 = arith.addi %mul3A_98, %parallel_loop3A_311 : i32
        %parallel_loop3A_313 = vector.broadcast %parallel_loop3A_312 : i32 to vector<16xi32>
        %parallel_loop3A_314 = arith.addi %parallel_loop3A_244, %parallel_loop3A_313 : vector<16xi32>
        %parallel_loop3A_315 = tpu.vector_load_idx %arg9[%parallel_loop3A_314] : memref<16384xf32, #tpu.memory_space<vmem>>[vector<16xi32>], vector<16xf32>,
        %parallel_loop3A_316 = arith.constant 16 : i32
        %parallel_loop3A_317 = arith.muli %parallel_loop3A_238, %parallel_loop3A_316 : i32
        %parallel_loop3A_318 = arith.constant 6 : i32
        %parallel_loop3A_319 = arith.index_cast %parallel_loop3A_318 : i32 to index
        %parallel_loop3A_320 = arith.index_cast %parallel_loop3A_317 : i32 to index
        %parallel_loop3A_321 = tpu.vector_load %arg11[%parallel_loop3A_319, %parallel_loop3A_320] {strides = array<i32>} : memref<8x2048xf32, #tpu.memory_space<vmem>>, vector<16xf32>,
        tpu.vector_store %arg11[%parallel_loop3A_319, %parallel_loop3A_320], %parallel_loop3A_315 {strides = array<i32>} : memref<8x2048xf32, #tpu.memory_space<vmem>>, vector<16xf32>,
        %parallel_loop3A_322 = arith.constant 1792 : i32
        %parallel_loop3A_323 = arith.addi %mul3A_98, %parallel_loop3A_322 : i32
        %parallel_loop3A_324 = vector.broadcast %parallel_loop3A_323 : i32 to vector<16xi32>
        %parallel_loop3A_325 = arith.addi %parallel_loop3A_244, %parallel_loop3A_324 : vector<16xi32>
        %parallel_loop3A_326 = tpu.vector_load_idx %arg9[%parallel_loop3A_325] : memref<16384xf32, #tpu.memory_space<vmem>>[vector<16xi32>], vector<16xf32>,
        %parallel_loop3A_327 = arith.constant 16 : i32
        %parallel_loop3A_328 = arith.muli %parallel_loop3A_238, %parallel_loop3A_327 : i32
        %parallel_loop3A_329 = arith.constant 7 : i32
        %parallel_loop3A_330 = arith.index_cast %parallel_loop3A_329 : i32 to index
        %parallel_loop3A_331 = arith.index_cast %parallel_loop3A_328 : i32 to index
        %parallel_loop3A_332 = tpu.vector_load %arg11[%parallel_loop3A_330, %parallel_loop3A_331] {strides = array<i32>} : memref<8x2048xf32, #tpu.memory_space<vmem>>, vector<16xf32>,
        tpu.vector_store %arg11[%parallel_loop3A_330, %parallel_loop3A_331], %parallel_loop3A_326 {strides = array<i32>} : memref<8x2048xf32, #tpu.memory_space<vmem>>, vector<16xf32>,
      } {sc.loop_unroll_factor = 4 : i64, sc.parallel_access}
      %lt3A_120 = arith.constant 125 : i32
      %lt3A_121 = arith.cmpi slt, %while3A_95, %lt3A_120 : i32
      %convert_element_type3A_122 = arith.extui %lt3A_121 : i1 to i32
      %cond3A_123 = arith.constant 0 : i32
      %cond3A_124 = arith.cmpi ne, %convert_element_type3A_122, %cond3A_123 : i32
      scf.if %cond3A_124 {
        %dma_start3A_238 = arith.constant 2048 : i32
        %dma_start3A_239 = tpu.memref_slice %arg5[%mul3A_100, %dma_start3A_238] : memref<1000x16384xf32, #tpu.memory_space<hbm>> -> memref<8x2048xf32, #tpu.memory_space<hbm>>
        %dma_start3A_240 = arith.constant 2048 : i32
        %dma_start3A_241 = tpu.memref_slice %arg5[%mul3A_100, %dma_start3A_240] : memref<1000x16384xf32, #tpu.memory_space<hbm>> -> memref<8x2048xf32, #tpu.memory_space<hbm>>
        tpu.enqueue_dma source(%arg11 : memref<8x2048xf32, #tpu.memory_space<vmem>>) target(%dma_start3A_241 : memref<8x2048xf32, #tpu.memory_space<hbm>>) target_semaphore(%arg18 : memref<!tpu.dma_semaphore, #tpu.memory_space<semaphore_mem>>)
      } else {
      }
      %ge3A_125 = arith.constant 125 : i32
      %ge3A_126 = arith.cmpi sge, %while3A_95, %ge3A_125 : i32
      %convert_element_type3A_127 = arith.extui %ge3A_126 : i1 to i32
      %cond3A_128 = arith.constant 0 : i32
      %cond3A_129 = arith.cmpi ne, %convert_element_type3A_127, %cond3A_128 : i32
      scf.if %cond3A_129 {
        %sub3A_238 = arith.constant 1000 : i32
        %sub3A_239 = arith.subi %mul3A_100, %sub3A_238 : i32
        %dma_start3A_240 = arith.constant 2048 : i32
        %dma_start3A_241 = tpu.memref_slice %arg6[%sub3A_239, %dma_start3A_240] : memref<1000x16384xf32, #tpu.memory_space<hbm>> -> memref<8x2048xf32, #tpu.memory_space<hbm>>
        %dma_start3A_242 = arith.constant 2048 : i32
        %dma_start3A_243 = tpu.memref_slice %arg6[%sub3A_239, %dma_start3A_242] : memref<1000x16384xf32, #tpu.memory_space<hbm>> -> memref<8x2048xf32, #tpu.memory_space<hbm>>
        tpu.enqueue_dma source(%arg11 : memref<8x2048xf32, #tpu.memory_space<vmem>>) target(%dma_start3A_243 : memref<8x2048xf32, #tpu.memory_space<hbm>>) target_semaphore(%arg18 : memref<!tpu.dma_semaphore, #tpu.memory_space<semaphore_mem>>)
      } else {
      }
      %gt3A_130 = arith.cmpi sgt, %while3A_95, %select_n3A : i32
      %convert_element_type3A_131 = arith.extui %gt3A_130 : i1 to i32
      %cond3A_132 = arith.constant 0 : i32
      %cond3A_133 = arith.cmpi ne, %convert_element_type3A_131, %cond3A_132 : i32
      scf.if %cond3A_133 {
        %dma_wait3A_238 = arith.constant 0 : i32
        %dma_wait3A_239 = arith.constant 0 : i32
        %dma_wait3A_240 = tpu.memref_slice %arg5[%dma_wait3A_238, %dma_wait3A_239] : memref<1000x16384xf32, #tpu.memory_space<hbm>> -> memref<8x2048xf32, #tpu.memory_space<hbm>>
        %dma_wait3A_241 = arith.constant 0 : i32
        %dma_wait3A_242 = arith.constant 0 : i32
        %dma_wait3A_243 = tpu.memref_slice %arg5[%dma_wait3A_241, %dma_wait3A_242] : memref<1000x16384xf32, #tpu.memory_space<hbm>> -> memref<8x2048xf32, #tpu.memory_space<hbm>>
        tpu.wait_dma2 semaphore(%arg19 : memref<!tpu.dma_semaphore, #tpu.memory_space<semaphore_mem>>) src(%dma_wait3A_243 : memref<8x2048xf32, #tpu.memory_space<hbm>>) dst(%arg12 : memref<8x2048xf32, #tpu.memory_space<vmem>>)
      } else {
      }
      %parallel_loop3A_134 = arith.constant 0 : i32
      %parallel_loop3A_135 = arith.constant 128 : i32
      %parallel_loop3A_136 = arith.constant 1 : i32
      scf.for %parallel_loop3A_238 = %parallel_loop3A_134 to %parallel_loop3A_135 step %parallel_loop3A_136  : i32 {
        %parallel_loop3A_239 = arith.constant 16 : i32
        %parallel_loop3A_240 = arith.muli %parallel_loop3A_238, %parallel_loop3A_239 : i32
        %parallel_loop3A_241 = arith.constant 4096 : i32
        %parallel_loop3A_242 = arith.addi %parallel_loop3A_241, %parallel_loop3A_240 : i32
        %parallel_loop3A_243 = arith.index_cast %parallel_loop3A_242 : i32 to index
        %parallel_loop3A_244 = tpu.vector_load %arg8[%parallel_loop3A_243] {strides = array<i32>} : memref<16384xi32, #tpu.memory_space<vmem>>, vector<16xi32>,
        %parallel_loop3A_245 = arith.constant 0 : i32
        %parallel_loop3A_246 = arith.addi %mul3A_98, %parallel_loop3A_245 : i32
        %parallel_loop3A_247 = vector.broadcast %parallel_loop3A_246 : i32 to vector<16xi32>
        %parallel_loop3A_248 = arith.addi %parallel_loop3A_244, %parallel_loop3A_247 : vector<16xi32>
        %parallel_loop3A_249 = tpu.vector_load_idx %arg9[%parallel_loop3A_248] : memref<16384xf32, #tpu.memory_space<vmem>>[vector<16xi32>], vector<16xf32>,
        %parallel_loop3A_250 = arith.constant 16 : i32
        %parallel_loop3A_251 = arith.muli %parallel_loop3A_238, %parallel_loop3A_250 : i32
        %parallel_loop3A_252 = arith.constant 0 : i32
        %parallel_loop3A_253 = arith.index_cast %parallel_loop3A_252 : i32 to index
        %parallel_loop3A_254 = arith.index_cast %parallel_loop3A_251 : i32 to index
        %parallel_loop3A_255 = tpu.vector_load %arg12[%parallel_loop3A_253, %parallel_loop3A_254] {strides = array<i32>} : memref<8x2048xf32, #tpu.memory_space<vmem>>, vector<16xf32>,
        tpu.vector_store %arg12[%parallel_loop3A_253, %parallel_loop3A_254], %parallel_loop3A_249 {strides = array<i32>} : memref<8x2048xf32, #tpu.memory_space<vmem>>, vector<16xf32>,
        %parallel_loop3A_256 = arith.constant 256 : i32
        %parallel_loop3A_257 = arith.addi %mul3A_98, %parallel_loop3A_256 : i32
        %parallel_loop3A_258 = vector.broadcast %parallel_loop3A_257 : i32 to vector<16xi32>
        %parallel_loop3A_259 = arith.addi %parallel_loop3A_244, %parallel_loop3A_258 : vector<16xi32>
        %parallel_loop3A_260 = tpu.vector_load_idx %arg9[%parallel_loop3A_259] : memref<16384xf32, #tpu.memory_space<vmem>>[vector<16xi32>], vector<16xf32>,
        %parallel_loop3A_261 = arith.constant 16 : i32
        %parallel_loop3A_262 = arith.muli %parallel_loop3A_238, %parallel_loop3A_261 : i32
        %parallel_loop3A_263 = arith.constant 1 : i32
        %parallel_loop3A_264 = arith.index_cast %parallel_loop3A_263 : i32 to index
        %parallel_loop3A_265 = arith.index_cast %parallel_loop3A_262 : i32 to index
        %parallel_loop3A_266 = tpu.vector_load %arg12[%parallel_loop3A_264, %parallel_loop3A_265] {strides = array<i32>} : memref<8x2048xf32, #tpu.memory_space<vmem>>, vector<16xf32>,
        tpu.vector_store %arg12[%parallel_loop3A_264, %parallel_loop3A_265], %parallel_loop3A_260 {strides = array<i32>} : memref<8x2048xf32, #tpu.memory_space<vmem>>, vector<16xf32>,
        %parallel_loop3A_267 = arith.constant 512 : i32
        %parallel_loop3A_268 = arith.addi %mul3A_98, %parallel_loop3A_267 : i32
        %parallel_loop3A_269 = vector.broadcast %parallel_loop3A_268 : i32 to vector<16xi32>
        %parallel_loop3A_270 = arith.addi %parallel_loop3A_244, %parallel_loop3A_269 : vector<16xi32>
        %parallel_loop3A_271 = tpu.vector_load_idx %arg9[%parallel_loop3A_270] : memref<16384xf32, #tpu.memory_space<vmem>>[vector<16xi32>], vector<16xf32>,
        %parallel_loop3A_272 = arith.constant 16 : i32
        %parallel_loop3A_273 = arith.muli %parallel_loop3A_238, %parallel_loop3A_272 : i32
        %parallel_loop3A_274 = arith.constant 2 : i32
        %parallel_loop3A_275 = arith.index_cast %parallel_loop3A_274 : i32 to index
        %parallel_loop3A_276 = arith.index_cast %parallel_loop3A_273 : i32 to index
        %parallel_loop3A_277 = tpu.vector_load %arg12[%parallel_loop3A_275, %parallel_loop3A_276] {strides = array<i32>} : memref<8x2048xf32, #tpu.memory_space<vmem>>, vector<16xf32>,
        tpu.vector_store %arg12[%parallel_loop3A_275, %parallel_loop3A_276], %parallel_loop3A_271 {strides = array<i32>} : memref<8x2048xf32, #tpu.memory_space<vmem>>, vector<16xf32>,
        %parallel_loop3A_278 = arith.constant 768 : i32
        %parallel_loop3A_279 = arith.addi %mul3A_98, %parallel_loop3A_278 : i32
        %parallel_loop3A_280 = vector.broadcast %parallel_loop3A_279 : i32 to vector<16xi32>
        %parallel_loop3A_281 = arith.addi %parallel_loop3A_244, %parallel_loop3A_280 : vector<16xi32>
        %parallel_loop3A_282 = tpu.vector_load_idx %arg9[%parallel_loop3A_281] : memref<16384xf32, #tpu.memory_space<vmem>>[vector<16xi32>], vector<16xf32>,
        %parallel_loop3A_283 = arith.constant 16 : i32
        %parallel_loop3A_284 = arith.muli %parallel_loop3A_238, %parallel_loop3A_283 : i32
        %parallel_loop3A_285 = arith.constant 3 : i32
        %parallel_loop3A_286 = arith.index_cast %parallel_loop3A_285 : i32 to index
        %parallel_loop3A_287 = arith.index_cast %parallel_loop3A_284 : i32 to index
        %parallel_loop3A_288 = tpu.vector_load %arg12[%parallel_loop3A_286, %parallel_loop3A_287] {strides = array<i32>} : memref<8x2048xf32, #tpu.memory_space<vmem>>, vector<16xf32>,
        tpu.vector_store %arg12[%parallel_loop3A_286, %parallel_loop3A_287], %parallel_loop3A_282 {strides = array<i32>} : memref<8x2048xf32, #tpu.memory_space<vmem>>, vector<16xf32>,
        %parallel_loop3A_289 = arith.constant 1024 : i32
        %parallel_loop3A_290 = arith.addi %mul3A_98, %parallel_loop3A_289 : i32
        %parallel_loop3A_291 = vector.broadcast %parallel_loop3A_290 : i32 to vector<16xi32>
        %parallel_loop3A_292 = arith.addi %parallel_loop3A_244, %parallel_loop3A_291 : vector<16xi32>
        %parallel_loop3A_293 = tpu.vector_load_idx %arg9[%parallel_loop3A_292] : memref<16384xf32, #tpu.memory_space<vmem>>[vector<16xi32>], vector<16xf32>,
        %parallel_loop3A_294 = arith.constant 16 : i32
        %parallel_loop3A_295 = arith.muli %parallel_loop3A_238, %parallel_loop3A_294 : i32
        %parallel_loop3A_296 = arith.constant 4 : i32
        %parallel_loop3A_297 = arith.index_cast %parallel_loop3A_296 : i32 to index
        %parallel_loop3A_298 = arith.index_cast %parallel_loop3A_295 : i32 to index
        %parallel_loop3A_299 = tpu.vector_load %arg12[%parallel_loop3A_297, %parallel_loop3A_298] {strides = array<i32>} : memref<8x2048xf32, #tpu.memory_space<vmem>>, vector<16xf32>,
        tpu.vector_store %arg12[%parallel_loop3A_297, %parallel_loop3A_298], %parallel_loop3A_293 {strides = array<i32>} : memref<8x2048xf32, #tpu.memory_space<vmem>>, vector<16xf32>,
        %parallel_loop3A_300 = arith.constant 1280 : i32
        %parallel_loop3A_301 = arith.addi %mul3A_98, %parallel_loop3A_300 : i32
        %parallel_loop3A_302 = vector.broadcast %parallel_loop3A_301 : i32 to vector<16xi32>
        %parallel_loop3A_303 = arith.addi %parallel_loop3A_244, %parallel_loop3A_302 : vector<16xi32>
        %parallel_loop3A_304 = tpu.vector_load_idx %arg9[%parallel_loop3A_303] : memref<16384xf32, #tpu.memory_space<vmem>>[vector<16xi32>], vector<16xf32>,
        %parallel_loop3A_305 = arith.constant 16 : i32
        %parallel_loop3A_306 = arith.muli %parallel_loop3A_238, %parallel_loop3A_305 : i32
        %parallel_loop3A_307 = arith.constant 5 : i32
        %parallel_loop3A_308 = arith.index_cast %parallel_loop3A_307 : i32 to index
        %parallel_loop3A_309 = arith.index_cast %parallel_loop3A_306 : i32 to index
        %parallel_loop3A_310 = tpu.vector_load %arg12[%parallel_loop3A_308, %parallel_loop3A_309] {strides = array<i32>} : memref<8x2048xf32, #tpu.memory_space<vmem>>, vector<16xf32>,
        tpu.vector_store %arg12[%parallel_loop3A_308, %parallel_loop3A_309], %parallel_loop3A_304 {strides = array<i32>} : memref<8x2048xf32, #tpu.memory_space<vmem>>, vector<16xf32>,
        %parallel_loop3A_311 = arith.constant 1536 : i32
        %parallel_loop3A_312 = arith.addi %mul3A_98, %parallel_loop3A_311 : i32
        %parallel_loop3A_313 = vector.broadcast %parallel_loop3A_312 : i32 to vector<16xi32>
        %parallel_loop3A_314 = arith.addi %parallel_loop3A_244, %parallel_loop3A_313 : vector<16xi32>
        %parallel_loop3A_315 = tpu.vector_load_idx %arg9[%parallel_loop3A_314] : memref<16384xf32, #tpu.memory_space<vmem>>[vector<16xi32>], vector<16xf32>,
        %parallel_loop3A_316 = arith.constant 16 : i32
        %parallel_loop3A_317 = arith.muli %parallel_loop3A_238, %parallel_loop3A_316 : i32
        %parallel_loop3A_318 = arith.constant 6 : i32
        %parallel_loop3A_319 = arith.index_cast %parallel_loop3A_318 : i32 to index
        %parallel_loop3A_320 = arith.index_cast %parallel_loop3A_317 : i32 to index
        %parallel_loop3A_321 = tpu.vector_load %arg12[%parallel_loop3A_319, %parallel_loop3A_320] {strides = array<i32>} : memref<8x2048xf32, #tpu.memory_space<vmem>>, vector<16xf32>,
        tpu.vector_store %arg12[%parallel_loop3A_319, %parallel_loop3A_320], %parallel_loop3A_315 {strides = array<i32>} : memref<8x2048xf32, #tpu.memory_space<vmem>>, vector<16xf32>,
        %parallel_loop3A_322 = arith.constant 1792 : i32
        %parallel_loop3A_323 = arith.addi %mul3A_98, %parallel_loop3A_322 : i32
        %parallel_loop3A_324 = vector.broadcast %parallel_loop3A_323 : i32 to vector<16xi32>
        %parallel_loop3A_325 = arith.addi %parallel_loop3A_244, %parallel_loop3A_324 : vector<16xi32>
        %parallel_loop3A_326 = tpu.vector_load_idx %arg9[%parallel_loop3A_325] : memref<16384xf32, #tpu.memory_space<vmem>>[vector<16xi32>], vector<16xf32>,
        %parallel_loop3A_327 = arith.constant 16 : i32
        %parallel_loop3A_328 = arith.muli %parallel_loop3A_238, %parallel_loop3A_327 : i32
        %parallel_loop3A_329 = arith.constant 7 : i32
        %parallel_loop3A_330 = arith.index_cast %parallel_loop3A_329 : i32 to index
        %parallel_loop3A_331 = arith.index_cast %parallel_loop3A_328 : i32 to index
        %parallel_loop3A_332 = tpu.vector_load %arg12[%parallel_loop3A_330, %parallel_loop3A_331] {strides = array<i32>} : memref<8x2048xf32, #tpu.memory_space<vmem>>, vector<16xf32>,
        tpu.vector_store %arg12[%parallel_loop3A_330, %parallel_loop3A_331], %parallel_loop3A_326 {strides = array<i32>} : memref<8x2048xf32, #tpu.memory_space<vmem>>, vector<16xf32>,
      } {sc.loop_unroll_factor = 4 : i64, sc.parallel_access}
      %lt3A_137 = arith.constant 125 : i32
      %lt3A_138 = arith.cmpi slt, %while3A_95, %lt3A_137 : i32
      %convert_element_type3A_139 = arith.extui %lt3A_138 : i1 to i32
      %cond3A_140 = arith.constant 0 : i32
      %cond3A_141 = arith.cmpi ne, %convert_element_type3A_139, %cond3A_140 : i32
      scf.if %cond3A_141 {
        %dma_start3A_238 = arith.constant 4096 : i32
        %dma_start3A_239 = tpu.memref_slice %arg5[%mul3A_100, %dma_start3A_238] : memref<1000x16384xf32, #tpu.memory_space<hbm>> -> memref<8x2048xf32, #tpu.memory_space<hbm>>
        %dma_start3A_240 = arith.constant 4096 : i32
        %dma_start3A_241 = tpu.memref_slice %arg5[%mul3A_100, %dma_start3A_240] : memref<1000x16384xf32, #tpu.memory_space<hbm>> -> memref<8x2048xf32, #tpu.memory_space<hbm>>
        tpu.enqueue_dma source(%arg12 : memref<8x2048xf32, #tpu.memory_space<vmem>>) target(%dma_start3A_241 : memref<8x2048xf32, #tpu.memory_space<hbm>>) target_semaphore(%arg19 : memref<!tpu.dma_semaphore, #tpu.memory_space<semaphore_mem>>)
      } else {
      }
      %ge3A_142 = arith.constant 125 : i32
      %ge3A_143 = arith.cmpi sge, %while3A_95, %ge3A_142 : i32
      %convert_element_type3A_144 = arith.extui %ge3A_143 : i1 to i32
      %cond3A_145 = arith.constant 0 : i32
      %cond3A_146 = arith.cmpi ne, %convert_element_type3A_144, %cond3A_145 : i32
      scf.if %cond3A_146 {
        %sub3A_238 = arith.constant 1000 : i32
        %sub3A_239 = arith.subi %mul3A_100, %sub3A_238 : i32
        %dma_start3A_240 = arith.constant 4096 : i32
        %dma_start3A_241 = tpu.memref_slice %arg6[%sub3A_239, %dma_start3A_240] : memref<1000x16384xf32, #tpu.memory_space<hbm>> -> memref<8x2048xf32, #tpu.memory_space<hbm>>
        %dma_start3A_242 = arith.constant 4096 : i32
        %dma_start3A_243 = tpu.memref_slice %arg6[%sub3A_239, %dma_start3A_242] : memref<1000x16384xf32, #tpu.memory_space<hbm>> -> memref<8x2048xf32, #tpu.memory_space<hbm>>
        tpu.enqueue_dma source(%arg12 : memref<8x2048xf32, #tpu.memory_space<vmem>>) target(%dma_start3A_243 : memref<8x2048xf32, #tpu.memory_space<hbm>>) target_semaphore(%arg19 : memref<!tpu.dma_semaphore, #tpu.memory_space<semaphore_mem>>)
      } else {
      }
      %gt3A_147 = arith.cmpi sgt, %while3A_95, %select_n3A : i32
      %convert_element_type3A_148 = arith.extui %gt3A_147 : i1 to i32
      %cond3A_149 = arith.constant 0 : i32
      %cond3A_150 = arith.cmpi ne, %convert_element_type3A_148, %cond3A_149 : i32
      scf.if %cond3A_150 {
        %dma_wait3A_238 = arith.constant 0 : i32
        %dma_wait3A_239 = arith.constant 0 : i32
        %dma_wait3A_240 = tpu.memref_slice %arg5[%dma_wait3A_238, %dma_wait3A_239] : memref<1000x16384xf32, #tpu.memory_space<hbm>> -> memref<8x2048xf32, #tpu.memory_space<hbm>>
        %dma_wait3A_241 = arith.constant 0 : i32
        %dma_wait3A_242 = arith.constant 0 : i32
        %dma_wait3A_243 = tpu.memref_slice %arg5[%dma_wait3A_241, %dma_wait3A_242] : memref<1000x16384xf32, #tpu.memory_space<hbm>> -> memref<8x2048xf32, #tpu.memory_space<hbm>>
        tpu.wait_dma2 semaphore(%arg20 : memref<!tpu.dma_semaphore, #tpu.memory_space<semaphore_mem>>) src(%dma_wait3A_243 : memref<8x2048xf32, #tpu.memory_space<hbm>>) dst(%arg13 : memref<8x2048xf32, #tpu.memory_space<vmem>>)
      } else {
      }
      %parallel_loop3A_151 = arith.constant 0 : i32
      %parallel_loop3A_152 = arith.constant 128 : i32
      %parallel_loop3A_153 = arith.constant 1 : i32
      scf.for %parallel_loop3A_238 = %parallel_loop3A_151 to %parallel_loop3A_152 step %parallel_loop3A_153  : i32 {
        %parallel_loop3A_239 = arith.constant 16 : i32
        %parallel_loop3A_240 = arith.muli %parallel_loop3A_238, %parallel_loop3A_239 : i32
        %parallel_loop3A_241 = arith.constant 6144 : i32
        %parallel_loop3A_242 = arith.addi %parallel_loop3A_241, %parallel_loop3A_240 : i32
        %parallel_loop3A_243 = arith.index_cast %parallel_loop3A_242 : i32 to index
        %parallel_loop3A_244 = tpu.vector_load %arg8[%parallel_loop3A_243] {strides = array<i32>} : memref<16384xi32, #tpu.memory_space<vmem>>, vector<16xi32>,
        %parallel_loop3A_245 = arith.constant 0 : i32
        %parallel_loop3A_246 = arith.addi %mul3A_98, %parallel_loop3A_245 : i32
        %parallel_loop3A_247 = vector.broadcast %parallel_loop3A_246 : i32 to vector<16xi32>
        %parallel_loop3A_248 = arith.addi %parallel_loop3A_244, %parallel_loop3A_247 : vector<16xi32>
        %parallel_loop3A_249 = tpu.vector_load_idx %arg9[%parallel_loop3A_248] : memref<16384xf32, #tpu.memory_space<vmem>>[vector<16xi32>], vector<16xf32>,
        %parallel_loop3A_250 = arith.constant 16 : i32
        %parallel_loop3A_251 = arith.muli %parallel_loop3A_238, %parallel_loop3A_250 : i32
        %parallel_loop3A_252 = arith.constant 0 : i32
        %parallel_loop3A_253 = arith.index_cast %parallel_loop3A_252 : i32 to index
        %parallel_loop3A_254 = arith.index_cast %parallel_loop3A_251 : i32 to index
        %parallel_loop3A_255 = tpu.vector_load %arg13[%parallel_loop3A_253, %parallel_loop3A_254] {strides = array<i32>} : memref<8x2048xf32, #tpu.memory_space<vmem>>, vector<16xf32>,
        tpu.vector_store %arg13[%parallel_loop3A_253, %parallel_loop3A_254], %parallel_loop3A_249 {strides = array<i32>} : memref<8x2048xf32, #tpu.memory_space<vmem>>, vector<16xf32>,
        %parallel_loop3A_256 = arith.constant 256 : i32
        %parallel_loop3A_257 = arith.addi %mul3A_98, %parallel_loop3A_256 : i32
        %parallel_loop3A_258 = vector.broadcast %parallel_loop3A_257 : i32 to vector<16xi32>
        %parallel_loop3A_259 = arith.addi %parallel_loop3A_244, %parallel_loop3A_258 : vector<16xi32>
        %parallel_loop3A_260 = tpu.vector_load_idx %arg9[%parallel_loop3A_259] : memref<16384xf32, #tpu.memory_space<vmem>>[vector<16xi32>], vector<16xf32>,
        %parallel_loop3A_261 = arith.constant 16 : i32
        %parallel_loop3A_262 = arith.muli %parallel_loop3A_238, %parallel_loop3A_261 : i32
        %parallel_loop3A_263 = arith.constant 1 : i32
        %parallel_loop3A_264 = arith.index_cast %parallel_loop3A_263 : i32 to index
        %parallel_loop3A_265 = arith.index_cast %parallel_loop3A_262 : i32 to index
        %parallel_loop3A_266 = tpu.vector_load %arg13[%parallel_loop3A_264, %parallel_loop3A_265] {strides = array<i32>} : memref<8x2048xf32, #tpu.memory_space<vmem>>, vector<16xf32>,
        tpu.vector_store %arg13[%parallel_loop3A_264, %parallel_loop3A_265], %parallel_loop3A_260 {strides = array<i32>} : memref<8x2048xf32, #tpu.memory_space<vmem>>, vector<16xf32>,
        %parallel_loop3A_267 = arith.constant 512 : i32
        %parallel_loop3A_268 = arith.addi %mul3A_98, %parallel_loop3A_267 : i32
        %parallel_loop3A_269 = vector.broadcast %parallel_loop3A_268 : i32 to vector<16xi32>
        %parallel_loop3A_270 = arith.addi %parallel_loop3A_244, %parallel_loop3A_269 : vector<16xi32>
        %parallel_loop3A_271 = tpu.vector_load_idx %arg9[%parallel_loop3A_270] : memref<16384xf32, #tpu.memory_space<vmem>>[vector<16xi32>], vector<16xf32>,
        %parallel_loop3A_272 = arith.constant 16 : i32
        %parallel_loop3A_273 = arith.muli %parallel_loop3A_238, %parallel_loop3A_272 : i32
        %parallel_loop3A_274 = arith.constant 2 : i32
        %parallel_loop3A_275 = arith.index_cast %parallel_loop3A_274 : i32 to index
        %parallel_loop3A_276 = arith.index_cast %parallel_loop3A_273 : i32 to index
        %parallel_loop3A_277 = tpu.vector_load %arg13[%parallel_loop3A_275, %parallel_loop3A_276] {strides = array<i32>} : memref<8x2048xf32, #tpu.memory_space<vmem>>, vector<16xf32>,
        tpu.vector_store %arg13[%parallel_loop3A_275, %parallel_loop3A_276], %parallel_loop3A_271 {strides = array<i32>} : memref<8x2048xf32, #tpu.memory_space<vmem>>, vector<16xf32>,
        %parallel_loop3A_278 = arith.constant 768 : i32
        %parallel_loop3A_279 = arith.addi %mul3A_98, %parallel_loop3A_278 : i32
        %parallel_loop3A_280 = vector.broadcast %parallel_loop3A_279 : i32 to vector<16xi32>
        %parallel_loop3A_281 = arith.addi %parallel_loop3A_244, %parallel_loop3A_280 : vector<16xi32>
        %parallel_loop3A_282 = tpu.vector_load_idx %arg9[%parallel_loop3A_281] : memref<16384xf32, #tpu.memory_space<vmem>>[vector<16xi32>], vector<16xf32>,
        %parallel_loop3A_283 = arith.constant 16 : i32
        %parallel_loop3A_284 = arith.muli %parallel_loop3A_238, %parallel_loop3A_283 : i32
        %parallel_loop3A_285 = arith.constant 3 : i32
        %parallel_loop3A_286 = arith.index_cast %parallel_loop3A_285 : i32 to index
        %parallel_loop3A_287 = arith.index_cast %parallel_loop3A_284 : i32 to index
        %parallel_loop3A_288 = tpu.vector_load %arg13[%parallel_loop3A_286, %parallel_loop3A_287] {strides = array<i32>} : memref<8x2048xf32, #tpu.memory_space<vmem>>, vector<16xf32>,
        tpu.vector_store %arg13[%parallel_loop3A_286, %parallel_loop3A_287], %parallel_loop3A_282 {strides = array<i32>} : memref<8x2048xf32, #tpu.memory_space<vmem>>, vector<16xf32>,
        %parallel_loop3A_289 = arith.constant 1024 : i32
        %parallel_loop3A_290 = arith.addi %mul3A_98, %parallel_loop3A_289 : i32
        %parallel_loop3A_291 = vector.broadcast %parallel_loop3A_290 : i32 to vector<16xi32>
        %parallel_loop3A_292 = arith.addi %parallel_loop3A_244, %parallel_loop3A_291 : vector<16xi32>
        %parallel_loop3A_293 = tpu.vector_load_idx %arg9[%parallel_loop3A_292] : memref<16384xf32, #tpu.memory_space<vmem>>[vector<16xi32>], vector<16xf32>,
        %parallel_loop3A_294 = arith.constant 16 : i32
        %parallel_loop3A_295 = arith.muli %parallel_loop3A_238, %parallel_loop3A_294 : i32
        %parallel_loop3A_296 = arith.constant 4 : i32
        %parallel_loop3A_297 = arith.index_cast %parallel_loop3A_296 : i32 to index
        %parallel_loop3A_298 = arith.index_cast %parallel_loop3A_295 : i32 to index
        %parallel_loop3A_299 = tpu.vector_load %arg13[%parallel_loop3A_297, %parallel_loop3A_298] {strides = array<i32>} : memref<8x2048xf32, #tpu.memory_space<vmem>>, vector<16xf32>,
        tpu.vector_store %arg13[%parallel_loop3A_297, %parallel_loop3A_298], %parallel_loop3A_293 {strides = array<i32>} : memref<8x2048xf32, #tpu.memory_space<vmem>>, vector<16xf32>,
        %parallel_loop3A_300 = arith.constant 1280 : i32
        %parallel_loop3A_301 = arith.addi %mul3A_98, %parallel_loop3A_300 : i32
        %parallel_loop3A_302 = vector.broadcast %parallel_loop3A_301 : i32 to vector<16xi32>
        %parallel_loop3A_303 = arith.addi %parallel_loop3A_244, %parallel_loop3A_302 : vector<16xi32>
        %parallel_loop3A_304 = tpu.vector_load_idx %arg9[%parallel_loop3A_303] : memref<16384xf32, #tpu.memory_space<vmem>>[vector<16xi32>], vector<16xf32>,
        %parallel_loop3A_305 = arith.constant 16 : i32
        %parallel_loop3A_306 = arith.muli %parallel_loop3A_238, %parallel_loop3A_305 : i32
        %parallel_loop3A_307 = arith.constant 5 : i32
        %parallel_loop3A_308 = arith.index_cast %parallel_loop3A_307 : i32 to index
        %parallel_loop3A_309 = arith.index_cast %parallel_loop3A_306 : i32 to index
        %parallel_loop3A_310 = tpu.vector_load %arg13[%parallel_loop3A_308, %parallel_loop3A_309] {strides = array<i32>} : memref<8x2048xf32, #tpu.memory_space<vmem>>, vector<16xf32>,
        tpu.vector_store %arg13[%parallel_loop3A_308, %parallel_loop3A_309], %parallel_loop3A_304 {strides = array<i32>} : memref<8x2048xf32, #tpu.memory_space<vmem>>, vector<16xf32>,
        %parallel_loop3A_311 = arith.constant 1536 : i32
        %parallel_loop3A_312 = arith.addi %mul3A_98, %parallel_loop3A_311 : i32
        %parallel_loop3A_313 = vector.broadcast %parallel_loop3A_312 : i32 to vector<16xi32>
        %parallel_loop3A_314 = arith.addi %parallel_loop3A_244, %parallel_loop3A_313 : vector<16xi32>
        %parallel_loop3A_315 = tpu.vector_load_idx %arg9[%parallel_loop3A_314] : memref<16384xf32, #tpu.memory_space<vmem>>[vector<16xi32>], vector<16xf32>,
        %parallel_loop3A_316 = arith.constant 16 : i32
        %parallel_loop3A_317 = arith.muli %parallel_loop3A_238, %parallel_loop3A_316 : i32
        %parallel_loop3A_318 = arith.constant 6 : i32
        %parallel_loop3A_319 = arith.index_cast %parallel_loop3A_318 : i32 to index
        %parallel_loop3A_320 = arith.index_cast %parallel_loop3A_317 : i32 to index
        %parallel_loop3A_321 = tpu.vector_load %arg13[%parallel_loop3A_319, %parallel_loop3A_320] {strides = array<i32>} : memref<8x2048xf32, #tpu.memory_space<vmem>>, vector<16xf32>,
        tpu.vector_store %arg13[%parallel_loop3A_319, %parallel_loop3A_320], %parallel_loop3A_315 {strides = array<i32>} : memref<8x2048xf32, #tpu.memory_space<vmem>>, vector<16xf32>,
        %parallel_loop3A_322 = arith.constant 1792 : i32
        %parallel_loop3A_323 = arith.addi %mul3A_98, %parallel_loop3A_322 : i32
        %parallel_loop3A_324 = vector.broadcast %parallel_loop3A_323 : i32 to vector<16xi32>
        %parallel_loop3A_325 = arith.addi %parallel_loop3A_244, %parallel_loop3A_324 : vector<16xi32>
        %parallel_loop3A_326 = tpu.vector_load_idx %arg9[%parallel_loop3A_325] : memref<16384xf32, #tpu.memory_space<vmem>>[vector<16xi32>], vector<16xf32>,
        %parallel_loop3A_327 = arith.constant 16 : i32
        %parallel_loop3A_328 = arith.muli %parallel_loop3A_238, %parallel_loop3A_327 : i32
        %parallel_loop3A_329 = arith.constant 7 : i32
        %parallel_loop3A_330 = arith.index_cast %parallel_loop3A_329 : i32 to index
        %parallel_loop3A_331 = arith.index_cast %parallel_loop3A_328 : i32 to index
        %parallel_loop3A_332 = tpu.vector_load %arg13[%parallel_loop3A_330, %parallel_loop3A_331] {strides = array<i32>} : memref<8x2048xf32, #tpu.memory_space<vmem>>, vector<16xf32>,
        tpu.vector_store %arg13[%parallel_loop3A_330, %parallel_loop3A_331], %parallel_loop3A_326 {strides = array<i32>} : memref<8x2048xf32, #tpu.memory_space<vmem>>, vector<16xf32>,
      } {sc.loop_unroll_factor = 4 : i64, sc.parallel_access}
      %lt3A_154 = arith.constant 125 : i32
      %lt3A_155 = arith.cmpi slt, %while3A_95, %lt3A_154 : i32
      %convert_element_type3A_156 = arith.extui %lt3A_155 : i1 to i32
      %cond3A_157 = arith.constant 0 : i32
      %cond3A_158 = arith.cmpi ne, %convert_element_type3A_156, %cond3A_157 : i32
      scf.if %cond3A_158 {
        %dma_start3A_238 = arith.constant 6144 : i32
        %dma_start3A_239 = tpu.memref_slice %arg5[%mul3A_100, %dma_start3A_238] : memref<1000x16384xf32, #tpu.memory_space<hbm>> -> memref<8x2048xf32, #tpu.memory_space<hbm>>
        %dma_start3A_240 = arith.constant 6144 : i32
        %dma_start3A_241 = tpu.memref_slice %arg5[%mul3A_100, %dma_start3A_240] : memref<1000x16384xf32, #tpu.memory_space<hbm>> -> memref<8x2048xf32, #tpu.memory_space<hbm>>
        tpu.enqueue_dma source(%arg13 : memref<8x2048xf32, #tpu.memory_space<vmem>>) target(%dma_start3A_241 : memref<8x2048xf32, #tpu.memory_space<hbm>>) target_semaphore(%arg20 : memref<!tpu.dma_semaphore, #tpu.memory_space<semaphore_mem>>)
      } else {
      }
      %ge3A_159 = arith.constant 125 : i32
      %ge3A_160 = arith.cmpi sge, %while3A_95, %ge3A_159 : i32
      %convert_element_type3A_161 = arith.extui %ge3A_160 : i1 to i32
      %cond3A_162 = arith.constant 0 : i32
      %cond3A_163 = arith.cmpi ne, %convert_element_type3A_161, %cond3A_162 : i32
      scf.if %cond3A_163 {
        %sub3A_238 = arith.constant 1000 : i32
        %sub3A_239 = arith.subi %mul3A_100, %sub3A_238 : i32
        %dma_start3A_240 = arith.constant 6144 : i32
        %dma_start3A_241 = tpu.memref_slice %arg6[%sub3A_239, %dma_start3A_240] : memref<1000x16384xf32, #tpu.memory_space<hbm>> -> memref<8x2048xf32, #tpu.memory_space<hbm>>
        %dma_start3A_242 = arith.constant 6144 : i32
        %dma_start3A_243 = tpu.memref_slice %arg6[%sub3A_239, %dma_start3A_242] : memref<1000x16384xf32, #tpu.memory_space<hbm>> -> memref<8x2048xf32, #tpu.memory_space<hbm>>
        tpu.enqueue_dma source(%arg13 : memref<8x2048xf32, #tpu.memory_space<vmem>>) target(%dma_start3A_243 : memref<8x2048xf32, #tpu.memory_space<hbm>>) target_semaphore(%arg20 : memref<!tpu.dma_semaphore, #tpu.memory_space<semaphore_mem>>)
      } else {
      }
      %gt3A_164 = arith.cmpi sgt, %while3A_95, %select_n3A : i32
      %convert_element_type3A_165 = arith.extui %gt3A_164 : i1 to i32
      %cond3A_166 = arith.constant 0 : i32
      %cond3A_167 = arith.cmpi ne, %convert_element_type3A_165, %cond3A_166 : i32
      scf.if %cond3A_167 {
        %dma_wait3A_238 = arith.constant 0 : i32
        %dma_wait3A_239 = arith.constant 0 : i32
        %dma_wait3A_240 = tpu.memref_slice %arg5[%dma_wait3A_238, %dma_wait3A_239] : memref<1000x16384xf32, #tpu.memory_space<hbm>> -> memref<8x2048xf32, #tpu.memory_space<hbm>>
        %dma_wait3A_241 = arith.constant 0 : i32
        %dma_wait3A_242 = arith.constant 0 : i32
        %dma_wait3A_243 = tpu.memref_slice %arg5[%dma_wait3A_241, %dma_wait3A_242] : memref<1000x16384xf32, #tpu.memory_space<hbm>> -> memref<8x2048xf32, #tpu.memory_space<hbm>>
        tpu.wait_dma2 semaphore(%arg21 : memref<!tpu.dma_semaphore, #tpu.memory_space<semaphore_mem>>) src(%dma_wait3A_243 : memref<8x2048xf32, #tpu.memory_space<hbm>>) dst(%arg14 : memref<8x2048xf32, #tpu.memory_space<vmem>>)
      } else {
      }
      %parallel_loop3A_168 = arith.constant 0 : i32
      %parallel_loop3A_169 = arith.constant 128 : i32
      %parallel_loop3A_170 = arith.constant 1 : i32
      scf.for %parallel_loop3A_238 = %parallel_loop3A_168 to %parallel_loop3A_169 step %parallel_loop3A_170  : i32 {
        %parallel_loop3A_239 = arith.constant 16 : i32
        %parallel_loop3A_240 = arith.muli %parallel_loop3A_238, %parallel_loop3A_239 : i32
        %parallel_loop3A_241 = arith.constant 8192 : i32
        %parallel_loop3A_242 = arith.addi %parallel_loop3A_241, %parallel_loop3A_240 : i32
        %parallel_loop3A_243 = arith.index_cast %parallel_loop3A_242 : i32 to index
        %parallel_loop3A_244 = tpu.vector_load %arg8[%parallel_loop3A_243] {strides = array<i32>} : memref<16384xi32, #tpu.memory_space<vmem>>, vector<16xi32>,
        %parallel_loop3A_245 = arith.constant 0 : i32
        %parallel_loop3A_246 = arith.addi %mul3A_98, %parallel_loop3A_245 : i32
        %parallel_loop3A_247 = vector.broadcast %parallel_loop3A_246 : i32 to vector<16xi32>
        %parallel_loop3A_248 = arith.addi %parallel_loop3A_244, %parallel_loop3A_247 : vector<16xi32>
        %parallel_loop3A_249 = tpu.vector_load_idx %arg9[%parallel_loop3A_248] : memref<16384xf32, #tpu.memory_space<vmem>>[vector<16xi32>], vector<16xf32>,
        %parallel_loop3A_250 = arith.constant 16 : i32
        %parallel_loop3A_251 = arith.muli %parallel_loop3A_238, %parallel_loop3A_250 : i32
        %parallel_loop3A_252 = arith.constant 0 : i32
        %parallel_loop3A_253 = arith.index_cast %parallel_loop3A_252 : i32 to index
        %parallel_loop3A_254 = arith.index_cast %parallel_loop3A_251 : i32 to index
        %parallel_loop3A_255 = tpu.vector_load %arg14[%parallel_loop3A_253, %parallel_loop3A_254] {strides = array<i32>} : memref<8x2048xf32, #tpu.memory_space<vmem>>, vector<16xf32>,
        tpu.vector_store %arg14[%parallel_loop3A_253, %parallel_loop3A_254], %parallel_loop3A_249 {strides = array<i32>} : memref<8x2048xf32, #tpu.memory_space<vmem>>, vector<16xf32>,
        %parallel_loop3A_256 = arith.constant 256 : i32
        %parallel_loop3A_257 = arith.addi %mul3A_98, %parallel_loop3A_256 : i32
        %parallel_loop3A_258 = vector.broadcast %parallel_loop3A_257 : i32 to vector<16xi32>
        %parallel_loop3A_259 = arith.addi %parallel_loop3A_244, %parallel_loop3A_258 : vector<16xi32>
        %parallel_loop3A_260 = tpu.vector_load_idx %arg9[%parallel_loop3A_259] : memref<16384xf32, #tpu.memory_space<vmem>>[vector<16xi32>], vector<16xf32>,
        %parallel_loop3A_261 = arith.constant 16 : i32
        %parallel_loop3A_262 = arith.muli %parallel_loop3A_238, %parallel_loop3A_261 : i32
        %parallel_loop3A_263 = arith.constant 1 : i32
        %parallel_loop3A_264 = arith.index_cast %parallel_loop3A_263 : i32 to index
        %parallel_loop3A_265 = arith.index_cast %parallel_loop3A_262 : i32 to index
        %parallel_loop3A_266 = tpu.vector_load %arg14[%parallel_loop3A_264, %parallel_loop3A_265] {strides = array<i32>} : memref<8x2048xf32, #tpu.memory_space<vmem>>, vector<16xf32>,
        tpu.vector_store %arg14[%parallel_loop3A_264, %parallel_loop3A_265], %parallel_loop3A_260 {strides = array<i32>} : memref<8x2048xf32, #tpu.memory_space<vmem>>, vector<16xf32>,
        %parallel_loop3A_267 = arith.constant 512 : i32
        %parallel_loop3A_268 = arith.addi %mul3A_98, %parallel_loop3A_267 : i32
        %parallel_loop3A_269 = vector.broadcast %parallel_loop3A_268 : i32 to vector<16xi32>
        %parallel_loop3A_270 = arith.addi %parallel_loop3A_244, %parallel_loop3A_269 : vector<16xi32>
        %parallel_loop3A_271 = tpu.vector_load_idx %arg9[%parallel_loop3A_270] : memref<16384xf32, #tpu.memory_space<vmem>>[vector<16xi32>], vector<16xf32>,
        %parallel_loop3A_272 = arith.constant 16 : i32
        %parallel_loop3A_273 = arith.muli %parallel_loop3A_238, %parallel_loop3A_272 : i32
        %parallel_loop3A_274 = arith.constant 2 : i32
        %parallel_loop3A_275 = arith.index_cast %parallel_loop3A_274 : i32 to index
        %parallel_loop3A_276 = arith.index_cast %parallel_loop3A_273 : i32 to index
        %parallel_loop3A_277 = tpu.vector_load %arg14[%parallel_loop3A_275, %parallel_loop3A_276] {strides = array<i32>} : memref<8x2048xf32, #tpu.memory_space<vmem>>, vector<16xf32>,
        tpu.vector_store %arg14[%parallel_loop3A_275, %parallel_loop3A_276], %parallel_loop3A_271 {strides = array<i32>} : memref<8x2048xf32, #tpu.memory_space<vmem>>, vector<16xf32>,
        %parallel_loop3A_278 = arith.constant 768 : i32
        %parallel_loop3A_279 = arith.addi %mul3A_98, %parallel_loop3A_278 : i32
        %parallel_loop3A_280 = vector.broadcast %parallel_loop3A_279 : i32 to vector<16xi32>
        %parallel_loop3A_281 = arith.addi %parallel_loop3A_244, %parallel_loop3A_280 : vector<16xi32>
        %parallel_loop3A_282 = tpu.vector_load_idx %arg9[%parallel_loop3A_281] : memref<16384xf32, #tpu.memory_space<vmem>>[vector<16xi32>], vector<16xf32>,
        %parallel_loop3A_283 = arith.constant 16 : i32
        %parallel_loop3A_284 = arith.muli %parallel_loop3A_238, %parallel_loop3A_283 : i32
        %parallel_loop3A_285 = arith.constant 3 : i32
        %parallel_loop3A_286 = arith.index_cast %parallel_loop3A_285 : i32 to index
        %parallel_loop3A_287 = arith.index_cast %parallel_loop3A_284 : i32 to index
        %parallel_loop3A_288 = tpu.vector_load %arg14[%parallel_loop3A_286, %parallel_loop3A_287] {strides = array<i32>} : memref<8x2048xf32, #tpu.memory_space<vmem>>, vector<16xf32>,
        tpu.vector_store %arg14[%parallel_loop3A_286, %parallel_loop3A_287], %parallel_loop3A_282 {strides = array<i32>} : memref<8x2048xf32, #tpu.memory_space<vmem>>, vector<16xf32>,
        %parallel_loop3A_289 = arith.constant 1024 : i32
        %parallel_loop3A_290 = arith.addi %mul3A_98, %parallel_loop3A_289 : i32
        %parallel_loop3A_291 = vector.broadcast %parallel_loop3A_290 : i32 to vector<16xi32>
        %parallel_loop3A_292 = arith.addi %parallel_loop3A_244, %parallel_loop3A_291 : vector<16xi32>
        %parallel_loop3A_293 = tpu.vector_load_idx %arg9[%parallel_loop3A_292] : memref<16384xf32, #tpu.memory_space<vmem>>[vector<16xi32>], vector<16xf32>,
        %parallel_loop3A_294 = arith.constant 16 : i32
        %parallel_loop3A_295 = arith.muli %parallel_loop3A_238, %parallel_loop3A_294 : i32
        %parallel_loop3A_296 = arith.constant 4 : i32
        %parallel_loop3A_297 = arith.index_cast %parallel_loop3A_296 : i32 to index
        %parallel_loop3A_298 = arith.index_cast %parallel_loop3A_295 : i32 to index
        %parallel_loop3A_299 = tpu.vector_load %arg14[%parallel_loop3A_297, %parallel_loop3A_298] {strides = array<i32>} : memref<8x2048xf32, #tpu.memory_space<vmem>>, vector<16xf32>,
        tpu.vector_store %arg14[%parallel_loop3A_297, %parallel_loop3A_298], %parallel_loop3A_293 {strides = array<i32>} : memref<8x2048xf32, #tpu.memory_space<vmem>>, vector<16xf32>,
        %parallel_loop3A_300 = arith.constant 1280 : i32
        %parallel_loop3A_301 = arith.addi %mul3A_98, %parallel_loop3A_300 : i32
        %parallel_loop3A_302 = vector.broadcast %parallel_loop3A_301 : i32 to vector<16xi32>
        %parallel_loop3A_303 = arith.addi %parallel_loop3A_244, %parallel_loop3A_302 : vector<16xi32>
        %parallel_loop3A_304 = tpu.vector_load_idx %arg9[%parallel_loop3A_303] : memref<16384xf32, #tpu.memory_space<vmem>>[vector<16xi32>], vector<16xf32>,
        %parallel_loop3A_305 = arith.constant 16 : i32
        %parallel_loop3A_306 = arith.muli %parallel_loop3A_238, %parallel_loop3A_305 : i32
        %parallel_loop3A_307 = arith.constant 5 : i32
        %parallel_loop3A_308 = arith.index_cast %parallel_loop3A_307 : i32 to index
        %parallel_loop3A_309 = arith.index_cast %parallel_loop3A_306 : i32 to index
        %parallel_loop3A_310 = tpu.vector_load %arg14[%parallel_loop3A_308, %parallel_loop3A_309] {strides = array<i32>} : memref<8x2048xf32, #tpu.memory_space<vmem>>, vector<16xf32>,
        tpu.vector_store %arg14[%parallel_loop3A_308, %parallel_loop3A_309], %parallel_loop3A_304 {strides = array<i32>} : memref<8x2048xf32, #tpu.memory_space<vmem>>, vector<16xf32>,
        %parallel_loop3A_311 = arith.constant 1536 : i32
        %parallel_loop3A_312 = arith.addi %mul3A_98, %parallel_loop3A_311 : i32
        %parallel_loop3A_313 = vector.broadcast %parallel_loop3A_312 : i32 to vector<16xi32>
        %parallel_loop3A_314 = arith.addi %parallel_loop3A_244, %parallel_loop3A_313 : vector<16xi32>
        %parallel_loop3A_315 = tpu.vector_load_idx %arg9[%parallel_loop3A_314] : memref<16384xf32, #tpu.memory_space<vmem>>[vector<16xi32>], vector<16xf32>,
        %parallel_loop3A_316 = arith.constant 16 : i32
        %parallel_loop3A_317 = arith.muli %parallel_loop3A_238, %parallel_loop3A_316 : i32
        %parallel_loop3A_318 = arith.constant 6 : i32
        %parallel_loop3A_319 = arith.index_cast %parallel_loop3A_318 : i32 to index
        %parallel_loop3A_320 = arith.index_cast %parallel_loop3A_317 : i32 to index
        %parallel_loop3A_321 = tpu.vector_load %arg14[%parallel_loop3A_319, %parallel_loop3A_320] {strides = array<i32>} : memref<8x2048xf32, #tpu.memory_space<vmem>>, vector<16xf32>,
        tpu.vector_store %arg14[%parallel_loop3A_319, %parallel_loop3A_320], %parallel_loop3A_315 {strides = array<i32>} : memref<8x2048xf32, #tpu.memory_space<vmem>>, vector<16xf32>,
        %parallel_loop3A_322 = arith.constant 1792 : i32
        %parallel_loop3A_323 = arith.addi %mul3A_98, %parallel_loop3A_322 : i32
        %parallel_loop3A_324 = vector.broadcast %parallel_loop3A_323 : i32 to vector<16xi32>
        %parallel_loop3A_325 = arith.addi %parallel_loop3A_244, %parallel_loop3A_324 : vector<16xi32>
        %parallel_loop3A_326 = tpu.vector_load_idx %arg9[%parallel_loop3A_325] : memref<16384xf32, #tpu.memory_space<vmem>>[vector<16xi32>], vector<16xf32>,
        %parallel_loop3A_327 = arith.constant 16 : i32
        %parallel_loop3A_328 = arith.muli %parallel_loop3A_238, %parallel_loop3A_327 : i32
        %parallel_loop3A_329 = arith.constant 7 : i32
        %parallel_loop3A_330 = arith.index_cast %parallel_loop3A_329 : i32 to index
        %parallel_loop3A_331 = arith.index_cast %parallel_loop3A_328 : i32 to index
        %parallel_loop3A_332 = tpu.vector_load %arg14[%parallel_loop3A_330, %parallel_loop3A_331] {strides = array<i32>} : memref<8x2048xf32, #tpu.memory_space<vmem>>, vector<16xf32>,
        tpu.vector_store %arg14[%parallel_loop3A_330, %parallel_loop3A_331], %parallel_loop3A_326 {strides = array<i32>} : memref<8x2048xf32, #tpu.memory_space<vmem>>, vector<16xf32>,
      } {sc.loop_unroll_factor = 4 : i64, sc.parallel_access}
      %lt3A_171 = arith.constant 125 : i32
      %lt3A_172 = arith.cmpi slt, %while3A_95, %lt3A_171 : i32
      %convert_element_type3A_173 = arith.extui %lt3A_172 : i1 to i32
      %cond3A_174 = arith.constant 0 : i32
      %cond3A_175 = arith.cmpi ne, %convert_element_type3A_173, %cond3A_174 : i32
      scf.if %cond3A_175 {
        %dma_start3A_238 = arith.constant 8192 : i32
        %dma_start3A_239 = tpu.memref_slice %arg5[%mul3A_100, %dma_start3A_238] : memref<1000x16384xf32, #tpu.memory_space<hbm>> -> memref<8x2048xf32, #tpu.memory_space<hbm>>
        %dma_start3A_240 = arith.constant 8192 : i32
        %dma_start3A_241 = tpu.memref_slice %arg5[%mul3A_100, %dma_start3A_240] : memref<1000x16384xf32, #tpu.memory_space<hbm>> -> memref<8x2048xf32, #tpu.memory_space<hbm>>
        tpu.enqueue_dma source(%arg14 : memref<8x2048xf32, #tpu.memory_space<vmem>>) target(%dma_start3A_241 : memref<8x2048xf32, #tpu.memory_space<hbm>>) target_semaphore(%arg21 : memref<!tpu.dma_semaphore, #tpu.memory_space<semaphore_mem>>)
      } else {
      }
      %ge3A_176 = arith.constant 125 : i32
      %ge3A_177 = arith.cmpi sge, %while3A_95, %ge3A_176 : i32
      %convert_element_type3A_178 = arith.extui %ge3A_177 : i1 to i32
      %cond3A_179 = arith.constant 0 : i32
      %cond3A_180 = arith.cmpi ne, %convert_element_type3A_178, %cond3A_179 : i32
      scf.if %cond3A_180 {
        %sub3A_238 = arith.constant 1000 : i32
        %sub3A_239 = arith.subi %mul3A_100, %sub3A_238 : i32
        %dma_start3A_240 = arith.constant 8192 : i32
        %dma_start3A_241 = tpu.memref_slice %arg6[%sub3A_239, %dma_start3A_240] : memref<1000x16384xf32, #tpu.memory_space<hbm>> -> memref<8x2048xf32, #tpu.memory_space<hbm>>
        %dma_start3A_242 = arith.constant 8192 : i32
        %dma_start3A_243 = tpu.memref_slice %arg6[%sub3A_239, %dma_start3A_242] : memref<1000x16384xf32, #tpu.memory_space<hbm>> -> memref<8x2048xf32, #tpu.memory_space<hbm>>
        tpu.enqueue_dma source(%arg14 : memref<8x2048xf32, #tpu.memory_space<vmem>>) target(%dma_start3A_243 : memref<8x2048xf32, #tpu.memory_space<hbm>>) target_semaphore(%arg21 : memref<!tpu.dma_semaphore, #tpu.memory_space<semaphore_mem>>)
      } else {
      }
      %dma_wait3A_181 = arith.constant 0 : i32
      %dma_wait3A_182 = arith.constant 0 : i32
      %dma_wait3A_183 = tpu.memref_slice %arg5[%dma_wait3A_181, %dma_wait3A_182] : memref<1000x16384xf32, #tpu.memory_space<hbm>> -> memref<8x2048xf32, #tpu.memory_space<hbm>>
      %dma_wait3A_184 = arith.constant 0 : i32
      %dma_wait3A_185 = arith.constant 0 : i32
      %dma_wait3A_186 = tpu.memref_slice %arg5[%dma_wait3A_184, %dma_wait3A_185] : memref<1000x16384xf32, #tpu.memory_space<hbm>> -> memref<8x2048xf32, #tpu.memory_space<hbm>>
      tpu.wait_dma2 semaphore(%arg17 : memref<!tpu.dma_semaphore, #tpu.memory_space<semaphore_mem>>) src(%dma_wait3A_186 : memref<8x2048xf32, #tpu.memory_space<hbm>>) dst(%arg10 : memref<8x2048xf32, #tpu.memory_space<vmem>>)
      %parallel_loop3A_187 = arith.constant 0 : i32
      %parallel_loop3A_188 = arith.constant 128 : i32
      %parallel_loop3A_189 = arith.constant 1 : i32
      scf.for %parallel_loop3A_238 = %parallel_loop3A_187 to %parallel_loop3A_188 step %parallel_loop3A_189  : i32 {
        %parallel_loop3A_239 = arith.constant 16 : i32
        %parallel_loop3A_240 = arith.muli %parallel_loop3A_238, %parallel_loop3A_239 : i32
        %parallel_loop3A_241 = arith.constant 10240 : i32
        %parallel_loop3A_242 = arith.addi %parallel_loop3A_241, %parallel_loop3A_240 : i32
        %parallel_loop3A_243 = arith.index_cast %parallel_loop3A_242 : i32 to index
        %parallel_loop3A_244 = tpu.vector_load %arg8[%parallel_loop3A_243] {strides = array<i32>} : memref<16384xi32, #tpu.memory_space<vmem>>, vector<16xi32>,
        %parallel_loop3A_245 = arith.constant 0 : i32
        %parallel_loop3A_246 = arith.addi %mul3A_98, %parallel_loop3A_245 : i32
        %parallel_loop3A_247 = vector.broadcast %parallel_loop3A_246 : i32 to vector<16xi32>
        %parallel_loop3A_248 = arith.addi %parallel_loop3A_244, %parallel_loop3A_247 : vector<16xi32>
        %parallel_loop3A_249 = tpu.vector_load_idx %arg9[%parallel_loop3A_248] : memref<16384xf32, #tpu.memory_space<vmem>>[vector<16xi32>], vector<16xf32>,
        %parallel_loop3A_250 = arith.constant 16 : i32
        %parallel_loop3A_251 = arith.muli %parallel_loop3A_238, %parallel_loop3A_250 : i32
        %parallel_loop3A_252 = arith.constant 0 : i32
        %parallel_loop3A_253 = arith.index_cast %parallel_loop3A_252 : i32 to index
        %parallel_loop3A_254 = arith.index_cast %parallel_loop3A_251 : i32 to index
        %parallel_loop3A_255 = tpu.vector_load %arg10[%parallel_loop3A_253, %parallel_loop3A_254] {strides = array<i32>} : memref<8x2048xf32, #tpu.memory_space<vmem>>, vector<16xf32>,
        tpu.vector_store %arg10[%parallel_loop3A_253, %parallel_loop3A_254], %parallel_loop3A_249 {strides = array<i32>} : memref<8x2048xf32, #tpu.memory_space<vmem>>, vector<16xf32>,
        %parallel_loop3A_256 = arith.constant 256 : i32
        %parallel_loop3A_257 = arith.addi %mul3A_98, %parallel_loop3A_256 : i32
        %parallel_loop3A_258 = vector.broadcast %parallel_loop3A_257 : i32 to vector<16xi32>
        %parallel_loop3A_259 = arith.addi %parallel_loop3A_244, %parallel_loop3A_258 : vector<16xi32>
        %parallel_loop3A_260 = tpu.vector_load_idx %arg9[%parallel_loop3A_259] : memref<16384xf32, #tpu.memory_space<vmem>>[vector<16xi32>], vector<16xf32>,
        %parallel_loop3A_261 = arith.constant 16 : i32
        %parallel_loop3A_262 = arith.muli %parallel_loop3A_238, %parallel_loop3A_261 : i32
        %parallel_loop3A_263 = arith.constant 1 : i32
        %parallel_loop3A_264 = arith.index_cast %parallel_loop3A_263 : i32 to index
        %parallel_loop3A_265 = arith.index_cast %parallel_loop3A_262 : i32 to index
        %parallel_loop3A_266 = tpu.vector_load %arg10[%parallel_loop3A_264, %parallel_loop3A_265] {strides = array<i32>} : memref<8x2048xf32, #tpu.memory_space<vmem>>, vector<16xf32>,
        tpu.vector_store %arg10[%parallel_loop3A_264, %parallel_loop3A_265], %parallel_loop3A_260 {strides = array<i32>} : memref<8x2048xf32, #tpu.memory_space<vmem>>, vector<16xf32>,
        %parallel_loop3A_267 = arith.constant 512 : i32
        %parallel_loop3A_268 = arith.addi %mul3A_98, %parallel_loop3A_267 : i32
        %parallel_loop3A_269 = vector.broadcast %parallel_loop3A_268 : i32 to vector<16xi32>
        %parallel_loop3A_270 = arith.addi %parallel_loop3A_244, %parallel_loop3A_269 : vector<16xi32>
        %parallel_loop3A_271 = tpu.vector_load_idx %arg9[%parallel_loop3A_270] : memref<16384xf32, #tpu.memory_space<vmem>>[vector<16xi32>], vector<16xf32>,
        %parallel_loop3A_272 = arith.constant 16 : i32
        %parallel_loop3A_273 = arith.muli %parallel_loop3A_238, %parallel_loop3A_272 : i32
        %parallel_loop3A_274 = arith.constant 2 : i32
        %parallel_loop3A_275 = arith.index_cast %parallel_loop3A_274 : i32 to index
        %parallel_loop3A_276 = arith.index_cast %parallel_loop3A_273 : i32 to index
        %parallel_loop3A_277 = tpu.vector_load %arg10[%parallel_loop3A_275, %parallel_loop3A_276] {strides = array<i32>} : memref<8x2048xf32, #tpu.memory_space<vmem>>, vector<16xf32>,
        tpu.vector_store %arg10[%parallel_loop3A_275, %parallel_loop3A_276], %parallel_loop3A_271 {strides = array<i32>} : memref<8x2048xf32, #tpu.memory_space<vmem>>, vector<16xf32>,
        %parallel_loop3A_278 = arith.constant 768 : i32
        %parallel_loop3A_279 = arith.addi %mul3A_98, %parallel_loop3A_278 : i32
        %parallel_loop3A_280 = vector.broadcast %parallel_loop3A_279 : i32 to vector<16xi32>
        %parallel_loop3A_281 = arith.addi %parallel_loop3A_244, %parallel_loop3A_280 : vector<16xi32>
        %parallel_loop3A_282 = tpu.vector_load_idx %arg9[%parallel_loop3A_281] : memref<16384xf32, #tpu.memory_space<vmem>>[vector<16xi32>], vector<16xf32>,
        %parallel_loop3A_283 = arith.constant 16 : i32
        %parallel_loop3A_284 = arith.muli %parallel_loop3A_238, %parallel_loop3A_283 : i32
        %parallel_loop3A_285 = arith.constant 3 : i32
        %parallel_loop3A_286 = arith.index_cast %parallel_loop3A_285 : i32 to index
        %parallel_loop3A_287 = arith.index_cast %parallel_loop3A_284 : i32 to index
        %parallel_loop3A_288 = tpu.vector_load %arg10[%parallel_loop3A_286, %parallel_loop3A_287] {strides = array<i32>} : memref<8x2048xf32, #tpu.memory_space<vmem>>, vector<16xf32>,
        tpu.vector_store %arg10[%parallel_loop3A_286, %parallel_loop3A_287], %parallel_loop3A_282 {strides = array<i32>} : memref<8x2048xf32, #tpu.memory_space<vmem>>, vector<16xf32>,
        %parallel_loop3A_289 = arith.constant 1024 : i32
        %parallel_loop3A_290 = arith.addi %mul3A_98, %parallel_loop3A_289 : i32
        %parallel_loop3A_291 = vector.broadcast %parallel_loop3A_290 : i32 to vector<16xi32>
        %parallel_loop3A_292 = arith.addi %parallel_loop3A_244, %parallel_loop3A_291 : vector<16xi32>
        %parallel_loop3A_293 = tpu.vector_load_idx %arg9[%parallel_loop3A_292] : memref<16384xf32, #tpu.memory_space<vmem>>[vector<16xi32>], vector<16xf32>,
        %parallel_loop3A_294 = arith.constant 16 : i32
        %parallel_loop3A_295 = arith.muli %parallel_loop3A_238, %parallel_loop3A_294 : i32
        %parallel_loop3A_296 = arith.constant 4 : i32
        %parallel_loop3A_297 = arith.index_cast %parallel_loop3A_296 : i32 to index
        %parallel_loop3A_298 = arith.index_cast %parallel_loop3A_295 : i32 to index
        %parallel_loop3A_299 = tpu.vector_load %arg10[%parallel_loop3A_297, %parallel_loop3A_298] {strides = array<i32>} : memref<8x2048xf32, #tpu.memory_space<vmem>>, vector<16xf32>,
        tpu.vector_store %arg10[%parallel_loop3A_297, %parallel_loop3A_298], %parallel_loop3A_293 {strides = array<i32>} : memref<8x2048xf32, #tpu.memory_space<vmem>>, vector<16xf32>,
        %parallel_loop3A_300 = arith.constant 1280 : i32
        %parallel_loop3A_301 = arith.addi %mul3A_98, %parallel_loop3A_300 : i32
        %parallel_loop3A_302 = vector.broadcast %parallel_loop3A_301 : i32 to vector<16xi32>
        %parallel_loop3A_303 = arith.addi %parallel_loop3A_244, %parallel_loop3A_302 : vector<16xi32>
        %parallel_loop3A_304 = tpu.vector_load_idx %arg9[%parallel_loop3A_303] : memref<16384xf32, #tpu.memory_space<vmem>>[vector<16xi32>], vector<16xf32>,
        %parallel_loop3A_305 = arith.constant 16 : i32
        %parallel_loop3A_306 = arith.muli %parallel_loop3A_238, %parallel_loop3A_305 : i32
        %parallel_loop3A_307 = arith.constant 5 : i32
        %parallel_loop3A_308 = arith.index_cast %parallel_loop3A_307 : i32 to index
        %parallel_loop3A_309 = arith.index_cast %parallel_loop3A_306 : i32 to index
        %parallel_loop3A_310 = tpu.vector_load %arg10[%parallel_loop3A_308, %parallel_loop3A_309] {strides = array<i32>} : memref<8x2048xf32, #tpu.memory_space<vmem>>, vector<16xf32>,
        tpu.vector_store %arg10[%parallel_loop3A_308, %parallel_loop3A_309], %parallel_loop3A_304 {strides = array<i32>} : memref<8x2048xf32, #tpu.memory_space<vmem>>, vector<16xf32>,
        %parallel_loop3A_311 = arith.constant 1536 : i32
        %parallel_loop3A_312 = arith.addi %mul3A_98, %parallel_loop3A_311 : i32
        %parallel_loop3A_313 = vector.broadcast %parallel_loop3A_312 : i32 to vector<16xi32>
        %parallel_loop3A_314 = arith.addi %parallel_loop3A_244, %parallel_loop3A_313 : vector<16xi32>
        %parallel_loop3A_315 = tpu.vector_load_idx %arg9[%parallel_loop3A_314] : memref<16384xf32, #tpu.memory_space<vmem>>[vector<16xi32>], vector<16xf32>,
        %parallel_loop3A_316 = arith.constant 16 : i32
        %parallel_loop3A_317 = arith.muli %parallel_loop3A_238, %parallel_loop3A_316 : i32
        %parallel_loop3A_318 = arith.constant 6 : i32
        %parallel_loop3A_319 = arith.index_cast %parallel_loop3A_318 : i32 to index
        %parallel_loop3A_320 = arith.index_cast %parallel_loop3A_317 : i32 to index
        %parallel_loop3A_321 = tpu.vector_load %arg10[%parallel_loop3A_319, %parallel_loop3A_320] {strides = array<i32>} : memref<8x2048xf32, #tpu.memory_space<vmem>>, vector<16xf32>,
        tpu.vector_store %arg10[%parallel_loop3A_319, %parallel_loop3A_320], %parallel_loop3A_315 {strides = array<i32>} : memref<8x2048xf32, #tpu.memory_space<vmem>>, vector<16xf32>,
        %parallel_loop3A_322 = arith.constant 1792 : i32
        %parallel_loop3A_323 = arith.addi %mul3A_98, %parallel_loop3A_322 : i32
        %parallel_loop3A_324 = vector.broadcast %parallel_loop3A_323 : i32 to vector<16xi32>
        %parallel_loop3A_325 = arith.addi %parallel_loop3A_244, %parallel_loop3A_324 : vector<16xi32>
        %parallel_loop3A_326 = tpu.vector_load_idx %arg9[%parallel_loop3A_325] : memref<16384xf32, #tpu.memory_space<vmem>>[vector<16xi32>], vector<16xf32>,
        %parallel_loop3A_327 = arith.constant 16 : i32
        %parallel_loop3A_328 = arith.muli %parallel_loop3A_238, %parallel_loop3A_327 : i32
        %parallel_loop3A_329 = arith.constant 7 : i32
        %parallel_loop3A_330 = arith.index_cast %parallel_loop3A_329 : i32 to index
        %parallel_loop3A_331 = arith.index_cast %parallel_loop3A_328 : i32 to index
        %parallel_loop3A_332 = tpu.vector_load %arg10[%parallel_loop3A_330, %parallel_loop3A_331] {strides = array<i32>} : memref<8x2048xf32, #tpu.memory_space<vmem>>, vector<16xf32>,
        tpu.vector_store %arg10[%parallel_loop3A_330, %parallel_loop3A_331], %parallel_loop3A_326 {strides = array<i32>} : memref<8x2048xf32, #tpu.memory_space<vmem>>, vector<16xf32>,
      } {sc.loop_unroll_factor = 4 : i64, sc.parallel_access}
      %lt3A_190 = arith.constant 125 : i32
      %lt3A_191 = arith.cmpi slt, %while3A_95, %lt3A_190 : i32
      %convert_element_type3A_192 = arith.extui %lt3A_191 : i1 to i32
      %cond3A_193 = arith.constant 0 : i32
      %cond3A_194 = arith.cmpi ne, %convert_element_type3A_192, %cond3A_193 : i32
      scf.if %cond3A_194 {
        %dma_start3A_238 = arith.constant 10240 : i32
        %dma_start3A_239 = tpu.memref_slice %arg5[%mul3A_100, %dma_start3A_238] : memref<1000x16384xf32, #tpu.memory_space<hbm>> -> memref<8x2048xf32, #tpu.memory_space<hbm>>
        %dma_start3A_240 = arith.constant 10240 : i32
        %dma_start3A_241 = tpu.memref_slice %arg5[%mul3A_100, %dma_start3A_240] : memref<1000x16384xf32, #tpu.memory_space<hbm>> -> memref<8x2048xf32, #tpu.memory_space<hbm>>
        tpu.enqueue_dma source(%arg10 : memref<8x2048xf32, #tpu.memory_space<vmem>>) target(%dma_start3A_241 : memref<8x2048xf32, #tpu.memory_space<hbm>>) target_semaphore(%arg17 : memref<!tpu.dma_semaphore, #tpu.memory_space<semaphore_mem>>)
      } else {
      }
      %ge3A_195 = arith.constant 125 : i32
      %ge3A_196 = arith.cmpi sge, %while3A_95, %ge3A_195 : i32
      %convert_element_type3A_197 = arith.extui %ge3A_196 : i1 to i32
      %cond3A_198 = arith.constant 0 : i32
      %cond3A_199 = arith.cmpi ne, %convert_element_type3A_197, %cond3A_198 : i32
      scf.if %cond3A_199 {
        %sub3A_238 = arith.constant 1000 : i32
        %sub3A_239 = arith.subi %mul3A_100, %sub3A_238 : i32
        %dma_start3A_240 = arith.constant 10240 : i32
        %dma_start3A_241 = tpu.memref_slice %arg6[%sub3A_239, %dma_start3A_240] : memref<1000x16384xf32, #tpu.memory_space<hbm>> -> memref<8x2048xf32, #tpu.memory_space<hbm>>
        %dma_start3A_242 = arith.constant 10240 : i32
        %dma_start3A_243 = tpu.memref_slice %arg6[%sub3A_239, %dma_start3A_242] : memref<1000x16384xf32, #tpu.memory_space<hbm>> -> memref<8x2048xf32, #tpu.memory_space<hbm>>
        tpu.enqueue_dma source(%arg10 : memref<8x2048xf32, #tpu.memory_space<vmem>>) target(%dma_start3A_243 : memref<8x2048xf32, #tpu.memory_space<hbm>>) target_semaphore(%arg17 : memref<!tpu.dma_semaphore, #tpu.memory_space<semaphore_mem>>)
      } else {
      }
      %dma_wait3A_200 = arith.constant 0 : i32
      %dma_wait3A_201 = arith.constant 0 : i32
      %dma_wait3A_202 = tpu.memref_slice %arg5[%dma_wait3A_200, %dma_wait3A_201] : memref<1000x16384xf32, #tpu.memory_space<hbm>> -> memref<8x2048xf32, #tpu.memory_space<hbm>>
      %dma_wait3A_203 = arith.constant 0 : i32
      %dma_wait3A_204 = arith.constant 0 : i32
      %dma_wait3A_205 = tpu.memref_slice %arg5[%dma_wait3A_203, %dma_wait3A_204] : memref<1000x16384xf32, #tpu.memory_space<hbm>> -> memref<8x2048xf32, #tpu.memory_space<hbm>>
      tpu.wait_dma2 semaphore(%arg18 : memref<!tpu.dma_semaphore, #tpu.memory_space<semaphore_mem>>) src(%dma_wait3A_205 : memref<8x2048xf32, #tpu.memory_space<hbm>>) dst(%arg11 : memref<8x2048xf32, #tpu.memory_space<vmem>>)
      %parallel_loop3A_206 = arith.constant 0 : i32
      %parallel_loop3A_207 = arith.constant 128 : i32
      %parallel_loop3A_208 = arith.constant 1 : i32
      scf.for %parallel_loop3A_238 = %parallel_loop3A_206 to %parallel_loop3A_207 step %parallel_loop3A_208  : i32 {
        %parallel_loop3A_239 = arith.constant 16 : i32
        %parallel_loop3A_240 = arith.muli %parallel_loop3A_238, %parallel_loop3A_239 : i32
        %parallel_loop3A_241 = arith.constant 12288 : i32
        %parallel_loop3A_242 = arith.addi %parallel_loop3A_241, %parallel_loop3A_240 : i32
        %parallel_loop3A_243 = arith.index_cast %parallel_loop3A_242 : i32 to index
        %parallel_loop3A_244 = tpu.vector_load %arg8[%parallel_loop3A_243] {strides = array<i32>} : memref<16384xi32, #tpu.memory_space<vmem>>, vector<16xi32>,
        %parallel_loop3A_245 = arith.constant 0 : i32
        %parallel_loop3A_246 = arith.addi %mul3A_98, %parallel_loop3A_245 : i32
        %parallel_loop3A_247 = vector.broadcast %parallel_loop3A_246 : i32 to vector<16xi32>
        %parallel_loop3A_248 = arith.addi %parallel_loop3A_244, %parallel_loop3A_247 : vector<16xi32>
        %parallel_loop3A_249 = tpu.vector_load_idx %arg9[%parallel_loop3A_248] : memref<16384xf32, #tpu.memory_space<vmem>>[vector<16xi32>], vector<16xf32>,
        %parallel_loop3A_250 = arith.constant 16 : i32
        %parallel_loop3A_251 = arith.muli %parallel_loop3A_238, %parallel_loop3A_250 : i32
        %parallel_loop3A_252 = arith.constant 0 : i32
        %parallel_loop3A_253 = arith.index_cast %parallel_loop3A_252 : i32 to index
        %parallel_loop3A_254 = arith.index_cast %parallel_loop3A_251 : i32 to index
        %parallel_loop3A_255 = tpu.vector_load %arg11[%parallel_loop3A_253, %parallel_loop3A_254] {strides = array<i32>} : memref<8x2048xf32, #tpu.memory_space<vmem>>, vector<16xf32>,
        tpu.vector_store %arg11[%parallel_loop3A_253, %parallel_loop3A_254], %parallel_loop3A_249 {strides = array<i32>} : memref<8x2048xf32, #tpu.memory_space<vmem>>, vector<16xf32>,
        %parallel_loop3A_256 = arith.constant 256 : i32
        %parallel_loop3A_257 = arith.addi %mul3A_98, %parallel_loop3A_256 : i32
        %parallel_loop3A_258 = vector.broadcast %parallel_loop3A_257 : i32 to vector<16xi32>
        %parallel_loop3A_259 = arith.addi %parallel_loop3A_244, %parallel_loop3A_258 : vector<16xi32>
        %parallel_loop3A_260 = tpu.vector_load_idx %arg9[%parallel_loop3A_259] : memref<16384xf32, #tpu.memory_space<vmem>>[vector<16xi32>], vector<16xf32>,
        %parallel_loop3A_261 = arith.constant 16 : i32
        %parallel_loop3A_262 = arith.muli %parallel_loop3A_238, %parallel_loop3A_261 : i32
        %parallel_loop3A_263 = arith.constant 1 : i32
        %parallel_loop3A_264 = arith.index_cast %parallel_loop3A_263 : i32 to index
        %parallel_loop3A_265 = arith.index_cast %parallel_loop3A_262 : i32 to index
        %parallel_loop3A_266 = tpu.vector_load %arg11[%parallel_loop3A_264, %parallel_loop3A_265] {strides = array<i32>} : memref<8x2048xf32, #tpu.memory_space<vmem>>, vector<16xf32>,
        tpu.vector_store %arg11[%parallel_loop3A_264, %parallel_loop3A_265], %parallel_loop3A_260 {strides = array<i32>} : memref<8x2048xf32, #tpu.memory_space<vmem>>, vector<16xf32>,
        %parallel_loop3A_267 = arith.constant 512 : i32
        %parallel_loop3A_268 = arith.addi %mul3A_98, %parallel_loop3A_267 : i32
        %parallel_loop3A_269 = vector.broadcast %parallel_loop3A_268 : i32 to vector<16xi32>
        %parallel_loop3A_270 = arith.addi %parallel_loop3A_244, %parallel_loop3A_269 : vector<16xi32>
        %parallel_loop3A_271 = tpu.vector_load_idx %arg9[%parallel_loop3A_270] : memref<16384xf32, #tpu.memory_space<vmem>>[vector<16xi32>], vector<16xf32>,
        %parallel_loop3A_272 = arith.constant 16 : i32
        %parallel_loop3A_273 = arith.muli %parallel_loop3A_238, %parallel_loop3A_272 : i32
        %parallel_loop3A_274 = arith.constant 2 : i32
        %parallel_loop3A_275 = arith.index_cast %parallel_loop3A_274 : i32 to index
        %parallel_loop3A_276 = arith.index_cast %parallel_loop3A_273 : i32 to index
        %parallel_loop3A_277 = tpu.vector_load %arg11[%parallel_loop3A_275, %parallel_loop3A_276] {strides = array<i32>} : memref<8x2048xf32, #tpu.memory_space<vmem>>, vector<16xf32>,
        tpu.vector_store %arg11[%parallel_loop3A_275, %parallel_loop3A_276], %parallel_loop3A_271 {strides = array<i32>} : memref<8x2048xf32, #tpu.memory_space<vmem>>, vector<16xf32>,
        %parallel_loop3A_278 = arith.constant 768 : i32
        %parallel_loop3A_279 = arith.addi %mul3A_98, %parallel_loop3A_278 : i32
        %parallel_loop3A_280 = vector.broadcast %parallel_loop3A_279 : i32 to vector<16xi32>
        %parallel_loop3A_281 = arith.addi %parallel_loop3A_244, %parallel_loop3A_280 : vector<16xi32>
        %parallel_loop3A_282 = tpu.vector_load_idx %arg9[%parallel_loop3A_281] : memref<16384xf32, #tpu.memory_space<vmem>>[vector<16xi32>], vector<16xf32>,
        %parallel_loop3A_283 = arith.constant 16 : i32
        %parallel_loop3A_284 = arith.muli %parallel_loop3A_238, %parallel_loop3A_283 : i32
        %parallel_loop3A_285 = arith.constant 3 : i32
        %parallel_loop3A_286 = arith.index_cast %parallel_loop3A_285 : i32 to index
        %parallel_loop3A_287 = arith.index_cast %parallel_loop3A_284 : i32 to index
        %parallel_loop3A_288 = tpu.vector_load %arg11[%parallel_loop3A_286, %parallel_loop3A_287] {strides = array<i32>} : memref<8x2048xf32, #tpu.memory_space<vmem>>, vector<16xf32>,
        tpu.vector_store %arg11[%parallel_loop3A_286, %parallel_loop3A_287], %parallel_loop3A_282 {strides = array<i32>} : memref<8x2048xf32, #tpu.memory_space<vmem>>, vector<16xf32>,
        %parallel_loop3A_289 = arith.constant 1024 : i32
        %parallel_loop3A_290 = arith.addi %mul3A_98, %parallel_loop3A_289 : i32
        %parallel_loop3A_291 = vector.broadcast %parallel_loop3A_290 : i32 to vector<16xi32>
        %parallel_loop3A_292 = arith.addi %parallel_loop3A_244, %parallel_loop3A_291 : vector<16xi32>
        %parallel_loop3A_293 = tpu.vector_load_idx %arg9[%parallel_loop3A_292] : memref<16384xf32, #tpu.memory_space<vmem>>[vector<16xi32>], vector<16xf32>,
        %parallel_loop3A_294 = arith.constant 16 : i32
        %parallel_loop3A_295 = arith.muli %parallel_loop3A_238, %parallel_loop3A_294 : i32
        %parallel_loop3A_296 = arith.constant 4 : i32
        %parallel_loop3A_297 = arith.index_cast %parallel_loop3A_296 : i32 to index
        %parallel_loop3A_298 = arith.index_cast %parallel_loop3A_295 : i32 to index
        %parallel_loop3A_299 = tpu.vector_load %arg11[%parallel_loop3A_297, %parallel_loop3A_298] {strides = array<i32>} : memref<8x2048xf32, #tpu.memory_space<vmem>>, vector<16xf32>,
        tpu.vector_store %arg11[%parallel_loop3A_297, %parallel_loop3A_298], %parallel_loop3A_293 {strides = array<i32>} : memref<8x2048xf32, #tpu.memory_space<vmem>>, vector<16xf32>,
        %parallel_loop3A_300 = arith.constant 1280 : i32
        %parallel_loop3A_301 = arith.addi %mul3A_98, %parallel_loop3A_300 : i32
        %parallel_loop3A_302 = vector.broadcast %parallel_loop3A_301 : i32 to vector<16xi32>
        %parallel_loop3A_303 = arith.addi %parallel_loop3A_244, %parallel_loop3A_302 : vector<16xi32>
        %parallel_loop3A_304 = tpu.vector_load_idx %arg9[%parallel_loop3A_303] : memref<16384xf32, #tpu.memory_space<vmem>>[vector<16xi32>], vector<16xf32>,
        %parallel_loop3A_305 = arith.constant 16 : i32
        %parallel_loop3A_306 = arith.muli %parallel_loop3A_238, %parallel_loop3A_305 : i32
        %parallel_loop3A_307 = arith.constant 5 : i32
        %parallel_loop3A_308 = arith.index_cast %parallel_loop3A_307 : i32 to index
        %parallel_loop3A_309 = arith.index_cast %parallel_loop3A_306 : i32 to index
        %parallel_loop3A_310 = tpu.vector_load %arg11[%parallel_loop3A_308, %parallel_loop3A_309] {strides = array<i32>} : memref<8x2048xf32, #tpu.memory_space<vmem>>, vector<16xf32>,
        tpu.vector_store %arg11[%parallel_loop3A_308, %parallel_loop3A_309], %parallel_loop3A_304 {strides = array<i32>} : memref<8x2048xf32, #tpu.memory_space<vmem>>, vector<16xf32>,
        %parallel_loop3A_311 = arith.constant 1536 : i32
        %parallel_loop3A_312 = arith.addi %mul3A_98, %parallel_loop3A_311 : i32
        %parallel_loop3A_313 = vector.broadcast %parallel_loop3A_312 : i32 to vector<16xi32>
        %parallel_loop3A_314 = arith.addi %parallel_loop3A_244, %parallel_loop3A_313 : vector<16xi32>
        %parallel_loop3A_315 = tpu.vector_load_idx %arg9[%parallel_loop3A_314] : memref<16384xf32, #tpu.memory_space<vmem>>[vector<16xi32>], vector<16xf32>,
        %parallel_loop3A_316 = arith.constant 16 : i32
        %parallel_loop3A_317 = arith.muli %parallel_loop3A_238, %parallel_loop3A_316 : i32
        %parallel_loop3A_318 = arith.constant 6 : i32
        %parallel_loop3A_319 = arith.index_cast %parallel_loop3A_318 : i32 to index
        %parallel_loop3A_320 = arith.index_cast %parallel_loop3A_317 : i32 to index
        %parallel_loop3A_321 = tpu.vector_load %arg11[%parallel_loop3A_319, %parallel_loop3A_320] {strides = array<i32>} : memref<8x2048xf32, #tpu.memory_space<vmem>>, vector<16xf32>,
        tpu.vector_store %arg11[%parallel_loop3A_319, %parallel_loop3A_320], %parallel_loop3A_315 {strides = array<i32>} : memref<8x2048xf32, #tpu.memory_space<vmem>>, vector<16xf32>,
        %parallel_loop3A_322 = arith.constant 1792 : i32
        %parallel_loop3A_323 = arith.addi %mul3A_98, %parallel_loop3A_322 : i32
        %parallel_loop3A_324 = vector.broadcast %parallel_loop3A_323 : i32 to vector<16xi32>
        %parallel_loop3A_325 = arith.addi %parallel_loop3A_244, %parallel_loop3A_324 : vector<16xi32>
        %parallel_loop3A_326 = tpu.vector_load_idx %arg9[%parallel_loop3A_325] : memref<16384xf32, #tpu.memory_space<vmem>>[vector<16xi32>], vector<16xf32>,
        %parallel_loop3A_327 = arith.constant 16 : i32
        %parallel_loop3A_328 = arith.muli %parallel_loop3A_238, %parallel_loop3A_327 : i32
        %parallel_loop3A_329 = arith.constant 7 : i32
        %parallel_loop3A_330 = arith.index_cast %parallel_loop3A_329 : i32 to index
        %parallel_loop3A_331 = arith.index_cast %parallel_loop3A_328 : i32 to index
        %parallel_loop3A_332 = tpu.vector_load %arg11[%parallel_loop3A_330, %parallel_loop3A_331] {strides = array<i32>} : memref<8x2048xf32, #tpu.memory_space<vmem>>, vector<16xf32>,
        tpu.vector_store %arg11[%parallel_loop3A_330, %parallel_loop3A_331], %parallel_loop3A_326 {strides = array<i32>} : memref<8x2048xf32, #tpu.memory_space<vmem>>, vector<16xf32>,
      } {sc.loop_unroll_factor = 4 : i64, sc.parallel_access}
      %lt3A_209 = arith.constant 125 : i32
      %lt3A_210 = arith.cmpi slt, %while3A_95, %lt3A_209 : i32
      %convert_element_type3A_211 = arith.extui %lt3A_210 : i1 to i32
      %cond3A_212 = arith.constant 0 : i32
      %cond3A_213 = arith.cmpi ne, %convert_element_type3A_211, %cond3A_212 : i32
      scf.if %cond3A_213 {
        %dma_start3A_238 = arith.constant 12288 : i32
        %dma_start3A_239 = tpu.memref_slice %arg5[%mul3A_100, %dma_start3A_238] : memref<1000x16384xf32, #tpu.memory_space<hbm>> -> memref<8x2048xf32, #tpu.memory_space<hbm>>
        %dma_start3A_240 = arith.constant 12288 : i32
        %dma_start3A_241 = tpu.memref_slice %arg5[%mul3A_100, %dma_start3A_240] : memref<1000x16384xf32, #tpu.memory_space<hbm>> -> memref<8x2048xf32, #tpu.memory_space<hbm>>
        tpu.enqueue_dma source(%arg11 : memref<8x2048xf32, #tpu.memory_space<vmem>>) target(%dma_start3A_241 : memref<8x2048xf32, #tpu.memory_space<hbm>>) target_semaphore(%arg18 : memref<!tpu.dma_semaphore, #tpu.memory_space<semaphore_mem>>)
      } else {
      }
      %ge3A_214 = arith.constant 125 : i32
      %ge3A_215 = arith.cmpi sge, %while3A_95, %ge3A_214 : i32
      %convert_element_type3A_216 = arith.extui %ge3A_215 : i1 to i32
      %cond3A_217 = arith.constant 0 : i32
      %cond3A_218 = arith.cmpi ne, %convert_element_type3A_216, %cond3A_217 : i32
      scf.if %cond3A_218 {
        %sub3A_238 = arith.constant 1000 : i32
        %sub3A_239 = arith.subi %mul3A_100, %sub3A_238 : i32
        %dma_start3A_240 = arith.constant 12288 : i32
        %dma_start3A_241 = tpu.memref_slice %arg6[%sub3A_239, %dma_start3A_240] : memref<1000x16384xf32, #tpu.memory_space<hbm>> -> memref<8x2048xf32, #tpu.memory_space<hbm>>
        %dma_start3A_242 = arith.constant 12288 : i32
        %dma_start3A_243 = tpu.memref_slice %arg6[%sub3A_239, %dma_start3A_242] : memref<1000x16384xf32, #tpu.memory_space<hbm>> -> memref<8x2048xf32, #tpu.memory_space<hbm>>
        tpu.enqueue_dma source(%arg11 : memref<8x2048xf32, #tpu.memory_space<vmem>>) target(%dma_start3A_243 : memref<8x2048xf32, #tpu.memory_space<hbm>>) target_semaphore(%arg18 : memref<!tpu.dma_semaphore, #tpu.memory_space<semaphore_mem>>)
      } else {
      }
      %dma_wait3A_219 = arith.constant 0 : i32
      %dma_wait3A_220 = arith.constant 0 : i32
      %dma_wait3A_221 = tpu.memref_slice %arg5[%dma_wait3A_219, %dma_wait3A_220] : memref<1000x16384xf32, #tpu.memory_space<hbm>> -> memref<8x2048xf32, #tpu.memory_space<hbm>>
      %dma_wait3A_222 = arith.constant 0 : i32
      %dma_wait3A_223 = arith.constant 0 : i32
      %dma_wait3A_224 = tpu.memref_slice %arg5[%dma_wait3A_222, %dma_wait3A_223] : memref<1000x16384xf32, #tpu.memory_space<hbm>> -> memref<8x2048xf32, #tpu.memory_space<hbm>>
      tpu.wait_dma2 semaphore(%arg19 : memref<!tpu.dma_semaphore, #tpu.memory_space<semaphore_mem>>) src(%dma_wait3A_224 : memref<8x2048xf32, #tpu.memory_space<hbm>>) dst(%arg12 : memref<8x2048xf32, #tpu.memory_space<vmem>>)
      %parallel_loop3A_225 = arith.constant 0 : i32
      %parallel_loop3A_226 = arith.constant 128 : i32
      %parallel_loop3A_227 = arith.constant 1 : i32
      scf.for %parallel_loop3A_238 = %parallel_loop3A_225 to %parallel_loop3A_226 step %parallel_loop3A_227  : i32 {
        %parallel_loop3A_239 = arith.constant 16 : i32
        %parallel_loop3A_240 = arith.muli %parallel_loop3A_238, %parallel_loop3A_239 : i32
        %parallel_loop3A_241 = arith.constant 14336 : i32
        %parallel_loop3A_242 = arith.addi %parallel_loop3A_241, %parallel_loop3A_240 : i32
        %parallel_loop3A_243 = arith.index_cast %parallel_loop3A_242 : i32 to index
        %parallel_loop3A_244 = tpu.vector_load %arg8[%parallel_loop3A_243] {strides = array<i32>} : memref<16384xi32, #tpu.memory_space<vmem>>, vector<16xi32>,
        %parallel_loop3A_245 = arith.constant 0 : i32
        %parallel_loop3A_246 = arith.addi %mul3A_98, %parallel_loop3A_245 : i32
        %parallel_loop3A_247 = vector.broadcast %parallel_loop3A_246 : i32 to vector<16xi32>
        %parallel_loop3A_248 = arith.addi %parallel_loop3A_244, %parallel_loop3A_247 : vector<16xi32>
        %parallel_loop3A_249 = tpu.vector_load_idx %arg9[%parallel_loop3A_248] : memref<16384xf32, #tpu.memory_space<vmem>>[vector<16xi32>], vector<16xf32>,
        %parallel_loop3A_250 = arith.constant 16 : i32
        %parallel_loop3A_251 = arith.muli %parallel_loop3A_238, %parallel_loop3A_250 : i32
        %parallel_loop3A_252 = arith.constant 0 : i32
        %parallel_loop3A_253 = arith.index_cast %parallel_loop3A_252 : i32 to index
        %parallel_loop3A_254 = arith.index_cast %parallel_loop3A_251 : i32 to index
        %parallel_loop3A_255 = tpu.vector_load %arg12[%parallel_loop3A_253, %parallel_loop3A_254] {strides = array<i32>} : memref<8x2048xf32, #tpu.memory_space<vmem>>, vector<16xf32>,
        tpu.vector_store %arg12[%parallel_loop3A_253, %parallel_loop3A_254], %parallel_loop3A_249 {strides = array<i32>} : memref<8x2048xf32, #tpu.memory_space<vmem>>, vector<16xf32>,
        %parallel_loop3A_256 = arith.constant 256 : i32
        %parallel_loop3A_257 = arith.addi %mul3A_98, %parallel_loop3A_256 : i32
        %parallel_loop3A_258 = vector.broadcast %parallel_loop3A_257 : i32 to vector<16xi32>
        %parallel_loop3A_259 = arith.addi %parallel_loop3A_244, %parallel_loop3A_258 : vector<16xi32>
        %parallel_loop3A_260 = tpu.vector_load_idx %arg9[%parallel_loop3A_259] : memref<16384xf32, #tpu.memory_space<vmem>>[vector<16xi32>], vector<16xf32>,
        %parallel_loop3A_261 = arith.constant 16 : i32
        %parallel_loop3A_262 = arith.muli %parallel_loop3A_238, %parallel_loop3A_261 : i32
        %parallel_loop3A_263 = arith.constant 1 : i32
        %parallel_loop3A_264 = arith.index_cast %parallel_loop3A_263 : i32 to index
        %parallel_loop3A_265 = arith.index_cast %parallel_loop3A_262 : i32 to index
        %parallel_loop3A_266 = tpu.vector_load %arg12[%parallel_loop3A_264, %parallel_loop3A_265] {strides = array<i32>} : memref<8x2048xf32, #tpu.memory_space<vmem>>, vector<16xf32>,
        tpu.vector_store %arg12[%parallel_loop3A_264, %parallel_loop3A_265], %parallel_loop3A_260 {strides = array<i32>} : memref<8x2048xf32, #tpu.memory_space<vmem>>, vector<16xf32>,
        %parallel_loop3A_267 = arith.constant 512 : i32
        %parallel_loop3A_268 = arith.addi %mul3A_98, %parallel_loop3A_267 : i32
        %parallel_loop3A_269 = vector.broadcast %parallel_loop3A_268 : i32 to vector<16xi32>
        %parallel_loop3A_270 = arith.addi %parallel_loop3A_244, %parallel_loop3A_269 : vector<16xi32>
        %parallel_loop3A_271 = tpu.vector_load_idx %arg9[%parallel_loop3A_270] : memref<16384xf32, #tpu.memory_space<vmem>>[vector<16xi32>], vector<16xf32>,
        %parallel_loop3A_272 = arith.constant 16 : i32
        %parallel_loop3A_273 = arith.muli %parallel_loop3A_238, %parallel_loop3A_272 : i32
        %parallel_loop3A_274 = arith.constant 2 : i32
        %parallel_loop3A_275 = arith.index_cast %parallel_loop3A_274 : i32 to index
        %parallel_loop3A_276 = arith.index_cast %parallel_loop3A_273 : i32 to index
        %parallel_loop3A_277 = tpu.vector_load %arg12[%parallel_loop3A_275, %parallel_loop3A_276] {strides = array<i32>} : memref<8x2048xf32, #tpu.memory_space<vmem>>, vector<16xf32>,
        tpu.vector_store %arg12[%parallel_loop3A_275, %parallel_loop3A_276], %parallel_loop3A_271 {strides = array<i32>} : memref<8x2048xf32, #tpu.memory_space<vmem>>, vector<16xf32>,
        %parallel_loop3A_278 = arith.constant 768 : i32
        %parallel_loop3A_279 = arith.addi %mul3A_98, %parallel_loop3A_278 : i32
        %parallel_loop3A_280 = vector.broadcast %parallel_loop3A_279 : i32 to vector<16xi32>
        %parallel_loop3A_281 = arith.addi %parallel_loop3A_244, %parallel_loop3A_280 : vector<16xi32>
        %parallel_loop3A_282 = tpu.vector_load_idx %arg9[%parallel_loop3A_281] : memref<16384xf32, #tpu.memory_space<vmem>>[vector<16xi32>], vector<16xf32>,
        %parallel_loop3A_283 = arith.constant 16 : i32
        %parallel_loop3A_284 = arith.muli %parallel_loop3A_238, %parallel_loop3A_283 : i32
        %parallel_loop3A_285 = arith.constant 3 : i32
        %parallel_loop3A_286 = arith.index_cast %parallel_loop3A_285 : i32 to index
        %parallel_loop3A_287 = arith.index_cast %parallel_loop3A_284 : i32 to index
        %parallel_loop3A_288 = tpu.vector_load %arg12[%parallel_loop3A_286, %parallel_loop3A_287] {strides = array<i32>} : memref<8x2048xf32, #tpu.memory_space<vmem>>, vector<16xf32>,
        tpu.vector_store %arg12[%parallel_loop3A_286, %parallel_loop3A_287], %parallel_loop3A_282 {strides = array<i32>} : memref<8x2048xf32, #tpu.memory_space<vmem>>, vector<16xf32>,
        %parallel_loop3A_289 = arith.constant 1024 : i32
        %parallel_loop3A_290 = arith.addi %mul3A_98, %parallel_loop3A_289 : i32
        %parallel_loop3A_291 = vector.broadcast %parallel_loop3A_290 : i32 to vector<16xi32>
        %parallel_loop3A_292 = arith.addi %parallel_loop3A_244, %parallel_loop3A_291 : vector<16xi32>
        %parallel_loop3A_293 = tpu.vector_load_idx %arg9[%parallel_loop3A_292] : memref<16384xf32, #tpu.memory_space<vmem>>[vector<16xi32>], vector<16xf32>,
        %parallel_loop3A_294 = arith.constant 16 : i32
        %parallel_loop3A_295 = arith.muli %parallel_loop3A_238, %parallel_loop3A_294 : i32
        %parallel_loop3A_296 = arith.constant 4 : i32
        %parallel_loop3A_297 = arith.index_cast %parallel_loop3A_296 : i32 to index
        %parallel_loop3A_298 = arith.index_cast %parallel_loop3A_295 : i32 to index
        %parallel_loop3A_299 = tpu.vector_load %arg12[%parallel_loop3A_297, %parallel_loop3A_298] {strides = array<i32>} : memref<8x2048xf32, #tpu.memory_space<vmem>>, vector<16xf32>,
        tpu.vector_store %arg12[%parallel_loop3A_297, %parallel_loop3A_298], %parallel_loop3A_293 {strides = array<i32>} : memref<8x2048xf32, #tpu.memory_space<vmem>>, vector<16xf32>,
        %parallel_loop3A_300 = arith.constant 1280 : i32
        %parallel_loop3A_301 = arith.addi %mul3A_98, %parallel_loop3A_300 : i32
        %parallel_loop3A_302 = vector.broadcast %parallel_loop3A_301 : i32 to vector<16xi32>
        %parallel_loop3A_303 = arith.addi %parallel_loop3A_244, %parallel_loop3A_302 : vector<16xi32>
        %parallel_loop3A_304 = tpu.vector_load_idx %arg9[%parallel_loop3A_303] : memref<16384xf32, #tpu.memory_space<vmem>>[vector<16xi32>], vector<16xf32>,
        %parallel_loop3A_305 = arith.constant 16 : i32
        %parallel_loop3A_306 = arith.muli %parallel_loop3A_238, %parallel_loop3A_305 : i32
        %parallel_loop3A_307 = arith.constant 5 : i32
        %parallel_loop3A_308 = arith.index_cast %parallel_loop3A_307 : i32 to index
        %parallel_loop3A_309 = arith.index_cast %parallel_loop3A_306 : i32 to index
        %parallel_loop3A_310 = tpu.vector_load %arg12[%parallel_loop3A_308, %parallel_loop3A_309] {strides = array<i32>} : memref<8x2048xf32, #tpu.memory_space<vmem>>, vector<16xf32>,
        tpu.vector_store %arg12[%parallel_loop3A_308, %parallel_loop3A_309], %parallel_loop3A_304 {strides = array<i32>} : memref<8x2048xf32, #tpu.memory_space<vmem>>, vector<16xf32>,
        %parallel_loop3A_311 = arith.constant 1536 : i32
        %parallel_loop3A_312 = arith.addi %mul3A_98, %parallel_loop3A_311 : i32
        %parallel_loop3A_313 = vector.broadcast %parallel_loop3A_312 : i32 to vector<16xi32>
        %parallel_loop3A_314 = arith.addi %parallel_loop3A_244, %parallel_loop3A_313 : vector<16xi32>
        %parallel_loop3A_315 = tpu.vector_load_idx %arg9[%parallel_loop3A_314] : memref<16384xf32, #tpu.memory_space<vmem>>[vector<16xi32>], vector<16xf32>,
        %parallel_loop3A_316 = arith.constant 16 : i32
        %parallel_loop3A_317 = arith.muli %parallel_loop3A_238, %parallel_loop3A_316 : i32
        %parallel_loop3A_318 = arith.constant 6 : i32
        %parallel_loop3A_319 = arith.index_cast %parallel_loop3A_318 : i32 to index
        %parallel_loop3A_320 = arith.index_cast %parallel_loop3A_317 : i32 to index
        %parallel_loop3A_321 = tpu.vector_load %arg12[%parallel_loop3A_319, %parallel_loop3A_320] {strides = array<i32>} : memref<8x2048xf32, #tpu.memory_space<vmem>>, vector<16xf32>,
        tpu.vector_store %arg12[%parallel_loop3A_319, %parallel_loop3A_320], %parallel_loop3A_315 {strides = array<i32>} : memref<8x2048xf32, #tpu.memory_space<vmem>>, vector<16xf32>,
        %parallel_loop3A_322 = arith.constant 1792 : i32
        %parallel_loop3A_323 = arith.addi %mul3A_98, %parallel_loop3A_322 : i32
        %parallel_loop3A_324 = vector.broadcast %parallel_loop3A_323 : i32 to vector<16xi32>
        %parallel_loop3A_325 = arith.addi %parallel_loop3A_244, %parallel_loop3A_324 : vector<16xi32>
        %parallel_loop3A_326 = tpu.vector_load_idx %arg9[%parallel_loop3A_325] : memref<16384xf32, #tpu.memory_space<vmem>>[vector<16xi32>], vector<16xf32>,
        %parallel_loop3A_327 = arith.constant 16 : i32
        %parallel_loop3A_328 = arith.muli %parallel_loop3A_238, %parallel_loop3A_327 : i32
        %parallel_loop3A_329 = arith.constant 7 : i32
        %parallel_loop3A_330 = arith.index_cast %parallel_loop3A_329 : i32 to index
        %parallel_loop3A_331 = arith.index_cast %parallel_loop3A_328 : i32 to index
        %parallel_loop3A_332 = tpu.vector_load %arg12[%parallel_loop3A_330, %parallel_loop3A_331] {strides = array<i32>} : memref<8x2048xf32, #tpu.memory_space<vmem>>, vector<16xf32>,
        tpu.vector_store %arg12[%parallel_loop3A_330, %parallel_loop3A_331], %parallel_loop3A_326 {strides = array<i32>} : memref<8x2048xf32, #tpu.memory_space<vmem>>, vector<16xf32>,
      } {sc.loop_unroll_factor = 4 : i64, sc.parallel_access}
      %lt3A_228 = arith.constant 125 : i32
      %lt3A_229 = arith.cmpi slt, %while3A_95, %lt3A_228 : i32
      %convert_element_type3A_230 = arith.extui %lt3A_229 : i1 to i32
      %cond3A_231 = arith.constant 0 : i32
      %cond3A_232 = arith.cmpi ne, %convert_element_type3A_230, %cond3A_231 : i32
      scf.if %cond3A_232 {
        %dma_start3A_238 = arith.constant 14336 : i32
        %dma_start3A_239 = tpu.memref_slice %arg5[%mul3A_100, %dma_start3A_238] : memref<1000x16384xf32, #tpu.memory_space<hbm>> -> memref<8x2048xf32, #tpu.memory_space<hbm>>
        %dma_start3A_240 = arith.constant 14336 : i32
        %dma_start3A_241 = tpu.memref_slice %arg5[%mul3A_100, %dma_start3A_240] : memref<1000x16384xf32, #tpu.memory_space<hbm>> -> memref<8x2048xf32, #tpu.memory_space<hbm>>
        tpu.enqueue_dma source(%arg12 : memref<8x2048xf32, #tpu.memory_space<vmem>>) target(%dma_start3A_241 : memref<8x2048xf32, #tpu.memory_space<hbm>>) target_semaphore(%arg19 : memref<!tpu.dma_semaphore, #tpu.memory_space<semaphore_mem>>)
      } else {
      }
      %ge3A_233 = arith.constant 125 : i32
      %ge3A_234 = arith.cmpi sge, %while3A_95, %ge3A_233 : i32
      %convert_element_type3A_235 = arith.extui %ge3A_234 : i1 to i32
      %cond3A_236 = arith.constant 0 : i32
      %cond3A_237 = arith.cmpi ne, %convert_element_type3A_235, %cond3A_236 : i32
      scf.if %cond3A_237 {
        %sub3A_238 = arith.constant 1000 : i32
        %sub3A_239 = arith.subi %mul3A_100, %sub3A_238 : i32
        %dma_start3A_240 = arith.constant 14336 : i32
        %dma_start3A_241 = tpu.memref_slice %arg6[%sub3A_239, %dma_start3A_240] : memref<1000x16384xf32, #tpu.memory_space<hbm>> -> memref<8x2048xf32, #tpu.memory_space<hbm>>
        %dma_start3A_242 = arith.constant 14336 : i32
        %dma_start3A_243 = tpu.memref_slice %arg6[%sub3A_239, %dma_start3A_242] : memref<1000x16384xf32, #tpu.memory_space<hbm>> -> memref<8x2048xf32, #tpu.memory_space<hbm>>
        tpu.enqueue_dma source(%arg12 : memref<8x2048xf32, #tpu.memory_space<vmem>>) target(%dma_start3A_243 : memref<8x2048xf32, #tpu.memory_space<hbm>>) target_semaphore(%arg19 : memref<!tpu.dma_semaphore, #tpu.memory_space<semaphore_mem>>)
      } else {
      }
    }
    %while3A_60 = arith.constant 1 : i32
    scf.for %while3A_95 = %while3A_58 to %while3A_54 step %while3A_60  : i32 {
      %sub3A_96 = arith.subi %while3A_95, %select_n3A : i32
      %mul3A_97 = arith.constant 2048 : i32
      %mul3A_98 = arith.muli %sub3A_96, %mul3A_97 : i32
      %mul3A_99 = arith.constant 8 : i32
      %mul3A_100 = arith.muli %while3A_95, %mul3A_99 : i32
      %gt3A = arith.cmpi sgt, %while3A_95, %select_n3A : i32
      %convert_element_type3A = arith.extui %gt3A : i1 to i32
      %cond3A = arith.constant 0 : i32
      %cond3A_101 = arith.cmpi ne, %convert_element_type3A, %cond3A : i32
      scf.if %cond3A_101 {
        %dma_wait3A_238 = arith.constant 0 : i32
        %dma_wait3A_239 = arith.constant 0 : i32
        %dma_wait3A_240 = tpu.memref_slice %arg5[%dma_wait3A_238, %dma_wait3A_239] : memref<1000x16384xf32, #tpu.memory_space<hbm>> -> memref<8x2048xf32, #tpu.memory_space<hbm>>
        %dma_wait3A_241 = arith.constant 0 : i32
        %dma_wait3A_242 = arith.constant 0 : i32
        %dma_wait3A_243 = tpu.memref_slice %arg5[%dma_wait3A_241, %dma_wait3A_242] : memref<1000x16384xf32, #tpu.memory_space<hbm>> -> memref<8x2048xf32, #tpu.memory_space<hbm>>
        tpu.wait_dma2 semaphore(%arg17 : memref<!tpu.dma_semaphore, #tpu.memory_space<semaphore_mem>>) src(%dma_wait3A_243 : memref<8x2048xf32, #tpu.memory_space<hbm>>) dst(%arg10 : memref<8x2048xf32, #tpu.memory_space<vmem>>)
      } else {
      }
      %parallel_loop3A_102 = arith.constant 0 : i32
      %parallel_loop3A_103 = arith.constant 128 : i32
      %parallel_loop3A_104 = arith.constant 1 : i32
      scf.for %parallel_loop3A_238 = %parallel_loop3A_102 to %parallel_loop3A_103 step %parallel_loop3A_104  : i32 {
        %parallel_loop3A_239 = arith.constant 16 : i32
        %parallel_loop3A_240 = arith.muli %parallel_loop3A_238, %parallel_loop3A_239 : i32
        %parallel_loop3A_241 = arith.constant 0 : i32
        %parallel_loop3A_242 = arith.addi %parallel_loop3A_241, %parallel_loop3A_240 : i32
        %parallel_loop3A_243 = arith.index_cast %parallel_loop3A_242 : i32 to index
        %parallel_loop3A_244 = tpu.vector_load %arg8[%parallel_loop3A_243] {strides = array<i32>} : memref<16384xi32, #tpu.memory_space<vmem>>, vector<16xi32>,
        %parallel_loop3A_245 = arith.constant 0 : i32
        %parallel_loop3A_246 = arith.addi %mul3A_98, %parallel_loop3A_245 : i32
        %parallel_loop3A_247 = vector.broadcast %parallel_loop3A_246 : i32 to vector<16xi32>
        %parallel_loop3A_248 = arith.addi %parallel_loop3A_244, %parallel_loop3A_247 : vector<16xi32>
        %parallel_loop3A_249 = tpu.vector_load_idx %arg9[%parallel_loop3A_248] : memref<16384xf32, #tpu.memory_space<vmem>>[vector<16xi32>], vector<16xf32>,
        %parallel_loop3A_250 = arith.constant 16 : i32
        %parallel_loop3A_251 = arith.muli %parallel_loop3A_238, %parallel_loop3A_250 : i32
        %parallel_loop3A_252 = arith.constant 0 : i32
        %parallel_loop3A_253 = arith.index_cast %parallel_loop3A_252 : i32 to index
        %parallel_loop3A_254 = arith.index_cast %parallel_loop3A_251 : i32 to index
        %parallel_loop3A_255 = tpu.vector_load %arg10[%parallel_loop3A_253, %parallel_loop3A_254] {strides = array<i32>} : memref<8x2048xf32, #tpu.memory_space<vmem>>, vector<16xf32>,
        tpu.vector_store %arg10[%parallel_loop3A_253, %parallel_loop3A_254], %parallel_loop3A_249 {strides = array<i32>} : memref<8x2048xf32, #tpu.memory_space<vmem>>, vector<16xf32>,
        %parallel_loop3A_256 = arith.constant 256 : i32
        %parallel_loop3A_257 = arith.addi %mul3A_98, %parallel_loop3A_256 : i32
        %parallel_loop3A_258 = vector.broadcast %parallel_loop3A_257 : i32 to vector<16xi32>
        %parallel_loop3A_259 = arith.addi %parallel_loop3A_244, %parallel_loop3A_258 : vector<16xi32>
        %parallel_loop3A_260 = tpu.vector_load_idx %arg9[%parallel_loop3A_259] : memref<16384xf32, #tpu.memory_space<vmem>>[vector<16xi32>], vector<16xf32>,
        %parallel_loop3A_261 = arith.constant 16 : i32
        %parallel_loop3A_262 = arith.muli %parallel_loop3A_238, %parallel_loop3A_261 : i32
        %parallel_loop3A_263 = arith.constant 1 : i32
        %parallel_loop3A_264 = arith.index_cast %parallel_loop3A_263 : i32 to index
        %parallel_loop3A_265 = arith.index_cast %parallel_loop3A_262 : i32 to index
        %parallel_loop3A_266 = tpu.vector_load %arg10[%parallel_loop3A_264, %parallel_loop3A_265] {strides = array<i32>} : memref<8x2048xf32, #tpu.memory_space<vmem>>, vector<16xf32>,
        tpu.vector_store %arg10[%parallel_loop3A_264, %parallel_loop3A_265], %parallel_loop3A_260 {strides = array<i32>} : memref<8x2048xf32, #tpu.memory_space<vmem>>, vector<16xf32>,
        %parallel_loop3A_267 = arith.constant 512 : i32
        %parallel_loop3A_268 = arith.addi %mul3A_98, %parallel_loop3A_267 : i32
        %parallel_loop3A_269 = vector.broadcast %parallel_loop3A_268 : i32 to vector<16xi32>
        %parallel_loop3A_270 = arith.addi %parallel_loop3A_244, %parallel_loop3A_269 : vector<16xi32>
        %parallel_loop3A_271 = tpu.vector_load_idx %arg9[%parallel_loop3A_270] : memref<16384xf32, #tpu.memory_space<vmem>>[vector<16xi32>], vector<16xf32>,
        %parallel_loop3A_272 = arith.constant 16 : i32
        %parallel_loop3A_273 = arith.muli %parallel_loop3A_238, %parallel_loop3A_272 : i32
        %parallel_loop3A_274 = arith.constant 2 : i32
        %parallel_loop3A_275 = arith.index_cast %parallel_loop3A_274 : i32 to index
        %parallel_loop3A_276 = arith.index_cast %parallel_loop3A_273 : i32 to index
        %parallel_loop3A_277 = tpu.vector_load %arg10[%parallel_loop3A_275, %parallel_loop3A_276] {strides = array<i32>} : memref<8x2048xf32, #tpu.memory_space<vmem>>, vector<16xf32>,
        tpu.vector_store %arg10[%parallel_loop3A_275, %parallel_loop3A_276], %parallel_loop3A_271 {strides = array<i32>} : memref<8x2048xf32, #tpu.memory_space<vmem>>, vector<16xf32>,
        %parallel_loop3A_278 = arith.constant 768 : i32
        %parallel_loop3A_279 = arith.addi %mul3A_98, %parallel_loop3A_278 : i32
        %parallel_loop3A_280 = vector.broadcast %parallel_loop3A_279 : i32 to vector<16xi32>
        %parallel_loop3A_281 = arith.addi %parallel_loop3A_244, %parallel_loop3A_280 : vector<16xi32>
        %parallel_loop3A_282 = tpu.vector_load_idx %arg9[%parallel_loop3A_281] : memref<16384xf32, #tpu.memory_space<vmem>>[vector<16xi32>], vector<16xf32>,
        %parallel_loop3A_283 = arith.constant 16 : i32
        %parallel_loop3A_284 = arith.muli %parallel_loop3A_238, %parallel_loop3A_283 : i32
        %parallel_loop3A_285 = arith.constant 3 : i32
        %parallel_loop3A_286 = arith.index_cast %parallel_loop3A_285 : i32 to index
        %parallel_loop3A_287 = arith.index_cast %parallel_loop3A_284 : i32 to index
        %parallel_loop3A_288 = tpu.vector_load %arg10[%parallel_loop3A_286, %parallel_loop3A_287] {strides = array<i32>} : memref<8x2048xf32, #tpu.memory_space<vmem>>, vector<16xf32>,
        tpu.vector_store %arg10[%parallel_loop3A_286, %parallel_loop3A_287], %parallel_loop3A_282 {strides = array<i32>} : memref<8x2048xf32, #tpu.memory_space<vmem>>, vector<16xf32>,
        %parallel_loop3A_289 = arith.constant 1024 : i32
        %parallel_loop3A_290 = arith.addi %mul3A_98, %parallel_loop3A_289 : i32
        %parallel_loop3A_291 = vector.broadcast %parallel_loop3A_290 : i32 to vector<16xi32>
        %parallel_loop3A_292 = arith.addi %parallel_loop3A_244, %parallel_loop3A_291 : vector<16xi32>
        %parallel_loop3A_293 = tpu.vector_load_idx %arg9[%parallel_loop3A_292] : memref<16384xf32, #tpu.memory_space<vmem>>[vector<16xi32>], vector<16xf32>,
        %parallel_loop3A_294 = arith.constant 16 : i32
        %parallel_loop3A_295 = arith.muli %parallel_loop3A_238, %parallel_loop3A_294 : i32
        %parallel_loop3A_296 = arith.constant 4 : i32
        %parallel_loop3A_297 = arith.index_cast %parallel_loop3A_296 : i32 to index
        %parallel_loop3A_298 = arith.index_cast %parallel_loop3A_295 : i32 to index
        %parallel_loop3A_299 = tpu.vector_load %arg10[%parallel_loop3A_297, %parallel_loop3A_298] {strides = array<i32>} : memref<8x2048xf32, #tpu.memory_space<vmem>>, vector<16xf32>,
        tpu.vector_store %arg10[%parallel_loop3A_297, %parallel_loop3A_298], %parallel_loop3A_293 {strides = array<i32>} : memref<8x2048xf32, #tpu.memory_space<vmem>>, vector<16xf32>,
        %parallel_loop3A_300 = arith.constant 1280 : i32
        %parallel_loop3A_301 = arith.addi %mul3A_98, %parallel_loop3A_300 : i32
        %parallel_loop3A_302 = vector.broadcast %parallel_loop3A_301 : i32 to vector<16xi32>
        %parallel_loop3A_303 = arith.addi %parallel_loop3A_244, %parallel_loop3A_302 : vector<16xi32>
        %parallel_loop3A_304 = tpu.vector_load_idx %arg9[%parallel_loop3A_303] : memref<16384xf32, #tpu.memory_space<vmem>>[vector<16xi32>], vector<16xf32>,
        %parallel_loop3A_305 = arith.constant 16 : i32
        %parallel_loop3A_306 = arith.muli %parallel_loop3A_238, %parallel_loop3A_305 : i32
        %parallel_loop3A_307 = arith.constant 5 : i32
        %parallel_loop3A_308 = arith.index_cast %parallel_loop3A_307 : i32 to index
        %parallel_loop3A_309 = arith.index_cast %parallel_loop3A_306 : i32 to index
        %parallel_loop3A_310 = tpu.vector_load %arg10[%parallel_loop3A_308, %parallel_loop3A_309] {strides = array<i32>} : memref<8x2048xf32, #tpu.memory_space<vmem>>, vector<16xf32>,
        tpu.vector_store %arg10[%parallel_loop3A_308, %parallel_loop3A_309], %parallel_loop3A_304 {strides = array<i32>} : memref<8x2048xf32, #tpu.memory_space<vmem>>, vector<16xf32>,
        %parallel_loop3A_311 = arith.constant 1536 : i32
        %parallel_loop3A_312 = arith.addi %mul3A_98, %parallel_loop3A_311 : i32
        %parallel_loop3A_313 = vector.broadcast %parallel_loop3A_312 : i32 to vector<16xi32>
        %parallel_loop3A_314 = arith.addi %parallel_loop3A_244, %parallel_loop3A_313 : vector<16xi32>
        %parallel_loop3A_315 = tpu.vector_load_idx %arg9[%parallel_loop3A_314] : memref<16384xf32, #tpu.memory_space<vmem>>[vector<16xi32>], vector<16xf32>,
        %parallel_loop3A_316 = arith.constant 16 : i32
        %parallel_loop3A_317 = arith.muli %parallel_loop3A_238, %parallel_loop3A_316 : i32
        %parallel_loop3A_318 = arith.constant 6 : i32
        %parallel_loop3A_319 = arith.index_cast %parallel_loop3A_318 : i32 to index
        %parallel_loop3A_320 = arith.index_cast %parallel_loop3A_317 : i32 to index
        %parallel_loop3A_321 = tpu.vector_load %arg10[%parallel_loop3A_319, %parallel_loop3A_320] {strides = array<i32>} : memref<8x2048xf32, #tpu.memory_space<vmem>>, vector<16xf32>,
        tpu.vector_store %arg10[%parallel_loop3A_319, %parallel_loop3A_320], %parallel_loop3A_315 {strides = array<i32>} : memref<8x2048xf32, #tpu.memory_space<vmem>>, vector<16xf32>,
        %parallel_loop3A_322 = arith.constant 1792 : i32
        %parallel_loop3A_323 = arith.addi %mul3A_98, %parallel_loop3A_322 : i32
        %parallel_loop3A_324 = vector.broadcast %parallel_loop3A_323 : i32 to vector<16xi32>
        %parallel_loop3A_325 = arith.addi %parallel_loop3A_244, %parallel_loop3A_324 : vector<16xi32>
        %parallel_loop3A_326 = tpu.vector_load_idx %arg9[%parallel_loop3A_325] : memref<16384xf32, #tpu.memory_space<vmem>>[vector<16xi32>], vector<16xf32>,
        %parallel_loop3A_327 = arith.constant 16 : i32
        %parallel_loop3A_328 = arith.muli %parallel_loop3A_238, %parallel_loop3A_327 : i32
        %parallel_loop3A_329 = arith.constant 7 : i32
        %parallel_loop3A_330 = arith.index_cast %parallel_loop3A_329 : i32 to index
        %parallel_loop3A_331 = arith.index_cast %parallel_loop3A_328 : i32 to index
        %parallel_loop3A_332 = tpu.vector_load %arg10[%parallel_loop3A_330, %parallel_loop3A_331] {strides = array<i32>} : memref<8x2048xf32, #tpu.memory_space<vmem>>, vector<16xf32>,
        tpu.vector_store %arg10[%parallel_loop3A_330, %parallel_loop3A_331], %parallel_loop3A_326 {strides = array<i32>} : memref<8x2048xf32, #tpu.memory_space<vmem>>, vector<16xf32>,
      } {sc.loop_unroll_factor = 4 : i64, sc.parallel_access}
      %lt3A = arith.constant 125 : i32
      %lt3A_105 = arith.cmpi slt, %while3A_95, %lt3A : i32
      %convert_element_type3A_106 = arith.extui %lt3A_105 : i1 to i32
      %cond3A_107 = arith.constant 0 : i32
      %cond3A_108 = arith.cmpi ne, %convert_element_type3A_106, %cond3A_107 : i32
      scf.if %cond3A_108 {
        %dma_start3A_238 = arith.constant 0 : i32
        %dma_start3A_239 = tpu.memref_slice %arg5[%mul3A_100, %dma_start3A_238] : memref<1000x16384xf32, #tpu.memory_space<hbm>> -> memref<8x2048xf32, #tpu.memory_space<hbm>>
        %dma_start3A_240 = arith.constant 0 : i32
        %dma_start3A_241 = tpu.memref_slice %arg5[%mul3A_100, %dma_start3A_240] : memref<1000x16384xf32, #tpu.memory_space<hbm>> -> memref<8x2048xf32, #tpu.memory_space<hbm>>
        tpu.enqueue_dma source(%arg10 : memref<8x2048xf32, #tpu.memory_space<vmem>>) target(%dma_start3A_241 : memref<8x2048xf32, #tpu.memory_space<hbm>>) target_semaphore(%arg17 : memref<!tpu.dma_semaphore, #tpu.memory_space<semaphore_mem>>)
      } else {
      }
      %ge3A = arith.constant 125 : i32
      %ge3A_109 = arith.cmpi sge, %while3A_95, %ge3A : i32
      %convert_element_type3A_110 = arith.extui %ge3A_109 : i1 to i32
      %cond3A_111 = arith.constant 0 : i32
      %cond3A_112 = arith.cmpi ne, %convert_element_type3A_110, %cond3A_111 : i32
      scf.if %cond3A_112 {
        %sub3A_238 = arith.constant 1000 : i32
        %sub3A_239 = arith.subi %mul3A_100, %sub3A_238 : i32
        %dma_start3A_240 = arith.constant 0 : i32
        %dma_start3A_241 = tpu.memref_slice %arg6[%sub3A_239, %dma_start3A_240] : memref<1000x16384xf32, #tpu.memory_space<hbm>> -> memref<8x2048xf32, #tpu.memory_space<hbm>>
        %dma_start3A_242 = arith.constant 0 : i32
        %dma_start3A_243 = tpu.memref_slice %arg6[%sub3A_239, %dma_start3A_242] : memref<1000x16384xf32, #tpu.memory_space<hbm>> -> memref<8x2048xf32, #tpu.memory_space<hbm>>
        tpu.enqueue_dma source(%arg10 : memref<8x2048xf32, #tpu.memory_space<vmem>>) target(%dma_start3A_243 : memref<8x2048xf32, #tpu.memory_space<hbm>>) target_semaphore(%arg17 : memref<!tpu.dma_semaphore, #tpu.memory_space<semaphore_mem>>)
      } else {
      }
      %gt3A_113 = arith.cmpi sgt, %while3A_95, %select_n3A : i32
      %convert_element_type3A_114 = arith.extui %gt3A_113 : i1 to i32
      %cond3A_115 = arith.constant 0 : i32
      %cond3A_116 = arith.cmpi ne, %convert_element_type3A_114, %cond3A_115 : i32
      scf.if %cond3A_116 {
        %dma_wait3A_238 = arith.constant 0 : i32
        %dma_wait3A_239 = arith.constant 0 : i32
        %dma_wait3A_240 = tpu.memref_slice %arg5[%dma_wait3A_238, %dma_wait3A_239] : memref<1000x16384xf32, #tpu.memory_space<hbm>> -> memref<8x2048xf32, #tpu.memory_space<hbm>>
        %dma_wait3A_241 = arith.constant 0 : i32
        %dma_wait3A_242 = arith.constant 0 : i32
        %dma_wait3A_243 = tpu.memref_slice %arg5[%dma_wait3A_241, %dma_wait3A_242] : memref<1000x16384xf32, #tpu.memory_space<hbm>> -> memref<8x2048xf32, #tpu.memory_space<hbm>>
        tpu.wait_dma2 semaphore(%arg18 : memref<!tpu.dma_semaphore, #tpu.memory_space<semaphore_mem>>) src(%dma_wait3A_243 : memref<8x2048xf32, #tpu.memory_space<hbm>>) dst(%arg11 : memref<8x2048xf32, #tpu.memory_space<vmem>>)
      } else {
      }
      %parallel_loop3A_117 = arith.constant 0 : i32
      %parallel_loop3A_118 = arith.constant 128 : i32
      %parallel_loop3A_119 = arith.constant 1 : i32
      scf.for %parallel_loop3A_238 = %parallel_loop3A_117 to %parallel_loop3A_118 step %parallel_loop3A_119  : i32 {
        %parallel_loop3A_239 = arith.constant 16 : i32
        %parallel_loop3A_240 = arith.muli %parallel_loop3A_238, %parallel_loop3A_239 : i32
        %parallel_loop3A_241 = arith.constant 2048 : i32
        %parallel_loop3A_242 = arith.addi %parallel_loop3A_241, %parallel_loop3A_240 : i32
        %parallel_loop3A_243 = arith.index_cast %parallel_loop3A_242 : i32 to index
        %parallel_loop3A_244 = tpu.vector_load %arg8[%parallel_loop3A_243] {strides = array<i32>} : memref<16384xi32, #tpu.memory_space<vmem>>, vector<16xi32>,
        %parallel_loop3A_245 = arith.constant 0 : i32
        %parallel_loop3A_246 = arith.addi %mul3A_98, %parallel_loop3A_245 : i32
        %parallel_loop3A_247 = vector.broadcast %parallel_loop3A_246 : i32 to vector<16xi32>
        %parallel_loop3A_248 = arith.addi %parallel_loop3A_244, %parallel_loop3A_247 : vector<16xi32>
        %parallel_loop3A_249 = tpu.vector_load_idx %arg9[%parallel_loop3A_248] : memref<16384xf32, #tpu.memory_space<vmem>>[vector<16xi32>], vector<16xf32>,
        %parallel_loop3A_250 = arith.constant 16 : i32
        %parallel_loop3A_251 = arith.muli %parallel_loop3A_238, %parallel_loop3A_250 : i32
        %parallel_loop3A_252 = arith.constant 0 : i32
        %parallel_loop3A_253 = arith.index_cast %parallel_loop3A_252 : i32 to index
        %parallel_loop3A_254 = arith.index_cast %parallel_loop3A_251 : i32 to index
        %parallel_loop3A_255 = tpu.vector_load %arg11[%parallel_loop3A_253, %parallel_loop3A_254] {strides = array<i32>} : memref<8x2048xf32, #tpu.memory_space<vmem>>, vector<16xf32>,
        tpu.vector_store %arg11[%parallel_loop3A_253, %parallel_loop3A_254], %parallel_loop3A_249 {strides = array<i32>} : memref<8x2048xf32, #tpu.memory_space<vmem>>, vector<16xf32>,
        %parallel_loop3A_256 = arith.constant 256 : i32
        %parallel_loop3A_257 = arith.addi %mul3A_98, %parallel_loop3A_256 : i32
        %parallel_loop3A_258 = vector.broadcast %parallel_loop3A_257 : i32 to vector<16xi32>
        %parallel_loop3A_259 = arith.addi %parallel_loop3A_244, %parallel_loop3A_258 : vector<16xi32>
        %parallel_loop3A_260 = tpu.vector_load_idx %arg9[%parallel_loop3A_259] : memref<16384xf32, #tpu.memory_space<vmem>>[vector<16xi32>], vector<16xf32>,
        %parallel_loop3A_261 = arith.constant 16 : i32
        %parallel_loop3A_262 = arith.muli %parallel_loop3A_238, %parallel_loop3A_261 : i32
        %parallel_loop3A_263 = arith.constant 1 : i32
        %parallel_loop3A_264 = arith.index_cast %parallel_loop3A_263 : i32 to index
        %parallel_loop3A_265 = arith.index_cast %parallel_loop3A_262 : i32 to index
        %parallel_loop3A_266 = tpu.vector_load %arg11[%parallel_loop3A_264, %parallel_loop3A_265] {strides = array<i32>} : memref<8x2048xf32, #tpu.memory_space<vmem>>, vector<16xf32>,
        tpu.vector_store %arg11[%parallel_loop3A_264, %parallel_loop3A_265], %parallel_loop3A_260 {strides = array<i32>} : memref<8x2048xf32, #tpu.memory_space<vmem>>, vector<16xf32>,
        %parallel_loop3A_267 = arith.constant 512 : i32
        %parallel_loop3A_268 = arith.addi %mul3A_98, %parallel_loop3A_267 : i32
        %parallel_loop3A_269 = vector.broadcast %parallel_loop3A_268 : i32 to vector<16xi32>
        %parallel_loop3A_270 = arith.addi %parallel_loop3A_244, %parallel_loop3A_269 : vector<16xi32>
        %parallel_loop3A_271 = tpu.vector_load_idx %arg9[%parallel_loop3A_270] : memref<16384xf32, #tpu.memory_space<vmem>>[vector<16xi32>], vector<16xf32>,
        %parallel_loop3A_272 = arith.constant 16 : i32
        %parallel_loop3A_273 = arith.muli %parallel_loop3A_238, %parallel_loop3A_272 : i32
        %parallel_loop3A_274 = arith.constant 2 : i32
        %parallel_loop3A_275 = arith.index_cast %parallel_loop3A_274 : i32 to index
        %parallel_loop3A_276 = arith.index_cast %parallel_loop3A_273 : i32 to index
        %parallel_loop3A_277 = tpu.vector_load %arg11[%parallel_loop3A_275, %parallel_loop3A_276] {strides = array<i32>} : memref<8x2048xf32, #tpu.memory_space<vmem>>, vector<16xf32>,
        tpu.vector_store %arg11[%parallel_loop3A_275, %parallel_loop3A_276], %parallel_loop3A_271 {strides = array<i32>} : memref<8x2048xf32, #tpu.memory_space<vmem>>, vector<16xf32>,
        %parallel_loop3A_278 = arith.constant 768 : i32
        %parallel_loop3A_279 = arith.addi %mul3A_98, %parallel_loop3A_278 : i32
        %parallel_loop3A_280 = vector.broadcast %parallel_loop3A_279 : i32 to vector<16xi32>
        %parallel_loop3A_281 = arith.addi %parallel_loop3A_244, %parallel_loop3A_280 : vector<16xi32>
        %parallel_loop3A_282 = tpu.vector_load_idx %arg9[%parallel_loop3A_281] : memref<16384xf32, #tpu.memory_space<vmem>>[vector<16xi32>], vector<16xf32>,
        %parallel_loop3A_283 = arith.constant 16 : i32
        %parallel_loop3A_284 = arith.muli %parallel_loop3A_238, %parallel_loop3A_283 : i32
        %parallel_loop3A_285 = arith.constant 3 : i32
        %parallel_loop3A_286 = arith.index_cast %parallel_loop3A_285 : i32 to index
        %parallel_loop3A_287 = arith.index_cast %parallel_loop3A_284 : i32 to index
        %parallel_loop3A_288 = tpu.vector_load %arg11[%parallel_loop3A_286, %parallel_loop3A_287] {strides = array<i32>} : memref<8x2048xf32, #tpu.memory_space<vmem>>, vector<16xf32>,
        tpu.vector_store %arg11[%parallel_loop3A_286, %parallel_loop3A_287], %parallel_loop3A_282 {strides = array<i32>} : memref<8x2048xf32, #tpu.memory_space<vmem>>, vector<16xf32>,
        %parallel_loop3A_289 = arith.constant 1024 : i32
        %parallel_loop3A_290 = arith.addi %mul3A_98, %parallel_loop3A_289 : i32
        %parallel_loop3A_291 = vector.broadcast %parallel_loop3A_290 : i32 to vector<16xi32>
        %parallel_loop3A_292 = arith.addi %parallel_loop3A_244, %parallel_loop3A_291 : vector<16xi32>
        %parallel_loop3A_293 = tpu.vector_load_idx %arg9[%parallel_loop3A_292] : memref<16384xf32, #tpu.memory_space<vmem>>[vector<16xi32>], vector<16xf32>,
        %parallel_loop3A_294 = arith.constant 16 : i32
        %parallel_loop3A_295 = arith.muli %parallel_loop3A_238, %parallel_loop3A_294 : i32
        %parallel_loop3A_296 = arith.constant 4 : i32
        %parallel_loop3A_297 = arith.index_cast %parallel_loop3A_296 : i32 to index
        %parallel_loop3A_298 = arith.index_cast %parallel_loop3A_295 : i32 to index
        %parallel_loop3A_299 = tpu.vector_load %arg11[%parallel_loop3A_297, %parallel_loop3A_298] {strides = array<i32>} : memref<8x2048xf32, #tpu.memory_space<vmem>>, vector<16xf32>,
        tpu.vector_store %arg11[%parallel_loop3A_297, %parallel_loop3A_298], %parallel_loop3A_293 {strides = array<i32>} : memref<8x2048xf32, #tpu.memory_space<vmem>>, vector<16xf32>,
        %parallel_loop3A_300 = arith.constant 1280 : i32
        %parallel_loop3A_301 = arith.addi %mul3A_98, %parallel_loop3A_300 : i32
        %parallel_loop3A_302 = vector.broadcast %parallel_loop3A_301 : i32 to vector<16xi32>
        %parallel_loop3A_303 = arith.addi %parallel_loop3A_244, %parallel_loop3A_302 : vector<16xi32>
        %parallel_loop3A_304 = tpu.vector_load_idx %arg9[%parallel_loop3A_303] : memref<16384xf32, #tpu.memory_space<vmem>>[vector<16xi32>], vector<16xf32>,
        %parallel_loop3A_305 = arith.constant 16 : i32
        %parallel_loop3A_306 = arith.muli %parallel_loop3A_238, %parallel_loop3A_305 : i32
        %parallel_loop3A_307 = arith.constant 5 : i32
        %parallel_loop3A_308 = arith.index_cast %parallel_loop3A_307 : i32 to index
        %parallel_loop3A_309 = arith.index_cast %parallel_loop3A_306 : i32 to index
        %parallel_loop3A_310 = tpu.vector_load %arg11[%parallel_loop3A_308, %parallel_loop3A_309] {strides = array<i32>} : memref<8x2048xf32, #tpu.memory_space<vmem>>, vector<16xf32>,
        tpu.vector_store %arg11[%parallel_loop3A_308, %parallel_loop3A_309], %parallel_loop3A_304 {strides = array<i32>} : memref<8x2048xf32, #tpu.memory_space<vmem>>, vector<16xf32>,
        %parallel_loop3A_311 = arith.constant 1536 : i32
        %parallel_loop3A_312 = arith.addi %mul3A_98, %parallel_loop3A_311 : i32
        %parallel_loop3A_313 = vector.broadcast %parallel_loop3A_312 : i32 to vector<16xi32>
        %parallel_loop3A_314 = arith.addi %parallel_loop3A_244, %parallel_loop3A_313 : vector<16xi32>
        %parallel_loop3A_315 = tpu.vector_load_idx %arg9[%parallel_loop3A_314] : memref<16384xf32, #tpu.memory_space<vmem>>[vector<16xi32>], vector<16xf32>,
        %parallel_loop3A_316 = arith.constant 16 : i32
        %parallel_loop3A_317 = arith.muli %parallel_loop3A_238, %parallel_loop3A_316 : i32
        %parallel_loop3A_318 = arith.constant 6 : i32
        %parallel_loop3A_319 = arith.index_cast %parallel_loop3A_318 : i32 to index
        %parallel_loop3A_320 = arith.index_cast %parallel_loop3A_317 : i32 to index
        %parallel_loop3A_321 = tpu.vector_load %arg11[%parallel_loop3A_319, %parallel_loop3A_320] {strides = array<i32>} : memref<8x2048xf32, #tpu.memory_space<vmem>>, vector<16xf32>,
        tpu.vector_store %arg11[%parallel_loop3A_319, %parallel_loop3A_320], %parallel_loop3A_315 {strides = array<i32>} : memref<8x2048xf32, #tpu.memory_space<vmem>>, vector<16xf32>,
        %parallel_loop3A_322 = arith.constant 1792 : i32
        %parallel_loop3A_323 = arith.addi %mul3A_98, %parallel_loop3A_322 : i32
        %parallel_loop3A_324 = vector.broadcast %parallel_loop3A_323 : i32 to vector<16xi32>
        %parallel_loop3A_325 = arith.addi %parallel_loop3A_244, %parallel_loop3A_324 : vector<16xi32>
        %parallel_loop3A_326 = tpu.vector_load_idx %arg9[%parallel_loop3A_325] : memref<16384xf32, #tpu.memory_space<vmem>>[vector<16xi32>], vector<16xf32>,
        %parallel_loop3A_327 = arith.constant 16 : i32
        %parallel_loop3A_328 = arith.muli %parallel_loop3A_238, %parallel_loop3A_327 : i32
        %parallel_loop3A_329 = arith.constant 7 : i32
        %parallel_loop3A_330 = arith.index_cast %parallel_loop3A_329 : i32 to index
        %parallel_loop3A_331 = arith.index_cast %parallel_loop3A_328 : i32 to index
        %parallel_loop3A_332 = tpu.vector_load %arg11[%parallel_loop3A_330, %parallel_loop3A_331] {strides = array<i32>} : memref<8x2048xf32, #tpu.memory_space<vmem>>, vector<16xf32>,
        tpu.vector_store %arg11[%parallel_loop3A_330, %parallel_loop3A_331], %parallel_loop3A_326 {strides = array<i32>} : memref<8x2048xf32, #tpu.memory_space<vmem>>, vector<16xf32>,
      } {sc.loop_unroll_factor = 4 : i64, sc.parallel_access}
      %lt3A_120 = arith.constant 125 : i32
      %lt3A_121 = arith.cmpi slt, %while3A_95, %lt3A_120 : i32
      %convert_element_type3A_122 = arith.extui %lt3A_121 : i1 to i32
      %cond3A_123 = arith.constant 0 : i32
      %cond3A_124 = arith.cmpi ne, %convert_element_type3A_122, %cond3A_123 : i32
      scf.if %cond3A_124 {
        %dma_start3A_238 = arith.constant 2048 : i32
        %dma_start3A_239 = tpu.memref_slice %arg5[%mul3A_100, %dma_start3A_238] : memref<1000x16384xf32, #tpu.memory_space<hbm>> -> memref<8x2048xf32, #tpu.memory_space<hbm>>
        %dma_start3A_240 = arith.constant 2048 : i32
        %dma_start3A_241 = tpu.memref_slice %arg5[%mul3A_100, %dma_start3A_240] : memref<1000x16384xf32, #tpu.memory_space<hbm>> -> memref<8x2048xf32, #tpu.memory_space<hbm>>
        tpu.enqueue_dma source(%arg11 : memref<8x2048xf32, #tpu.memory_space<vmem>>) target(%dma_start3A_241 : memref<8x2048xf32, #tpu.memory_space<hbm>>) target_semaphore(%arg18 : memref<!tpu.dma_semaphore, #tpu.memory_space<semaphore_mem>>)
      } else {
      }
      %ge3A_125 = arith.constant 125 : i32
      %ge3A_126 = arith.cmpi sge, %while3A_95, %ge3A_125 : i32
      %convert_element_type3A_127 = arith.extui %ge3A_126 : i1 to i32
      %cond3A_128 = arith.constant 0 : i32
      %cond3A_129 = arith.cmpi ne, %convert_element_type3A_127, %cond3A_128 : i32
      scf.if %cond3A_129 {
        %sub3A_238 = arith.constant 1000 : i32
        %sub3A_239 = arith.subi %mul3A_100, %sub3A_238 : i32
        %dma_start3A_240 = arith.constant 2048 : i32
        %dma_start3A_241 = tpu.memref_slice %arg6[%sub3A_239, %dma_start3A_240] : memref<1000x16384xf32, #tpu.memory_space<hbm>> -> memref<8x2048xf32, #tpu.memory_space<hbm>>
        %dma_start3A_242 = arith.constant 2048 : i32
        %dma_start3A_243 = tpu.memref_slice %arg6[%sub3A_239, %dma_start3A_242] : memref<1000x16384xf32, #tpu.memory_space<hbm>> -> memref<8x2048xf32, #tpu.memory_space<hbm>>
        tpu.enqueue_dma source(%arg11 : memref<8x2048xf32, #tpu.memory_space<vmem>>) target(%dma_start3A_243 : memref<8x2048xf32, #tpu.memory_space<hbm>>) target_semaphore(%arg18 : memref<!tpu.dma_semaphore, #tpu.memory_space<semaphore_mem>>)
      } else {
      }
      %gt3A_130 = arith.cmpi sgt, %while3A_95, %select_n3A : i32
      %convert_element_type3A_131 = arith.extui %gt3A_130 : i1 to i32
      %cond3A_132 = arith.constant 0 : i32
      %cond3A_133 = arith.cmpi ne, %convert_element_type3A_131, %cond3A_132 : i32
      scf.if %cond3A_133 {
        %dma_wait3A_238 = arith.constant 0 : i32
        %dma_wait3A_239 = arith.constant 0 : i32
        %dma_wait3A_240 = tpu.memref_slice %arg5[%dma_wait3A_238, %dma_wait3A_239] : memref<1000x16384xf32, #tpu.memory_space<hbm>> -> memref<8x2048xf32, #tpu.memory_space<hbm>>
        %dma_wait3A_241 = arith.constant 0 : i32
        %dma_wait3A_242 = arith.constant 0 : i32
        %dma_wait3A_243 = tpu.memref_slice %arg5[%dma_wait3A_241, %dma_wait3A_242] : memref<1000x16384xf32, #tpu.memory_space<hbm>> -> memref<8x2048xf32, #tpu.memory_space<hbm>>
        tpu.wait_dma2 semaphore(%arg19 : memref<!tpu.dma_semaphore, #tpu.memory_space<semaphore_mem>>) src(%dma_wait3A_243 : memref<8x2048xf32, #tpu.memory_space<hbm>>) dst(%arg12 : memref<8x2048xf32, #tpu.memory_space<vmem>>)
      } else {
      }
      %parallel_loop3A_134 = arith.constant 0 : i32
      %parallel_loop3A_135 = arith.constant 128 : i32
      %parallel_loop3A_136 = arith.constant 1 : i32
      scf.for %parallel_loop3A_238 = %parallel_loop3A_134 to %parallel_loop3A_135 step %parallel_loop3A_136  : i32 {
        %parallel_loop3A_239 = arith.constant 16 : i32
        %parallel_loop3A_240 = arith.muli %parallel_loop3A_238, %parallel_loop3A_239 : i32
        %parallel_loop3A_241 = arith.constant 4096 : i32
        %parallel_loop3A_242 = arith.addi %parallel_loop3A_241, %parallel_loop3A_240 : i32
        %parallel_loop3A_243 = arith.index_cast %parallel_loop3A_242 : i32 to index
        %parallel_loop3A_244 = tpu.vector_load %arg8[%parallel_loop3A_243] {strides = array<i32>} : memref<16384xi32, #tpu.memory_space<vmem>>, vector<16xi32>,
        %parallel_loop3A_245 = arith.constant 0 : i32
        %parallel_loop3A_246 = arith.addi %mul3A_98, %parallel_loop3A_245 : i32
        %parallel_loop3A_247 = vector.broadcast %parallel_loop3A_246 : i32 to vector<16xi32>
        %parallel_loop3A_248 = arith.addi %parallel_loop3A_244, %parallel_loop3A_247 : vector<16xi32>
        %parallel_loop3A_249 = tpu.vector_load_idx %arg9[%parallel_loop3A_248] : memref<16384xf32, #tpu.memory_space<vmem>>[vector<16xi32>], vector<16xf32>,
        %parallel_loop3A_250 = arith.constant 16 : i32
        %parallel_loop3A_251 = arith.muli %parallel_loop3A_238, %parallel_loop3A_250 : i32
        %parallel_loop3A_252 = arith.constant 0 : i32
        %parallel_loop3A_253 = arith.index_cast %parallel_loop3A_252 : i32 to index
        %parallel_loop3A_254 = arith.index_cast %parallel_loop3A_251 : i32 to index
        %parallel_loop3A_255 = tpu.vector_load %arg12[%parallel_loop3A_253, %parallel_loop3A_254] {strides = array<i32>} : memref<8x2048xf32, #tpu.memory_space<vmem>>, vector<16xf32>,
        tpu.vector_store %arg12[%parallel_loop3A_253, %parallel_loop3A_254], %parallel_loop3A_249 {strides = array<i32>} : memref<8x2048xf32, #tpu.memory_space<vmem>>, vector<16xf32>,
        %parallel_loop3A_256 = arith.constant 256 : i32
        %parallel_loop3A_257 = arith.addi %mul3A_98, %parallel_loop3A_256 : i32
        %parallel_loop3A_258 = vector.broadcast %parallel_loop3A_257 : i32 to vector<16xi32>
        %parallel_loop3A_259 = arith.addi %parallel_loop3A_244, %parallel_loop3A_258 : vector<16xi32>
        %parallel_loop3A_260 = tpu.vector_load_idx %arg9[%parallel_loop3A_259] : memref<16384xf32, #tpu.memory_space<vmem>>[vector<16xi32>], vector<16xf32>,
        %parallel_loop3A_261 = arith.constant 16 : i32
        %parallel_loop3A_262 = arith.muli %parallel_loop3A_238, %parallel_loop3A_261 : i32
        %parallel_loop3A_263 = arith.constant 1 : i32
        %parallel_loop3A_264 = arith.index_cast %parallel_loop3A_263 : i32 to index
        %parallel_loop3A_265 = arith.index_cast %parallel_loop3A_262 : i32 to index
        %parallel_loop3A_266 = tpu.vector_load %arg12[%parallel_loop3A_264, %parallel_loop3A_265] {strides = array<i32>} : memref<8x2048xf32, #tpu.memory_space<vmem>>, vector<16xf32>,
        tpu.vector_store %arg12[%parallel_loop3A_264, %parallel_loop3A_265], %parallel_loop3A_260 {strides = array<i32>} : memref<8x2048xf32, #tpu.memory_space<vmem>>, vector<16xf32>,
        %parallel_loop3A_267 = arith.constant 512 : i32
        %parallel_loop3A_268 = arith.addi %mul3A_98, %parallel_loop3A_267 : i32
        %parallel_loop3A_269 = vector.broadcast %parallel_loop3A_268 : i32 to vector<16xi32>
        %parallel_loop3A_270 = arith.addi %parallel_loop3A_244, %parallel_loop3A_269 : vector<16xi32>
        %parallel_loop3A_271 = tpu.vector_load_idx %arg9[%parallel_loop3A_270] : memref<16384xf32, #tpu.memory_space<vmem>>[vector<16xi32>], vector<16xf32>,
        %parallel_loop3A_272 = arith.constant 16 : i32
        %parallel_loop3A_273 = arith.muli %parallel_loop3A_238, %parallel_loop3A_272 : i32
        %parallel_loop3A_274 = arith.constant 2 : i32
        %parallel_loop3A_275 = arith.index_cast %parallel_loop3A_274 : i32 to index
        %parallel_loop3A_276 = arith.index_cast %parallel_loop3A_273 : i32 to index
        %parallel_loop3A_277 = tpu.vector_load %arg12[%parallel_loop3A_275, %parallel_loop3A_276] {strides = array<i32>} : memref<8x2048xf32, #tpu.memory_space<vmem>>, vector<16xf32>,
        tpu.vector_store %arg12[%parallel_loop3A_275, %parallel_loop3A_276], %parallel_loop3A_271 {strides = array<i32>} : memref<8x2048xf32, #tpu.memory_space<vmem>>, vector<16xf32>,
        %parallel_loop3A_278 = arith.constant 768 : i32
        %parallel_loop3A_279 = arith.addi %mul3A_98, %parallel_loop3A_278 : i32
        %parallel_loop3A_280 = vector.broadcast %parallel_loop3A_279 : i32 to vector<16xi32>
        %parallel_loop3A_281 = arith.addi %parallel_loop3A_244, %parallel_loop3A_280 : vector<16xi32>
        %parallel_loop3A_282 = tpu.vector_load_idx %arg9[%parallel_loop3A_281] : memref<16384xf32, #tpu.memory_space<vmem>>[vector<16xi32>], vector<16xf32>,
        %parallel_loop3A_283 = arith.constant 16 : i32
        %parallel_loop3A_284 = arith.muli %parallel_loop3A_238, %parallel_loop3A_283 : i32
        %parallel_loop3A_285 = arith.constant 3 : i32
        %parallel_loop3A_286 = arith.index_cast %parallel_loop3A_285 : i32 to index
        %parallel_loop3A_287 = arith.index_cast %parallel_loop3A_284 : i32 to index
        %parallel_loop3A_288 = tpu.vector_load %arg12[%parallel_loop3A_286, %parallel_loop3A_287] {strides = array<i32>} : memref<8x2048xf32, #tpu.memory_space<vmem>>, vector<16xf32>,
        tpu.vector_store %arg12[%parallel_loop3A_286, %parallel_loop3A_287], %parallel_loop3A_282 {strides = array<i32>} : memref<8x2048xf32, #tpu.memory_space<vmem>>, vector<16xf32>,
        %parallel_loop3A_289 = arith.constant 1024 : i32
        %parallel_loop3A_290 = arith.addi %mul3A_98, %parallel_loop3A_289 : i32
        %parallel_loop3A_291 = vector.broadcast %parallel_loop3A_290 : i32 to vector<16xi32>
        %parallel_loop3A_292 = arith.addi %parallel_loop3A_244, %parallel_loop3A_291 : vector<16xi32>
        %parallel_loop3A_293 = tpu.vector_load_idx %arg9[%parallel_loop3A_292] : memref<16384xf32, #tpu.memory_space<vmem>>[vector<16xi32>], vector<16xf32>,
        %parallel_loop3A_294 = arith.constant 16 : i32
        %parallel_loop3A_295 = arith.muli %parallel_loop3A_238, %parallel_loop3A_294 : i32
        %parallel_loop3A_296 = arith.constant 4 : i32
        %parallel_loop3A_297 = arith.index_cast %parallel_loop3A_296 : i32 to index
        %parallel_loop3A_298 = arith.index_cast %parallel_loop3A_295 : i32 to index
        %parallel_loop3A_299 = tpu.vector_load %arg12[%parallel_loop3A_297, %parallel_loop3A_298] {strides = array<i32>} : memref<8x2048xf32, #tpu.memory_space<vmem>>, vector<16xf32>,
        tpu.vector_store %arg12[%parallel_loop3A_297, %parallel_loop3A_298], %parallel_loop3A_293 {strides = array<i32>} : memref<8x2048xf32, #tpu.memory_space<vmem>>, vector<16xf32>,
        %parallel_loop3A_300 = arith.constant 1280 : i32
        %parallel_loop3A_301 = arith.addi %mul3A_98, %parallel_loop3A_300 : i32
        %parallel_loop3A_302 = vector.broadcast %parallel_loop3A_301 : i32 to vector<16xi32>
        %parallel_loop3A_303 = arith.addi %parallel_loop3A_244, %parallel_loop3A_302 : vector<16xi32>
        %parallel_loop3A_304 = tpu.vector_load_idx %arg9[%parallel_loop3A_303] : memref<16384xf32, #tpu.memory_space<vmem>>[vector<16xi32>], vector<16xf32>,
        %parallel_loop3A_305 = arith.constant 16 : i32
        %parallel_loop3A_306 = arith.muli %parallel_loop3A_238, %parallel_loop3A_305 : i32
        %parallel_loop3A_307 = arith.constant 5 : i32
        %parallel_loop3A_308 = arith.index_cast %parallel_loop3A_307 : i32 to index
        %parallel_loop3A_309 = arith.index_cast %parallel_loop3A_306 : i32 to index
        %parallel_loop3A_310 = tpu.vector_load %arg12[%parallel_loop3A_308, %parallel_loop3A_309] {strides = array<i32>} : memref<8x2048xf32, #tpu.memory_space<vmem>>, vector<16xf32>,
        tpu.vector_store %arg12[%parallel_loop3A_308, %parallel_loop3A_309], %parallel_loop3A_304 {strides = array<i32>} : memref<8x2048xf32, #tpu.memory_space<vmem>>, vector<16xf32>,
        %parallel_loop3A_311 = arith.constant 1536 : i32
        %parallel_loop3A_312 = arith.addi %mul3A_98, %parallel_loop3A_311 : i32
        %parallel_loop3A_313 = vector.broadcast %parallel_loop3A_312 : i32 to vector<16xi32>
        %parallel_loop3A_314 = arith.addi %parallel_loop3A_244, %parallel_loop3A_313 : vector<16xi32>
        %parallel_loop3A_315 = tpu.vector_load_idx %arg9[%parallel_loop3A_314] : memref<16384xf32, #tpu.memory_space<vmem>>[vector<16xi32>], vector<16xf32>,
        %parallel_loop3A_316 = arith.constant 16 : i32
        %parallel_loop3A_317 = arith.muli %parallel_loop3A_238, %parallel_loop3A_316 : i32
        %parallel_loop3A_318 = arith.constant 6 : i32
        %parallel_loop3A_319 = arith.index_cast %parallel_loop3A_318 : i32 to index
        %parallel_loop3A_320 = arith.index_cast %parallel_loop3A_317 : i32 to index
        %parallel_loop3A_321 = tpu.vector_load %arg12[%parallel_loop3A_319, %parallel_loop3A_320] {strides = array<i32>} : memref<8x2048xf32, #tpu.memory_space<vmem>>, vector<16xf32>,
        tpu.vector_store %arg12[%parallel_loop3A_319, %parallel_loop3A_320], %parallel_loop3A_315 {strides = array<i32>} : memref<8x2048xf32, #tpu.memory_space<vmem>>, vector<16xf32>,
        %parallel_loop3A_322 = arith.constant 1792 : i32
        %parallel_loop3A_323 = arith.addi %mul3A_98, %parallel_loop3A_322 : i32
        %parallel_loop3A_324 = vector.broadcast %parallel_loop3A_323 : i32 to vector<16xi32>
        %parallel_loop3A_325 = arith.addi %parallel_loop3A_244, %parallel_loop3A_324 : vector<16xi32>
        %parallel_loop3A_326 = tpu.vector_load_idx %arg9[%parallel_loop3A_325] : memref<16384xf32, #tpu.memory_space<vmem>>[vector<16xi32>], vector<16xf32>,
        %parallel_loop3A_327 = arith.constant 16 : i32
        %parallel_loop3A_328 = arith.muli %parallel_loop3A_238, %parallel_loop3A_327 : i32
        %parallel_loop3A_329 = arith.constant 7 : i32
        %parallel_loop3A_330 = arith.index_cast %parallel_loop3A_329 : i32 to index
        %parallel_loop3A_331 = arith.index_cast %parallel_loop3A_328 : i32 to index
        %parallel_loop3A_332 = tpu.vector_load %arg12[%parallel_loop3A_330, %parallel_loop3A_331] {strides = array<i32>} : memref<8x2048xf32, #tpu.memory_space<vmem>>, vector<16xf32>,
        tpu.vector_store %arg12[%parallel_loop3A_330, %parallel_loop3A_331], %parallel_loop3A_326 {strides = array<i32>} : memref<8x2048xf32, #tpu.memory_space<vmem>>, vector<16xf32>,
      } {sc.loop_unroll_factor = 4 : i64, sc.parallel_access}
      %lt3A_137 = arith.constant 125 : i32
      %lt3A_138 = arith.cmpi slt, %while3A_95, %lt3A_137 : i32
      %convert_element_type3A_139 = arith.extui %lt3A_138 : i1 to i32
      %cond3A_140 = arith.constant 0 : i32
      %cond3A_141 = arith.cmpi ne, %convert_element_type3A_139, %cond3A_140 : i32
      scf.if %cond3A_141 {
        %dma_start3A_238 = arith.constant 4096 : i32
        %dma_start3A_239 = tpu.memref_slice %arg5[%mul3A_100, %dma_start3A_238] : memref<1000x16384xf32, #tpu.memory_space<hbm>> -> memref<8x2048xf32, #tpu.memory_space<hbm>>
        %dma_start3A_240 = arith.constant 4096 : i32
        %dma_start3A_241 = tpu.memref_slice %arg5[%mul3A_100, %dma_start3A_240] : memref<1000x16384xf32, #tpu.memory_space<hbm>> -> memref<8x2048xf32, #tpu.memory_space<hbm>>
        tpu.enqueue_dma source(%arg12 : memref<8x2048xf32, #tpu.memory_space<vmem>>) target(%dma_start3A_241 : memref<8x2048xf32, #tpu.memory_space<hbm>>) target_semaphore(%arg19 : memref<!tpu.dma_semaphore, #tpu.memory_space<semaphore_mem>>)
      } else {
      }
      %ge3A_142 = arith.constant 125 : i32
      %ge3A_143 = arith.cmpi sge, %while3A_95, %ge3A_142 : i32
      %convert_element_type3A_144 = arith.extui %ge3A_143 : i1 to i32
      %cond3A_145 = arith.constant 0 : i32
      %cond3A_146 = arith.cmpi ne, %convert_element_type3A_144, %cond3A_145 : i32
      scf.if %cond3A_146 {
        %sub3A_238 = arith.constant 1000 : i32
        %sub3A_239 = arith.subi %mul3A_100, %sub3A_238 : i32
        %dma_start3A_240 = arith.constant 4096 : i32
        %dma_start3A_241 = tpu.memref_slice %arg6[%sub3A_239, %dma_start3A_240] : memref<1000x16384xf32, #tpu.memory_space<hbm>> -> memref<8x2048xf32, #tpu.memory_space<hbm>>
        %dma_start3A_242 = arith.constant 4096 : i32
        %dma_start3A_243 = tpu.memref_slice %arg6[%sub3A_239, %dma_start3A_242] : memref<1000x16384xf32, #tpu.memory_space<hbm>> -> memref<8x2048xf32, #tpu.memory_space<hbm>>
        tpu.enqueue_dma source(%arg12 : memref<8x2048xf32, #tpu.memory_space<vmem>>) target(%dma_start3A_243 : memref<8x2048xf32, #tpu.memory_space<hbm>>) target_semaphore(%arg19 : memref<!tpu.dma_semaphore, #tpu.memory_space<semaphore_mem>>)
      } else {
      }
      %gt3A_147 = arith.cmpi sgt, %while3A_95, %select_n3A : i32
      %convert_element_type3A_148 = arith.extui %gt3A_147 : i1 to i32
      %cond3A_149 = arith.constant 0 : i32
      %cond3A_150 = arith.cmpi ne, %convert_element_type3A_148, %cond3A_149 : i32
      scf.if %cond3A_150 {
        %dma_wait3A_238 = arith.constant 0 : i32
        %dma_wait3A_239 = arith.constant 0 : i32
        %dma_wait3A_240 = tpu.memref_slice %arg5[%dma_wait3A_238, %dma_wait3A_239] : memref<1000x16384xf32, #tpu.memory_space<hbm>> -> memref<8x2048xf32, #tpu.memory_space<hbm>>
        %dma_wait3A_241 = arith.constant 0 : i32
        %dma_wait3A_242 = arith.constant 0 : i32
        %dma_wait3A_243 = tpu.memref_slice %arg5[%dma_wait3A_241, %dma_wait3A_242] : memref<1000x16384xf32, #tpu.memory_space<hbm>> -> memref<8x2048xf32, #tpu.memory_space<hbm>>
        tpu.wait_dma2 semaphore(%arg20 : memref<!tpu.dma_semaphore, #tpu.memory_space<semaphore_mem>>) src(%dma_wait3A_243 : memref<8x2048xf32, #tpu.memory_space<hbm>>) dst(%arg13 : memref<8x2048xf32, #tpu.memory_space<vmem>>)
      } else {
      }
      %parallel_loop3A_151 = arith.constant 0 : i32
      %parallel_loop3A_152 = arith.constant 128 : i32
      %parallel_loop3A_153 = arith.constant 1 : i32
      scf.for %parallel_loop3A_238 = %parallel_loop3A_151 to %parallel_loop3A_152 step %parallel_loop3A_153  : i32 {
        %parallel_loop3A_239 = arith.constant 16 : i32
        %parallel_loop3A_240 = arith.muli %parallel_loop3A_238, %parallel_loop3A_239 : i32
        %parallel_loop3A_241 = arith.constant 6144 : i32
        %parallel_loop3A_242 = arith.addi %parallel_loop3A_241, %parallel_loop3A_240 : i32
        %parallel_loop3A_243 = arith.index_cast %parallel_loop3A_242 : i32 to index
        %parallel_loop3A_244 = tpu.vector_load %arg8[%parallel_loop3A_243] {strides = array<i32>} : memref<16384xi32, #tpu.memory_space<vmem>>, vector<16xi32>,
        %parallel_loop3A_245 = arith.constant 0 : i32
        %parallel_loop3A_246 = arith.addi %mul3A_98, %parallel_loop3A_245 : i32
        %parallel_loop3A_247 = vector.broadcast %parallel_loop3A_246 : i32 to vector<16xi32>
        %parallel_loop3A_248 = arith.addi %parallel_loop3A_244, %parallel_loop3A_247 : vector<16xi32>
        %parallel_loop3A_249 = tpu.vector_load_idx %arg9[%parallel_loop3A_248] : memref<16384xf32, #tpu.memory_space<vmem>>[vector<16xi32>], vector<16xf32>,
        %parallel_loop3A_250 = arith.constant 16 : i32
        %parallel_loop3A_251 = arith.muli %parallel_loop3A_238, %parallel_loop3A_250 : i32
        %parallel_loop3A_252 = arith.constant 0 : i32
        %parallel_loop3A_253 = arith.index_cast %parallel_loop3A_252 : i32 to index
        %parallel_loop3A_254 = arith.index_cast %parallel_loop3A_251 : i32 to index
        %parallel_loop3A_255 = tpu.vector_load %arg13[%parallel_loop3A_253, %parallel_loop3A_254] {strides = array<i32>} : memref<8x2048xf32, #tpu.memory_space<vmem>>, vector<16xf32>,
        tpu.vector_store %arg13[%parallel_loop3A_253, %parallel_loop3A_254], %parallel_loop3A_249 {strides = array<i32>} : memref<8x2048xf32, #tpu.memory_space<vmem>>, vector<16xf32>,
        %parallel_loop3A_256 = arith.constant 256 : i32
        %parallel_loop3A_257 = arith.addi %mul3A_98, %parallel_loop3A_256 : i32
        %parallel_loop3A_258 = vector.broadcast %parallel_loop3A_257 : i32 to vector<16xi32>
        %parallel_loop3A_259 = arith.addi %parallel_loop3A_244, %parallel_loop3A_258 : vector<16xi32>
        %parallel_loop3A_260 = tpu.vector_load_idx %arg9[%parallel_loop3A_259] : memref<16384xf32, #tpu.memory_space<vmem>>[vector<16xi32>], vector<16xf32>,
        %parallel_loop3A_261 = arith.constant 16 : i32
        %parallel_loop3A_262 = arith.muli %parallel_loop3A_238, %parallel_loop3A_261 : i32
        %parallel_loop3A_263 = arith.constant 1 : i32
        %parallel_loop3A_264 = arith.index_cast %parallel_loop3A_263 : i32 to index
        %parallel_loop3A_265 = arith.index_cast %parallel_loop3A_262 : i32 to index
        %parallel_loop3A_266 = tpu.vector_load %arg13[%parallel_loop3A_264, %parallel_loop3A_265] {strides = array<i32>} : memref<8x2048xf32, #tpu.memory_space<vmem>>, vector<16xf32>,
        tpu.vector_store %arg13[%parallel_loop3A_264, %parallel_loop3A_265], %parallel_loop3A_260 {strides = array<i32>} : memref<8x2048xf32, #tpu.memory_space<vmem>>, vector<16xf32>,
        %parallel_loop3A_267 = arith.constant 512 : i32
        %parallel_loop3A_268 = arith.addi %mul3A_98, %parallel_loop3A_267 : i32
        %parallel_loop3A_269 = vector.broadcast %parallel_loop3A_268 : i32 to vector<16xi32>
        %parallel_loop3A_270 = arith.addi %parallel_loop3A_244, %parallel_loop3A_269 : vector<16xi32>
        %parallel_loop3A_271 = tpu.vector_load_idx %arg9[%parallel_loop3A_270] : memref<16384xf32, #tpu.memory_space<vmem>>[vector<16xi32>], vector<16xf32>,
        %parallel_loop3A_272 = arith.constant 16 : i32
        %parallel_loop3A_273 = arith.muli %parallel_loop3A_238, %parallel_loop3A_272 : i32
        %parallel_loop3A_274 = arith.constant 2 : i32
        %parallel_loop3A_275 = arith.index_cast %parallel_loop3A_274 : i32 to index
        %parallel_loop3A_276 = arith.index_cast %parallel_loop3A_273 : i32 to index
        %parallel_loop3A_277 = tpu.vector_load %arg13[%parallel_loop3A_275, %parallel_loop3A_276] {strides = array<i32>} : memref<8x2048xf32, #tpu.memory_space<vmem>>, vector<16xf32>,
        tpu.vector_store %arg13[%parallel_loop3A_275, %parallel_loop3A_276], %parallel_loop3A_271 {strides = array<i32>} : memref<8x2048xf32, #tpu.memory_space<vmem>>, vector<16xf32>,
        %parallel_loop3A_278 = arith.constant 768 : i32
        %parallel_loop3A_279 = arith.addi %mul3A_98, %parallel_loop3A_278 : i32
        %parallel_loop3A_280 = vector.broadcast %parallel_loop3A_279 : i32 to vector<16xi32>
        %parallel_loop3A_281 = arith.addi %parallel_loop3A_244, %parallel_loop3A_280 : vector<16xi32>
        %parallel_loop3A_282 = tpu.vector_load_idx %arg9[%parallel_loop3A_281] : memref<16384xf32, #tpu.memory_space<vmem>>[vector<16xi32>], vector<16xf32>,
        %parallel_loop3A_283 = arith.constant 16 : i32
        %parallel_loop3A_284 = arith.muli %parallel_loop3A_238, %parallel_loop3A_283 : i32
        %parallel_loop3A_285 = arith.constant 3 : i32
        %parallel_loop3A_286 = arith.index_cast %parallel_loop3A_285 : i32 to index
        %parallel_loop3A_287 = arith.index_cast %parallel_loop3A_284 : i32 to index
        %parallel_loop3A_288 = tpu.vector_load %arg13[%parallel_loop3A_286, %parallel_loop3A_287] {strides = array<i32>} : memref<8x2048xf32, #tpu.memory_space<vmem>>, vector<16xf32>,
        tpu.vector_store %arg13[%parallel_loop3A_286, %parallel_loop3A_287], %parallel_loop3A_282 {strides = array<i32>} : memref<8x2048xf32, #tpu.memory_space<vmem>>, vector<16xf32>,
        %parallel_loop3A_289 = arith.constant 1024 : i32
        %parallel_loop3A_290 = arith.addi %mul3A_98, %parallel_loop3A_289 : i32
        %parallel_loop3A_291 = vector.broadcast %parallel_loop3A_290 : i32 to vector<16xi32>
        %parallel_loop3A_292 = arith.addi %parallel_loop3A_244, %parallel_loop3A_291 : vector<16xi32>
        %parallel_loop3A_293 = tpu.vector_load_idx %arg9[%parallel_loop3A_292] : memref<16384xf32, #tpu.memory_space<vmem>>[vector<16xi32>], vector<16xf32>,
        %parallel_loop3A_294 = arith.constant 16 : i32
        %parallel_loop3A_295 = arith.muli %parallel_loop3A_238, %parallel_loop3A_294 : i32
        %parallel_loop3A_296 = arith.constant 4 : i32
        %parallel_loop3A_297 = arith.index_cast %parallel_loop3A_296 : i32 to index
        %parallel_loop3A_298 = arith.index_cast %parallel_loop3A_295 : i32 to index
        %parallel_loop3A_299 = tpu.vector_load %arg13[%parallel_loop3A_297, %parallel_loop3A_298] {strides = array<i32>} : memref<8x2048xf32, #tpu.memory_space<vmem>>, vector<16xf32>,
        tpu.vector_store %arg13[%parallel_loop3A_297, %parallel_loop3A_298], %parallel_loop3A_293 {strides = array<i32>} : memref<8x2048xf32, #tpu.memory_space<vmem>>, vector<16xf32>,
        %parallel_loop3A_300 = arith.constant 1280 : i32
        %parallel_loop3A_301 = arith.addi %mul3A_98, %parallel_loop3A_300 : i32
        %parallel_loop3A_302 = vector.broadcast %parallel_loop3A_301 : i32 to vector<16xi32>
        %parallel_loop3A_303 = arith.addi %parallel_loop3A_244, %parallel_loop3A_302 : vector<16xi32>
        %parallel_loop3A_304 = tpu.vector_load_idx %arg9[%parallel_loop3A_303] : memref<16384xf32, #tpu.memory_space<vmem>>[vector<16xi32>], vector<16xf32>,
        %parallel_loop3A_305 = arith.constant 16 : i32
        %parallel_loop3A_306 = arith.muli %parallel_loop3A_238, %parallel_loop3A_305 : i32
        %parallel_loop3A_307 = arith.constant 5 : i32
        %parallel_loop3A_308 = arith.index_cast %parallel_loop3A_307 : i32 to index
        %parallel_loop3A_309 = arith.index_cast %parallel_loop3A_306 : i32 to index
        %parallel_loop3A_310 = tpu.vector_load %arg13[%parallel_loop3A_308, %parallel_loop3A_309] {strides = array<i32>} : memref<8x2048xf32, #tpu.memory_space<vmem>>, vector<16xf32>,
        tpu.vector_store %arg13[%parallel_loop3A_308, %parallel_loop3A_309], %parallel_loop3A_304 {strides = array<i32>} : memref<8x2048xf32, #tpu.memory_space<vmem>>, vector<16xf32>,
        %parallel_loop3A_311 = arith.constant 1536 : i32
        %parallel_loop3A_312 = arith.addi %mul3A_98, %parallel_loop3A_311 : i32
        %parallel_loop3A_313 = vector.broadcast %parallel_loop3A_312 : i32 to vector<16xi32>
        %parallel_loop3A_314 = arith.addi %parallel_loop3A_244, %parallel_loop3A_313 : vector<16xi32>
        %parallel_loop3A_315 = tpu.vector_load_idx %arg9[%parallel_loop3A_314] : memref<16384xf32, #tpu.memory_space<vmem>>[vector<16xi32>], vector<16xf32>,
        %parallel_loop3A_316 = arith.constant 16 : i32
        %parallel_loop3A_317 = arith.muli %parallel_loop3A_238, %parallel_loop3A_316 : i32
        %parallel_loop3A_318 = arith.constant 6 : i32
        %parallel_loop3A_319 = arith.index_cast %parallel_loop3A_318 : i32 to index
        %parallel_loop3A_320 = arith.index_cast %parallel_loop3A_317 : i32 to index
        %parallel_loop3A_321 = tpu.vector_load %arg13[%parallel_loop3A_319, %parallel_loop3A_320] {strides = array<i32>} : memref<8x2048xf32, #tpu.memory_space<vmem>>, vector<16xf32>,
        tpu.vector_store %arg13[%parallel_loop3A_319, %parallel_loop3A_320], %parallel_loop3A_315 {strides = array<i32>} : memref<8x2048xf32, #tpu.memory_space<vmem>>, vector<16xf32>,
        %parallel_loop3A_322 = arith.constant 1792 : i32
        %parallel_loop3A_323 = arith.addi %mul3A_98, %parallel_loop3A_322 : i32
        %parallel_loop3A_324 = vector.broadcast %parallel_loop3A_323 : i32 to vector<16xi32>
        %parallel_loop3A_325 = arith.addi %parallel_loop3A_244, %parallel_loop3A_324 : vector<16xi32>
        %parallel_loop3A_326 = tpu.vector_load_idx %arg9[%parallel_loop3A_325] : memref<16384xf32, #tpu.memory_space<vmem>>[vector<16xi32>], vector<16xf32>,
        %parallel_loop3A_327 = arith.constant 16 : i32
        %parallel_loop3A_328 = arith.muli %parallel_loop3A_238, %parallel_loop3A_327 : i32
        %parallel_loop3A_329 = arith.constant 7 : i32
        %parallel_loop3A_330 = arith.index_cast %parallel_loop3A_329 : i32 to index
        %parallel_loop3A_331 = arith.index_cast %parallel_loop3A_328 : i32 to index
        %parallel_loop3A_332 = tpu.vector_load %arg13[%parallel_loop3A_330, %parallel_loop3A_331] {strides = array<i32>} : memref<8x2048xf32, #tpu.memory_space<vmem>>, vector<16xf32>,
        tpu.vector_store %arg13[%parallel_loop3A_330, %parallel_loop3A_331], %parallel_loop3A_326 {strides = array<i32>} : memref<8x2048xf32, #tpu.memory_space<vmem>>, vector<16xf32>,
      } {sc.loop_unroll_factor = 4 : i64, sc.parallel_access}
      %lt3A_154 = arith.constant 125 : i32
      %lt3A_155 = arith.cmpi slt, %while3A_95, %lt3A_154 : i32
      %convert_element_type3A_156 = arith.extui %lt3A_155 : i1 to i32
      %cond3A_157 = arith.constant 0 : i32
      %cond3A_158 = arith.cmpi ne, %convert_element_type3A_156, %cond3A_157 : i32
      scf.if %cond3A_158 {
        %dma_start3A_238 = arith.constant 6144 : i32
        %dma_start3A_239 = tpu.memref_slice %arg5[%mul3A_100, %dma_start3A_238] : memref<1000x16384xf32, #tpu.memory_space<hbm>> -> memref<8x2048xf32, #tpu.memory_space<hbm>>
        %dma_start3A_240 = arith.constant 6144 : i32
        %dma_start3A_241 = tpu.memref_slice %arg5[%mul3A_100, %dma_start3A_240] : memref<1000x16384xf32, #tpu.memory_space<hbm>> -> memref<8x2048xf32, #tpu.memory_space<hbm>>
        tpu.enqueue_dma source(%arg13 : memref<8x2048xf32, #tpu.memory_space<vmem>>) target(%dma_start3A_241 : memref<8x2048xf32, #tpu.memory_space<hbm>>) target_semaphore(%arg20 : memref<!tpu.dma_semaphore, #tpu.memory_space<semaphore_mem>>)
      } else {
      }
      %ge3A_159 = arith.constant 125 : i32
      %ge3A_160 = arith.cmpi sge, %while3A_95, %ge3A_159 : i32
      %convert_element_type3A_161 = arith.extui %ge3A_160 : i1 to i32
      %cond3A_162 = arith.constant 0 : i32
      %cond3A_163 = arith.cmpi ne, %convert_element_type3A_161, %cond3A_162 : i32
      scf.if %cond3A_163 {
        %sub3A_238 = arith.constant 1000 : i32
        %sub3A_239 = arith.subi %mul3A_100, %sub3A_238 : i32
        %dma_start3A_240 = arith.constant 6144 : i32
        %dma_start3A_241 = tpu.memref_slice %arg6[%sub3A_239, %dma_start3A_240] : memref<1000x16384xf32, #tpu.memory_space<hbm>> -> memref<8x2048xf32, #tpu.memory_space<hbm>>
        %dma_start3A_242 = arith.constant 6144 : i32
        %dma_start3A_243 = tpu.memref_slice %arg6[%sub3A_239, %dma_start3A_242] : memref<1000x16384xf32, #tpu.memory_space<hbm>> -> memref<8x2048xf32, #tpu.memory_space<hbm>>
        tpu.enqueue_dma source(%arg13 : memref<8x2048xf32, #tpu.memory_space<vmem>>) target(%dma_start3A_243 : memref<8x2048xf32, #tpu.memory_space<hbm>>) target_semaphore(%arg20 : memref<!tpu.dma_semaphore, #tpu.memory_space<semaphore_mem>>)
      } else {
      }
      %gt3A_164 = arith.cmpi sgt, %while3A_95, %select_n3A : i32
      %convert_element_type3A_165 = arith.extui %gt3A_164 : i1 to i32
      %cond3A_166 = arith.constant 0 : i32
      %cond3A_167 = arith.cmpi ne, %convert_element_type3A_165, %cond3A_166 : i32
      scf.if %cond3A_167 {
        %dma_wait3A_238 = arith.constant 0 : i32
        %dma_wait3A_239 = arith.constant 0 : i32
        %dma_wait3A_240 = tpu.memref_slice %arg5[%dma_wait3A_238, %dma_wait3A_239] : memref<1000x16384xf32, #tpu.memory_space<hbm>> -> memref<8x2048xf32, #tpu.memory_space<hbm>>
        %dma_wait3A_241 = arith.constant 0 : i32
        %dma_wait3A_242 = arith.constant 0 : i32
        %dma_wait3A_243 = tpu.memref_slice %arg5[%dma_wait3A_241, %dma_wait3A_242] : memref<1000x16384xf32, #tpu.memory_space<hbm>> -> memref<8x2048xf32, #tpu.memory_space<hbm>>
        tpu.wait_dma2 semaphore(%arg21 : memref<!tpu.dma_semaphore, #tpu.memory_space<semaphore_mem>>) src(%dma_wait3A_243 : memref<8x2048xf32, #tpu.memory_space<hbm>>) dst(%arg14 : memref<8x2048xf32, #tpu.memory_space<vmem>>)
      } else {
      }
      %parallel_loop3A_168 = arith.constant 0 : i32
      %parallel_loop3A_169 = arith.constant 128 : i32
      %parallel_loop3A_170 = arith.constant 1 : i32
      scf.for %parallel_loop3A_238 = %parallel_loop3A_168 to %parallel_loop3A_169 step %parallel_loop3A_170  : i32 {
        %parallel_loop3A_239 = arith.constant 16 : i32
        %parallel_loop3A_240 = arith.muli %parallel_loop3A_238, %parallel_loop3A_239 : i32
        %parallel_loop3A_241 = arith.constant 8192 : i32
        %parallel_loop3A_242 = arith.addi %parallel_loop3A_241, %parallel_loop3A_240 : i32
        %parallel_loop3A_243 = arith.index_cast %parallel_loop3A_242 : i32 to index
        %parallel_loop3A_244 = tpu.vector_load %arg8[%parallel_loop3A_243] {strides = array<i32>} : memref<16384xi32, #tpu.memory_space<vmem>>, vector<16xi32>,
        %parallel_loop3A_245 = arith.constant 0 : i32
        %parallel_loop3A_246 = arith.addi %mul3A_98, %parallel_loop3A_245 : i32
        %parallel_loop3A_247 = vector.broadcast %parallel_loop3A_246 : i32 to vector<16xi32>
        %parallel_loop3A_248 = arith.addi %parallel_loop3A_244, %parallel_loop3A_247 : vector<16xi32>
        %parallel_loop3A_249 = tpu.vector_load_idx %arg9[%parallel_loop3A_248] : memref<16384xf32, #tpu.memory_space<vmem>>[vector<16xi32>], vector<16xf32>,
        %parallel_loop3A_250 = arith.constant 16 : i32
        %parallel_loop3A_251 = arith.muli %parallel_loop3A_238, %parallel_loop3A_250 : i32
        %parallel_loop3A_252 = arith.constant 0 : i32
        %parallel_loop3A_253 = arith.index_cast %parallel_loop3A_252 : i32 to index
        %parallel_loop3A_254 = arith.index_cast %parallel_loop3A_251 : i32 to index
        %parallel_loop3A_255 = tpu.vector_load %arg14[%parallel_loop3A_253, %parallel_loop3A_254] {strides = array<i32>} : memref<8x2048xf32, #tpu.memory_space<vmem>>, vector<16xf32>,
        tpu.vector_store %arg14[%parallel_loop3A_253, %parallel_loop3A_254], %parallel_loop3A_249 {strides = array<i32>} : memref<8x2048xf32, #tpu.memory_space<vmem>>, vector<16xf32>,
        %parallel_loop3A_256 = arith.constant 256 : i32
        %parallel_loop3A_257 = arith.addi %mul3A_98, %parallel_loop3A_256 : i32
        %parallel_loop3A_258 = vector.broadcast %parallel_loop3A_257 : i32 to vector<16xi32>
        %parallel_loop3A_259 = arith.addi %parallel_loop3A_244, %parallel_loop3A_258 : vector<16xi32>
        %parallel_loop3A_260 = tpu.vector_load_idx %arg9[%parallel_loop3A_259] : memref<16384xf32, #tpu.memory_space<vmem>>[vector<16xi32>], vector<16xf32>,
        %parallel_loop3A_261 = arith.constant 16 : i32
        %parallel_loop3A_262 = arith.muli %parallel_loop3A_238, %parallel_loop3A_261 : i32
        %parallel_loop3A_263 = arith.constant 1 : i32
        %parallel_loop3A_264 = arith.index_cast %parallel_loop3A_263 : i32 to index
        %parallel_loop3A_265 = arith.index_cast %parallel_loop3A_262 : i32 to index
        %parallel_loop3A_266 = tpu.vector_load %arg14[%parallel_loop3A_264, %parallel_loop3A_265] {strides = array<i32>} : memref<8x2048xf32, #tpu.memory_space<vmem>>, vector<16xf32>,
        tpu.vector_store %arg14[%parallel_loop3A_264, %parallel_loop3A_265], %parallel_loop3A_260 {strides = array<i32>} : memref<8x2048xf32, #tpu.memory_space<vmem>>, vector<16xf32>,
        %parallel_loop3A_267 = arith.constant 512 : i32
        %parallel_loop3A_268 = arith.addi %mul3A_98, %parallel_loop3A_267 : i32
        %parallel_loop3A_269 = vector.broadcast %parallel_loop3A_268 : i32 to vector<16xi32>
        %parallel_loop3A_270 = arith.addi %parallel_loop3A_244, %parallel_loop3A_269 : vector<16xi32>
        %parallel_loop3A_271 = tpu.vector_load_idx %arg9[%parallel_loop3A_270] : memref<16384xf32, #tpu.memory_space<vmem>>[vector<16xi32>], vector<16xf32>,
        %parallel_loop3A_272 = arith.constant 16 : i32
        %parallel_loop3A_273 = arith.muli %parallel_loop3A_238, %parallel_loop3A_272 : i32
        %parallel_loop3A_274 = arith.constant 2 : i32
        %parallel_loop3A_275 = arith.index_cast %parallel_loop3A_274 : i32 to index
        %parallel_loop3A_276 = arith.index_cast %parallel_loop3A_273 : i32 to index
        %parallel_loop3A_277 = tpu.vector_load %arg14[%parallel_loop3A_275, %parallel_loop3A_276] {strides = array<i32>} : memref<8x2048xf32, #tpu.memory_space<vmem>>, vector<16xf32>,
        tpu.vector_store %arg14[%parallel_loop3A_275, %parallel_loop3A_276], %parallel_loop3A_271 {strides = array<i32>} : memref<8x2048xf32, #tpu.memory_space<vmem>>, vector<16xf32>,
        %parallel_loop3A_278 = arith.constant 768 : i32
        %parallel_loop3A_279 = arith.addi %mul3A_98, %parallel_loop3A_278 : i32
        %parallel_loop3A_280 = vector.broadcast %parallel_loop3A_279 : i32 to vector<16xi32>
        %parallel_loop3A_281 = arith.addi %parallel_loop3A_244, %parallel_loop3A_280 : vector<16xi32>
        %parallel_loop3A_282 = tpu.vector_load_idx %arg9[%parallel_loop3A_281] : memref<16384xf32, #tpu.memory_space<vmem>>[vector<16xi32>], vector<16xf32>,
        %parallel_loop3A_283 = arith.constant 16 : i32
        %parallel_loop3A_284 = arith.muli %parallel_loop3A_238, %parallel_loop3A_283 : i32
        %parallel_loop3A_285 = arith.constant 3 : i32
        %parallel_loop3A_286 = arith.index_cast %parallel_loop3A_285 : i32 to index
        %parallel_loop3A_287 = arith.index_cast %parallel_loop3A_284 : i32 to index
        %parallel_loop3A_288 = tpu.vector_load %arg14[%parallel_loop3A_286, %parallel_loop3A_287] {strides = array<i32>} : memref<8x2048xf32, #tpu.memory_space<vmem>>, vector<16xf32>,
        tpu.vector_store %arg14[%parallel_loop3A_286, %parallel_loop3A_287], %parallel_loop3A_282 {strides = array<i32>} : memref<8x2048xf32, #tpu.memory_space<vmem>>, vector<16xf32>,
        %parallel_loop3A_289 = arith.constant 1024 : i32
        %parallel_loop3A_290 = arith.addi %mul3A_98, %parallel_loop3A_289 : i32
        %parallel_loop3A_291 = vector.broadcast %parallel_loop3A_290 : i32 to vector<16xi32>
        %parallel_loop3A_292 = arith.addi %parallel_loop3A_244, %parallel_loop3A_291 : vector<16xi32>
        %parallel_loop3A_293 = tpu.vector_load_idx %arg9[%parallel_loop3A_292] : memref<16384xf32, #tpu.memory_space<vmem>>[vector<16xi32>], vector<16xf32>,
        %parallel_loop3A_294 = arith.constant 16 : i32
        %parallel_loop3A_295 = arith.muli %parallel_loop3A_238, %parallel_loop3A_294 : i32
        %parallel_loop3A_296 = arith.constant 4 : i32
        %parallel_loop3A_297 = arith.index_cast %parallel_loop3A_296 : i32 to index
        %parallel_loop3A_298 = arith.index_cast %parallel_loop3A_295 : i32 to index
        %parallel_loop3A_299 = tpu.vector_load %arg14[%parallel_loop3A_297, %parallel_loop3A_298] {strides = array<i32>} : memref<8x2048xf32, #tpu.memory_space<vmem>>, vector<16xf32>,
        tpu.vector_store %arg14[%parallel_loop3A_297, %parallel_loop3A_298], %parallel_loop3A_293 {strides = array<i32>} : memref<8x2048xf32, #tpu.memory_space<vmem>>, vector<16xf32>,
        %parallel_loop3A_300 = arith.constant 1280 : i32
        %parallel_loop3A_301 = arith.addi %mul3A_98, %parallel_loop3A_300 : i32
        %parallel_loop3A_302 = vector.broadcast %parallel_loop3A_301 : i32 to vector<16xi32>
        %parallel_loop3A_303 = arith.addi %parallel_loop3A_244, %parallel_loop3A_302 : vector<16xi32>
        %parallel_loop3A_304 = tpu.vector_load_idx %arg9[%parallel_loop3A_303] : memref<16384xf32, #tpu.memory_space<vmem>>[vector<16xi32>], vector<16xf32>,
        %parallel_loop3A_305 = arith.constant 16 : i32
        %parallel_loop3A_306 = arith.muli %parallel_loop3A_238, %parallel_loop3A_305 : i32
        %parallel_loop3A_307 = arith.constant 5 : i32
        %parallel_loop3A_308 = arith.index_cast %parallel_loop3A_307 : i32 to index
        %parallel_loop3A_309 = arith.index_cast %parallel_loop3A_306 : i32 to index
        %parallel_loop3A_310 = tpu.vector_load %arg14[%parallel_loop3A_308, %parallel_loop3A_309] {strides = array<i32>} : memref<8x2048xf32, #tpu.memory_space<vmem>>, vector<16xf32>,
        tpu.vector_store %arg14[%parallel_loop3A_308, %parallel_loop3A_309], %parallel_loop3A_304 {strides = array<i32>} : memref<8x2048xf32, #tpu.memory_space<vmem>>, vector<16xf32>,
        %parallel_loop3A_311 = arith.constant 1536 : i32
        %parallel_loop3A_312 = arith.addi %mul3A_98, %parallel_loop3A_311 : i32
        %parallel_loop3A_313 = vector.broadcast %parallel_loop3A_312 : i32 to vector<16xi32>
        %parallel_loop3A_314 = arith.addi %parallel_loop3A_244, %parallel_loop3A_313 : vector<16xi32>
        %parallel_loop3A_315 = tpu.vector_load_idx %arg9[%parallel_loop3A_314] : memref<16384xf32, #tpu.memory_space<vmem>>[vector<16xi32>], vector<16xf32>,
        %parallel_loop3A_316 = arith.constant 16 : i32
        %parallel_loop3A_317 = arith.muli %parallel_loop3A_238, %parallel_loop3A_316 : i32
        %parallel_loop3A_318 = arith.constant 6 : i32
        %parallel_loop3A_319 = arith.index_cast %parallel_loop3A_318 : i32 to index
        %parallel_loop3A_320 = arith.index_cast %parallel_loop3A_317 : i32 to index
        %parallel_loop3A_321 = tpu.vector_load %arg14[%parallel_loop3A_319, %parallel_loop3A_320] {strides = array<i32>} : memref<8x2048xf32, #tpu.memory_space<vmem>>, vector<16xf32>,
        tpu.vector_store %arg14[%parallel_loop3A_319, %parallel_loop3A_320], %parallel_loop3A_315 {strides = array<i32>} : memref<8x2048xf32, #tpu.memory_space<vmem>>, vector<16xf32>,
        %parallel_loop3A_322 = arith.constant 1792 : i32
        %parallel_loop3A_323 = arith.addi %mul3A_98, %parallel_loop3A_322 : i32
        %parallel_loop3A_324 = vector.broadcast %parallel_loop3A_323 : i32 to vector<16xi32>
        %parallel_loop3A_325 = arith.addi %parallel_loop3A_244, %parallel_loop3A_324 : vector<16xi32>
        %parallel_loop3A_326 = tpu.vector_load_idx %arg9[%parallel_loop3A_325] : memref<16384xf32, #tpu.memory_space<vmem>>[vector<16xi32>], vector<16xf32>,
        %parallel_loop3A_327 = arith.constant 16 : i32
        %parallel_loop3A_328 = arith.muli %parallel_loop3A_238, %parallel_loop3A_327 : i32
        %parallel_loop3A_329 = arith.constant 7 : i32
        %parallel_loop3A_330 = arith.index_cast %parallel_loop3A_329 : i32 to index
        %parallel_loop3A_331 = arith.index_cast %parallel_loop3A_328 : i32 to index
        %parallel_loop3A_332 = tpu.vector_load %arg14[%parallel_loop3A_330, %parallel_loop3A_331] {strides = array<i32>} : memref<8x2048xf32, #tpu.memory_space<vmem>>, vector<16xf32>,
        tpu.vector_store %arg14[%parallel_loop3A_330, %parallel_loop3A_331], %parallel_loop3A_326 {strides = array<i32>} : memref<8x2048xf32, #tpu.memory_space<vmem>>, vector<16xf32>,
      } {sc.loop_unroll_factor = 4 : i64, sc.parallel_access}
      %lt3A_171 = arith.constant 125 : i32
      %lt3A_172 = arith.cmpi slt, %while3A_95, %lt3A_171 : i32
      %convert_element_type3A_173 = arith.extui %lt3A_172 : i1 to i32
      %cond3A_174 = arith.constant 0 : i32
      %cond3A_175 = arith.cmpi ne, %convert_element_type3A_173, %cond3A_174 : i32
      scf.if %cond3A_175 {
        %dma_start3A_238 = arith.constant 8192 : i32
        %dma_start3A_239 = tpu.memref_slice %arg5[%mul3A_100, %dma_start3A_238] : memref<1000x16384xf32, #tpu.memory_space<hbm>> -> memref<8x2048xf32, #tpu.memory_space<hbm>>
        %dma_start3A_240 = arith.constant 8192 : i32
        %dma_start3A_241 = tpu.memref_slice %arg5[%mul3A_100, %dma_start3A_240] : memref<1000x16384xf32, #tpu.memory_space<hbm>> -> memref<8x2048xf32, #tpu.memory_space<hbm>>
        tpu.enqueue_dma source(%arg14 : memref<8x2048xf32, #tpu.memory_space<vmem>>) target(%dma_start3A_241 : memref<8x2048xf32, #tpu.memory_space<hbm>>) target_semaphore(%arg21 : memref<!tpu.dma_semaphore, #tpu.memory_space<semaphore_mem>>)
      } else {
      }
      %ge3A_176 = arith.constant 125 : i32
      %ge3A_177 = arith.cmpi sge, %while3A_95, %ge3A_176 : i32
      %convert_element_type3A_178 = arith.extui %ge3A_177 : i1 to i32
      %cond3A_179 = arith.constant 0 : i32
      %cond3A_180 = arith.cmpi ne, %convert_element_type3A_178, %cond3A_179 : i32
      scf.if %cond3A_180 {
        %sub3A_238 = arith.constant 1000 : i32
        %sub3A_239 = arith.subi %mul3A_100, %sub3A_238 : i32
        %dma_start3A_240 = arith.constant 8192 : i32
        %dma_start3A_241 = tpu.memref_slice %arg6[%sub3A_239, %dma_start3A_240] : memref<1000x16384xf32, #tpu.memory_space<hbm>> -> memref<8x2048xf32, #tpu.memory_space<hbm>>
        %dma_start3A_242 = arith.constant 8192 : i32
        %dma_start3A_243 = tpu.memref_slice %arg6[%sub3A_239, %dma_start3A_242] : memref<1000x16384xf32, #tpu.memory_space<hbm>> -> memref<8x2048xf32, #tpu.memory_space<hbm>>
        tpu.enqueue_dma source(%arg14 : memref<8x2048xf32, #tpu.memory_space<vmem>>) target(%dma_start3A_243 : memref<8x2048xf32, #tpu.memory_space<hbm>>) target_semaphore(%arg21 : memref<!tpu.dma_semaphore, #tpu.memory_space<semaphore_mem>>)
      } else {
      }
      %dma_wait3A_181 = arith.constant 0 : i32
      %dma_wait3A_182 = arith.constant 0 : i32
      %dma_wait3A_183 = tpu.memref_slice %arg5[%dma_wait3A_181, %dma_wait3A_182] : memref<1000x16384xf32, #tpu.memory_space<hbm>> -> memref<8x2048xf32, #tpu.memory_space<hbm>>
      %dma_wait3A_184 = arith.constant 0 : i32
      %dma_wait3A_185 = arith.constant 0 : i32
      %dma_wait3A_186 = tpu.memref_slice %arg5[%dma_wait3A_184, %dma_wait3A_185] : memref<1000x16384xf32, #tpu.memory_space<hbm>> -> memref<8x2048xf32, #tpu.memory_space<hbm>>
      tpu.wait_dma2 semaphore(%arg17 : memref<!tpu.dma_semaphore, #tpu.memory_space<semaphore_mem>>) src(%dma_wait3A_186 : memref<8x2048xf32, #tpu.memory_space<hbm>>) dst(%arg10 : memref<8x2048xf32, #tpu.memory_space<vmem>>)
      %parallel_loop3A_187 = arith.constant 0 : i32
      %parallel_loop3A_188 = arith.constant 128 : i32
      %parallel_loop3A_189 = arith.constant 1 : i32
      scf.for %parallel_loop3A_238 = %parallel_loop3A_187 to %parallel_loop3A_188 step %parallel_loop3A_189  : i32 {
        %parallel_loop3A_239 = arith.constant 16 : i32
        %parallel_loop3A_240 = arith.muli %parallel_loop3A_238, %parallel_loop3A_239 : i32
        %parallel_loop3A_241 = arith.constant 10240 : i32
        %parallel_loop3A_242 = arith.addi %parallel_loop3A_241, %parallel_loop3A_240 : i32
        %parallel_loop3A_243 = arith.index_cast %parallel_loop3A_242 : i32 to index
        %parallel_loop3A_244 = tpu.vector_load %arg8[%parallel_loop3A_243] {strides = array<i32>} : memref<16384xi32, #tpu.memory_space<vmem>>, vector<16xi32>,
        %parallel_loop3A_245 = arith.constant 0 : i32
        %parallel_loop3A_246 = arith.addi %mul3A_98, %parallel_loop3A_245 : i32
        %parallel_loop3A_247 = vector.broadcast %parallel_loop3A_246 : i32 to vector<16xi32>
        %parallel_loop3A_248 = arith.addi %parallel_loop3A_244, %parallel_loop3A_247 : vector<16xi32>
        %parallel_loop3A_249 = tpu.vector_load_idx %arg9[%parallel_loop3A_248] : memref<16384xf32, #tpu.memory_space<vmem>>[vector<16xi32>], vector<16xf32>,
        %parallel_loop3A_250 = arith.constant 16 : i32
        %parallel_loop3A_251 = arith.muli %parallel_loop3A_238, %parallel_loop3A_250 : i32
        %parallel_loop3A_252 = arith.constant 0 : i32
        %parallel_loop3A_253 = arith.index_cast %parallel_loop3A_252 : i32 to index
        %parallel_loop3A_254 = arith.index_cast %parallel_loop3A_251 : i32 to index
        %parallel_loop3A_255 = tpu.vector_load %arg10[%parallel_loop3A_253, %parallel_loop3A_254] {strides = array<i32>} : memref<8x2048xf32, #tpu.memory_space<vmem>>, vector<16xf32>,
        tpu.vector_store %arg10[%parallel_loop3A_253, %parallel_loop3A_254], %parallel_loop3A_249 {strides = array<i32>} : memref<8x2048xf32, #tpu.memory_space<vmem>>, vector<16xf32>,
        %parallel_loop3A_256 = arith.constant 256 : i32
        %parallel_loop3A_257 = arith.addi %mul3A_98, %parallel_loop3A_256 : i32
        %parallel_loop3A_258 = vector.broadcast %parallel_loop3A_257 : i32 to vector<16xi32>
        %parallel_loop3A_259 = arith.addi %parallel_loop3A_244, %parallel_loop3A_258 : vector<16xi32>
        %parallel_loop3A_260 = tpu.vector_load_idx %arg9[%parallel_loop3A_259] : memref<16384xf32, #tpu.memory_space<vmem>>[vector<16xi32>], vector<16xf32>,
        %parallel_loop3A_261 = arith.constant 16 : i32
        %parallel_loop3A_262 = arith.muli %parallel_loop3A_238, %parallel_loop3A_261 : i32
        %parallel_loop3A_263 = arith.constant 1 : i32
        %parallel_loop3A_264 = arith.index_cast %parallel_loop3A_263 : i32 to index
        %parallel_loop3A_265 = arith.index_cast %parallel_loop3A_262 : i32 to index
        %parallel_loop3A_266 = tpu.vector_load %arg10[%parallel_loop3A_264, %parallel_loop3A_265] {strides = array<i32>} : memref<8x2048xf32, #tpu.memory_space<vmem>>, vector<16xf32>,
        tpu.vector_store %arg10[%parallel_loop3A_264, %parallel_loop3A_265], %parallel_loop3A_260 {strides = array<i32>} : memref<8x2048xf32, #tpu.memory_space<vmem>>, vector<16xf32>,
        %parallel_loop3A_267 = arith.constant 512 : i32
        %parallel_loop3A_268 = arith.addi %mul3A_98, %parallel_loop3A_267 : i32
        %parallel_loop3A_269 = vector.broadcast %parallel_loop3A_268 : i32 to vector<16xi32>
        %parallel_loop3A_270 = arith.addi %parallel_loop3A_244, %parallel_loop3A_269 : vector<16xi32>
        %parallel_loop3A_271 = tpu.vector_load_idx %arg9[%parallel_loop3A_270] : memref<16384xf32, #tpu.memory_space<vmem>>[vector<16xi32>], vector<16xf32>,
        %parallel_loop3A_272 = arith.constant 16 : i32
        %parallel_loop3A_273 = arith.muli %parallel_loop3A_238, %parallel_loop3A_272 : i32
        %parallel_loop3A_274 = arith.constant 2 : i32
        %parallel_loop3A_275 = arith.index_cast %parallel_loop3A_274 : i32 to index
        %parallel_loop3A_276 = arith.index_cast %parallel_loop3A_273 : i32 to index
        %parallel_loop3A_277 = tpu.vector_load %arg10[%parallel_loop3A_275, %parallel_loop3A_276] {strides = array<i32>} : memref<8x2048xf32, #tpu.memory_space<vmem>>, vector<16xf32>,
        tpu.vector_store %arg10[%parallel_loop3A_275, %parallel_loop3A_276], %parallel_loop3A_271 {strides = array<i32>} : memref<8x2048xf32, #tpu.memory_space<vmem>>, vector<16xf32>,
        %parallel_loop3A_278 = arith.constant 768 : i32
        %parallel_loop3A_279 = arith.addi %mul3A_98, %parallel_loop3A_278 : i32
        %parallel_loop3A_280 = vector.broadcast %parallel_loop3A_279 : i32 to vector<16xi32>
        %parallel_loop3A_281 = arith.addi %parallel_loop3A_244, %parallel_loop3A_280 : vector<16xi32>
        %parallel_loop3A_282 = tpu.vector_load_idx %arg9[%parallel_loop3A_281] : memref<16384xf32, #tpu.memory_space<vmem>>[vector<16xi32>], vector<16xf32>,
        %parallel_loop3A_283 = arith.constant 16 : i32
        %parallel_loop3A_284 = arith.muli %parallel_loop3A_238, %parallel_loop3A_283 : i32
        %parallel_loop3A_285 = arith.constant 3 : i32
        %parallel_loop3A_286 = arith.index_cast %parallel_loop3A_285 : i32 to index
        %parallel_loop3A_287 = arith.index_cast %parallel_loop3A_284 : i32 to index
        %parallel_loop3A_288 = tpu.vector_load %arg10[%parallel_loop3A_286, %parallel_loop3A_287] {strides = array<i32>} : memref<8x2048xf32, #tpu.memory_space<vmem>>, vector<16xf32>,
        tpu.vector_store %arg10[%parallel_loop3A_286, %parallel_loop3A_287], %parallel_loop3A_282 {strides = array<i32>} : memref<8x2048xf32, #tpu.memory_space<vmem>>, vector<16xf32>,
        %parallel_loop3A_289 = arith.constant 1024 : i32
        %parallel_loop3A_290 = arith.addi %mul3A_98, %parallel_loop3A_289 : i32
        %parallel_loop3A_291 = vector.broadcast %parallel_loop3A_290 : i32 to vector<16xi32>
        %parallel_loop3A_292 = arith.addi %parallel_loop3A_244, %parallel_loop3A_291 : vector<16xi32>
        %parallel_loop3A_293 = tpu.vector_load_idx %arg9[%parallel_loop3A_292] : memref<16384xf32, #tpu.memory_space<vmem>>[vector<16xi32>], vector<16xf32>,
        %parallel_loop3A_294 = arith.constant 16 : i32
        %parallel_loop3A_295 = arith.muli %parallel_loop3A_238, %parallel_loop3A_294 : i32
        %parallel_loop3A_296 = arith.constant 4 : i32
        %parallel_loop3A_297 = arith.index_cast %parallel_loop3A_296 : i32 to index
        %parallel_loop3A_298 = arith.index_cast %parallel_loop3A_295 : i32 to index
        %parallel_loop3A_299 = tpu.vector_load %arg10[%parallel_loop3A_297, %parallel_loop3A_298] {strides = array<i32>} : memref<8x2048xf32, #tpu.memory_space<vmem>>, vector<16xf32>,
        tpu.vector_store %arg10[%parallel_loop3A_297, %parallel_loop3A_298], %parallel_loop3A_293 {strides = array<i32>} : memref<8x2048xf32, #tpu.memory_space<vmem>>, vector<16xf32>,
        %parallel_loop3A_300 = arith.constant 1280 : i32
        %parallel_loop3A_301 = arith.addi %mul3A_98, %parallel_loop3A_300 : i32
        %parallel_loop3A_302 = vector.broadcast %parallel_loop3A_301 : i32 to vector<16xi32>
        %parallel_loop3A_303 = arith.addi %parallel_loop3A_244, %parallel_loop3A_302 : vector<16xi32>
        %parallel_loop3A_304 = tpu.vector_load_idx %arg9[%parallel_loop3A_303] : memref<16384xf32, #tpu.memory_space<vmem>>[vector<16xi32>], vector<16xf32>,
        %parallel_loop3A_305 = arith.constant 16 : i32
        %parallel_loop3A_306 = arith.muli %parallel_loop3A_238, %parallel_loop3A_305 : i32
        %parallel_loop3A_307 = arith.constant 5 : i32
        %parallel_loop3A_308 = arith.index_cast %parallel_loop3A_307 : i32 to index
        %parallel_loop3A_309 = arith.index_cast %parallel_loop3A_306 : i32 to index
        %parallel_loop3A_310 = tpu.vector_load %arg10[%parallel_loop3A_308, %parallel_loop3A_309] {strides = array<i32>} : memref<8x2048xf32, #tpu.memory_space<vmem>>, vector<16xf32>,
        tpu.vector_store %arg10[%parallel_loop3A_308, %parallel_loop3A_309], %parallel_loop3A_304 {strides = array<i32>} : memref<8x2048xf32, #tpu.memory_space<vmem>>, vector<16xf32>,
        %parallel_loop3A_311 = arith.constant 1536 : i32
        %parallel_loop3A_312 = arith.addi %mul3A_98, %parallel_loop3A_311 : i32
        %parallel_loop3A_313 = vector.broadcast %parallel_loop3A_312 : i32 to vector<16xi32>
        %parallel_loop3A_314 = arith.addi %parallel_loop3A_244, %parallel_loop3A_313 : vector<16xi32>
        %parallel_loop3A_315 = tpu.vector_load_idx %arg9[%parallel_loop3A_314] : memref<16384xf32, #tpu.memory_space<vmem>>[vector<16xi32>], vector<16xf32>,
        %parallel_loop3A_316 = arith.constant 16 : i32
        %parallel_loop3A_317 = arith.muli %parallel_loop3A_238, %parallel_loop3A_316 : i32
        %parallel_loop3A_318 = arith.constant 6 : i32
        %parallel_loop3A_319 = arith.index_cast %parallel_loop3A_318 : i32 to index
        %parallel_loop3A_320 = arith.index_cast %parallel_loop3A_317 : i32 to index
        %parallel_loop3A_321 = tpu.vector_load %arg10[%parallel_loop3A_319, %parallel_loop3A_320] {strides = array<i32>} : memref<8x2048xf32, #tpu.memory_space<vmem>>, vector<16xf32>,
        tpu.vector_store %arg10[%parallel_loop3A_319, %parallel_loop3A_320], %parallel_loop3A_315 {strides = array<i32>} : memref<8x2048xf32, #tpu.memory_space<vmem>>, vector<16xf32>,
        %parallel_loop3A_322 = arith.constant 1792 : i32
        %parallel_loop3A_323 = arith.addi %mul3A_98, %parallel_loop3A_322 : i32
        %parallel_loop3A_324 = vector.broadcast %parallel_loop3A_323 : i32 to vector<16xi32>
        %parallel_loop3A_325 = arith.addi %parallel_loop3A_244, %parallel_loop3A_324 : vector<16xi32>
        %parallel_loop3A_326 = tpu.vector_load_idx %arg9[%parallel_loop3A_325] : memref<16384xf32, #tpu.memory_space<vmem>>[vector<16xi32>], vector<16xf32>,
        %parallel_loop3A_327 = arith.constant 16 : i32
        %parallel_loop3A_328 = arith.muli %parallel_loop3A_238, %parallel_loop3A_327 : i32
        %parallel_loop3A_329 = arith.constant 7 : i32
        %parallel_loop3A_330 = arith.index_cast %parallel_loop3A_329 : i32 to index
        %parallel_loop3A_331 = arith.index_cast %parallel_loop3A_328 : i32 to index
        %parallel_loop3A_332 = tpu.vector_load %arg10[%parallel_loop3A_330, %parallel_loop3A_331] {strides = array<i32>} : memref<8x2048xf32, #tpu.memory_space<vmem>>, vector<16xf32>,
        tpu.vector_store %arg10[%parallel_loop3A_330, %parallel_loop3A_331], %parallel_loop3A_326 {strides = array<i32>} : memref<8x2048xf32, #tpu.memory_space<vmem>>, vector<16xf32>,
      } {sc.loop_unroll_factor = 4 : i64, sc.parallel_access}
      %lt3A_190 = arith.constant 125 : i32
      %lt3A_191 = arith.cmpi slt, %while3A_95, %lt3A_190 : i32
      %convert_element_type3A_192 = arith.extui %lt3A_191 : i1 to i32
      %cond3A_193 = arith.constant 0 : i32
      %cond3A_194 = arith.cmpi ne, %convert_element_type3A_192, %cond3A_193 : i32
      scf.if %cond3A_194 {
        %dma_start3A_238 = arith.constant 10240 : i32
        %dma_start3A_239 = tpu.memref_slice %arg5[%mul3A_100, %dma_start3A_238] : memref<1000x16384xf32, #tpu.memory_space<hbm>> -> memref<8x2048xf32, #tpu.memory_space<hbm>>
        %dma_start3A_240 = arith.constant 10240 : i32
        %dma_start3A_241 = tpu.memref_slice %arg5[%mul3A_100, %dma_start3A_240] : memref<1000x16384xf32, #tpu.memory_space<hbm>> -> memref<8x2048xf32, #tpu.memory_space<hbm>>
        tpu.enqueue_dma source(%arg10 : memref<8x2048xf32, #tpu.memory_space<vmem>>) target(%dma_start3A_241 : memref<8x2048xf32, #tpu.memory_space<hbm>>) target_semaphore(%arg17 : memref<!tpu.dma_semaphore, #tpu.memory_space<semaphore_mem>>)
      } else {
      }
      %ge3A_195 = arith.constant 125 : i32
      %ge3A_196 = arith.cmpi sge, %while3A_95, %ge3A_195 : i32
      %convert_element_type3A_197 = arith.extui %ge3A_196 : i1 to i32
      %cond3A_198 = arith.constant 0 : i32
      %cond3A_199 = arith.cmpi ne, %convert_element_type3A_197, %cond3A_198 : i32
      scf.if %cond3A_199 {
        %sub3A_238 = arith.constant 1000 : i32
        %sub3A_239 = arith.subi %mul3A_100, %sub3A_238 : i32
        %dma_start3A_240 = arith.constant 10240 : i32
        %dma_start3A_241 = tpu.memref_slice %arg6[%sub3A_239, %dma_start3A_240] : memref<1000x16384xf32, #tpu.memory_space<hbm>> -> memref<8x2048xf32, #tpu.memory_space<hbm>>
        %dma_start3A_242 = arith.constant 10240 : i32
        %dma_start3A_243 = tpu.memref_slice %arg6[%sub3A_239, %dma_start3A_242] : memref<1000x16384xf32, #tpu.memory_space<hbm>> -> memref<8x2048xf32, #tpu.memory_space<hbm>>
        tpu.enqueue_dma source(%arg10 : memref<8x2048xf32, #tpu.memory_space<vmem>>) target(%dma_start3A_243 : memref<8x2048xf32, #tpu.memory_space<hbm>>) target_semaphore(%arg17 : memref<!tpu.dma_semaphore, #tpu.memory_space<semaphore_mem>>)
      } else {
      }
      %dma_wait3A_200 = arith.constant 0 : i32
      %dma_wait3A_201 = arith.constant 0 : i32
      %dma_wait3A_202 = tpu.memref_slice %arg5[%dma_wait3A_200, %dma_wait3A_201] : memref<1000x16384xf32, #tpu.memory_space<hbm>> -> memref<8x2048xf32, #tpu.memory_space<hbm>>
      %dma_wait3A_203 = arith.constant 0 : i32
      %dma_wait3A_204 = arith.constant 0 : i32
      %dma_wait3A_205 = tpu.memref_slice %arg5[%dma_wait3A_203, %dma_wait3A_204] : memref<1000x16384xf32, #tpu.memory_space<hbm>> -> memref<8x2048xf32, #tpu.memory_space<hbm>>
      tpu.wait_dma2 semaphore(%arg18 : memref<!tpu.dma_semaphore, #tpu.memory_space<semaphore_mem>>) src(%dma_wait3A_205 : memref<8x2048xf32, #tpu.memory_space<hbm>>) dst(%arg11 : memref<8x2048xf32, #tpu.memory_space<vmem>>)
      %parallel_loop3A_206 = arith.constant 0 : i32
      %parallel_loop3A_207 = arith.constant 128 : i32
      %parallel_loop3A_208 = arith.constant 1 : i32
      scf.for %parallel_loop3A_238 = %parallel_loop3A_206 to %parallel_loop3A_207 step %parallel_loop3A_208  : i32 {
        %parallel_loop3A_239 = arith.constant 16 : i32
        %parallel_loop3A_240 = arith.muli %parallel_loop3A_238, %parallel_loop3A_239 : i32
        %parallel_loop3A_241 = arith.constant 12288 : i32
        %parallel_loop3A_242 = arith.addi %parallel_loop3A_241, %parallel_loop3A_240 : i32
        %parallel_loop3A_243 = arith.index_cast %parallel_loop3A_242 : i32 to index
        %parallel_loop3A_244 = tpu.vector_load %arg8[%parallel_loop3A_243] {strides = array<i32>} : memref<16384xi32, #tpu.memory_space<vmem>>, vector<16xi32>,
        %parallel_loop3A_245 = arith.constant 0 : i32
        %parallel_loop3A_246 = arith.addi %mul3A_98, %parallel_loop3A_245 : i32
        %parallel_loop3A_247 = vector.broadcast %parallel_loop3A_246 : i32 to vector<16xi32>
        %parallel_loop3A_248 = arith.addi %parallel_loop3A_244, %parallel_loop3A_247 : vector<16xi32>
        %parallel_loop3A_249 = tpu.vector_load_idx %arg9[%parallel_loop3A_248] : memref<16384xf32, #tpu.memory_space<vmem>>[vector<16xi32>], vector<16xf32>,
        %parallel_loop3A_250 = arith.constant 16 : i32
        %parallel_loop3A_251 = arith.muli %parallel_loop3A_238, %parallel_loop3A_250 : i32
        %parallel_loop3A_252 = arith.constant 0 : i32
        %parallel_loop3A_253 = arith.index_cast %parallel_loop3A_252 : i32 to index
        %parallel_loop3A_254 = arith.index_cast %parallel_loop3A_251 : i32 to index
        %parallel_loop3A_255 = tpu.vector_load %arg11[%parallel_loop3A_253, %parallel_loop3A_254] {strides = array<i32>} : memref<8x2048xf32, #tpu.memory_space<vmem>>, vector<16xf32>,
        tpu.vector_store %arg11[%parallel_loop3A_253, %parallel_loop3A_254], %parallel_loop3A_249 {strides = array<i32>} : memref<8x2048xf32, #tpu.memory_space<vmem>>, vector<16xf32>,
        %parallel_loop3A_256 = arith.constant 256 : i32
        %parallel_loop3A_257 = arith.addi %mul3A_98, %parallel_loop3A_256 : i32
        %parallel_loop3A_258 = vector.broadcast %parallel_loop3A_257 : i32 to vector<16xi32>
        %parallel_loop3A_259 = arith.addi %parallel_loop3A_244, %parallel_loop3A_258 : vector<16xi32>
        %parallel_loop3A_260 = tpu.vector_load_idx %arg9[%parallel_loop3A_259] : memref<16384xf32, #tpu.memory_space<vmem>>[vector<16xi32>], vector<16xf32>,
        %parallel_loop3A_261 = arith.constant 16 : i32
        %parallel_loop3A_262 = arith.muli %parallel_loop3A_238, %parallel_loop3A_261 : i32
        %parallel_loop3A_263 = arith.constant 1 : i32
        %parallel_loop3A_264 = arith.index_cast %parallel_loop3A_263 : i32 to index
        %parallel_loop3A_265 = arith.index_cast %parallel_loop3A_262 : i32 to index
        %parallel_loop3A_266 = tpu.vector_load %arg11[%parallel_loop3A_264, %parallel_loop3A_265] {strides = array<i32>} : memref<8x2048xf32, #tpu.memory_space<vmem>>, vector<16xf32>,
        tpu.vector_store %arg11[%parallel_loop3A_264, %parallel_loop3A_265], %parallel_loop3A_260 {strides = array<i32>} : memref<8x2048xf32, #tpu.memory_space<vmem>>, vector<16xf32>,
        %parallel_loop3A_267 = arith.constant 512 : i32
        %parallel_loop3A_268 = arith.addi %mul3A_98, %parallel_loop3A_267 : i32
        %parallel_loop3A_269 = vector.broadcast %parallel_loop3A_268 : i32 to vector<16xi32>
        %parallel_loop3A_270 = arith.addi %parallel_loop3A_244, %parallel_loop3A_269 : vector<16xi32>
        %parallel_loop3A_271 = tpu.vector_load_idx %arg9[%parallel_loop3A_270] : memref<16384xf32, #tpu.memory_space<vmem>>[vector<16xi32>], vector<16xf32>,
        %parallel_loop3A_272 = arith.constant 16 : i32
        %parallel_loop3A_273 = arith.muli %parallel_loop3A_238, %parallel_loop3A_272 : i32
        %parallel_loop3A_274 = arith.constant 2 : i32
        %parallel_loop3A_275 = arith.index_cast %parallel_loop3A_274 : i32 to index
        %parallel_loop3A_276 = arith.index_cast %parallel_loop3A_273 : i32 to index
        %parallel_loop3A_277 = tpu.vector_load %arg11[%parallel_loop3A_275, %parallel_loop3A_276] {strides = array<i32>} : memref<8x2048xf32, #tpu.memory_space<vmem>>, vector<16xf32>,
        tpu.vector_store %arg11[%parallel_loop3A_275, %parallel_loop3A_276], %parallel_loop3A_271 {strides = array<i32>} : memref<8x2048xf32, #tpu.memory_space<vmem>>, vector<16xf32>,
        %parallel_loop3A_278 = arith.constant 768 : i32
        %parallel_loop3A_279 = arith.addi %mul3A_98, %parallel_loop3A_278 : i32
        %parallel_loop3A_280 = vector.broadcast %parallel_loop3A_279 : i32 to vector<16xi32>
        %parallel_loop3A_281 = arith.addi %parallel_loop3A_244, %parallel_loop3A_280 : vector<16xi32>
        %parallel_loop3A_282 = tpu.vector_load_idx %arg9[%parallel_loop3A_281] : memref<16384xf32, #tpu.memory_space<vmem>>[vector<16xi32>], vector<16xf32>,
        %parallel_loop3A_283 = arith.constant 16 : i32
        %parallel_loop3A_284 = arith.muli %parallel_loop3A_238, %parallel_loop3A_283 : i32
        %parallel_loop3A_285 = arith.constant 3 : i32
        %parallel_loop3A_286 = arith.index_cast %parallel_loop3A_285 : i32 to index
        %parallel_loop3A_287 = arith.index_cast %parallel_loop3A_284 : i32 to index
        %parallel_loop3A_288 = tpu.vector_load %arg11[%parallel_loop3A_286, %parallel_loop3A_287] {strides = array<i32>} : memref<8x2048xf32, #tpu.memory_space<vmem>>, vector<16xf32>,
        tpu.vector_store %arg11[%parallel_loop3A_286, %parallel_loop3A_287], %parallel_loop3A_282 {strides = array<i32>} : memref<8x2048xf32, #tpu.memory_space<vmem>>, vector<16xf32>,
        %parallel_loop3A_289 = arith.constant 1024 : i32
        %parallel_loop3A_290 = arith.addi %mul3A_98, %parallel_loop3A_289 : i32
        %parallel_loop3A_291 = vector.broadcast %parallel_loop3A_290 : i32 to vector<16xi32>
        %parallel_loop3A_292 = arith.addi %parallel_loop3A_244, %parallel_loop3A_291 : vector<16xi32>
        %parallel_loop3A_293 = tpu.vector_load_idx %arg9[%parallel_loop3A_292] : memref<16384xf32, #tpu.memory_space<vmem>>[vector<16xi32>], vector<16xf32>,
        %parallel_loop3A_294 = arith.constant 16 : i32
        %parallel_loop3A_295 = arith.muli %parallel_loop3A_238, %parallel_loop3A_294 : i32
        %parallel_loop3A_296 = arith.constant 4 : i32
        %parallel_loop3A_297 = arith.index_cast %parallel_loop3A_296 : i32 to index
        %parallel_loop3A_298 = arith.index_cast %parallel_loop3A_295 : i32 to index
        %parallel_loop3A_299 = tpu.vector_load %arg11[%parallel_loop3A_297, %parallel_loop3A_298] {strides = array<i32>} : memref<8x2048xf32, #tpu.memory_space<vmem>>, vector<16xf32>,
        tpu.vector_store %arg11[%parallel_loop3A_297, %parallel_loop3A_298], %parallel_loop3A_293 {strides = array<i32>} : memref<8x2048xf32, #tpu.memory_space<vmem>>, vector<16xf32>,
        %parallel_loop3A_300 = arith.constant 1280 : i32
        %parallel_loop3A_301 = arith.addi %mul3A_98, %parallel_loop3A_300 : i32
        %parallel_loop3A_302 = vector.broadcast %parallel_loop3A_301 : i32 to vector<16xi32>
        %parallel_loop3A_303 = arith.addi %parallel_loop3A_244, %parallel_loop3A_302 : vector<16xi32>
        %parallel_loop3A_304 = tpu.vector_load_idx %arg9[%parallel_loop3A_303] : memref<16384xf32, #tpu.memory_space<vmem>>[vector<16xi32>], vector<16xf32>,
        %parallel_loop3A_305 = arith.constant 16 : i32
        %parallel_loop3A_306 = arith.muli %parallel_loop3A_238, %parallel_loop3A_305 : i32
        %parallel_loop3A_307 = arith.constant 5 : i32
        %parallel_loop3A_308 = arith.index_cast %parallel_loop3A_307 : i32 to index
        %parallel_loop3A_309 = arith.index_cast %parallel_loop3A_306 : i32 to index
        %parallel_loop3A_310 = tpu.vector_load %arg11[%parallel_loop3A_308, %parallel_loop3A_309] {strides = array<i32>} : memref<8x2048xf32, #tpu.memory_space<vmem>>, vector<16xf32>,
        tpu.vector_store %arg11[%parallel_loop3A_308, %parallel_loop3A_309], %parallel_loop3A_304 {strides = array<i32>} : memref<8x2048xf32, #tpu.memory_space<vmem>>, vector<16xf32>,
        %parallel_loop3A_311 = arith.constant 1536 : i32
        %parallel_loop3A_312 = arith.addi %mul3A_98, %parallel_loop3A_311 : i32
        %parallel_loop3A_313 = vector.broadcast %parallel_loop3A_312 : i32 to vector<16xi32>
        %parallel_loop3A_314 = arith.addi %parallel_loop3A_244, %parallel_loop3A_313 : vector<16xi32>
        %parallel_loop3A_315 = tpu.vector_load_idx %arg9[%parallel_loop3A_314] : memref<16384xf32, #tpu.memory_space<vmem>>[vector<16xi32>], vector<16xf32>,
        %parallel_loop3A_316 = arith.constant 16 : i32
        %parallel_loop3A_317 = arith.muli %parallel_loop3A_238, %parallel_loop3A_316 : i32
        %parallel_loop3A_318 = arith.constant 6 : i32
        %parallel_loop3A_319 = arith.index_cast %parallel_loop3A_318 : i32 to index
        %parallel_loop3A_320 = arith.index_cast %parallel_loop3A_317 : i32 to index
        %parallel_loop3A_321 = tpu.vector_load %arg11[%parallel_loop3A_319, %parallel_loop3A_320] {strides = array<i32>} : memref<8x2048xf32, #tpu.memory_space<vmem>>, vector<16xf32>,
        tpu.vector_store %arg11[%parallel_loop3A_319, %parallel_loop3A_320], %parallel_loop3A_315 {strides = array<i32>} : memref<8x2048xf32, #tpu.memory_space<vmem>>, vector<16xf32>,
        %parallel_loop3A_322 = arith.constant 1792 : i32
        %parallel_loop3A_323 = arith.addi %mul3A_98, %parallel_loop3A_322 : i32
        %parallel_loop3A_324 = vector.broadcast %parallel_loop3A_323 : i32 to vector<16xi32>
        %parallel_loop3A_325 = arith.addi %parallel_loop3A_244, %parallel_loop3A_324 : vector<16xi32>
        %parallel_loop3A_326 = tpu.vector_load_idx %arg9[%parallel_loop3A_325] : memref<16384xf32, #tpu.memory_space<vmem>>[vector<16xi32>], vector<16xf32>,
        %parallel_loop3A_327 = arith.constant 16 : i32
        %parallel_loop3A_328 = arith.muli %parallel_loop3A_238, %parallel_loop3A_327 : i32
        %parallel_loop3A_329 = arith.constant 7 : i32
        %parallel_loop3A_330 = arith.index_cast %parallel_loop3A_329 : i32 to index
        %parallel_loop3A_331 = arith.index_cast %parallel_loop3A_328 : i32 to index
        %parallel_loop3A_332 = tpu.vector_load %arg11[%parallel_loop3A_330, %parallel_loop3A_331] {strides = array<i32>} : memref<8x2048xf32, #tpu.memory_space<vmem>>, vector<16xf32>,
        tpu.vector_store %arg11[%parallel_loop3A_330, %parallel_loop3A_331], %parallel_loop3A_326 {strides = array<i32>} : memref<8x2048xf32, #tpu.memory_space<vmem>>, vector<16xf32>,
      } {sc.loop_unroll_factor = 4 : i64, sc.parallel_access}
      %lt3A_209 = arith.constant 125 : i32
      %lt3A_210 = arith.cmpi slt, %while3A_95, %lt3A_209 : i32
      %convert_element_type3A_211 = arith.extui %lt3A_210 : i1 to i32
      %cond3A_212 = arith.constant 0 : i32
      %cond3A_213 = arith.cmpi ne, %convert_element_type3A_211, %cond3A_212 : i32
      scf.if %cond3A_213 {
        %dma_start3A_238 = arith.constant 12288 : i32
        %dma_start3A_239 = tpu.memref_slice %arg5[%mul3A_100, %dma_start3A_238] : memref<1000x16384xf32, #tpu.memory_space<hbm>> -> memref<8x2048xf32, #tpu.memory_space<hbm>>
        %dma_start3A_240 = arith.constant 12288 : i32
        %dma_start3A_241 = tpu.memref_slice %arg5[%mul3A_100, %dma_start3A_240] : memref<1000x16384xf32, #tpu.memory_space<hbm>> -> memref<8x2048xf32, #tpu.memory_space<hbm>>
        tpu.enqueue_dma source(%arg11 : memref<8x2048xf32, #tpu.memory_space<vmem>>) target(%dma_start3A_241 : memref<8x2048xf32, #tpu.memory_space<hbm>>) target_semaphore(%arg18 : memref<!tpu.dma_semaphore, #tpu.memory_space<semaphore_mem>>)
      } else {
      }
      %ge3A_214 = arith.constant 125 : i32
      %ge3A_215 = arith.cmpi sge, %while3A_95, %ge3A_214 : i32
      %convert_element_type3A_216 = arith.extui %ge3A_215 : i1 to i32
      %cond3A_217 = arith.constant 0 : i32
      %cond3A_218 = arith.cmpi ne, %convert_element_type3A_216, %cond3A_217 : i32
      scf.if %cond3A_218 {
        %sub3A_238 = arith.constant 1000 : i32
        %sub3A_239 = arith.subi %mul3A_100, %sub3A_238 : i32
        %dma_start3A_240 = arith.constant 12288 : i32
        %dma_start3A_241 = tpu.memref_slice %arg6[%sub3A_239, %dma_start3A_240] : memref<1000x16384xf32, #tpu.memory_space<hbm>> -> memref<8x2048xf32, #tpu.memory_space<hbm>>
        %dma_start3A_242 = arith.constant 12288 : i32
        %dma_start3A_243 = tpu.memref_slice %arg6[%sub3A_239, %dma_start3A_242] : memref<1000x16384xf32, #tpu.memory_space<hbm>> -> memref<8x2048xf32, #tpu.memory_space<hbm>>
        tpu.enqueue_dma source(%arg11 : memref<8x2048xf32, #tpu.memory_space<vmem>>) target(%dma_start3A_243 : memref<8x2048xf32, #tpu.memory_space<hbm>>) target_semaphore(%arg18 : memref<!tpu.dma_semaphore, #tpu.memory_space<semaphore_mem>>)
      } else {
      }
      %dma_wait3A_219 = arith.constant 0 : i32
      %dma_wait3A_220 = arith.constant 0 : i32
      %dma_wait3A_221 = tpu.memref_slice %arg5[%dma_wait3A_219, %dma_wait3A_220] : memref<1000x16384xf32, #tpu.memory_space<hbm>> -> memref<8x2048xf32, #tpu.memory_space<hbm>>
      %dma_wait3A_222 = arith.constant 0 : i32
      %dma_wait3A_223 = arith.constant 0 : i32
      %dma_wait3A_224 = tpu.memref_slice %arg5[%dma_wait3A_222, %dma_wait3A_223] : memref<1000x16384xf32, #tpu.memory_space<hbm>> -> memref<8x2048xf32, #tpu.memory_space<hbm>>
      tpu.wait_dma2 semaphore(%arg19 : memref<!tpu.dma_semaphore, #tpu.memory_space<semaphore_mem>>) src(%dma_wait3A_224 : memref<8x2048xf32, #tpu.memory_space<hbm>>) dst(%arg12 : memref<8x2048xf32, #tpu.memory_space<vmem>>)
      %parallel_loop3A_225 = arith.constant 0 : i32
      %parallel_loop3A_226 = arith.constant 128 : i32
      %parallel_loop3A_227 = arith.constant 1 : i32
      scf.for %parallel_loop3A_238 = %parallel_loop3A_225 to %parallel_loop3A_226 step %parallel_loop3A_227  : i32 {
        %parallel_loop3A_239 = arith.constant 16 : i32
        %parallel_loop3A_240 = arith.muli %parallel_loop3A_238, %parallel_loop3A_239 : i32
        %parallel_loop3A_241 = arith.constant 14336 : i32
        %parallel_loop3A_242 = arith.addi %parallel_loop3A_241, %parallel_loop3A_240 : i32
        %parallel_loop3A_243 = arith.index_cast %parallel_loop3A_242 : i32 to index
        %parallel_loop3A_244 = tpu.vector_load %arg8[%parallel_loop3A_243] {strides = array<i32>} : memref<16384xi32, #tpu.memory_space<vmem>>, vector<16xi32>,
        %parallel_loop3A_245 = arith.constant 0 : i32
        %parallel_loop3A_246 = arith.addi %mul3A_98, %parallel_loop3A_245 : i32
        %parallel_loop3A_247 = vector.broadcast %parallel_loop3A_246 : i32 to vector<16xi32>
        %parallel_loop3A_248 = arith.addi %parallel_loop3A_244, %parallel_loop3A_247 : vector<16xi32>
        %parallel_loop3A_249 = tpu.vector_load_idx %arg9[%parallel_loop3A_248] : memref<16384xf32, #tpu.memory_space<vmem>>[vector<16xi32>], vector<16xf32>,
        %parallel_loop3A_250 = arith.constant 16 : i32
        %parallel_loop3A_251 = arith.muli %parallel_loop3A_238, %parallel_loop3A_250 : i32
        %parallel_loop3A_252 = arith.constant 0 : i32
        %parallel_loop3A_253 = arith.index_cast %parallel_loop3A_252 : i32 to index
        %parallel_loop3A_254 = arith.index_cast %parallel_loop3A_251 : i32 to index
        %parallel_loop3A_255 = tpu.vector_load %arg12[%parallel_loop3A_253, %parallel_loop3A_254] {strides = array<i32>} : memref<8x2048xf32, #tpu.memory_space<vmem>>, vector<16xf32>,
        tpu.vector_store %arg12[%parallel_loop3A_253, %parallel_loop3A_254], %parallel_loop3A_249 {strides = array<i32>} : memref<8x2048xf32, #tpu.memory_space<vmem>>, vector<16xf32>,
        %parallel_loop3A_256 = arith.constant 256 : i32
        %parallel_loop3A_257 = arith.addi %mul3A_98, %parallel_loop3A_256 : i32
        %parallel_loop3A_258 = vector.broadcast %parallel_loop3A_257 : i32 to vector<16xi32>
        %parallel_loop3A_259 = arith.addi %parallel_loop3A_244, %parallel_loop3A_258 : vector<16xi32>
        %parallel_loop3A_260 = tpu.vector_load_idx %arg9[%parallel_loop3A_259] : memref<16384xf32, #tpu.memory_space<vmem>>[vector<16xi32>], vector<16xf32>,
        %parallel_loop3A_261 = arith.constant 16 : i32
        %parallel_loop3A_262 = arith.muli %parallel_loop3A_238, %parallel_loop3A_261 : i32
        %parallel_loop3A_263 = arith.constant 1 : i32
        %parallel_loop3A_264 = arith.index_cast %parallel_loop3A_263 : i32 to index
        %parallel_loop3A_265 = arith.index_cast %parallel_loop3A_262 : i32 to index
        %parallel_loop3A_266 = tpu.vector_load %arg12[%parallel_loop3A_264, %parallel_loop3A_265] {strides = array<i32>} : memref<8x2048xf32, #tpu.memory_space<vmem>>, vector<16xf32>,
        tpu.vector_store %arg12[%parallel_loop3A_264, %parallel_loop3A_265], %parallel_loop3A_260 {strides = array<i32>} : memref<8x2048xf32, #tpu.memory_space<vmem>>, vector<16xf32>,
        %parallel_loop3A_267 = arith.constant 512 : i32
        %parallel_loop3A_268 = arith.addi %mul3A_98, %parallel_loop3A_267 : i32
        %parallel_loop3A_269 = vector.broadcast %parallel_loop3A_268 : i32 to vector<16xi32>
        %parallel_loop3A_270 = arith.addi %parallel_loop3A_244, %parallel_loop3A_269 : vector<16xi32>
        %parallel_loop3A_271 = tpu.vector_load_idx %arg9[%parallel_loop3A_270] : memref<16384xf32, #tpu.memory_space<vmem>>[vector<16xi32>], vector<16xf32>,
        %parallel_loop3A_272 = arith.constant 16 : i32
        %parallel_loop3A_273 = arith.muli %parallel_loop3A_238, %parallel_loop3A_272 : i32
        %parallel_loop3A_274 = arith.constant 2 : i32
        %parallel_loop3A_275 = arith.index_cast %parallel_loop3A_274 : i32 to index
        %parallel_loop3A_276 = arith.index_cast %parallel_loop3A_273 : i32 to index
        %parallel_loop3A_277 = tpu.vector_load %arg12[%parallel_loop3A_275, %parallel_loop3A_276] {strides = array<i32>} : memref<8x2048xf32, #tpu.memory_space<vmem>>, vector<16xf32>,
        tpu.vector_store %arg12[%parallel_loop3A_275, %parallel_loop3A_276], %parallel_loop3A_271 {strides = array<i32>} : memref<8x2048xf32, #tpu.memory_space<vmem>>, vector<16xf32>,
        %parallel_loop3A_278 = arith.constant 768 : i32
        %parallel_loop3A_279 = arith.addi %mul3A_98, %parallel_loop3A_278 : i32
        %parallel_loop3A_280 = vector.broadcast %parallel_loop3A_279 : i32 to vector<16xi32>
        %parallel_loop3A_281 = arith.addi %parallel_loop3A_244, %parallel_loop3A_280 : vector<16xi32>
        %parallel_loop3A_282 = tpu.vector_load_idx %arg9[%parallel_loop3A_281] : memref<16384xf32, #tpu.memory_space<vmem>>[vector<16xi32>], vector<16xf32>,
        %parallel_loop3A_283 = arith.constant 16 : i32
        %parallel_loop3A_284 = arith.muli %parallel_loop3A_238, %parallel_loop3A_283 : i32
        %parallel_loop3A_285 = arith.constant 3 : i32
        %parallel_loop3A_286 = arith.index_cast %parallel_loop3A_285 : i32 to index
        %parallel_loop3A_287 = arith.index_cast %parallel_loop3A_284 : i32 to index
        %parallel_loop3A_288 = tpu.vector_load %arg12[%parallel_loop3A_286, %parallel_loop3A_287] {strides = array<i32>} : memref<8x2048xf32, #tpu.memory_space<vmem>>, vector<16xf32>,
        tpu.vector_store %arg12[%parallel_loop3A_286, %parallel_loop3A_287], %parallel_loop3A_282 {strides = array<i32>} : memref<8x2048xf32, #tpu.memory_space<vmem>>, vector<16xf32>,
        %parallel_loop3A_289 = arith.constant 1024 : i32
        %parallel_loop3A_290 = arith.addi %mul3A_98, %parallel_loop3A_289 : i32
        %parallel_loop3A_291 = vector.broadcast %parallel_loop3A_290 : i32 to vector<16xi32>
        %parallel_loop3A_292 = arith.addi %parallel_loop3A_244, %parallel_loop3A_291 : vector<16xi32>
        %parallel_loop3A_293 = tpu.vector_load_idx %arg9[%parallel_loop3A_292] : memref<16384xf32, #tpu.memory_space<vmem>>[vector<16xi32>], vector<16xf32>,
        %parallel_loop3A_294 = arith.constant 16 : i32
        %parallel_loop3A_295 = arith.muli %parallel_loop3A_238, %parallel_loop3A_294 : i32
        %parallel_loop3A_296 = arith.constant 4 : i32
        %parallel_loop3A_297 = arith.index_cast %parallel_loop3A_296 : i32 to index
        %parallel_loop3A_298 = arith.index_cast %parallel_loop3A_295 : i32 to index
        %parallel_loop3A_299 = tpu.vector_load %arg12[%parallel_loop3A_297, %parallel_loop3A_298] {strides = array<i32>} : memref<8x2048xf32, #tpu.memory_space<vmem>>, vector<16xf32>,
        tpu.vector_store %arg12[%parallel_loop3A_297, %parallel_loop3A_298], %parallel_loop3A_293 {strides = array<i32>} : memref<8x2048xf32, #tpu.memory_space<vmem>>, vector<16xf32>,
        %parallel_loop3A_300 = arith.constant 1280 : i32
        %parallel_loop3A_301 = arith.addi %mul3A_98, %parallel_loop3A_300 : i32
        %parallel_loop3A_302 = vector.broadcast %parallel_loop3A_301 : i32 to vector<16xi32>
        %parallel_loop3A_303 = arith.addi %parallel_loop3A_244, %parallel_loop3A_302 : vector<16xi32>
        %parallel_loop3A_304 = tpu.vector_load_idx %arg9[%parallel_loop3A_303] : memref<16384xf32, #tpu.memory_space<vmem>>[vector<16xi32>], vector<16xf32>,
        %parallel_loop3A_305 = arith.constant 16 : i32
        %parallel_loop3A_306 = arith.muli %parallel_loop3A_238, %parallel_loop3A_305 : i32
        %parallel_loop3A_307 = arith.constant 5 : i32
        %parallel_loop3A_308 = arith.index_cast %parallel_loop3A_307 : i32 to index
        %parallel_loop3A_309 = arith.index_cast %parallel_loop3A_306 : i32 to index
        %parallel_loop3A_310 = tpu.vector_load %arg12[%parallel_loop3A_308, %parallel_loop3A_309] {strides = array<i32>} : memref<8x2048xf32, #tpu.memory_space<vmem>>, vector<16xf32>,
        tpu.vector_store %arg12[%parallel_loop3A_308, %parallel_loop3A_309], %parallel_loop3A_304 {strides = array<i32>} : memref<8x2048xf32, #tpu.memory_space<vmem>>, vector<16xf32>,
        %parallel_loop3A_311 = arith.constant 1536 : i32
        %parallel_loop3A_312 = arith.addi %mul3A_98, %parallel_loop3A_311 : i32
        %parallel_loop3A_313 = vector.broadcast %parallel_loop3A_312 : i32 to vector<16xi32>
        %parallel_loop3A_314 = arith.addi %parallel_loop3A_244, %parallel_loop3A_313 : vector<16xi32>
        %parallel_loop3A_315 = tpu.vector_load_idx %arg9[%parallel_loop3A_314] : memref<16384xf32, #tpu.memory_space<vmem>>[vector<16xi32>], vector<16xf32>,
        %parallel_loop3A_316 = arith.constant 16 : i32
        %parallel_loop3A_317 = arith.muli %parallel_loop3A_238, %parallel_loop3A_316 : i32
        %parallel_loop3A_318 = arith.constant 6 : i32
        %parallel_loop3A_319 = arith.index_cast %parallel_loop3A_318 : i32 to index
        %parallel_loop3A_320 = arith.index_cast %parallel_loop3A_317 : i32 to index
        %parallel_loop3A_321 = tpu.vector_load %arg12[%parallel_loop3A_319, %parallel_loop3A_320] {strides = array<i32>} : memref<8x2048xf32, #tpu.memory_space<vmem>>, vector<16xf32>,
        tpu.vector_store %arg12[%parallel_loop3A_319, %parallel_loop3A_320], %parallel_loop3A_315 {strides = array<i32>} : memref<8x2048xf32, #tpu.memory_space<vmem>>, vector<16xf32>,
        %parallel_loop3A_322 = arith.constant 1792 : i32
        %parallel_loop3A_323 = arith.addi %mul3A_98, %parallel_loop3A_322 : i32
        %parallel_loop3A_324 = vector.broadcast %parallel_loop3A_323 : i32 to vector<16xi32>
        %parallel_loop3A_325 = arith.addi %parallel_loop3A_244, %parallel_loop3A_324 : vector<16xi32>
        %parallel_loop3A_326 = tpu.vector_load_idx %arg9[%parallel_loop3A_325] : memref<16384xf32, #tpu.memory_space<vmem>>[vector<16xi32>], vector<16xf32>,
        %parallel_loop3A_327 = arith.constant 16 : i32
        %parallel_loop3A_328 = arith.muli %parallel_loop3A_238, %parallel_loop3A_327 : i32
        %parallel_loop3A_329 = arith.constant 7 : i32
        %parallel_loop3A_330 = arith.index_cast %parallel_loop3A_329 : i32 to index
        %parallel_loop3A_331 = arith.index_cast %parallel_loop3A_328 : i32 to index
        %parallel_loop3A_332 = tpu.vector_load %arg12[%parallel_loop3A_330, %parallel_loop3A_331] {strides = array<i32>} : memref<8x2048xf32, #tpu.memory_space<vmem>>, vector<16xf32>,
        tpu.vector_store %arg12[%parallel_loop3A_330, %parallel_loop3A_331], %parallel_loop3A_326 {strides = array<i32>} : memref<8x2048xf32, #tpu.memory_space<vmem>>, vector<16xf32>,
      } {sc.loop_unroll_factor = 4 : i64, sc.parallel_access}
      %lt3A_228 = arith.constant 125 : i32
      %lt3A_229 = arith.cmpi slt, %while3A_95, %lt3A_228 : i32
      %convert_element_type3A_230 = arith.extui %lt3A_229 : i1 to i32
      %cond3A_231 = arith.constant 0 : i32
      %cond3A_232 = arith.cmpi ne, %convert_element_type3A_230, %cond3A_231 : i32
      scf.if %cond3A_232 {
        %dma_start3A_238 = arith.constant 14336 : i32
        %dma_start3A_239 = tpu.memref_slice %arg5[%mul3A_100, %dma_start3A_238] : memref<1000x16384xf32, #tpu.memory_space<hbm>> -> memref<8x2048xf32, #tpu.memory_space<hbm>>
        %dma_start3A_240 = arith.constant 14336 : i32
        %dma_start3A_241 = tpu.memref_slice %arg5[%mul3A_100, %dma_start3A_240] : memref<1000x16384xf32, #tpu.memory_space<hbm>> -> memref<8x2048xf32, #tpu.memory_space<hbm>>
        tpu.enqueue_dma source(%arg12 : memref<8x2048xf32, #tpu.memory_space<vmem>>) target(%dma_start3A_241 : memref<8x2048xf32, #tpu.memory_space<hbm>>) target_semaphore(%arg19 : memref<!tpu.dma_semaphore, #tpu.memory_space<semaphore_mem>>)
      } else {
      }
      %ge3A_233 = arith.constant 125 : i32
      %ge3A_234 = arith.cmpi sge, %while3A_95, %ge3A_233 : i32
      %convert_element_type3A_235 = arith.extui %ge3A_234 : i1 to i32
      %cond3A_236 = arith.constant 0 : i32
      %cond3A_237 = arith.cmpi ne, %convert_element_type3A_235, %cond3A_236 : i32
      scf.if %cond3A_237 {
        %sub3A_238 = arith.constant 1000 : i32
        %sub3A_239 = arith.subi %mul3A_100, %sub3A_238 : i32
        %dma_start3A_240 = arith.constant 14336 : i32
        %dma_start3A_241 = tpu.memref_slice %arg6[%sub3A_239, %dma_start3A_240] : memref<1000x16384xf32, #tpu.memory_space<hbm>> -> memref<8x2048xf32, #tpu.memory_space<hbm>>
        %dma_start3A_242 = arith.constant 14336 : i32
        %dma_start3A_243 = tpu.memref_slice %arg6[%sub3A_239, %dma_start3A_242] : memref<1000x16384xf32, #tpu.memory_space<hbm>> -> memref<8x2048xf32, #tpu.memory_space<hbm>>
        tpu.enqueue_dma source(%arg12 : memref<8x2048xf32, #tpu.memory_space<vmem>>) target(%dma_start3A_243 : memref<8x2048xf32, #tpu.memory_space<hbm>>) target_semaphore(%arg19 : memref<!tpu.dma_semaphore, #tpu.memory_space<semaphore_mem>>)
      } else {
      }
    }
    %mul3A_61 = arith.constant 512 : i32
    %mul3A_62 = arith.muli %add3A, %mul3A_61 : i32
    %parallel_loop3A = arith.constant 0 : i32
    %parallel_loop3A_63 = arith.constant 32 : i32
    %parallel_loop3A_64 = arith.constant 1 : i32
    scf.for %parallel_loop3A_95 = %parallel_loop3A to %parallel_loop3A_63 step %parallel_loop3A_64  : i32 {
      %parallel_loop3A_96 = arith.constant 16 : i32
      %parallel_loop3A_97 = arith.muli %parallel_loop3A_95, %parallel_loop3A_96 : i32
      %parallel_loop3A_98 = arith.addi %mul3A_62, %parallel_loop3A_97 : i32
      %parallel_loop3A_99 = arith.index_cast %parallel_loop3A_98 : i32 to index
      %parallel_loop3A_100 = tpu.vector_load %arg8[%parallel_loop3A_99] {strides = array<i32>} : memref<16384xi32, #tpu.memory_space<vmem>>, vector<16xi32>,
      %parallel_loop3A_101 = tpu.vector_load_idx %arg15[%parallel_loop3A_100] : memref<256xf32, #tpu.memory_space<vmem>>[vector<16xi32>], vector<16xf32>,
      %parallel_loop3A_102 = arith.constant 16 : i32
      %parallel_loop3A_103 = arith.muli %parallel_loop3A_95, %parallel_loop3A_102 : i32
      %parallel_loop3A_104 = arith.index_cast %parallel_loop3A_103 : i32 to index
      %parallel_loop3A_105 = tpu.vector_load %arg16[%parallel_loop3A_104] {strides = array<i32>} : memref<512xf32, #tpu.memory_space<vmem>>, vector<16xf32>,
      tpu.vector_store %arg16[%parallel_loop3A_104], %parallel_loop3A_101 {strides = array<i32>} : memref<512xf32, #tpu.memory_space<vmem>>, vector<16xf32>,
    } {sc.loop_unroll_factor = 4 : i64, sc.parallel_access}
    "tpu.region"() ({
      %run_scoped3A = tpu.sem_alloc : memref<!tpu.dma_semaphore, #tpu.memory_space<semaphore_mem>>
      %dma_start3A_95 = tpu.memref_slice %arg7[%mul3A_62] : memref<16384xf32, #tpu.memory_space<hbm>> -> memref<512xf32, #tpu.memory_space<hbm>>
      %dma_start3A_96 = tpu.memref_slice %arg7[%mul3A_62] : memref<16384xf32, #tpu.memory_space<hbm>> -> memref<512xf32, #tpu.memory_space<hbm>>
      tpu.enqueue_dma source(%arg16 : memref<512xf32, #tpu.memory_space<vmem>>) target(%dma_start3A_96 : memref<512xf32, #tpu.memory_space<hbm>>) target_semaphore(%run_scoped3A : memref<!tpu.dma_semaphore, #tpu.memory_space<semaphore_mem>>)
      %dma_wait3A_97 = tpu.memref_slice %arg7[%mul3A_62] : memref<16384xf32, #tpu.memory_space<hbm>> -> memref<512xf32, #tpu.memory_space<hbm>>
      %dma_wait3A_98 = tpu.memref_slice %arg7[%mul3A_62] : memref<16384xf32, #tpu.memory_space<hbm>> -> memref<512xf32, #tpu.memory_space<hbm>>
      tpu.wait_dma2 semaphore(%run_scoped3A : memref<!tpu.dma_semaphore, #tpu.memory_space<semaphore_mem>>) src(%arg16 : memref<512xf32, #tpu.memory_space<vmem>>) dst(%dma_wait3A_98 : memref<512xf32, #tpu.memory_space<hbm>>)
      tpu.yield
    }) : () -> ()
    %dma_wait3A_65 = arith.constant 0 : i32
    %dma_wait3A_66 = arith.constant 0 : i32
    %dma_wait3A_67 = tpu.memref_slice %arg5[%dma_wait3A_65, %dma_wait3A_66] : memref<1000x16384xf32, #tpu.memory_space<hbm>> -> memref<8x2048xf32, #tpu.memory_space<hbm>>
    %dma_wait3A_68 = arith.constant 0 : i32
    %dma_wait3A_69 = arith.constant 0 : i32
    %dma_wait3A_70 = tpu.memref_slice %arg5[%dma_wait3A_68, %dma_wait3A_69] : memref<1000x16384xf32, #tpu.memory_space<hbm>> -> memref<8x2048xf32, #tpu.memory_space<hbm>>
    tpu.wait_dma2 semaphore(%arg17 : memref<!tpu.dma_semaphore, #tpu.memory_space<semaphore_mem>>) src(%dma_wait3A_70 : memref<8x2048xf32, #tpu.memory_space<hbm>>) dst(%arg10 : memref<8x2048xf32, #tpu.memory_space<vmem>>)
    %dma_wait3A_71 = arith.constant 0 : i32
    %dma_wait3A_72 = arith.constant 0 : i32
    %dma_wait3A_73 = tpu.memref_slice %arg5[%dma_wait3A_71, %dma_wait3A_72] : memref<1000x16384xf32, #tpu.memory_space<hbm>> -> memref<8x2048xf32, #tpu.memory_space<hbm>>
    %dma_wait3A_74 = arith.constant 0 : i32
    %dma_wait3A_75 = arith.constant 0 : i32
    %dma_wait3A_76 = tpu.memref_slice %arg5[%dma_wait3A_74, %dma_wait3A_75] : memref<1000x16384xf32, #tpu.memory_space<hbm>> -> memref<8x2048xf32, #tpu.memory_space<hbm>>
    tpu.wait_dma2 semaphore(%arg18 : memref<!tpu.dma_semaphore, #tpu.memory_space<semaphore_mem>>) src(%dma_wait3A_76 : memref<8x2048xf32, #tpu.memory_space<hbm>>) dst(%arg11 : memref<8x2048xf32, #tpu.memory_space<vmem>>)
    %dma_wait3A_77 = arith.constant 0 : i32
    %dma_wait3A_78 = arith.constant 0 : i32
    %dma_wait3A_79 = tpu.memref_slice %arg5[%dma_wait3A_77, %dma_wait3A_78] : memref<1000x16384xf32, #tpu.memory_space<hbm>> -> memref<8x2048xf32, #tpu.memory_space<hbm>>
    %dma_wait3A_80 = arith.constant 0 : i32
    %dma_wait3A_81 = arith.constant 0 : i32
    %dma_wait3A_82 = tpu.memref_slice %arg5[%dma_wait3A_80, %dma_wait3A_81] : memref<1000x16384xf32, #tpu.memory_space<hbm>> -> memref<8x2048xf32, #tpu.memory_space<hbm>>
    tpu.wait_dma2 semaphore(%arg19 : memref<!tpu.dma_semaphore, #tpu.memory_space<semaphore_mem>>) src(%dma_wait3A_82 : memref<8x2048xf32, #tpu.memory_space<hbm>>) dst(%arg12 : memref<8x2048xf32, #tpu.memory_space<vmem>>)
    %dma_wait3A_83 = arith.constant 0 : i32
    %dma_wait3A_84 = arith.constant 0 : i32
    %dma_wait3A_85 = tpu.memref_slice %arg5[%dma_wait3A_83, %dma_wait3A_84] : memref<1000x16384xf32, #tpu.memory_space<hbm>> -> memref<8x2048xf32, #tpu.memory_space<hbm>>
    %dma_wait3A_86 = arith.constant 0 : i32
    %dma_wait3A_87 = arith.constant 0 : i32
    %dma_wait3A_88 = tpu.memref_slice %arg5[%dma_wait3A_86, %dma_wait3A_87] : memref<1000x16384xf32, #tpu.memory_space<hbm>> -> memref<8x2048xf32, #tpu.memory_space<hbm>>
    tpu.wait_dma2 semaphore(%arg20 : memref<!tpu.dma_semaphore, #tpu.memory_space<semaphore_mem>>) src(%dma_wait3A_88 : memref<8x2048xf32, #tpu.memory_space<hbm>>) dst(%arg13 : memref<8x2048xf32, #tpu.memory_space<vmem>>)
    %dma_wait3A_89 = arith.constant 0 : i32
    %dma_wait3A_90 = arith.constant 0 : i32
    %dma_wait3A_91 = tpu.memref_slice %arg5[%dma_wait3A_89, %dma_wait3A_90] : memref<1000x16384xf32, #tpu.memory_space<hbm>> -> memref<8x2048xf32, #tpu.memory_space<hbm>>
    %dma_wait3A_92 = arith.constant 0 : i32
    %dma_wait3A_93 = arith.constant 0 : i32
    %dma_wait3A_94 = tpu.memref_slice %arg5[%dma_wait3A_92, %dma_wait3A_93] : memref<1000x16384xf32, #tpu.memory_space<hbm>> -> memref<8x2048xf32, #tpu.memory_space<hbm>>
    tpu.wait_dma2 semaphore(%arg21 : memref<!tpu.dma_semaphore, #tpu.memory_space<semaphore_mem>>) src(%dma_wait3A_94 : memref<8x2048xf32, #tpu.memory_space<hbm>>) dst(%arg14 : memref<8x2048xf32, #tpu.memory_space<vmem>>)
    return
  }
}

</mosaic_0001>

<sc_bundles>
// kernel: kernel.3.cloned.1.call-start
scs
__scs_entry_jumppad:
0x0: {  	(pc) =	sbr.rel $0x88, $3  }
0x1: {  	(tag) =	ssettag $0x0;
	lr =	simm.s32 $0x1  }
0x2: {  	[smem:$0x3F9D] =	sst lr;
	_ =	strace $0xD0000000  }
0x3: {  	_ = 	snop  }
0x4: {  	_ = 	snop  }
0x5: {  	_ = 	snop  }
0x6: {  	_ = 	snop  }
0x7: {  	_ = 	snop  }
__scs_overlays_trampoline_lowered:
0x8: {  	[smem:$0x3FAC] =	sst s0  }
0x9: {  	[smem:$0x3FAD] =	sst s1  }
0xa: {  	[smem:$0x3FAE] =	sst s2  }
0xb: {  	[smem:$0x3FAF] =	sst s3  }
0xc: {  	[smem:$0x3FB0] =	sst s4  }
0xd: {  	[smem:$0x3FB1] =	sst s5  }
0xe: {  	[smem:$0x3FB2] =	sst s6  }
0xf: {  	[smem:$0x3FB3] =	sst s7  }
0x10: {  	[smem:$0x3FB4] =	sst s8  }
0x11: {  	[smem:$0x3FB5] =	sst s9;
	s0 =	simm.s32 @!p0 $0x0  }
0x12: {  	s1 =	sld [smem:$0x3F9B];
	s0 =	simm.s32 @p0 $0x1  }
0x13: {  	[smem:$0x3FB6] =	sst s0;
	s0 =	simm.s32 @!p1 $0x0  }
0x14: {  	s2 =	sld [smem:$0x3F9A];
	s0 =	simm.s32 @p1 $0x1  }
0x15: {  	[smem:$0x3FB7] =	sst s0;
	s0 =	simm.s32 @!p2 $0x0  }
0x16: {  	s3 =	sld [smem:$0x3FDB];
	s0 =	simm.s32 @p2 $0x1  }
0x17: {  	s4 =	simm.s32 $0x1BF5;
	[smem:$0x3FB9] =	sst s0  }
0x18: {  	s0 =	sld [smem:$0x3F9C];
	_ =	swait.ge [sflag:s4], $0x0  }
0x19: {  	s7 =	sld [smem:$0x3F9D]  }
0x1a: {  	s8 =	sadd.s32 $0xFFFFE003, lr  }
0x1b: {  	s9 =	sadd.s32 $0xFFFFFEF7, lr;
	s5 =	simm.s32 $0xFFFFFFFF;
	p2 =	slt.u32 s8, $0xFFFFF086  }
0x1c: {  	p1 =	slt.u32 s9, $0xF7A;
	s5 =	simm.s32 @!p2 $0x0  }
0x1d: {  	s5 =	simm.s32 @p1 $0x1;
	p0 =	seq.s32 s7, s2  }
0x1e: {  	s7 =	smul.u32 @!p0 $0xF7A, s2;
	p2 =	seq.s32 @!p0 s5, $0x0  }
0x1f: {  	s9 =	smul.u32 $0xF7A, s1;
	s8 =	simm.s32 @!p0 $0x1BF5;
	p2 =	por !p2, p0  }
0x20: {  	[sflag:s8] =	ssyncset.s32 @!p0 $0xFFFFF086;
	s6 =	sadd.s32 @!p0 s3, s7;
	s7 =	simm.s32 @!p0 $0x108  }
0x21: {  	s3 =	sadd.s32 s3, s9;
	s6 =	sadd.s32 @!p0 $0x88, s6;
	s7 =	simm.s32 @p2 $0x1082  }
0x22: {  	[simem:s7], [sflag:s8] =	dma.local @!p0 [hbm:s6], $0xF7A  }
0x23: {  	s9 =	sor.u32 $0xD0000000, s2;
	s6 =	simm.s32 $0x108;
	_ =	swait.ge @!p0 [sflag:s8], $0x0  }
0x24: {  	s3 =	sadd.s32 $0x88, s3;
	s6 =	simm.s32 @!p1 $0x1082;
	[sflag:s4] =	ssyncset.s32 $0xFFFFF086  }
0x25: {  	[simem:s6], [sflag:s4] =	dma.local [hbm:s3], $0xF7A  }
0x26: {  	[smem:$0x3F9D] =	sst s1;
	(tag) =	ssettag s2;
	_ =	strace s9  }
0x27: {  	s1 =	sld [smem:$0x3FAD]  }
0x28: {  	s2 =	sld [smem:$0x3FAE]  }
0x29: {  	s4 =	sld [smem:$0x3FB0]  }
0x2a: {  	p0 =	seq.s32 s5, $0x0;
	s5 =	sld [smem:$0x3FB1]  }
0x2b: {  	s6 =	sld [smem:$0x3FB2]  }
0x2c: {  	s7 =	sld [smem:$0x3FB3]  }
0x2d: {  	s3 =	simm.s32 $0x108;
	s8 =	sld [smem:$0x3FB4]  }
0x2e: {  	s3 =	simm.s32 @!p0 $0x1082;
	s9 =	sld [smem:$0x3FB5]  }
0x2f: {  	lr =	sadd.s32 s0, s3;
	s0 =	sld [smem:$0x3FAC]  }
0x30: {  	s3 =	sld [smem:$0x3FAF]  }
0x31: {  	[smem:$0x3FB8] =	sst s10  }
0x32: {  	s10 =	sld [smem:$0x3FB6];
	_ =	sdelay $0x3  }
0x33: {  	p0 =	seq.s32 s10, $0x1;
	s10 =	sld [smem:$0x3FB8];
	_ =	sdelay $0x3  }
0x34: {  	[smem:$0x3FB8] =	sst s10  }
0x35: {  	s10 =	sld [smem:$0x3FB7];
	_ =	sdelay $0x3  }
0x36: {  	p1 =	seq.s32 s10, $0x1;
	s10 =	sld [smem:$0x3FB8];
	_ =	sdelay $0x3  }
0x37: {  	[smem:$0x3FB8] =	sst s10  }
0x38: {  	s10 =	sld [smem:$0x3FB9]  }
0x39: {  	_ = 	snop;
	(pc) =	sbr.ind lr, $3  }
0x3a: {  	_ = 	snop  }
0x3b: {  	_ = 	snop  }
0x3c: {  	p2 =	seq.s32 s10, $0x1;
	s10 =	sld [smem:$0x3FB8]  }
0x3d: {  	_ =	shalt  }
0x3e: {  	_ =	shalt  }
0x3f: {  	_ =	shalt  }
0x40: {  	_ =	shalt  }
0x41: {  	_ =	shalt  }
0x42: {  	_ =	shalt  }
0x43: {  	_ =	shalt  }
0x44: {  	_ =	shalt  }
0x45: {  	_ =	shalt  }
0x46: {  	_ =	shalt  }
0x47: {  	_ =	shalt  }
0x48: {  	_ =	shalt  }
0x49: {  	_ =	shalt  }
0x4a: {  	_ =	shalt  }
0x4b: {  	_ =	shalt  }
0x4c: {  	_ =	shalt  }
0x4d: {  	_ =	shalt  }
0x4e: {  	_ =	shalt  }
0x4f: {  	_ =	shalt  }
0x50: {  	_ =	shalt  }
0x51: {  	_ =	shalt  }
0x52: {  	_ =	shalt  }
0x53: {  	_ =	shalt  }
0x54: {  	_ =	shalt  }
0x55: {  	_ =	shalt  }
0x56: {  	_ =	shalt  }
0x57: {  	_ =	shalt  }
0x58: {  	_ =	shalt  }
0x59: {  	_ =	shalt  }
0x5a: {  	_ =	shalt  }
0x5b: {  	_ =	shalt  }
0x5c: {  	_ =	shalt  }
0x5d: {  	_ =	shalt  }
0x5e: {  	_ =	shalt  }
0x5f: {  	_ =	shalt  }
0x60: {  	_ =	shalt  }
0x61: {  	_ =	shalt  }
0x62: {  	_ =	shalt  }
0x63: {  	_ =	shalt  }
0x64: {  	_ =	shalt  }
0x65: {  	_ =	shalt  }
0x66: {  	_ =	shalt  }
0x67: {  	_ =	shalt  }
0x68: {  	_ =	shalt  }
0x69: {  	_ =	shalt  }
0x6a: {  	_ =	shalt  }
0x6b: {  	_ =	shalt  }
0x6c: {  	_ =	shalt  }
0x6d: {  	_ =	shalt  }
0x6e: {  	_ =	shalt  }
0x6f: {  	_ =	shalt  }
0x70: {  	_ =	shalt  }
0x71: {  	_ =	shalt  }
0x72: {  	_ =	shalt  }
0x73: {  	_ =	shalt  }
0x74: {  	_ =	shalt  }
0x75: {  	_ =	shalt  }
0x76: {  	_ =	shalt  }
0x77: {  	_ =	shalt  }
0x78: {  	_ =	shalt  }
0x79: {  	_ =	shalt  }
0x7a: {  	_ =	shalt  }
0x7b: {  	_ =	shalt  }
0x7c: {  	_ =	shalt  }
0x7d: {  	_ =	shalt  }
0x7e: {  	_ =	shalt  }
0x7f: {  	_ =	shalt  }
0x80: {  	_ =	shalt  }
0x81: {  	_ =	shalt  }
0x82: {  	_ =	shalt  }
0x83: {  	_ =	shalt  }
0x84: {  	_ =	shalt  }
0x85: {  	_ =	shalt  }
0x86: {  	_ =	shalt  }
0x87: {  	_ =	shalt  }
.Lfunc_end0:
.L_simem_size_0:
called_computation_lowered:
.L_overlay_start_0:
0x88: {  	s2 =	sld [smem:$0x3FD9]  }
0x89: {  	s3 =	sld [smem:$0x3FFE];
	_ =	sdelay $0x1  }
0x8a: {  	s1 =	srdreg.scid  }
0x8b: {  	s0 =	sand.u32 $0x1, s1  }
0x8c: {  	s14 =	sshll.u32 s0, $0xA;
	s2 =	sadd.s32 s3, s2  }
0x8d: {  	s2 =	sadd.s32 s2, s14  }
0x8e: {  	[smem:$0x3FC4] =	sst s2  }
0x8f: {  	_ = 	snop  }
0x90: {  	s2 =	sld [smem:$0x3FD0];
	_ =	sdelay $0x1  }
0x91: {  	s15 =	sld [smem:$0x3FC9]  }
0x92: {  	s5 =	simm.s32 $0xA;
	s6 =	simm.s32 $0x10;
	s4 =	sld [smem:$0x3FC8]  }
0x93: {  	[smem:s6], [sflag:s5] =	dma.local [hbm:s2], $0x1  }
0x94: {  	_ =	swait.eq [sflag:s5], $0x1  }
0x95: {  	s16 =	sld [smem:$0x10];
	[sflag:s5] =	ssyncset.done $0x0  }
0x96: {  	s17 =	sld [smem:$0x11];
	[sflag:s5] =	ssyncadd.s32 $0xFFFFFFFF  }
0x97: {  	s18 =	sld [smem:$0x12];
	(tm) =	ssettm $0x1  }
0x98: {  	s7 =	sld [smem:$0x3FFB];
	_ =	sdelay $0x3  }
0x99: {  	_ =	strace s7  }
0x9a: {  	s7 =	sld [smem:$0x3FFC];
	_ =	sdelay $0x3  }
0x9b: {  	_ =	strace s7  }
0x9c: {  	s7 =	sld [smem:$0x3FFD];
	_ =	sdelay $0x3  }
0x9d: {  	_ =	strace s7  }
0x9e: {  	_ =	strace $0x8FFFFFFF  }
0x9f: {  	s19 =	sld [smem:$0x3FDB];
	_ =	sdelay $0x1  }
0xa0: {  	s8 =	simm.s32 $_scs_section_size  }
0xa1: {  	s9 =	simm.s32 $_size__tile_overlayer_lowered;
	s10 =	simm.s32 $_tile_overlayer_lowered  }
0xa2: {  	s22 =	simm.s32 $0x1BFF;
	s21 =	sshll.u32 s10, $0x1;
	s7 =	sadd.s32 s8, s19  }
0xa3: {  	s11 =	simm.s32 $0x0;
	s20 =	sshll.u32 s9, $0x1;
	s9 =	sadd.s32 s21, s7  }
0xa4: {  	[timem:s11], [sflag:s22] =	dma.local [hbm:s9], s20  }
0xa5: {  	_ =	swait.ge [sflag:s22], s20  }
0xa6: {  	s8 =	ssub.s32 $0x0, s20;
	[sflag:s22] =	ssyncset.done $0x0  }
0xa7: {  	[sflag:s22] =	ssyncadd.s32 s8;
	_ =	sdelay $0x1  }
0xa8: {  	s23 =	simm.s32 $0x1B8B  }
0xa9: {  	_ =	swait.ge [sflag:s23], $0x1  }
0xaa: {  	[sflag:s23] =	ssyncset.done $0x0  }
0xab: {  	s25 =	simm.s32 $0x1B8E;
	s24 =	sld [smem:$0x3FFE];
	[sflag:s23] =	ssyncadd.s32 $0xFFFFFFFF  }
0xac: {  	s26 =	simm.s32 $execute0_lowered;
	[smem:$0x3FD2] =	sst s25  }
0xad: {  	s9 =	sshll.u32 s26, $0x1;
	_ =	strace $0x80000046;
	[dreg:$0x1] =	wrdreg $0xFFFFFFFF  }
0xae: {  	s28 =	simm.s32 $_size_execute0_lowered;
	s7 =	sadd.s32 s7, s9;
	[dreg:$0x0] =	wrdreg $0x0  }
0xaf: {  	s9 =	sshll.u32 s28, $0x1;
	[dreg:$0x2] =	wrdreg s7  }
0xb0: {  	[dreg:$0x3] =	wrdreg s9  }
0xb1: {  	[dreg:$0x4] =	wrdreg $0xC0  }
0xb2: {  	_ =	task [dreg:s11], $0x5FFFF  }
0xb3: {  	[dreg:$0x1] =	wrdreg $0xFFFFFFFF  }
0xb4: {  	[dreg:$0x0] =	wrdreg $0x60  }
0xb5: {  	[dreg:$0x2] =	wrdreg s15  }
0xb6: {  	[dreg:$0x3] =	wrdreg s4  }
0xb7: {  	[dreg:$0x4] =	wrdreg s24  }
0xb8: {  	[dreg:$0x5] =	wrdreg s18  }
0xb9: {  	[dreg:$0x6] =	wrdreg s16  }
0xba: {  	[dreg:$0x7] =	wrdreg s17  }
0xbb: {  	[dreg:$0x8] =	wrdreg $0x9  }
0xbc: {  	_ =	task.clear_ibuf [dreg:s11], $0x9FFFF;
	_ =	strace $0x90000046  }
0xbd: {  	s29 =	simm.s32 $0x9;
	_ =	strace $0x80000048  }
0xbe: {  	_ =	swait.ge [sflag:s29], $0x1  }
0xbf: {  	[sflag:s29] =	ssyncadd.s32 $0xFFFFFFFF  }
0xc0: {  	_ =	strace $0x90000048  }
0xc1: {  	_ =	sfence  }
0xc2: {  	s30 =	sld [smem:$0x0];
	_ =	sdelay $0x2  }
0xc3: {  	s31 =	sshll.u32 s1, $0xD;
	s1 =	sshrl.u32 s1, $0x2  }
0xc4: {  	s3 =	sand.u32 $0x4000, s31;
	s1 =	sadd.s32 s1, s30  }
0xc5: {  	s0 =	sor.u32 s3, s0;
	s1 =	sshll.u32 s1, $0x11  }
0xc6: {  	s0 =	sor.u32 s1, s0  }
0xc7: {  	s0 =	sadd.s32 $0x8F2B, s0  }
0xc8: {  	[sflag:s0] =	ssyncadd.remote.s32 $0x1  }
0xc9: {  	_ =	sfence.sel $0xFFFF  }
0xca: {  	[dreg:$0x0] =	wrdreg $0xFFFFFFFF;
	(pc) =	sbr.abs _section_cstart, $3  }
0xcb: {  	[dreg:$0x1] =	wrdreg $0xFFFFFFFF  }
0xcc: {  	_ =	task.clear_ibuf [dreg:s11], $0x2FFFF;
	_ =	strace $0x9FFFFFFF  }
0xcd: {  	(tm) =	ssettm $0x7FFFFFFF  }
tec
execute0_lowered:
.L_overlay_start_1:
0x0: {  	(tag) =	ssettag $0x1  }
0x1: {  	s0 =	rddreg [dreg:$0x2]  }
0x2: {  	s9 =	rddreg [dreg:$0x3]  }
0x3: {  	s5 =	rddreg [dreg:$0x4]  }
0x4: {  	s3 =	rddreg [dreg:$0x5];
	s6 =	simm.s32 $0x0  }
0x5: {  	[smem:$0x7FF] =	sst s6;
	s21 =	sadd.s32 $0x800, s9  }
0x6: {  	s22 =	sadd.s32 $0x1000, s9;
	_ =	strace $0x80000047;
	[dreg:$0x9] =	wrdreg s21  }
0x7: {  	s1 =	srdreg.scid;
	s23 =	sadd.s32 $0x1800, s9;
	[dreg:$0xa] =	wrdreg s22  }
0x8: {  	s2 =	stileid.u32;
	s24 =	sadd.s32 $0x2000, s9;
	[dreg:$0xb] =	wrdreg s23  }
0x9: {  	s1 =	sand.u32 $0x1, s1;
	s25 =	sadd.s32 $0x2800, s9;
	[dreg:$0xc] =	wrdreg s24  }
0xa: {  	s2 =	sshll.u32 s2, $0x1;
	s26 =	sadd.s32 $0x3000, s9;
	[dreg:$0xd] =	wrdreg s25  }
0xb: {  	s28 =	sadd.s32 $0x3800, s9;
	s2 =	sor.u32 s1, s2;
	[dreg:$0xe] =	wrdreg s26  }
0xc: {  	s1 =	ssub.s32 $0x2, s1;
	[dreg:$0xf] =	wrdreg s28;
	s21 =	simm.s32 $0x4000  }
0xd: {  	s23 =	simm.s32 $0x1;
	s25 =	simm.s32 $0x2;
	s4 =	smul.u32 $0xFA, s2  }
0xe: {  	s24 =	simm.s32 $0x3;
	s8 =	sshrl.u32 s1, $0x1;
	s17 =	sshll.u32 s2, $0x9  }
0xf: {  	s29 =	sshll.u32 s2, $0x6;
	s1 =	ssub.s32 s1, s8;
	s7 =	sshll.u32 s4, $0x3  }
0x10: {  	s19 =	sadd.s32 $0xFA, s4;
	s30 =	smax.u32 s1, $0x1;
	s7 =	sand.u32 $0xFF00, s7  }
0x11: {  	s20 =	sshrl.u32 s19, $0x5;
	[dreg:$0x11] =	wrdreg s30;
	s0 =	sadd.s32 s7, s0  }
0x12: {  	s2 =	simm.s32 $0x0;
	[dreg:$0x7] =	wrdreg s20;
	s0 =	sadd.s32 $0x800, s0  }
0x13: {  	s31 =	sshrl.u32 s4, $0x5;
	[dreg:$0x8] =	wrdreg s0;
	s0 =	sadd.s32 s3, s29  }
0x14: {  	p0 =	sge.u32 s31, s20;
	s20 =	simm.s32 $0x1C000;
	[dreg:$0x10] =	wrdreg s0  }
.LBB2_1:
0x15: {  	[dreg:$0x12] =	wrdreg s2  }
0x16: {  	s0 =	rddreg [dreg:$0x0]  }
0x17: {  	[tilespmem:s6], [sflag:$0x1] =	stream.linear.gather [hbm4b:s0+s6], $0x4000, $0x38;
	[tilespmem:$0x1C300] =	vst v63  }
0x18: {  	s29 =	rddreg [dreg:$0x1]  }
0x19: {  	[tilespmem:s20], [sflag:$0x2] =	stream.linear.gather [hbm4b:s29+s6], $0x100, $0x38;
	[tilespmem:$0x1C300] =	vst v63  }
0x1a: {  	s30 =	rddreg [dreg:$0x8]  }
0x1b: {  	[tilespmem:s21], [sflag:$0x3] =	stream.linear.gather [hbm4b:s30+s6], $0x4000, $0x38;
	[tilespmem:$0x1C300] =	vst v63  }
0x1c: {  	_ =	swait.ge [sflag:s23], $0x4000  }
0x1d: {  	[sflag:s23] =	ssyncset.done $0x0  }
0x1e: {  	[sflag:s23] =	ssyncadd.s32 $0xFFFFC000  }
0x1f: {  	_ =	swait.ge [sflag:s25], $0x100  }
.Ltmp0:
0x20: {  	[sflag:s25] =	ssyncset.done $0x0;
	(pc) =	sbr.rel @p0 .LBB2_19-.Ltmp0, $4  }
0x21: {  	[sflag:s25] =	ssyncadd.s32 $0xFFFFFF00  }
0x22: {  	_ =	swait.ge [sflag:s24], $0x4000  }
0x23: {  	[sflag:s24] =	ssyncset.done $0x0  }
0x24: {  	s7 =	smov.u32 s31;
	[sflag:s24] =	ssyncadd.s32 $0xFFFFC000  }
.LBB2_2:
0x25: {  	p2 =	sle.u32 s7, s31  }
0x26: {  	s2 =	simm.s32 $0x0;
	s0 =	simm.s32 @!p2 $0x1  }
0x27: {  	s3 =	sand.u32 $0x40, s2;
	_ =	swait.ge @!p2 [sflag:s0], $0x4000  }
0x28: {  	s1 =	sand.u32 $0x780, s2;
	s4 =	sor.u32 $0x30, s3;
	[sflag:s0] =	ssyncset.done @!p2 $0x0  }
0x29: {  	s14 =	sor.u32 $0x10, s3;
	s8 =	sor.u32 s4, s1;
	[sflag:s0] =	ssyncadd.s32 @!p2 $0xFFFFC000  }
0x2a: {  	s15 =	sor.u32 $0x20, s3;
	s9 =	sor.u32 s14, s1;
	v14 =	vld [tilespmem:s8+$0x0]  }
0x2b: {  	s10 =	sor.u32 s15, s1;
	v13 =	vld [tilespmem:s9+$0x0]  }
0x2c: {  	s16 =	ssub.s32 s7, s31;
	v12 =	vld [tilespmem:s10+$0x0]  }
0x2d: {  	s1 =	sshll.u32 s16, $0xB;
	v11 =	vld [tilespmem:s2+$0x0]  }
0x2e: {  	v0 =	vmov s1  }
0x2f: {  	v2 =	vadd.s32 v0, v14  }
0x30: {  	v3 =	vadd.s32 v0, v13  }
0x31: {  	v5 =	vadd.s32 v0, v12  }
0x32: {  	v4 =	vadd.s32 v0, v11  }
0x33: {  	s9 =	sor.u32 $0x100, s1  }
0x34: {  	v1 =	vmov s9;
	v2 =	vld.idx.msk [tilespmem:v2+s21+$0x0], $0xffff  }
0x35: {  	v6 =	vadd.s32 v1, v14;
	v3 =	vld.idx.msk [tilespmem:v3+s21+$0x0], $0xffff  }
0x36: {  	s2 =	sand.u32 $0x3C00, s2;
	v7 =	vadd.s32 v1, v13;
	v5 =	vld.idx.msk [tilespmem:v5+s21+$0x0], $0xffff  }
0x37: {  	s18 =	sor.u32 $0x8000, s2;
	v9 =	vadd.s32 v1, v12;
	v4 =	vld.idx.msk [tilespmem:v4+s21+$0x0], $0xffff  }
0x38: {  	s13 =	sor.u32 s4, s18;
	v8 =	vadd.s32 v1, v11  }
0x39: {  	s19 =	sor.u32 $0x200, s1;
	s0 =	sor.u32 s14, s18;
	[tilespmem:s13+$0x0] =	vst v2  }
0x3a: {  	s23 =	sor.u32 s15, s18;
	v2 =	vmov s19;
	[tilespmem:s0+$0x0] =	vst v3;
	v3 =	vld.idx.msk [tilespmem:v6+s21+$0x0], $0xffff  }
0x3b: {  	s22 =	sor.u32 s3, s18;
	[tilespmem:s23+$0x0] =	vst v5;
	v6 =	vld.idx.msk [tilespmem:v7+s21+$0x0], $0xffff;
	v7 =	vadd.s32 v2, v14  }
0x3c: {  	[tilespmem:s22+$0x0] =	vst v4;
	v10 =	vadd.s32 v2, v13;
	v5 =	vld.idx.msk [tilespmem:v9+s21+$0x0], $0xffff  }
0x3d: {  	v8 =	vld.idx.msk [tilespmem:v8+s21+$0x0], $0xffff;
	v15 =	vadd.s32 v2, v12  }
0x3e: {  	v9 =	vadd.s32 v2, v11  }
0x3f: {  	s26 =	sor.u32 $0x300, s1;
	[tilespmem:s13+$0x80] =	vst v3  }
0x40: {  	s28 =	simm.s32 $0x40;
	v4 =	vmov s26;
	[tilespmem:s0+$0x80] =	vst v6;
	v3 =	vld.idx.msk [tilespmem:v7+s21+$0x0], $0xffff  }
0x41: {  	s10 =	sand.u32 $0x40, s28;
	[tilespmem:s23+$0x80] =	vst v5;
	v6 =	vld.idx.msk [tilespmem:v10+s21+$0x0], $0xffff;
	v7 =	vadd.s32 v4, v14  }
0x42: {  	s8 =	sand.u32 $0x780, s28;
	s12 =	sor.u32 $0x10, s10;
	[tilespmem:s22+$0x80] =	vst v8;
	v10 =	vadd.s32 v4, v13;
	v5 =	vld.idx.msk [tilespmem:v15+s21+$0x0], $0xffff  }
0x43: {  	s14 =	sor.u32 s12, s8;
	v16 =	vadd.s32 v4, v12;
	v9 =	vld.idx.msk [tilespmem:v9+s21+$0x0], $0xffff  }
0x44: {  	v18 =	vld [tilespmem:s14+$0x0]  }
0x45: {  	v8 =	vld [tilespmem:s28+$0x0];
	v15 =	vadd.s32 v4, v11;
	[tilespmem:s13+$0x100] =	vst v3  }
0x46: {  	s9 =	sor.u32 $0x400, s1;
	[tilespmem:s0+$0x100] =	vst v6;
	v6 =	vld.idx.msk [tilespmem:v7+s21+$0x0], $0xffff  }
0x47: {  	s11 =	sor.u32 $0x30, s10;
	v3 =	vmov s9;
	[tilespmem:s23+$0x100] =	vst v5;
	v7 =	vld.idx.msk [tilespmem:v10+s21+$0x0], $0xffff  }
0x48: {  	s25 =	sor.u32 s11, s8;
	[tilespmem:s22+$0x100] =	vst v9;
	v9 =	vadd.s32 v3, v14;
	v16 =	vld.idx.msk [tilespmem:v16+s21+$0x0], $0xffff  }
0x49: {  	v19 =	vadd.s32 v3, v13;
	v10 =	vld [tilespmem:s25+$0x0]  }
0x4a: {  	s28 =	sor.u32 $0x20, s10;
	v15 =	vld.idx.msk [tilespmem:v15+s21+$0x0], $0xffff;
	v20 =	vadd.s32 v3, v12  }
0x4b: {  	s8 =	sor.u32 s28, s8;
	v17 =	vadd.s32 v0, v8  }
0x4c: {  	v22 =	vld [tilespmem:s8+$0x0];
	[tilespmem:s13+$0x180] =	vst v6  }
0x4d: {  	p1 =	por $0x0, $0x0;
	v6 =	vadd.s32 v3, v11;
	s13 =	simm.s32 $0x1;
	[tilespmem:s0+$0x180] =	vst v7;
	v21 =	vld.idx.msk [tilespmem:v9+s21+$0x0], $0xffff  }
0x4e: {  	s26 =	sor.u32 $0x500, s1;
	[tilespmem:s23+$0x180] =	vst v16;
	v16 =	vadd.s32 v0, v10;
	s13 =	simm.s32 @!p1 $0x0;
	v19 =	vld.idx.msk [tilespmem:v19+s21+$0x0], $0xffff  }
0x4f: {  	v5 =	vmov s26;
	[tilespmem:s22+$0x180] =	vst v15;
	v15 =	vld.idx.msk [tilespmem:v20+s21+$0x0], $0xffff;
	v20 =	vadd.s32 v0, v18;
	s9 =	sshll.u32 s13, $0x6  }
0x50: {  	v17 =	vld.idx.msk [tilespmem:v17+s21+$0x0], $0xffff;
	v7 =	vadd.s32 v5, v14;
	s0 =	sadd.s32 $0x0, s9;
	s9 =	simm.s32 $0x80  }
0x51: {  	s18 =	simm.s32 $0x200;
	v23 =	vadd.s32 v5, v13;
	s8 =	sadd.s32 $0x30, s0;
	v9 =	vld [tilespmem:s9+$0x0]  }
0x52: {  	v25 =	vadd.s32 v0, v22;
	s22 =	sand.u32 $0x3C00, s18;
	s3 =	sadd.s32 $0x10, s0;
	v24 =	vld.idx.msk [tilespmem:v6+s21+$0x0], $0xffff;
	s13 =	sor.u32 $0x200, s8  }
0x53: {  	s23 =	sor.u32 $0x8000, s22;
	s15 =	sor.u32 $0x200, s3;
	v16 =	vld.idx.msk [tilespmem:v16+s21+$0x0], $0xffff;
	[tilespmem:s13+$0x8000] =	vst v21;
	v21 =	vadd.s32 v5, v12  }
0x54: {  	s14 =	sor.u32 $0x600, s1;
	v26 =	vadd.s32 v5, v11;
	s4 =	sor.u32 s10, s23;
	s2 =	sadd.s32 $0x20, s0;
	[tilespmem:s15+$0x8000] =	vst v19;
	v19 =	vld.idx.msk [tilespmem:v20+s21+$0x0], $0xffff  }
0x55: {  	v27 =	vadd.s32 v1, v10;
	[tilespmem:s4+$0x0] =	vst v17;
	v6 =	vmov s14;
	s16 =	sor.u32 $0x200, s2;
	v7 =	vld.idx.msk [tilespmem:v7+s21+$0x0], $0xffff  }
0x56: {  	s19 =	sor.u32 $0x200, s0;
	v20 =	vadd.s32 v6, v14;
	[tilespmem:s16+$0x8000] =	vst v15;
	v23 =	vld.idx.msk [tilespmem:v23+s21+$0x0], $0xffff  }
0x57: {  	v28 =	vadd.s32 v1, v18;
	s11 =	sor.u32 s11, s23;
	v15 =	vld.idx.msk [tilespmem:v25+s21+$0x0], $0xffff;
	[tilespmem:s19+$0x8000] =	vst v24  }
0x58: {  	v29 =	vadd.s32 v6, v13;
	s13 =	sor.u32 s12, s23;
	[tilespmem:s11+$0x0] =	vst v16;
	v21 =	vld.idx.msk [tilespmem:v21+s21+$0x0], $0xffff  }
0x59: {  	s25 =	sor.u32 $0x280, s8;
	v25 =	vadd.s32 v1, v22;
	v26 =	vld.idx.msk [tilespmem:v26+s21+$0x0], $0xffff;
	[tilespmem:s13+$0x0] =	vst v19  }
0x5a: {  	s1 =	sor.u32 $0x700, s1;
	s26 =	sor.u32 $0x280, s3;
	v24 =	vadd.s32 v1, v8;
	v19 =	vld.idx.msk [tilespmem:v27+s21+$0x0], $0xffff;
	[tilespmem:s25+$0x8000] =	vst v7  }
0x5b: {  	v7 =	vmov s1;
	s1 =	sor.u32 s28, s23;
	[tilespmem:s26+$0x8000] =	vst v23;
	v16 =	vld.idx.msk [tilespmem:v20+s21+$0x0], $0xffff;
	v20 =	vadd.s32 v6, v12  }
0x5c: {  	v17 =	vld.idx.msk [tilespmem:v28+s21+$0x0], $0xffff;
	[tilespmem:s1+$0x0] =	vst v15;
	v15 =	vadd.s32 v2, v10  }
0x5d: {  	v27 =	vadd.s32 v2, v18;
	v28 =	vld.idx.msk [tilespmem:v29+s21+$0x0], $0xffff  }
0x5e: {  	s28 =	sor.u32 $0x280, s2;
	v14 =	vadd.s32 v7, v14;
	v25 =	vld.idx.msk [tilespmem:v25+s21+$0x0], $0xffff  }
0x5f: {  	v13 =	vadd.s32 v7, v13;
	v24 =	vld.idx.msk [tilespmem:v24+s21+$0x0], $0xffff;
	[tilespmem:s28+$0x8000] =	vst v21  }
0x60: {  	v23 =	vadd.s32 v2, v8;
	[tilespmem:s11+$0x80] =	vst v19;
	v29 =	vld.idx.msk [tilespmem:v20+s21+$0x0], $0xffff  }
0x61: {  	s12 =	sor.u32 $0x300, s8;
	v21 =	vadd.s32 v2, v22;
	[tilespmem:s13+$0x80] =	vst v17;
	v15 =	vld.idx.msk [tilespmem:v15+s21+$0x0], $0xffff  }
0x62: {  	s15 =	sor.u32 $0x300, s3;
	[tilespmem:s12+$0x8000] =	vst v16;
	v16 =	vadd.s32 v6, v11;
	v19 =	vld.idx.msk [tilespmem:v27+s21+$0x0], $0xffff  }
0x63: {  	[tilespmem:s15+$0x8000] =	vst v28;
	v14 =	vld.idx.msk [tilespmem:v14+s21+$0x0], $0xffff  }
0x64: {  	v13 =	vld.idx.msk [tilespmem:v13+s21+$0x0], $0xffff;
	[tilespmem:s4+$0x80] =	vst v24  }
0x65: {  	s10 =	sand.u32 $0x40, s9;
	s14 =	sor.u32 $0x280, s0;
	[tilespmem:s1+$0x80] =	vst v25;
	v24 =	vadd.s32 v4, v10;
	v23 =	vld.idx.msk [tilespmem:v23+s21+$0x0], $0xffff  }
0x66: {  	s22 =	sand.u32 $0x780, s9;
	s29 =	sor.u32 $0x30, s10;
	[tilespmem:s14+$0x8000] =	vst v26;
	v25 =	vadd.s32 v4, v18;
	v21 =	vld.idx.msk [tilespmem:v21+s21+$0x0], $0xffff  }
0x67: {  	s30 =	sor.u32 $0x10, s10;
	s23 =	sor.u32 s29, s22;
	v26 =	vadd.s32 v4, v8;
	v16 =	vld.idx.msk [tilespmem:v16+s21+$0x0], $0xffff;
	[tilespmem:s11+$0x100] =	vst v15  }
0x68: {  	s8 =	sor.u32 $0x380, s8;
	v27 =	vadd.s32 v4, v22;
	s15 =	sor.u32 s30, s22;
	[tilespmem:s13+$0x100] =	vst v19;
	v15 =	vld [tilespmem:s23+$0x0]  }
0x69: {  	v17 =	vadd.s32 v0, v9;
	v19 =	vld [tilespmem:s15+$0x0];
	[tilespmem:s8+$0x8000] =	vst v14  }
0x6a: {  	v12 =	vadd.s32 v7, v12;
	v14 =	vld.idx.msk [tilespmem:v24+s21+$0x0], $0xffff;
	[tilespmem:s4+$0x100] =	vst v23  }
0x6b: {  	v23 =	vld.idx.msk [tilespmem:v25+s21+$0x0], $0xffff;
	[tilespmem:s1+$0x100] =	vst v21;
	v21 =	vadd.s32 v3, v10  }
0x6c: {  	s16 =	sor.u32 $0x300, s2;
	v24 =	vld.idx.msk [tilespmem:v26+s21+$0x0], $0xffff  }
0x6d: {  	s3 =	sor.u32 $0x380, s3;
	[tilespmem:s16+$0x8000] =	vst v29;
	v25 =	vld.idx.msk [tilespmem:v27+s21+$0x0], $0xffff;
	v26 =	vadd.s32 v3, v18  }
0x6e: {  	v31 =	vadd.s32 v3, v8;
	v28 =	vadd.s32 v3, v22;
	v20 =	vld.idx.msk [tilespmem:v17+s21+$0x0], $0xffff;
	[tilespmem:s3+$0x8000] =	vst v13  }
0x6f: {  	p1 =	por !p1, !p1;
	s12 =	sor.u32 $0x20, s10;
	v17 =	vadd.s32 v5, v18;
	v29 =	vadd.s32 v5, v10;
	s8 =	simm.s32 $0x1;
	v27 =	vld.idx.msk [tilespmem:v12+s21+$0x0], $0xffff;
	[tilespmem:s11+$0x180] =	vst v14  }
0x70: {  	s19 =	sor.u32 $0x300, s0;
	s25 =	sor.u32 s12, s22;
	v13 =	vadd.s32 v6, v22;
	s8 =	simm.s32 @!p1 $0x0;
	[tilespmem:s13+$0x180] =	vst v23;
	v30 =	vld.idx.msk [tilespmem:v21+s21+$0x0], $0xffff;
	v23 =	vadd.s32 v7, v11  }
0x71: {  	s28 =	sshll.u32 s8, $0x6;
	v12 =	vadd.s32 v7, v18;
	[tilespmem:s19+$0x8000] =	vst v16;
	v16 =	vadd.s32 v5, v22;
	v35 =	vadd.s32 v0, v15;
	v21 =	vld [tilespmem:s25+$0x0]  }
0x72: {  	s26 =	sor.u32 $0x380, s2;
	s2 =	sadd.s32 $0x200, s28;
	v36 =	vadd.s32 v0, v19;
	v14 =	vadd.s32 v6, v18;
	v32 =	vld.idx.msk [tilespmem:v26+s21+$0x0], $0xffff;
	[tilespmem:s1+$0x180] =	vst v25  }
0x73: {  	s0 =	sor.u32 $0x380, s0;
	s3 =	simm.s32 $0x8;
	s19 =	sadd.s32 $0x20, s2;
	v18 =	vadd.s32 v3, v19;
	v11 =	vadd.s32 v7, v22;
	[tilespmem:s4+$0x180] =	vst v24;
	v33 =	vld.idx.msk [tilespmem:v28+s21+$0x0], $0xffff  }
0x74: {  	s8 =	sor.u32 $0x200, s19;
	s11 =	sadd.s32 $0x10, s2;
	v22 =	vadd.s32 v4, v19;
	v25 =	vadd.s32 v5, v8;
	[tilespmem:s26+$0x8000] =	vst v27;
	s1 =	sadd.s32 $0x30, s2;
	v31 =	vld.idx.msk [tilespmem:v31+s21+$0x0], $0xffff  }
0x75: {  	s13 =	sor.u32 $0x200, s11;
	s4 =	simm.s32 $0xC0;
	v24 =	vadd.s32 v2, v19;
	v26 =	vadd.s32 v5, v19;
	v28 =	vadd.s32 v1, v19;
	s14 =	sor.u32 $0x200, s1;
	v34 =	vld.idx.msk [tilespmem:v23+s21+$0x0], $0xffff  }
.LBB2_3:
0x76: {  	v27 =	vld [tilespmem:s4+$0x0];
	v37 =	vadd.s32 v0, v21;
	v38 =	vadd.s32 v1, v21;
	v39 =	vadd.s32 v2, v21;
	s16 =	sor.u32 $0x200, s2;
	s22 =	sor.u32 $0x280, s11;
	s28 =	sor.u32 $0x280, s19;
	[tilespmem:s14+$0x8000] =	vst v30  }
0x77: {  	v30 =	vadd.s32 v4, v21;
	v23 =	vadd.s32 v3, v21;
	v40 =	vadd.s32 v5, v21;
	s26 =	sor.u32 $0x280, s2;
	s25 =	sor.u32 $0x300, s11;
	s14 =	sor.u32 $0x300, s19;
	v29 =	vld.idx.msk [tilespmem:v29+s21+$0x0], $0xffff  }
0x78: {  	v41 =	vadd.s32 v6, v19;
	v42 =	vadd.s32 v6, v21;
	s15 =	sor.u32 $0x300, s2;
	v35 =	vld.idx.msk [tilespmem:v35+s21+$0x0], $0xffff;
	[tilespmem:s13+$0x8000] =	vst v32;
	s13 =	sor.u32 $0x380, s11;
	s11 =	sor.u32 $0x380, s19  }
0x79: {  	v19 =	vadd.s32 v7, v19;
	s2 =	sor.u32 $0x380, s2;
	v32 =	vld.idx.msk [tilespmem:v36+s21+$0x0], $0xffff;
	[tilespmem:s8+$0x8000] =	vst v33;
	v33 =	vadd.s32 v6, v10  }
0x7a: {  	v21 =	vadd.s32 v7, v21;
	s18 =	sadd.s32 $0x200, s18;
	v36 =	vadd.s32 v1, v15;
	[tilespmem:s16+$0x8000] =	vst v31;
	v31 =	vld.idx.msk [tilespmem:v17+s21+$0x0], $0xffff;
	v17 =	vmov v26  }
0x7b: {  	s8 =	sand.u32 $0x3C00, s18;
	v26 =	vld.idx.msk [tilespmem:v37+s21+$0x0], $0xffff;
	[tilespmem:s0+$0x8000] =	vst v34;
	s0 =	smov.u32 s2  }
0x7c: {  	s23 =	sor.u32 $0x280, s1;
	s8 =	sor.u32 $0x8000, s8;
	v34 =	vadd.s32 v1, v9;
	v37 =	vld.idx.msk [tilespmem:v16+s21+$0x0], $0xffff;
	v16 =	vmov v40  }
0x7d: {  	s2 =	sor.u32 s10, s8;
	s19 =	sor.u32 s30, s8;
	s16 =	sor.u32 s29, s8;
	v25 =	vld.idx.msk [tilespmem:v25+s21+$0x0], $0xffff;
	[tilespmem:s23+$0x8000] =	vst v29  }
0x7e: {  	s8 =	sor.u32 s12, s8;
	[tilespmem:s16+$0x0] =	vst v35;
	v29 =	vld.idx.msk [tilespmem:v33+s21+$0x0], $0xffff  }
0x7f: {  	[tilespmem:s19+$0x0] =	vst v32;
	v32 =	vld.idx.msk [tilespmem:v36+s21+$0x0], $0xffff  }
0x80: {  	[tilespmem:s2+$0x0] =	vst v20;
	v20 =	vld.idx.msk [tilespmem:v28+s21+$0x0], $0xffff;
	v28 =	vadd.s32 v7, v10;
	v10 =	vmov v15  }
0x81: {  	v15 =	vld.idx.msk [tilespmem:v34+s21+$0x0], $0xffff;
	[tilespmem:s8+$0x0] =	vst v26;
	v26 =	vadd.s32 v2, v10  }
0x82: {  	v33 =	vld.idx.msk [tilespmem:v38+s21+$0x0], $0xffff;
	[tilespmem:s22+$0x8000] =	vst v31  }
0x83: {  	s10 =	sor.u32 $0x300, s1;
	v31 =	vadd.s32 v2, v9;
	v34 =	vld.idx.msk [tilespmem:v14+s21+$0x0], $0xffff;
	[tilespmem:s28+$0x8000] =	vst v37;
	v14 =	vmov v41  }
0x84: {  	v35 =	vld.idx.msk [tilespmem:v13+s21+$0x0], $0xffff;
	[tilespmem:s10+$0x8000] =	vst v29;
	v13 =	vmov v42  }
0x85: {  	v29 =	vadd.s32 v6, v8;
	[tilespmem:s16+$0x80] =	vst v32;
	v28 =	vld.idx.msk [tilespmem:v28+s21+$0x0], $0xffff  }
0x86: {  	[tilespmem:s19+$0x80] =	vst v20;
	v26 =	vld.idx.msk [tilespmem:v26+s21+$0x0], $0xffff  }
0x87: {  	v20 =	vadd.s32 v0, v27;
	[tilespmem:s2+$0x80] =	vst v15;
	v15 =	vld.idx.msk [tilespmem:v24+s21+$0x0], $0xffff  }
0x88: {  	v24 =	vld.idx.msk [tilespmem:v31+s21+$0x0], $0xffff;
	[tilespmem:s8+$0x80] =	vst v33;
	v31 =	vadd.s32 v4, v10  }
0x89: {  	v32 =	vld.idx.msk [tilespmem:v39+s21+$0x0], $0xffff;
	[tilespmem:s26+$0x8000] =	vst v25  }
0x8a: {  	s1 =	sor.u32 $0x380, s1;
	v25 =	vadd.s32 v4, v9;
	v29 =	vld.idx.msk [tilespmem:v29+s21+$0x0], $0xffff;
	[tilespmem:s25+$0x8000] =	vst v34  }
0x8b: {  	v33 =	vld.idx.msk [tilespmem:v12+s21+$0x0], $0xffff;
	[tilespmem:s1+$0x8000] =	vst v28;
	v12 =	vmov v19  }
0x8c: {  	v20 =	vld.idx.msk [tilespmem:v20+s21+$0x0], $0xffff;
	[tilespmem:s16+$0x100] =	vst v26  }
0x8d: {  	[tilespmem:s19+$0x100] =	vst v15;
	v26 =	vld.idx.msk [tilespmem:v31+s21+$0x0], $0xffff  }
0x8e: {  	s9 =	sadd.s32 $0x40, s9;
	[tilespmem:s2+$0x100] =	vst v24;
	v22 =	vld.idx.msk [tilespmem:v22+s21+$0x0], $0xffff  }
0x8f: {  	s3 =	sadd.s32 $0x4, s3;
	s10 =	sand.u32 $0x40, s9;
	v24 =	vld.idx.msk [tilespmem:v25+s21+$0x0], $0xffff;
	[tilespmem:s8+$0x100] =	vst v32;
	v25 =	vadd.s32 v3, v10  }
0x90: {  	p3 =	slt.u32 s3, $0x7C;
	s29 =	sor.u32 $0x30, s10;
	s1 =	sand.u32 $0x780, s9;
	v28 =	vld.idx.msk [tilespmem:v30+s21+$0x0], $0xffff;
	[tilespmem:s14+$0x8000] =	vst v35  }
0x91: {  	s30 =	sor.u32 $0x10, s10;
	s12 =	sor.u32 $0x20, s10;
	s14 =	sor.u32 s29, s1;
	[tilespmem:s15+$0x8000] =	vst v29;
	v31 =	vld.idx.msk [tilespmem:v11+s21+$0x0], $0xffff;
	v11 =	vmov v21  }
0x92: {  	s15 =	sor.u32 s30, s1;
	s1 =	sor.u32 s12, s1;
	v15 =	vld [tilespmem:s14+$0x0];
	[tilespmem:s13+$0x8000] =	vst v33  }
0x93: {  	v34 =	vadd.s32 v3, v9;
	v19 =	vld [tilespmem:s15+$0x0];
	[tilespmem:s16+$0x180] =	vst v26  }
0x94: {  	p1 =	por !p1, !p1;
	v37 =	vadd.s32 v7, v8;
	v8 =	vmov v9;
	v9 =	vmov v27;
	[tilespmem:s19+$0x180] =	vst v22;
	v30 =	vld.idx.msk [tilespmem:v25+s21+$0x0], $0xffff  }
0x95: {  	v21 =	vld [tilespmem:s1+$0x0];
	s1 =	simm.s32 $0x1  }
.Ltmp1:
0x96: {  	[tilespmem:s2+$0x180] =	vst v24;
	s1 =	simm.s32 @!p1 $0x0;
	(pc) =	sbr.rel @p3 .LBB2_3-.Ltmp1, $4  }
0x97: {  	v29 =	vadd.s32 v5, v10;
	s1 =	sshll.u32 s1, $0x6;
	v32 =	vld.idx.msk [tilespmem:v18+s21+$0x0], $0xffff;
	[tilespmem:s8+$0x180] =	vst v28  }
0x98: {  	s4 =	sadd.s32 $0x40, s4;
	v25 =	vadd.s32 v5, v8;
	v35 =	vadd.s32 v0, v15;
	s2 =	sadd.s32 s1, s18;
	v33 =	vld.idx.msk [tilespmem:v23+s21+$0x0], $0xffff;
	[tilespmem:s11+$0x8000] =	vst v31  }
0x99: {  	v36 =	vadd.s32 v0, v19;
	v28 =	vadd.s32 v1, v19;
	v24 =	vadd.s32 v2, v19;
	v31 =	vld.idx.msk [tilespmem:v34+s21+$0x0], $0xffff;
	s11 =	sadd.s32 $0x10, s2;
	s19 =	sadd.s32 $0x20, s2;
	s1 =	sadd.s32 $0x30, s2  }
0x9a: {  	v22 =	vadd.s32 v4, v19;
	v18 =	vadd.s32 v3, v19;
	v26 =	vadd.s32 v5, v19;
	s13 =	sor.u32 $0x200, s11;
	s8 =	sor.u32 $0x200, s19;
	s14 =	sor.u32 $0x200, s1;
	v34 =	vld.idx.msk [tilespmem:v37+s21+$0x0], $0xffff  }
0x9b: {  	_ =	sdelay $0x1  }
0x9c: {  	v23 =	vadd.s32 v0, v21  }
0x9d: {  	s3 =	sadd.s32 $0x200, s18  }
0x9e: {  	v27 =	vld.idx.msk [tilespmem:v35+s21+$0x0], $0xffff;
	[tilespmem:s14+$0x8000] =	vst v30;
	v53 =	vadd.s32 v1, v9;
	s4 =	sand.u32 $0x3C00, s3  }
0x9f: {  	v51 =	vadd.s32 v1, v15;
	[tilespmem:s13+$0x8000] =	vst v32;
	s4 =	sor.u32 $0x8000, s4  }
0xa0: {  	v50 =	vld.idx.msk [tilespmem:v36+s21+$0x0], $0xffff;
	s25 =	sor.u32 $0x200, s2;
	[tilespmem:s8+$0x8000] =	vst v33;
	s23 =	sor.u32 s29, s4  }
0xa1: {  	s9 =	sor.u32 s30, s4;
	s12 =	sor.u32 s12, s4;
	s4 =	sor.u32 s10, s4;
	[tilespmem:s25+$0x8000] =	vst v31;
	v23 =	vld.idx.msk [tilespmem:v23+s21+$0x0], $0xffff  }
0xa2: {  	v52 =	vadd.s32 v1, v21;
	v17 =	vld.idx.msk [tilespmem:v17+s21+$0x0], $0xffff;
	[tilespmem:s4+$0x0] =	vst v20  }
0xa3: {  	[tilespmem:s23+$0x0] =	vst v27;
	v55 =	vld.idx.msk [tilespmem:v53+s21+$0x0], $0xffff  }
0xa4: {  	v56 =	vadd.s32 v2, v9;
	[tilespmem:s0+$0x8000] =	vst v34;
	v27 =	vld.idx.msk [tilespmem:v51+s21+$0x0], $0xffff  }
0xa5: {  	v29 =	vld.idx.msk [tilespmem:v29+s21+$0x0], $0xffff;
	[tilespmem:s9+$0x0] =	vst v50  }
0xa6: {  	s28 =	sor.u32 $0x280, s11;
	v28 =	vld.idx.msk [tilespmem:v28+s21+$0x0], $0xffff;
	[tilespmem:s12+$0x0] =	vst v23;
	v23 =	vadd.s32 v2, v15  }
0xa7: {  	[tilespmem:s28+$0x8000] =	vst v17;
	v20 =	vld.idx.msk [tilespmem:v52+s21+$0x0], $0xffff  }
0xa8: {  	v54 =	vadd.s32 v2, v21;
	v16 =	vld.idx.msk [tilespmem:v16+s21+$0x0], $0xffff;
	[tilespmem:s4+$0x80] =	vst v55  }
0xa9: {  	s26 =	sor.u32 $0x280, s1;
	[tilespmem:s23+$0x80] =	vst v27;
	v27 =	vadd.s32 v6, v10;
	v59 =	vld.idx.msk [tilespmem:v56+s21+$0x0], $0xffff  }
0xaa: {  	[tilespmem:s26+$0x8000] =	vst v29;
	v17 =	vadd.s32 v4, v9;
	v14 =	vld.idx.msk [tilespmem:v14+s21+$0x0], $0xffff  }
0xab: {  	[tilespmem:s9+$0x80] =	vst v28;
	v23 =	vld.idx.msk [tilespmem:v23+s21+$0x0], $0xffff  }
0xac: {  	s13 =	sor.u32 $0x280, s19;
	v24 =	vld.idx.msk [tilespmem:v24+s21+$0x0], $0xffff;
	[tilespmem:s12+$0x80] =	vst v20;
	v20 =	vadd.s32 v4, v15  }
0xad: {  	[tilespmem:s13+$0x8000] =	vst v16;
	v57 =	vld.idx.msk [tilespmem:v54+s21+$0x0], $0xffff  }
0xae: {  	v58 =	vadd.s32 v4, v21;
	s16 =	sor.u32 $0x300, s11;
	v27 =	vld.idx.msk [tilespmem:v27+s21+$0x0], $0xffff;
	[tilespmem:s4+$0x100] =	vst v59  }
0xaf: {  	[tilespmem:s16+$0x8000] =	vst v14;
	v16 =	vld.idx.msk [tilespmem:v17+s21+$0x0], $0xffff  }
0xb0: {  	v10 =	vadd.s32 v7, v10;
	v17 =	vld.idx.msk [tilespmem:v25+s21+$0x0], $0xffff;
	[tilespmem:s23+$0x100] =	vst v23  }
0xb1: {  	[tilespmem:s9+$0x100] =	vst v24;
	v25 =	vadd.s32 v3, v9;
	v20 =	vld.idx.msk [tilespmem:v20+s21+$0x0], $0xffff  }
0xb2: {  	s14 =	sor.u32 $0x300, s1;
	v22 =	vld.idx.msk [tilespmem:v22+s21+$0x0], $0xffff;
	v23 =	vadd.s32 v3, v15;
	[tilespmem:s12+$0x100] =	vst v57  }
0xb3: {  	[tilespmem:s14+$0x8000] =	vst v27;
	v24 =	vld.idx.msk [tilespmem:v58+s21+$0x0], $0xffff  }
0xb4: {  	v60 =	vadd.s32 v3, v21;
	s15 =	sor.u32 $0x280, s2;
	v13 =	vld.idx.msk [tilespmem:v13+s21+$0x0], $0xffff;
	[tilespmem:s4+$0x180] =	vst v16  }
0xb5: {  	[tilespmem:s15+$0x8000] =	vst v17;
	v10 =	vld.idx.msk [tilespmem:v10+s21+$0x0], $0xffff  }
0xb6: {  	p1 =	por !p1, !p1;
	s0 =	simm.s32 $0x1;
	v17 =	vld.idx.msk [tilespmem:v25+s21+$0x0], $0xffff;
	[tilespmem:s23+$0x180] =	vst v20  }
0xb7: {  	s0 =	simm.s32 @!p1 $0x0;
	v14 =	vadd.s32 v5, v9;
	[tilespmem:s9+$0x180] =	vst v22;
	v20 =	vld.idx.msk [tilespmem:v23+s21+$0x0], $0xffff  }
0xb8: {  	s0 =	sshll.u32 s0, $0x6;
	s28 =	sor.u32 $0x300, s19;
	v22 =	vadd.s32 v5, v15;
	v18 =	vld.idx.msk [tilespmem:v18+s21+$0x0], $0xffff;
	[tilespmem:s12+$0x180] =	vst v24  }
0xb9: {  	s26 =	sor.u32 $0x380, s1;
	s0 =	sadd.s32 s0, s3;
	[tilespmem:s28+$0x8000] =	vst v13;
	v16 =	vld.idx.msk [tilespmem:v60+s21+$0x0], $0xffff  }
0xba: {  	s3 =	sadd.s32 $0x30, s0;
	s25 =	sor.u32 $0x200, s0;
	v23 =	vadd.s32 v5, v21;
	[tilespmem:s26+$0x8000] =	vst v10  }
0xbb: {  	s18 =	sor.u32 $0x200, s3;
	s4 =	sadd.s32 $0x10, s0;
	[tilespmem:s25+$0x8000] =	vst v17  }
0xbc: {  	s8 =	sadd.s32 $0x20, s0;
	s22 =	sor.u32 $0x200, s4;
	v24 =	vadd.s32 v6, v8;
	v10 =	vld.idx.msk [tilespmem:v14+s21+$0x0], $0xffff;
	[tilespmem:s18+$0x8000] =	vst v20  }
0xbd: {  	v13 =	vadd.s32 v6, v9;
	s23 =	sor.u32 $0x200, s8;
	[tilespmem:s22+$0x8000] =	vst v18;
	v20 =	vld.idx.msk [tilespmem:v22+s21+$0x0], $0xffff  }
0xbe: {  	v18 =	vld.idx.msk [tilespmem:v26+s21+$0x0], $0xffff;
	[tilespmem:s23+$0x8000] =	vst v16;
	v16 =	vadd.s32 v6, v15  }
0xbf: {  	v22 =	vadd.s32 v6, v19;
	v17 =	vld.idx.msk [tilespmem:v23+s21+$0x0], $0xffff  }
0xc0: {  	v12 =	vld.idx.msk [tilespmem:v12+s21+$0x0], $0xffff;
	s14 =	sor.u32 $0x280, s0;
	v23 =	vadd.s32 v6, v21  }
0xc1: {  	s10 =	sor.u32 $0x280, s3;
	v14 =	vld.idx.msk [tilespmem:v24+s21+$0x0], $0xffff;
	[tilespmem:s14+$0x8000] =	vst v10  }
0xc2: {  	s12 =	sor.u32 $0x280, s4;
	v8 =	vadd.s32 v7, v8;
	v13 =	vld.idx.msk [tilespmem:v13+s21+$0x0], $0xffff;
	[tilespmem:s10+$0x8000] =	vst v20  }
0xc3: {  	s13 =	sor.u32 $0x280, s8;
	v9 =	vadd.s32 v7, v9;
	[tilespmem:s12+$0x8000] =	vst v18;
	v16 =	vld.idx.msk [tilespmem:v16+s21+$0x0], $0xffff  }
0xc4: {  	s16 =	sor.u32 $0x380, s11;
	v15 =	vadd.s32 v7, v15;
	v18 =	vld.idx.msk [tilespmem:v22+s21+$0x0], $0xffff;
	[tilespmem:s13+$0x8000] =	vst v17  }
0xc5: {  	[tilespmem:s16+$0x8000] =	vst v12;
	s15 =	sor.u32 $0x300, s2;
	v17 =	vadd.s32 v7, v19;
	v19 =	vld.idx.msk [tilespmem:v23+s21+$0x0], $0xffff  }
0xc6: {  	v11 =	vld.idx.msk [tilespmem:v11+s21+$0x0], $0xffff;
	s25 =	sor.u32 $0x300, s0;
	v10 =	vadd.s32 v7, v21;
	[tilespmem:s15+$0x8000] =	vst v14  }
0xc7: {  	s18 =	sor.u32 $0x300, s3;
	v8 =	vld.idx.msk [tilespmem:v8+s21+$0x0], $0xffff;
	[tilespmem:s25+$0x8000] =	vst v13  }
0xc8: {  	s22 =	sor.u32 $0x300, s4;
	v9 =	vld.idx.msk [tilespmem:v9+s21+$0x0], $0xffff;
	[tilespmem:s18+$0x8000] =	vst v16  }
0xc9: {  	s23 =	sor.u32 $0x300, s8;
	[tilespmem:s22+$0x8000] =	vst v18;
	v12 =	vld.idx.msk [tilespmem:v15+s21+$0x0], $0xffff  }
0xca: {  	s26 =	sor.u32 $0x380, s19;
	v14 =	vld.idx.msk [tilespmem:v17+s21+$0x0], $0xffff;
	[tilespmem:s23+$0x8000] =	vst v19  }
0xcb: {  	p1 =	sgt.u32 s7, $0x7C;
	s28 =	sor.u32 $0x380, s2;
	[tilespmem:s26+$0x8000] =	vst v11;
	v10 =	vld.idx.msk [tilespmem:v10+s21+$0x0], $0xffff  }
0xcc: {  	s0 =	sor.u32 $0x380, s0;
	[tilespmem:s28+$0x8000] =	vst v8;
	s18 =	sshll.u32 @p1 s7, $0x11  }
0xcd: {  	s2 =	rddreg [dreg:$0x3];
	s3 =	sor.u32 $0x380, s3;
	s1 =	sadd.s32 @p1 $0xFF060000, s18;
	[tilespmem:s0+$0x8000] =	vst v9  }
0xce: {  	s9 =	sshll.u32 @!p1 s7, $0xE;
	s4 =	sor.u32 $0x380, s4;
	s1 =	sshrl.u32 @p1 s1, $0x3;
	[tilespmem:s3+$0x8000] =	vst v12  }
0xcf: {  	s2 =	sadd.s32 @!p1 s2, s9;
	s8 =	sor.u32 $0x380, s8;
	s1 =	sadd.s32 @p1 s5, s1;
	[tilespmem:s4+$0x8000] =	vst v14  }
0xd0: {  	s10 =	simm.s32 $0x8000;
	s0 =	simm.s32 @!p2 $0x2;
	s2 =	smov.u32 @p1 s1;
	[tilespmem:s8+$0x8000] =	vst v10  }
0xd1: {  	[hbm4b:s2+s6] =	stream.linear.scatter [tilespmem:s10], [sflag:$0x1], $0x4000, $0x38;
	[tilespmem:$0x1C300] =	vst v63  }
0xd2: {  	_ =	swait.ge @!p2 [sflag:s0], $0x4000  }
0xd3: {  	s11 =	simm.s32 $0x0;
	[sflag:s0] =	ssyncset.done @!p2 $0x0  }
0xd4: {  	s12 =	sand.u32 $0x7C0, s11;
	[sflag:s0] =	ssyncadd.s32 @!p2 $0xFFFFC000  }
0xd5: {  	s13 =	simm.s32 $0x830;
	v14 =	vld [tilespmem:s12+$0x800]  }
0xd6: {  	v11 =	vld [tilespmem:s13+$0xFFFFFFE0]  }
0xd7: {  	v9 =	vld [tilespmem:s13+$0xFFFFFFF0]  }
0xd8: {  	v8 =	vld [tilespmem:s13+$0x0];
	_ =	sdelay $0x1  }
0xd9: {  	v10 =	vadd.s32 v0, v14  }
0xda: {  	v12 =	vadd.s32 v0, v11  }
0xdb: {  	v13 =	vadd.s32 v0, v9  }
0xdc: {  	v15 =	vadd.s32 v0, v8;
	_ =	sdelay $0x1  }
0xdd: {  	v10 =	vld.idx.msk [tilespmem:v10+s21+$0x0], $0xffff  }
0xde: {  	v16 =	vadd.s32 v1, v14;
	v12 =	vld.idx.msk [tilespmem:v12+s21+$0x0], $0xffff  }
0xdf: {  	v17 =	vadd.s32 v1, v11;
	v13 =	vld.idx.msk [tilespmem:v13+s21+$0x0], $0xffff  }
0xe0: {  	s14 =	sand.u32 $0x40, s11;
	s1 =	sand.u32 $0x3C00, s11;
	v15 =	vld.idx.msk [tilespmem:v15+s21+$0x0], $0xffff  }
0xe1: {  	s0 =	sor.u32 s14, s1;
	v18 =	vadd.s32 v1, v9  }
0xe2: {  	v19 =	vadd.s32 v1, v8;
	[tilespmem:s0+$0xC000] =	vst v10  }
0xe3: {  	[tilespmem:s0+$0xC010] =	vst v12;
	v16 =	vld.idx.msk [tilespmem:v16+s21+$0x0], $0xffff  }
0xe4: {  	[tilespmem:s0+$0xC020] =	vst v13;
	v13 =	vadd.s32 v2, v14;
	v12 =	vld.idx.msk [tilespmem:v17+s21+$0x0], $0xffff  }
0xe5: {  	[tilespmem:s0+$0xC030] =	vst v15;
	v15 =	vadd.s32 v2, v11  }
0xe6: {  	v17 =	vld.idx.msk [tilespmem:v18+s21+$0x0], $0xffff  }
0xe7: {  	s15 =	simm.s32 $0x870;
	v18 =	vld.idx.msk [tilespmem:v19+s21+$0x0], $0xffff;
	v19 =	vadd.s32 v2, v9  }
0xe8: {  	v20 =	vadd.s32 v2, v8;
	v10 =	vld [tilespmem:s15+$0xFFFFFFE0];
	[tilespmem:s0+$0xC080] =	vst v16  }
0xe9: {  	[tilespmem:s0+$0xC090] =	vst v12;
	v16 =	vld.idx.msk [tilespmem:v13+s21+$0x0], $0xffff  }
0xea: {  	v15 =	vld.idx.msk [tilespmem:v15+s21+$0x0], $0xffff  }
0xeb: {  	[tilespmem:s0+$0xC0A0] =	vst v17;
	v17 =	vadd.s32 v4, v14;
	v12 =	vld [tilespmem:s15+$0xFFFFFFF0]  }
0xec: {  	[tilespmem:s0+$0xC0B0] =	vst v18;
	v18 =	vadd.s32 v4, v11;
	v19 =	vld.idx.msk [tilespmem:v19+s21+$0x0], $0xffff  }
0xed: {  	s2 =	simm.s32 $0x40;
	v21 =	vadd.s32 v4, v9;
	v20 =	vld.idx.msk [tilespmem:v20+s21+$0x0], $0xffff  }
0xee: {  	s16 =	sand.u32 $0x7C0, s2;
	v22 =	vadd.s32 v4, v8;
	v13 =	vld [tilespmem:s15+$0x0];
	[tilespmem:s0+$0xC100] =	vst v16  }
0xef: {  	[tilespmem:s0+$0xC110] =	vst v15;
	v15 =	vld [tilespmem:s16+$0x800]  }
0xf0: {  	v16 =	vld.idx.msk [tilespmem:v17+s21+$0x0], $0xffff  }
0xf1: {  	v24 =	vadd.s32 v0, v10;
	[tilespmem:s0+$0xC120] =	vst v19;
	v17 =	vld.idx.msk [tilespmem:v18+s21+$0x0], $0xffff  }
0xf2: {  	[tilespmem:s0+$0xC130] =	vst v20;
	v18 =	vadd.s32 v3, v14;
	v19 =	vld.idx.msk [tilespmem:v21+s21+$0x0], $0xffff  }
0xf3: {  	v20 =	vadd.s32 v3, v11;
	v21 =	vld.idx.msk [tilespmem:v22+s21+$0x0], $0xffff  }
0xf4: {  	v22 =	vadd.s32 v3, v9  }
0xf5: {  	v23 =	vadd.s32 v3, v8;
	[tilespmem:s0+$0xC180] =	vst v16  }
0xf6: {  	v16 =	vadd.s32 v0, v12;
	[tilespmem:s0+$0xC190] =	vst v17;
	v17 =	vld.idx.msk [tilespmem:v24+s21+$0x0], $0xffff  }
0xf7: {  	p3 =	por $0x0, $0x0;
	s1 =	simm.s32 $0x1;
	v26 =	vadd.s32 v0, v13;
	[tilespmem:s0+$0xC1A0] =	vst v19;
	v25 =	vld.idx.msk [tilespmem:v18+s21+$0x0], $0xffff  }
0xf8: {  	s1 =	simm.s32 @!p3 $0x0;
	[tilespmem:s0+$0xC1B0] =	vst v21;
	v21 =	vadd.s32 v0, v15;
	v20 =	vld.idx.msk [tilespmem:v20+s21+$0x0], $0xffff  }
0xf9: {  	s19 =	sshll.u32 s1, $0x6;
	v27 =	vadd.s32 v5, v14;
	v61 =	vld.idx.msk [tilespmem:v22+s21+$0x0], $0xffff  }
0xfa: {  	s29 =	sadd.s32 $0x0, s19;
	v62 =	vadd.s32 v5, v11;
	v23 =	vld.idx.msk [tilespmem:v23+s21+$0x0], $0xffff  }
0xfb: {  	s22 =	sadd.s32 $0x10, s29;
	s0 =	sor.u32 $0x200, s29;
	v18 =	vld.idx.msk [tilespmem:v16+s21+$0x0], $0xffff;
	v16 =	vadd.s32 v5, v9  }
0xfc: {  	s23 =	sadd.s32 $0x20, s29;
	s25 =	sor.u32 $0x200, s22;
	v63 =	vadd.s32 v5, v8;
	v19 =	vld.idx.msk [tilespmem:v26+s21+$0x0], $0xffff;
	[tilespmem:s0+$0xC000] =	vst v25  }
0xfd: {  	s11 =	simm.s32 $0x8B0;
	s28 =	sadd.s32 $0x30, s29;
	s26 =	sor.u32 $0x200, s23;
	v24 =	vld.idx.msk [tilespmem:v21+s21+$0x0], $0xffff;
	[tilespmem:s25+$0xC000] =	vst v20  }
0xfe: {  	s10 =	simm.s32 $0x4;
	s1 =	simm.s32 $0x200;
	s15 =	sor.u32 $0x200, s28;
	[tilespmem:s26+$0xC000] =	vst v61;
	v22 =	vld.idx.msk [tilespmem:v27+s21+$0x0], $0xffff  }
0xff: {  	s8 =	sor.u32 $0x280, s22;
	s14 =	sor.u32 $0x280, s23;
	s12 =	sor.u32 $0x300, s22;
	[tilespmem:s15+$0xC000] =	vst v23;
	v23 =	vadd.s32 v6, v14;
	v21 =	vld.idx.msk [tilespmem:v62+s21+$0x0], $0xffff  }
0x100: {  	s3 =	sor.u32 $0x300, s23;
	s13 =	sor.u32 $0x280, s28;
	s4 =	sor.u32 $0x380, s23;
	v25 =	vadd.s32 v1, v15;
	v20 =	vld.idx.msk [tilespmem:v16+s21+$0x0], $0xffff  }
0x101: {  	s30 =	sor.u32 $0x300, s28;
	s19 =	sor.u32 $0x380, s28;
	v26 =	vadd.s32 v1, v10;
	s0 =	sor.u32 $0x380, s22;
	v16 =	vld.idx.msk [tilespmem:v63+s21+$0x0], $0xffff  }
.LBB2_5:
0x102: {  	v27 =	vld [tilespmem:s11+$0xFFFFFFE0];
	s15 =	sand.u32 $0x40, s2;
	s16 =	sand.u32 $0x3C00, s1;
	v28 =	vadd.s32 v1, v12;
	s22 =	sor.u32 $0x280, s29  }
0x103: {  	v30 =	vadd.s32 v1, v13;
	v29 =	vld [tilespmem:s11+$0xFFFFFFF0];
	s15 =	sor.u32 s15, s16;
	[tilespmem:s22+$0xC000] =	vst v22  }
0x104: {  	[tilespmem:s15+$0xC000] =	vst v24;
	v22 =	vld.idx.msk [tilespmem:v23+s21+$0x0], $0xffff;
	v23 =	vadd.s32 v6, v11  }
0x105: {  	v24 =	vld.idx.msk [tilespmem:v25+s21+$0x0], $0xffff;
	[tilespmem:s15+$0xC010] =	vst v17;
	v17 =	vadd.s32 v6, v9  }
0x106: {  	v25 =	vld.idx.msk [tilespmem:v26+s21+$0x0], $0xffff;
	[tilespmem:s15+$0xC020] =	vst v18;
	v18 =	vadd.s32 v7, v14;
	v14 =	vmov v15  }
0x107: {  	v15 =	vadd.s32 v2, v14;
	v26 =	vld.idx.msk [tilespmem:v28+s21+$0x0], $0xffff;
	[tilespmem:s15+$0xC030] =	vst v19  }
0x108: {  	v19 =	vadd.s32 v2, v10;
	v28 =	vld.idx.msk [tilespmem:v30+s21+$0x0], $0xffff;
	[tilespmem:s8+$0xC000] =	vst v21  }
0x109: {  	v21 =	vadd.s32 v2, v12;
	s8 =	sor.u32 $0x300, s29;
	v23 =	vld.idx.msk [tilespmem:v23+s21+$0x0], $0xffff;
	[tilespmem:s14+$0xC000] =	vst v20  }
0x10a: {  	v20 =	vadd.s32 v2, v13;
	[tilespmem:s8+$0xC000] =	vst v22;
	v17 =	vld.idx.msk [tilespmem:v17+s21+$0x0], $0xffff  }
0x10b: {  	v22 =	vadd.s32 v6, v8;
	[tilespmem:s15+$0xC080] =	vst v24;
	v18 =	vld.idx.msk [tilespmem:v18+s21+$0x0], $0xffff  }
0x10c: {  	v24 =	vadd.s32 v7, v11;
	v11 =	vmov v10;
	v10 =	vmov v27;
	v15 =	vld.idx.msk [tilespmem:v15+s21+$0x0], $0xffff;
	[tilespmem:s15+$0xC090] =	vst v25  }
0x10d: {  	v19 =	vld.idx.msk [tilespmem:v19+s21+$0x0], $0xffff;
	[tilespmem:s15+$0xC0A0] =	vst v26  }
0x10e: {  	v25 =	vadd.s32 v4, v14;
	v21 =	vld.idx.msk [tilespmem:v21+s21+$0x0], $0xffff;
	[tilespmem:s15+$0xC0B0] =	vst v28  }
0x10f: {  	v26 =	vadd.s32 v4, v11;
	v20 =	vld.idx.msk [tilespmem:v20+s21+$0x0], $0xffff;
	[tilespmem:s13+$0xC000] =	vst v16  }
0x110: {  	s8 =	sor.u32 $0x380, s29;
	v16 =	vadd.s32 v4, v12;
	[tilespmem:s12+$0xC000] =	vst v23;
	v22 =	vld.idx.msk [tilespmem:v22+s21+$0x0], $0xffff  }
0x111: {  	v23 =	vadd.s32 v4, v13;
	[tilespmem:s8+$0xC000] =	vst v18;
	v18 =	vld.idx.msk [tilespmem:v24+s21+$0x0], $0xffff  }
0x112: {  	v24 =	vld [tilespmem:s11+$0x0];
	[tilespmem:s15+$0xC100] =	vst v15;
	v15 =	vadd.s32 v7, v9;
	v9 =	vmov v12;
	v12 =	vmov v29  }
0x113: {  	v25 =	vld.idx.msk [tilespmem:v25+s21+$0x0], $0xffff;
	[tilespmem:s15+$0xC110] =	vst v19  }
0x114: {  	v19 =	vld.idx.msk [tilespmem:v26+s21+$0x0], $0xffff;
	[tilespmem:s15+$0xC120] =	vst v21;
	v21 =	vadd.s32 v7, v8;
	v8 =	vmov v13  }
0x115: {  	v26 =	vadd.s32 v3, v14;
	v16 =	vld.idx.msk [tilespmem:v16+s21+$0x0], $0xffff;
	[tilespmem:s15+$0xC130] =	vst v20  }
0x116: {  	s2 =	sadd.s32 $0x40, s2;
	v20 =	vadd.s32 v3, v11;
	v23 =	vld.idx.msk [tilespmem:v23+s21+$0x0], $0xffff;
	[tilespmem:s3+$0xC000] =	vst v17  }
0x117: {  	s10 =	sadd.s32 $0x4, s10;
	s3 =	sand.u32 $0x7C0, s2;
	v17 =	vadd.s32 v3, v9;
	v27 =	vld.idx.msk [tilespmem:v15+s21+$0x0], $0xffff;
	[tilespmem:s30+$0xC000] =	vst v22;
	v13 =	vmov v24  }
0x118: {  	p4 =	slt.u32 s10, $0x7C;
	v22 =	vadd.s32 v3, v8;
	v15 =	vld [tilespmem:s3+$0x800];
	[tilespmem:s0+$0xC000] =	vst v18  }
0x119: {  	v18 =	vadd.s32 v0, v10;
	[tilespmem:s15+$0xC180] =	vst v25;
	v21 =	vld.idx.msk [tilespmem:v21+s21+$0x0], $0xffff  }
0x11a: {  	p3 =	por !p3, !p3;
	v24 =	vadd.s32 v0, v12;
	s0 =	simm.s32 $0x1;
	v25 =	vld.idx.msk [tilespmem:v26+s21+$0x0], $0xffff;
	[tilespmem:s15+$0xC190] =	vst v19  }
0x11b: {  	s0 =	simm.s32 @!p3 $0x0;
	v19 =	vadd.s32 v0, v13;
	v20 =	vld.idx.msk [tilespmem:v20+s21+$0x0], $0xffff;
	[tilespmem:s15+$0xC1A0] =	vst v16  }
0x11c: {  	s0 =	sshll.u32 s0, $0x6;
	v16 =	vadd.s32 v5, v14;
	v26 =	vld.idx.msk [tilespmem:v17+s21+$0x0], $0xffff;
	[tilespmem:s15+$0xC1B0] =	vst v23  }
0x11d: {  	s29 =	sadd.s32 s0, s1;
	v23 =	vadd.s32 v0, v15;
	v28 =	vld.idx.msk [tilespmem:v22+s21+$0x0], $0xffff;
	[tilespmem:s4+$0xC000] =	vst v27  }
0x11e: {  	s0 =	sor.u32 $0x200, s29;
	v27 =	vadd.s32 v5, v11;
	v17 =	vld.idx.msk [tilespmem:v18+s21+$0x0], $0xffff  }
0x11f: {  	v29 =	vadd.s32 v5, v9;
	s15 =	sadd.s32 $0x20, s29;
	s16 =	sadd.s32 $0x30, s29;
	s4 =	sadd.s32 $0x10, s29;
	v18 =	vld.idx.msk [tilespmem:v24+s21+$0x0], $0xffff;
	[tilespmem:s19+$0xC000] =	vst v21  }
0x120: {  	v30 =	vadd.s32 v5, v8;
	s3 =	sor.u32 $0x200, s15;
	s14 =	sor.u32 $0x280, s15;
	v19 =	vld.idx.msk [tilespmem:v19+s21+$0x0], $0xffff;
	[tilespmem:s0+$0xC000] =	vst v25;
	s0 =	sor.u32 $0x200, s4  }
.Ltmp2:
0x121: {  	s8 =	sor.u32 $0x280, s4;
	s19 =	sor.u32 $0x200, s16;
	v22 =	vld.idx.msk [tilespmem:v16+s21+$0x0], $0xffff;
	[tilespmem:s0+$0xC000] =	vst v20;
	(pc) =	sbr.rel @p4 .LBB2_5-.Ltmp2, $4  }
0x122: {  	s13 =	sor.u32 $0x280, s16;
	s12 =	sor.u32 $0x300, s4;
	v24 =	vld.idx.msk [tilespmem:v23+s21+$0x0], $0xffff;
	[tilespmem:s3+$0xC000] =	vst v26;
	s3 =	sor.u32 $0x300, s15  }
0x123: {  	s30 =	sor.u32 $0x300, s16;
	s0 =	sor.u32 $0x380, s4;
	s4 =	sor.u32 $0x380, s15;
	v23 =	vadd.s32 v6, v14;
	v21 =	vld.idx.msk [tilespmem:v27+s21+$0x0], $0xffff;
	[tilespmem:s19+$0xC000] =	vst v28  }
0x124: {  	v25 =	vadd.s32 v1, v15;
	s19 =	sor.u32 $0x380, s16;
	v20 =	vld.idx.msk [tilespmem:v29+s21+$0x0], $0xffff  }
0x125: {  	s11 =	sadd.s32 $0x40, s11;
	s1 =	sadd.s32 $0x200, s1;
	v26 =	vadd.s32 v1, v10;
	v16 =	vld.idx.msk [tilespmem:v30+s21+$0x0], $0xffff  }
0x126: {  	_ = 	snop  }
0x127: {  	s2 =	sand.u32 $0x40, s2;
	s10 =	sand.u32 $0x3C00, s1;
	v27 =	vadd.s32 v1, v12  }
0x128: {  	v28 =	vadd.s32 v1, v13;
	s2 =	sor.u32 s2, s10  }
0x129: {  	[tilespmem:s2+$0xC000] =	vst v24  }
0x12a: {  	[tilespmem:s2+$0xC010] =	vst v17;
	v24 =	vld.idx.msk [tilespmem:v25+s21+$0x0], $0xffff  }
0x12b: {  	[tilespmem:s2+$0xC020] =	vst v18;
	v18 =	vadd.s32 v2, v15;
	v17 =	vld.idx.msk [tilespmem:v26+s21+$0x0], $0xffff  }
0x12c: {  	[tilespmem:s2+$0xC030] =	vst v19;
	v19 =	vadd.s32 v2, v10;
	v25 =	vld.idx.msk [tilespmem:v27+s21+$0x0], $0xffff  }
0x12d: {  	s11 =	sor.u32 $0x280, s29;
	v26 =	vld.idx.msk [tilespmem:v28+s21+$0x0], $0xffff;
	v27 =	vadd.s32 v2, v12  }
0x12e: {  	v62 =	vadd.s32 v2, v13;
	[tilespmem:s11+$0xC000] =	vst v22  }
0x12f: {  	[tilespmem:s2+$0xC080] =	vst v24  }
0x130: {  	[tilespmem:s2+$0xC090] =	vst v17;
	v18 =	vld.idx.msk [tilespmem:v18+s21+$0x0], $0xffff  }
0x131: {  	v17 =	vld.idx.msk [tilespmem:v19+s21+$0x0], $0xffff;
	v19 =	vadd.s32 v4, v15;
	[tilespmem:s2+$0xC0A0] =	vst v25  }
0x132: {  	[tilespmem:s2+$0xC0B0] =	vst v26;
	v25 =	vadd.s32 v4, v10;
	v24 =	vld.idx.msk [tilespmem:v27+s21+$0x0], $0xffff  }
0x133: {  	[tilespmem:s8+$0xC000] =	vst v21;
	v26 =	vadd.s32 v4, v12;
	v22 =	vld.idx.msk [tilespmem:v62+s21+$0x0], $0xffff  }
0x134: {  	v21 =	vadd.s32 v4, v13;
	v23 =	vld.idx.msk [tilespmem:v23+s21+$0x0], $0xffff;
	[tilespmem:s14+$0xC000] =	vst v20  }
0x135: {  	v14 =	vadd.s32 v7, v14;
	[tilespmem:s2+$0xC100] =	vst v18  }
0x136: {  	v18 =	vadd.s32 v6, v11;
	[tilespmem:s2+$0xC110] =	vst v17;
	v19 =	vld.idx.msk [tilespmem:v19+s21+$0x0], $0xffff  }
0x137: {  	v17 =	vld.idx.msk [tilespmem:v25+s21+$0x0], $0xffff;
	[tilespmem:s2+$0xC120] =	vst v24;
	v24 =	vadd.s32 v3, v15  }
0x138: {  	s15 =	sor.u32 $0x300, s29;
	[tilespmem:s2+$0xC130] =	vst v22;
	v22 =	vadd.s32 v3, v10;
	v25 =	vld.idx.msk [tilespmem:v26+s21+$0x0], $0xffff  }
0x139: {  	[tilespmem:s15+$0xC000] =	vst v23;
	v20 =	vld.idx.msk [tilespmem:v21+s21+$0x0], $0xffff;
	v21 =	vadd.s32 v3, v12  }
0x13a: {  	v23 =	vadd.s32 v3, v13;
	v14 =	vld.idx.msk [tilespmem:v14+s21+$0x0], $0xffff  }
0x13b: {  	v18 =	vld.idx.msk [tilespmem:v18+s21+$0x0], $0xffff;
	[tilespmem:s2+$0xC180] =	vst v19;
	v19 =	vadd.s32 v6, v9  }
0x13c: {  	p3 =	por !p3, !p3;
	s8 =	simm.s32 $0x1;
	v11 =	vadd.s32 v7, v11;
	[tilespmem:s2+$0xC190] =	vst v17;
	v24 =	vld.idx.msk [tilespmem:v24+s21+$0x0], $0xffff  }
0x13d: {  	s8 =	simm.s32 @!p3 $0x0;
	v17 =	vld.idx.msk [tilespmem:v22+s21+$0x0], $0xffff;
	v22 =	vadd.s32 v5, v15;
	[tilespmem:s2+$0xC1A0] =	vst v25  }
0x13e: {  	s16 =	sshll.u32 s8, $0x6;
	[tilespmem:s2+$0xC1B0] =	vst v20;
	v20 =	vadd.s32 v5, v10;
	v21 =	vld.idx.msk [tilespmem:v21+s21+$0x0], $0xffff  }
0x13f: {  	[tilespmem:s13+$0xC000] =	vst v16;
	s1 =	sadd.s32 s16, s1;
	v16 =	vld.idx.msk [tilespmem:v23+s21+$0x0], $0xffff;
	v23 =	vadd.s32 v5, v12  }
0x140: {  	s22 =	sor.u32 $0x200, s1;
	s2 =	sadd.s32 $0x10, s1;
	[tilespmem:s12+$0xC000] =	vst v18;
	v18 =	vadd.s32 v5, v13;
	v19 =	vld.idx.msk [tilespmem:v19+s21+$0x0], $0xffff  }
0x141: {  	s8 =	sadd.s32 $0x20, s1;
	s23 =	sor.u32 $0x200, s2;
	v11 =	vld.idx.msk [tilespmem:v11+s21+$0x0], $0xffff;
	[tilespmem:s22+$0xC000] =	vst v24  }
0x142: {  	s11 =	sor.u32 $0x200, s8;
	v25 =	vadd.s32 v6, v8;
	s12 =	sadd.s32 $0x30, s1;
	[tilespmem:s23+$0xC000] =	vst v17;
	v22 =	vld.idx.msk [tilespmem:v22+s21+$0x0], $0xffff  }
0x143: {  	s25 =	sor.u32 $0x200, s12;
	v17 =	vadd.s32 v6, v15;
	v20 =	vld.idx.msk [tilespmem:v20+s21+$0x0], $0xffff;
	[tilespmem:s11+$0xC000] =	vst v21  }
0x144: {  	s26 =	sor.u32 $0x380, s29;
	[tilespmem:s25+$0xC000] =	vst v16;
	v21 =	vadd.s32 v6, v10;
	v16 =	vld.idx.msk [tilespmem:v23+s21+$0x0], $0xffff  }
0x145: {  	[tilespmem:s26+$0xC000] =	vst v14;
	v14 =	vld.idx.msk [tilespmem:v18+s21+$0x0], $0xffff;
	v18 =	vadd.s32 v6, v12  }
0x146: {  	s13 =	sor.u32 $0x280, s1;
	v9 =	vadd.s32 v7, v9;
	[tilespmem:s3+$0xC000] =	vst v19  }
0x147: {  	s14 =	sor.u32 $0x280, s2;
	v23 =	vld.idx.msk [tilespmem:v25+s21+$0x0], $0xffff;
	v19 =	vadd.s32 v6, v13;
	[tilespmem:s13+$0xC000] =	vst v22  }
0x148: {  	s15 =	sor.u32 $0x280, s8;
	v8 =	vadd.s32 v7, v8;
	[tilespmem:s14+$0xC000] =	vst v20;
	v17 =	vld.idx.msk [tilespmem:v17+s21+$0x0], $0xffff  }
0x149: {  	v15 =	vadd.s32 v7, v15;
	v20 =	vld.idx.msk [tilespmem:v21+s21+$0x0], $0xffff;
	[tilespmem:s15+$0xC000] =	vst v16  }
0x14a: {  	s16 =	sor.u32 $0x280, s12;
	v10 =	vadd.s32 v7, v10;
	[tilespmem:s0+$0xC000] =	vst v11;
	v16 =	vld.idx.msk [tilespmem:v18+s21+$0x0], $0xffff  }
0x14b: {  	v12 =	vadd.s32 v7, v12;
	v9 =	vld.idx.msk [tilespmem:v9+s21+$0x0], $0xffff;
	[tilespmem:s16+$0xC000] =	vst v14  }
0x14c: {  	s22 =	sor.u32 $0x300, s1;
	[tilespmem:s30+$0xC000] =	vst v23;
	v14 =	vld.idx.msk [tilespmem:v19+s21+$0x0], $0xffff  }
0x14d: {  	s23 =	sor.u32 $0x300, s2;
	v8 =	vld.idx.msk [tilespmem:v8+s21+$0x0], $0xffff;
	[tilespmem:s22+$0xC000] =	vst v17  }
0x14e: {  	s25 =	sor.u32 $0x300, s8;
	v11 =	vadd.s32 v7, v13;
	[tilespmem:s23+$0xC000] =	vst v20;
	v13 =	vld.idx.msk [tilespmem:v15+s21+$0x0], $0xffff  }
0x14f: {  	v10 =	vld.idx.msk [tilespmem:v10+s21+$0x0], $0xffff;
	[tilespmem:s25+$0xC000] =	vst v16  }
0x150: {  	s26 =	sor.u32 $0x300, s12;
	[tilespmem:s4+$0xC000] =	vst v9;
	v12 =	vld.idx.msk [tilespmem:v12+s21+$0x0], $0xffff  }
0x151: {  	[tilespmem:s26+$0xC000] =	vst v14  }
0x152: {  	s1 =	sor.u32 $0x380, s1;
	[tilespmem:s19+$0xC000] =	vst v8  }
0x153: {  	s2 =	sor.u32 $0x380, s2;
	v9 =	vld.idx.msk [tilespmem:v11+s21+$0x0], $0xffff;
	[tilespmem:s1+$0xC000] =	vst v13  }
0x154: {  	s3 =	sor.u32 $0x380, s8;
	[tilespmem:s2+$0xC000] =	vst v10  }
0x155: {  	s0 =	sadd.s32 @p1 $0xFF064000, s18;
	[tilespmem:s3+$0xC000] =	vst v12  }
0x156: {  	s0 =	sshrl.u32 @p1 s0, $0x3;
	s2 =	rddreg [dreg:$0x9]  }
0x157: {  	s0 =	sadd.s32 @p1 s5, s0;
	s4 =	sor.u32 $0x380, s12;
	s2 =	sadd.s32 @!p1 s9, s2  }
0x158: {  	s26 =	simm.s32 $0xC000;
	[tilespmem:s4+$0xC000] =	vst v9;
	s2 =	smov.u32 @p1 s0;
	s0 =	simm.s32 @!p2 $0x3  }
0x159: {  	[hbm4b:s2+s6] =	stream.linear.scatter [tilespmem:s26], [sflag:$0x2], $0x4000, $0x38;
	[tilespmem:$0x1C300] =	vst v63  }
0x15a: {  	_ =	swait.ge @!p2 [sflag:s0], $0x4000  }
0x15b: {  	s8 =	simm.s32 $0x0;
	[sflag:s0] =	ssyncset.done @!p2 $0x0  }
0x15c: {  	s10 =	sand.u32 $0x7C0, s8;
	[sflag:s0] =	ssyncadd.s32 @!p2 $0xFFFFC000  }
0x15d: {  	s11 =	simm.s32 $0x1030;
	v14 =	vld [tilespmem:s10+$0x1000]  }
0x15e: {  	v11 =	vld [tilespmem:s11+$0xFFFFFFE0]  }
0x15f: {  	v9 =	vld [tilespmem:s11+$0xFFFFFFF0]  }
0x160: {  	v8 =	vld [tilespmem:s11+$0x0];
	_ =	sdelay $0x1  }
0x161: {  	v10 =	vadd.s32 v0, v14  }
0x162: {  	v12 =	vadd.s32 v0, v11  }
0x163: {  	v13 =	vadd.s32 v0, v9  }
0x164: {  	v15 =	vadd.s32 v0, v8;
	_ =	sdelay $0x1  }
0x165: {  	v10 =	vld.idx.msk [tilespmem:v10+s21+$0x0], $0xffff  }
0x166: {  	v16 =	vadd.s32 v1, v14;
	v12 =	vld.idx.msk [tilespmem:v12+s21+$0x0], $0xffff  }
0x167: {  	v17 =	vadd.s32 v1, v11;
	v13 =	vld.idx.msk [tilespmem:v13+s21+$0x0], $0xffff  }
0x168: {  	s12 =	sand.u32 $0x40, s8;
	s1 =	sand.u32 $0x3C00, s8;
	v15 =	vld.idx.msk [tilespmem:v15+s21+$0x0], $0xffff  }
0x169: {  	s0 =	sor.u32 s12, s1;
	v18 =	vadd.s32 v1, v9  }
0x16a: {  	v19 =	vadd.s32 v1, v8;
	[tilespmem:s0+$0x10000] =	vst v10  }
0x16b: {  	[tilespmem:s0+$0x10010] =	vst v12;
	v16 =	vld.idx.msk [tilespmem:v16+s21+$0x0], $0xffff  }
0x16c: {  	[tilespmem:s0+$0x10020] =	vst v13;
	v13 =	vadd.s32 v2, v14;
	v12 =	vld.idx.msk [tilespmem:v17+s21+$0x0], $0xffff  }
0x16d: {  	[tilespmem:s0+$0x10030] =	vst v15;
	v15 =	vadd.s32 v2, v11  }
0x16e: {  	v17 =	vld.idx.msk [tilespmem:v18+s21+$0x0], $0xffff  }
0x16f: {  	s13 =	simm.s32 $0x1070;
	v18 =	vld.idx.msk [tilespmem:v19+s21+$0x0], $0xffff;
	v19 =	vadd.s32 v2, v9  }
0x170: {  	v20 =	vadd.s32 v2, v8;
	v10 =	vld [tilespmem:s13+$0xFFFFFFE0];
	[tilespmem:s0+$0x10080] =	vst v16  }
0x171: {  	[tilespmem:s0+$0x10090] =	vst v12;
	v16 =	vld.idx.msk [tilespmem:v13+s21+$0x0], $0xffff  }
0x172: {  	v15 =	vld.idx.msk [tilespmem:v15+s21+$0x0], $0xffff  }
0x173: {  	[tilespmem:s0+$0x100A0] =	vst v17;
	v17 =	vadd.s32 v4, v14;
	v12 =	vld [tilespmem:s13+$0xFFFFFFF0]  }
0x174: {  	[tilespmem:s0+$0x100B0] =	vst v18;
	v18 =	vadd.s32 v4, v11;
	v19 =	vld.idx.msk [tilespmem:v19+s21+$0x0], $0xffff  }
0x175: {  	s2 =	simm.s32 $0x40;
	v21 =	vadd.s32 v4, v9;
	v20 =	vld.idx.msk [tilespmem:v20+s21+$0x0], $0xffff  }
0x176: {  	s14 =	sand.u32 $0x7C0, s2;
	v22 =	vadd.s32 v4, v8;
	v13 =	vld [tilespmem:s13+$0x0];
	[tilespmem:s0+$0x10100] =	vst v16  }
0x177: {  	[tilespmem:s0+$0x10110] =	vst v15;
	v15 =	vld [tilespmem:s14+$0x1000]  }
0x178: {  	v16 =	vld.idx.msk [tilespmem:v17+s21+$0x0], $0xffff  }
0x179: {  	v24 =	vadd.s32 v0, v10;
	[tilespmem:s0+$0x10120] =	vst v19;
	v17 =	vld.idx.msk [tilespmem:v18+s21+$0x0], $0xffff  }
0x17a: {  	[tilespmem:s0+$0x10130] =	vst v20;
	v18 =	vadd.s32 v3, v14;
	v19 =	vld.idx.msk [tilespmem:v21+s21+$0x0], $0xffff  }
0x17b: {  	v20 =	vadd.s32 v3, v11;
	v21 =	vld.idx.msk [tilespmem:v22+s21+$0x0], $0xffff  }
0x17c: {  	v22 =	vadd.s32 v3, v9  }
0x17d: {  	v23 =	vadd.s32 v3, v8;
	[tilespmem:s0+$0x10180] =	vst v16  }
0x17e: {  	v16 =	vadd.s32 v0, v12;
	[tilespmem:s0+$0x10190] =	vst v17;
	v17 =	vld.idx.msk [tilespmem:v24+s21+$0x0], $0xffff  }
0x17f: {  	p3 =	por $0x0, $0x0;
	s1 =	simm.s32 $0x1;
	v26 =	vadd.s32 v0, v13;
	[tilespmem:s0+$0x101A0] =	vst v19;
	v25 =	vld.idx.msk [tilespmem:v18+s21+$0x0], $0xffff  }
0x180: {  	s1 =	simm.s32 @!p3 $0x0;
	[tilespmem:s0+$0x101B0] =	vst v21;
	v21 =	vadd.s32 v0, v15;
	v20 =	vld.idx.msk [tilespmem:v20+s21+$0x0], $0xffff  }
0x181: {  	s15 =	sshll.u32 s1, $0x6;
	v27 =	vadd.s32 v5, v14;
	v63 =	vld.idx.msk [tilespmem:v22+s21+$0x0], $0xffff  }
0x182: {  	s29 =	sadd.s32 $0x0, s15;
	v29 =	vadd.s32 v5, v11;
	v23 =	vld.idx.msk [tilespmem:v23+s21+$0x0], $0xffff  }
0x183: {  	s16 =	sadd.s32 $0x10, s29;
	s0 =	sor.u32 $0x200, s29;
	v18 =	vld.idx.msk [tilespmem:v16+s21+$0x0], $0xffff;
	v16 =	vadd.s32 v5, v9  }
0x184: {  	s28 =	simm.s32 $0x10000;
	s19 =	sadd.s32 $0x20, s29;
	s22 =	sor.u32 $0x200, s16;
	v30 =	vadd.s32 v5, v8;
	v19 =	vld.idx.msk [tilespmem:v26+s21+$0x0], $0xffff;
	[tilespmem:s0+$0x10000] =	vst v25  }
0x185: {  	s10 =	simm.s32 $0x4;
	s25 =	sadd.s32 $0x30, s29;
	s23 =	sor.u32 $0x200, s19;
	v24 =	vld.idx.msk [tilespmem:v21+s21+$0x0], $0xffff;
	[tilespmem:s22+$0x10000] =	vst v20  }
0x186: {  	s11 =	simm.s32 $0x10B0;
	s1 =	simm.s32 $0x200;
	s15 =	sor.u32 $0x200, s25;
	[tilespmem:s23+$0x10000] =	vst v63;
	v22 =	vld.idx.msk [tilespmem:v27+s21+$0x0], $0xffff  }
0x187: {  	s8 =	sor.u32 $0x280, s16;
	s12 =	sor.u32 $0x300, s16;
	s3 =	sor.u32 $0x300, s19;
	[tilespmem:s15+$0x10000] =	vst v23;
	v23 =	vadd.s32 v6, v14;
	v21 =	vld.idx.msk [tilespmem:v29+s21+$0x0], $0xffff  }
0x188: {  	s4 =	sor.u32 $0x380, s19;
	s30 =	sor.u32 $0x300, s25;
	s13 =	sor.u32 $0x280, s25;
	v25 =	vadd.s32 v1, v15;
	v20 =	vld.idx.msk [tilespmem:v16+s21+$0x0], $0xffff  }
0x189: {  	s14 =	sor.u32 $0x280, s19;
	s19 =	sor.u32 $0x380, s25;
	v26 =	vadd.s32 v1, v10;
	s0 =	sor.u32 $0x380, s16;
	v16 =	vld.idx.msk [tilespmem:v30+s21+$0x0], $0xffff  }
.LBB2_7:
0x18a: {  	v27 =	vld [tilespmem:s11+$0xFFFFFFE0];
	s15 =	sand.u32 $0x40, s2;
	s16 =	sand.u32 $0x3C00, s1;
	v28 =	vadd.s32 v1, v12;
	s22 =	sor.u32 $0x280, s29  }
0x18b: {  	v30 =	vadd.s32 v1, v13;
	v29 =	vld [tilespmem:s11+$0xFFFFFFF0];
	s15 =	sor.u32 s15, s16;
	[tilespmem:s22+$0x10000] =	vst v22  }
0x18c: {  	[tilespmem:s15+$0x10000] =	vst v24;
	v22 =	vld.idx.msk [tilespmem:v23+s21+$0x0], $0xffff;
	v23 =	vadd.s32 v6, v11  }
0x18d: {  	v24 =	vld.idx.msk [tilespmem:v25+s21+$0x0], $0xffff;
	[tilespmem:s15+$0x10010] =	vst v17;
	v17 =	vadd.s32 v6, v9  }
0x18e: {  	v25 =	vld.idx.msk [tilespmem:v26+s21+$0x0], $0xffff;
	[tilespmem:s15+$0x10020] =	vst v18;
	v18 =	vadd.s32 v7, v14;
	v14 =	vmov v15  }
0x18f: {  	v15 =	vadd.s32 v2, v14;
	v26 =	vld.idx.msk [tilespmem:v28+s21+$0x0], $0xffff;
	[tilespmem:s15+$0x10030] =	vst v19  }
0x190: {  	v19 =	vadd.s32 v2, v10;
	v28 =	vld.idx.msk [tilespmem:v30+s21+$0x0], $0xffff;
	[tilespmem:s8+$0x10000] =	vst v21  }
0x191: {  	v21 =	vadd.s32 v2, v12;
	s8 =	sor.u32 $0x300, s29;
	v23 =	vld.idx.msk [tilespmem:v23+s21+$0x0], $0xffff;
	[tilespmem:s14+$0x10000] =	vst v20  }
0x192: {  	v20 =	vadd.s32 v2, v13;
	[tilespmem:s8+$0x10000] =	vst v22;
	v17 =	vld.idx.msk [tilespmem:v17+s21+$0x0], $0xffff  }
0x193: {  	v22 =	vadd.s32 v6, v8;
	[tilespmem:s15+$0x10080] =	vst v24;
	v18 =	vld.idx.msk [tilespmem:v18+s21+$0x0], $0xffff  }
0x194: {  	v24 =	vadd.s32 v7, v11;
	v11 =	vmov v10;
	v10 =	vmov v27;
	v15 =	vld.idx.msk [tilespmem:v15+s21+$0x0], $0xffff;
	[tilespmem:s15+$0x10090] =	vst v25  }
0x195: {  	v19 =	vld.idx.msk [tilespmem:v19+s21+$0x0], $0xffff;
	[tilespmem:s15+$0x100A0] =	vst v26  }
0x196: {  	v25 =	vadd.s32 v4, v14;
	v21 =	vld.idx.msk [tilespmem:v21+s21+$0x0], $0xffff;
	[tilespmem:s15+$0x100B0] =	vst v28  }
0x197: {  	v26 =	vadd.s32 v4, v11;
	v20 =	vld.idx.msk [tilespmem:v20+s21+$0x0], $0xffff;
	[tilespmem:s13+$0x10000] =	vst v16  }
0x198: {  	s8 =	sor.u32 $0x380, s29;
	v16 =	vadd.s32 v4, v12;
	[tilespmem:s12+$0x10000] =	vst v23;
	v22 =	vld.idx.msk [tilespmem:v22+s21+$0x0], $0xffff  }
0x199: {  	v23 =	vadd.s32 v4, v13;
	[tilespmem:s8+$0x10000] =	vst v18;
	v18 =	vld.idx.msk [tilespmem:v24+s21+$0x0], $0xffff  }
0x19a: {  	v24 =	vld [tilespmem:s11+$0x0];
	[tilespmem:s15+$0x10100] =	vst v15;
	v15 =	vadd.s32 v7, v9;
	v9 =	vmov v12;
	v12 =	vmov v29  }
0x19b: {  	v25 =	vld.idx.msk [tilespmem:v25+s21+$0x0], $0xffff;
	[tilespmem:s15+$0x10110] =	vst v19  }
0x19c: {  	v19 =	vld.idx.msk [tilespmem:v26+s21+$0x0], $0xffff;
	[tilespmem:s15+$0x10120] =	vst v21;
	v21 =	vadd.s32 v7, v8;
	v8 =	vmov v13  }
0x19d: {  	v26 =	vadd.s32 v3, v14;
	v16 =	vld.idx.msk [tilespmem:v16+s21+$0x0], $0xffff;
	[tilespmem:s15+$0x10130] =	vst v20  }
0x19e: {  	s2 =	sadd.s32 $0x40, s2;
	v20 =	vadd.s32 v3, v11;
	v23 =	vld.idx.msk [tilespmem:v23+s21+$0x0], $0xffff;
	[tilespmem:s3+$0x10000] =	vst v17  }
0x19f: {  	s10 =	sadd.s32 $0x4, s10;
	s3 =	sand.u32 $0x7C0, s2;
	v17 =	vadd.s32 v3, v9;
	v27 =	vld.idx.msk [tilespmem:v15+s21+$0x0], $0xffff;
	[tilespmem:s30+$0x10000] =	vst v22;
	v13 =	vmov v24  }
0x1a0: {  	p4 =	slt.u32 s10, $0x7C;
	v22 =	vadd.s32 v3, v8;
	v15 =	vld [tilespmem:s3+$0x1000];
	[tilespmem:s0+$0x10000] =	vst v18  }
0x1a1: {  	v18 =	vadd.s32 v0, v10;
	[tilespmem:s15+$0x10180] =	vst v25;
	v21 =	vld.idx.msk [tilespmem:v21+s21+$0x0], $0xffff  }
0x1a2: {  	p3 =	por !p3, !p3;
	v24 =	vadd.s32 v0, v12;
	s0 =	simm.s32 $0x1;
	v25 =	vld.idx.msk [tilespmem:v26+s21+$0x0], $0xffff;
	[tilespmem:s15+$0x10190] =	vst v19  }
0x1a3: {  	s0 =	simm.s32 @!p3 $0x0;
	v19 =	vadd.s32 v0, v13;
	v20 =	vld.idx.msk [tilespmem:v20+s21+$0x0], $0xffff;
	[tilespmem:s15+$0x101A0] =	vst v16  }
0x1a4: {  	s0 =	sshll.u32 s0, $0x6;
	v16 =	vadd.s32 v5, v14;
	v26 =	vld.idx.msk [tilespmem:v17+s21+$0x0], $0xffff;
	[tilespmem:s15+$0x101B0] =	vst v23  }
0x1a5: {  	s29 =	sadd.s32 s0, s1;
	v23 =	vadd.s32 v0, v15;
	v28 =	vld.idx.msk [tilespmem:v22+s21+$0x0], $0xffff;
	[tilespmem:s4+$0x10000] =	vst v27  }
0x1a6: {  	s0 =	sor.u32 $0x200, s29;
	v27 =	vadd.s32 v5, v11;
	v17 =	vld.idx.msk [tilespmem:v18+s21+$0x0], $0xffff  }
0x1a7: {  	v29 =	vadd.s32 v5, v9;
	s15 =	sadd.s32 $0x20, s29;
	s16 =	sadd.s32 $0x30, s29;
	s4 =	sadd.s32 $0x10, s29;
	v18 =	vld.idx.msk [tilespmem:v24+s21+$0x0], $0xffff;
	[tilespmem:s19+$0x10000] =	vst v21  }
0x1a8: {  	v30 =	vadd.s32 v5, v8;
	s3 =	sor.u32 $0x200, s15;
	s14 =	sor.u32 $0x280, s15;
	v19 =	vld.idx.msk [tilespmem:v19+s21+$0x0], $0xffff;
	[tilespmem:s0+$0x10000] =	vst v25;
	s0 =	sor.u32 $0x200, s4  }
.Ltmp3:
0x1a9: {  	s8 =	sor.u32 $0x280, s4;
	s19 =	sor.u32 $0x200, s16;
	v22 =	vld.idx.msk [tilespmem:v16+s21+$0x0], $0xffff;
	[tilespmem:s0+$0x10000] =	vst v20;
	(pc) =	sbr.rel @p4 .LBB2_7-.Ltmp3, $4  }
0x1aa: {  	s13 =	sor.u32 $0x280, s16;
	s12 =	sor.u32 $0x300, s4;
	v24 =	vld.idx.msk [tilespmem:v23+s21+$0x0], $0xffff;
	[tilespmem:s3+$0x10000] =	vst v26;
	s3 =	sor.u32 $0x300, s15  }
0x1ab: {  	s30 =	sor.u32 $0x300, s16;
	s0 =	sor.u32 $0x380, s4;
	s4 =	sor.u32 $0x380, s15;
	v23 =	vadd.s32 v6, v14;
	v21 =	vld.idx.msk [tilespmem:v27+s21+$0x0], $0xffff;
	[tilespmem:s19+$0x10000] =	vst v28  }
0x1ac: {  	v25 =	vadd.s32 v1, v15;
	s19 =	sor.u32 $0x380, s16;
	v20 =	vld.idx.msk [tilespmem:v29+s21+$0x0], $0xffff  }
0x1ad: {  	s11 =	sadd.s32 $0x40, s11;
	s1 =	sadd.s32 $0x200, s1;
	v26 =	vadd.s32 v1, v10;
	v16 =	vld.idx.msk [tilespmem:v30+s21+$0x0], $0xffff  }
0x1ae: {  	_ = 	snop  }
0x1af: {  	s2 =	sand.u32 $0x40, s2;
	s10 =	sand.u32 $0x3C00, s1;
	v27 =	vadd.s32 v1, v12  }
0x1b0: {  	v28 =	vadd.s32 v1, v13;
	s2 =	sor.u32 s2, s10  }
0x1b1: {  	[tilespmem:s2+$0x10000] =	vst v24  }
0x1b2: {  	[tilespmem:s2+$0x10010] =	vst v17;
	v24 =	vld.idx.msk [tilespmem:v25+s21+$0x0], $0xffff  }
0x1b3: {  	[tilespmem:s2+$0x10020] =	vst v18;
	v18 =	vadd.s32 v2, v15;
	v17 =	vld.idx.msk [tilespmem:v26+s21+$0x0], $0xffff  }
0x1b4: {  	[tilespmem:s2+$0x10030] =	vst v19;
	v19 =	vadd.s32 v2, v10;
	v25 =	vld.idx.msk [tilespmem:v27+s21+$0x0], $0xffff  }
0x1b5: {  	s25 =	sor.u32 $0x280, s29;
	v26 =	vld.idx.msk [tilespmem:v28+s21+$0x0], $0xffff;
	v27 =	vadd.s32 v2, v12  }
0x1b6: {  	v62 =	vadd.s32 v2, v13;
	[tilespmem:s25+$0x10000] =	vst v22  }
0x1b7: {  	[tilespmem:s2+$0x10080] =	vst v24  }
0x1b8: {  	[tilespmem:s2+$0x10090] =	vst v17;
	v18 =	vld.idx.msk [tilespmem:v18+s21+$0x0], $0xffff  }
0x1b9: {  	v17 =	vld.idx.msk [tilespmem:v19+s21+$0x0], $0xffff;
	v19 =	vadd.s32 v4, v15;
	[tilespmem:s2+$0x100A0] =	vst v25  }
0x1ba: {  	[tilespmem:s2+$0x100B0] =	vst v26;
	v25 =	vadd.s32 v4, v10;
	v24 =	vld.idx.msk [tilespmem:v27+s21+$0x0], $0xffff  }
0x1bb: {  	[tilespmem:s8+$0x10000] =	vst v21;
	v26 =	vadd.s32 v4, v12;
	v22 =	vld.idx.msk [tilespmem:v62+s21+$0x0], $0xffff  }
0x1bc: {  	v21 =	vadd.s32 v4, v13;
	v23 =	vld.idx.msk [tilespmem:v23+s21+$0x0], $0xffff;
	[tilespmem:s14+$0x10000] =	vst v20  }
0x1bd: {  	v14 =	vadd.s32 v7, v14;
	[tilespmem:s2+$0x10100] =	vst v18  }
0x1be: {  	v18 =	vadd.s32 v6, v11;
	[tilespmem:s2+$0x10110] =	vst v17;
	v19 =	vld.idx.msk [tilespmem:v19+s21+$0x0], $0xffff  }
0x1bf: {  	v17 =	vld.idx.msk [tilespmem:v25+s21+$0x0], $0xffff;
	[tilespmem:s2+$0x10120] =	vst v24;
	v24 =	vadd.s32 v3, v15  }
0x1c0: {  	s11 =	sor.u32 $0x300, s29;
	[tilespmem:s2+$0x10130] =	vst v22;
	v22 =	vadd.s32 v3, v10;
	v25 =	vld.idx.msk [tilespmem:v26+s21+$0x0], $0xffff  }
0x1c1: {  	[tilespmem:s11+$0x10000] =	vst v23;
	v20 =	vld.idx.msk [tilespmem:v21+s21+$0x0], $0xffff;
	v21 =	vadd.s32 v3, v12  }
0x1c2: {  	v23 =	vadd.s32 v3, v13;
	v14 =	vld.idx.msk [tilespmem:v14+s21+$0x0], $0xffff  }
0x1c3: {  	v18 =	vld.idx.msk [tilespmem:v18+s21+$0x0], $0xffff;
	[tilespmem:s2+$0x10180] =	vst v19;
	v19 =	vadd.s32 v6, v9  }
0x1c4: {  	p3 =	por !p3, !p3;
	s8 =	simm.s32 $0x1;
	v11 =	vadd.s32 v7, v11;
	[tilespmem:s2+$0x10190] =	vst v17;
	v24 =	vld.idx.msk [tilespmem:v24+s21+$0x0], $0xffff  }
0x1c5: {  	s8 =	simm.s32 @!p3 $0x0;
	v17 =	vld.idx.msk [tilespmem:v22+s21+$0x0], $0xffff;
	v22 =	vadd.s32 v5, v15;
	[tilespmem:s2+$0x101A0] =	vst v25  }
0x1c6: {  	s15 =	sshll.u32 s8, $0x6;
	[tilespmem:s2+$0x101B0] =	vst v20;
	v20 =	vadd.s32 v5, v10;
	v21 =	vld.idx.msk [tilespmem:v21+s21+$0x0], $0xffff  }
0x1c7: {  	[tilespmem:s13+$0x10000] =	vst v16;
	s1 =	sadd.s32 s15, s1;
	v16 =	vld.idx.msk [tilespmem:v23+s21+$0x0], $0xffff;
	v23 =	vadd.s32 v5, v12  }
0x1c8: {  	s16 =	sor.u32 $0x200, s1;
	s2 =	sadd.s32 $0x10, s1;
	[tilespmem:s12+$0x10000] =	vst v18;
	v18 =	vadd.s32 v5, v13;
	v19 =	vld.idx.msk [tilespmem:v19+s21+$0x0], $0xffff  }
0x1c9: {  	s8 =	sadd.s32 $0x20, s1;
	s22 =	sor.u32 $0x200, s2;
	v11 =	vld.idx.msk [tilespmem:v11+s21+$0x0], $0xffff;
	[tilespmem:s16+$0x10000] =	vst v24  }
0x1ca: {  	s11 =	sor.u32 $0x200, s8;
	v25 =	vadd.s32 v6, v8;
	s12 =	sadd.s32 $0x30, s1;
	[tilespmem:s22+$0x10000] =	vst v17;
	v22 =	vld.idx.msk [tilespmem:v22+s21+$0x0], $0xffff  }
0x1cb: {  	s23 =	sor.u32 $0x200, s12;
	v17 =	vadd.s32 v6, v15;
	v20 =	vld.idx.msk [tilespmem:v20+s21+$0x0], $0xffff;
	[tilespmem:s11+$0x10000] =	vst v21  }
0x1cc: {  	s25 =	sor.u32 $0x380, s29;
	[tilespmem:s23+$0x10000] =	vst v16;
	v21 =	vadd.s32 v6, v10;
	v16 =	vld.idx.msk [tilespmem:v23+s21+$0x0], $0xffff  }
0x1cd: {  	[tilespmem:s25+$0x10000] =	vst v14;
	v14 =	vld.idx.msk [tilespmem:v18+s21+$0x0], $0xffff;
	v18 =	vadd.s32 v6, v12  }
0x1ce: {  	v9 =	vadd.s32 v7, v9;
	s11 =	sor.u32 $0x280, s1;
	[tilespmem:s3+$0x10000] =	vst v19  }
0x1cf: {  	s13 =	sor.u32 $0x280, s2;
	v23 =	vld.idx.msk [tilespmem:v25+s21+$0x0], $0xffff;
	v19 =	vadd.s32 v6, v13;
	[tilespmem:s11+$0x10000] =	vst v22  }
0x1d0: {  	s14 =	sor.u32 $0x280, s8;
	v8 =	vadd.s32 v7, v8;
	[tilespmem:s13+$0x10000] =	vst v20;
	v17 =	vld.idx.msk [tilespmem:v17+s21+$0x0], $0xffff  }
0x1d1: {  	v15 =	vadd.s32 v7, v15;
	v20 =	vld.idx.msk [tilespmem:v21+s21+$0x0], $0xffff;
	[tilespmem:s14+$0x10000] =	vst v16  }
0x1d2: {  	s15 =	sor.u32 $0x280, s12;
	v10 =	vadd.s32 v7, v10;
	[tilespmem:s0+$0x10000] =	vst v11;
	v16 =	vld.idx.msk [tilespmem:v18+s21+$0x0], $0xffff  }
0x1d3: {  	v12 =	vadd.s32 v7, v12;
	v9 =	vld.idx.msk [tilespmem:v9+s21+$0x0], $0xffff;
	[tilespmem:s15+$0x10000] =	vst v14  }
0x1d4: {  	s16 =	sor.u32 $0x300, s1;
	[tilespmem:s30+$0x10000] =	vst v23;
	v14 =	vld.idx.msk [tilespmem:v19+s21+$0x0], $0xffff  }
0x1d5: {  	s22 =	sor.u32 $0x300, s2;
	v8 =	vld.idx.msk [tilespmem:v8+s21+$0x0], $0xffff;
	[tilespmem:s16+$0x10000] =	vst v17  }
0x1d6: {  	s23 =	sor.u32 $0x300, s8;
	v11 =	vadd.s32 v7, v13;
	[tilespmem:s22+$0x10000] =	vst v20;
	v13 =	vld.idx.msk [tilespmem:v15+s21+$0x0], $0xffff  }
0x1d7: {  	v10 =	vld.idx.msk [tilespmem:v10+s21+$0x0], $0xffff;
	[tilespmem:s23+$0x10000] =	vst v16  }
0x1d8: {  	s25 =	sor.u32 $0x300, s12;
	[tilespmem:s4+$0x10000] =	vst v9;
	v12 =	vld.idx.msk [tilespmem:v12+s21+$0x0], $0xffff  }
0x1d9: {  	[tilespmem:s25+$0x10000] =	vst v14  }
0x1da: {  	s1 =	sor.u32 $0x380, s1;
	[tilespmem:s19+$0x10000] =	vst v8  }
0x1db: {  	s2 =	sor.u32 $0x380, s2;
	v9 =	vld.idx.msk [tilespmem:v11+s21+$0x0], $0xffff;
	[tilespmem:s1+$0x10000] =	vst v13  }
0x1dc: {  	s3 =	sor.u32 $0x380, s8;
	[tilespmem:s2+$0x10000] =	vst v10  }
0x1dd: {  	s0 =	sadd.s32 @p1 $0xFF068000, s18;
	[tilespmem:s3+$0x10000] =	vst v12  }
0x1de: {  	s0 =	sshrl.u32 @p1 s0, $0x3;
	s2 =	rddreg [dreg:$0xa]  }
0x1df: {  	s0 =	sadd.s32 @p1 s5, s0;
	s4 =	sor.u32 $0x380, s12;
	s2 =	sadd.s32 @!p1 s9, s2  }
0x1e0: {  	[tilespmem:s4+$0x10000] =	vst v9;
	s2 =	smov.u32 @p1 s0;
	s0 =	simm.s32 @!p2 $0x4  }
0x1e1: {  	[hbm4b:s2+s6] =	stream.linear.scatter [tilespmem:s28], [sflag:$0x3], $0x4000, $0x38;
	[tilespmem:$0x1C300] =	vst v63  }
0x1e2: {  	_ =	swait.ge @!p2 [sflag:s0], $0x4000  }
0x1e3: {  	s8 =	simm.s32 $0x0;
	[sflag:s0] =	ssyncset.done @!p2 $0x0  }
0x1e4: {  	s10 =	sand.u32 $0x7C0, s8;
	[sflag:s0] =	ssyncadd.s32 @!p2 $0xFFFFC000  }
0x1e5: {  	s11 =	simm.s32 $0x1830;
	v14 =	vld [tilespmem:s10+$0x1800]  }
0x1e6: {  	v11 =	vld [tilespmem:s11+$0xFFFFFFE0]  }
0x1e7: {  	v9 =	vld [tilespmem:s11+$0xFFFFFFF0]  }
0x1e8: {  	v8 =	vld [tilespmem:s11+$0x0];
	_ =	sdelay $0x1  }
0x1e9: {  	v10 =	vadd.s32 v0, v14  }
0x1ea: {  	v12 =	vadd.s32 v0, v11  }
0x1eb: {  	v13 =	vadd.s32 v0, v9  }
0x1ec: {  	v15 =	vadd.s32 v0, v8;
	_ =	sdelay $0x1  }
0x1ed: {  	v10 =	vld.idx.msk [tilespmem:v10+s21+$0x0], $0xffff  }
0x1ee: {  	v16 =	vadd.s32 v1, v14;
	v12 =	vld.idx.msk [tilespmem:v12+s21+$0x0], $0xffff  }
0x1ef: {  	v17 =	vadd.s32 v1, v11;
	v13 =	vld.idx.msk [tilespmem:v13+s21+$0x0], $0xffff  }
0x1f0: {  	s12 =	sand.u32 $0x40, s8;
	s1 =	sand.u32 $0x3C00, s8;
	v15 =	vld.idx.msk [tilespmem:v15+s21+$0x0], $0xffff  }
0x1f1: {  	s0 =	sor.u32 s12, s1;
	v18 =	vadd.s32 v1, v9  }
0x1f2: {  	v19 =	vadd.s32 v1, v8;
	[tilespmem:s0+$0x14000] =	vst v10  }
0x1f3: {  	[tilespmem:s0+$0x14010] =	vst v12;
	v16 =	vld.idx.msk [tilespmem:v16+s21+$0x0], $0xffff  }
0x1f4: {  	[tilespmem:s0+$0x14020] =	vst v13;
	v13 =	vadd.s32 v2, v14;
	v12 =	vld.idx.msk [tilespmem:v17+s21+$0x0], $0xffff  }
0x1f5: {  	[tilespmem:s0+$0x14030] =	vst v15;
	v15 =	vadd.s32 v2, v11  }
0x1f6: {  	v17 =	vld.idx.msk [tilespmem:v18+s21+$0x0], $0xffff  }
0x1f7: {  	s13 =	simm.s32 $0x1870;
	v18 =	vld.idx.msk [tilespmem:v19+s21+$0x0], $0xffff;
	v19 =	vadd.s32 v2, v9  }
0x1f8: {  	v20 =	vadd.s32 v2, v8;
	v10 =	vld [tilespmem:s13+$0xFFFFFFE0];
	[tilespmem:s0+$0x14080] =	vst v16  }
0x1f9: {  	[tilespmem:s0+$0x14090] =	vst v12;
	v16 =	vld.idx.msk [tilespmem:v13+s21+$0x0], $0xffff  }
0x1fa: {  	v15 =	vld.idx.msk [tilespmem:v15+s21+$0x0], $0xffff  }
0x1fb: {  	[tilespmem:s0+$0x140A0] =	vst v17;
	v17 =	vadd.s32 v4, v14;
	v12 =	vld [tilespmem:s13+$0xFFFFFFF0]  }
0x1fc: {  	[tilespmem:s0+$0x140B0] =	vst v18;
	v18 =	vadd.s32 v4, v11;
	v19 =	vld.idx.msk [tilespmem:v19+s21+$0x0], $0xffff  }
0x1fd: {  	s2 =	simm.s32 $0x40;
	v21 =	vadd.s32 v4, v9;
	v20 =	vld.idx.msk [tilespmem:v20+s21+$0x0], $0xffff  }
0x1fe: {  	s14 =	sand.u32 $0x7C0, s2;
	v22 =	vadd.s32 v4, v8;
	v13 =	vld [tilespmem:s13+$0x0];
	[tilespmem:s0+$0x14100] =	vst v16  }
0x1ff: {  	[tilespmem:s0+$0x14110] =	vst v15;
	v15 =	vld [tilespmem:s14+$0x1800]  }
0x200: {  	v16 =	vld.idx.msk [tilespmem:v17+s21+$0x0], $0xffff  }
0x201: {  	v24 =	vadd.s32 v0, v10;
	[tilespmem:s0+$0x14120] =	vst v19;
	v17 =	vld.idx.msk [tilespmem:v18+s21+$0x0], $0xffff  }
0x202: {  	[tilespmem:s0+$0x14130] =	vst v20;
	v18 =	vadd.s32 v3, v14;
	v19 =	vld.idx.msk [tilespmem:v21+s21+$0x0], $0xffff  }
0x203: {  	v20 =	vadd.s32 v3, v11;
	v21 =	vld.idx.msk [tilespmem:v22+s21+$0x0], $0xffff  }
0x204: {  	v22 =	vadd.s32 v3, v9  }
0x205: {  	v23 =	vadd.s32 v3, v8;
	[tilespmem:s0+$0x14180] =	vst v16  }
0x206: {  	v16 =	vadd.s32 v0, v12;
	[tilespmem:s0+$0x14190] =	vst v17;
	v17 =	vld.idx.msk [tilespmem:v24+s21+$0x0], $0xffff  }
0x207: {  	p3 =	por $0x0, $0x0;
	s1 =	simm.s32 $0x1;
	v26 =	vadd.s32 v0, v13;
	[tilespmem:s0+$0x141A0] =	vst v19;
	v25 =	vld.idx.msk [tilespmem:v18+s21+$0x0], $0xffff  }
0x208: {  	s1 =	simm.s32 @!p3 $0x0;
	[tilespmem:s0+$0x141B0] =	vst v21;
	v21 =	vadd.s32 v0, v15;
	v20 =	vld.idx.msk [tilespmem:v20+s21+$0x0], $0xffff  }
0x209: {  	s15 =	sshll.u32 s1, $0x6;
	v27 =	vadd.s32 v5, v14;
	v63 =	vld.idx.msk [tilespmem:v22+s21+$0x0], $0xffff  }
0x20a: {  	s29 =	sadd.s32 $0x0, s15;
	v29 =	vadd.s32 v5, v11;
	v23 =	vld.idx.msk [tilespmem:v23+s21+$0x0], $0xffff  }
0x20b: {  	s10 =	simm.s32 $0x4;
	s16 =	sadd.s32 $0x10, s29;
	s0 =	sor.u32 $0x200, s29;
	v18 =	vld.idx.msk [tilespmem:v16+s21+$0x0], $0xffff;
	v16 =	vadd.s32 v5, v9  }
0x20c: {  	s11 =	simm.s32 $0x18B0;
	s19 =	sadd.s32 $0x20, s29;
	s22 =	sor.u32 $0x200, s16;
	v30 =	vadd.s32 v5, v8;
	v19 =	vld.idx.msk [tilespmem:v26+s21+$0x0], $0xffff;
	[tilespmem:s0+$0x14000] =	vst v25  }
0x20d: {  	s1 =	simm.s32 $0x200;
	s25 =	sadd.s32 $0x30, s29;
	s23 =	sor.u32 $0x200, s19;
	v24 =	vld.idx.msk [tilespmem:v21+s21+$0x0], $0xffff;
	[tilespmem:s22+$0x14000] =	vst v20  }
0x20e: {  	s8 =	sor.u32 $0x280, s16;
	s15 =	sor.u32 $0x200, s25;
	s12 =	sor.u32 $0x300, s16;
	[tilespmem:s23+$0x14000] =	vst v63;
	v22 =	vld.idx.msk [tilespmem:v27+s21+$0x0], $0xffff  }
0x20f: {  	s3 =	sor.u32 $0x300, s19;
	s4 =	sor.u32 $0x380, s19;
	s30 =	sor.u32 $0x300, s25;
	[tilespmem:s15+$0x14000] =	vst v23;
	v23 =	vadd.s32 v6, v14;
	v21 =	vld.idx.msk [tilespmem:v29+s21+$0x0], $0xffff  }
0x210: {  	s13 =	sor.u32 $0x280, s25;
	s14 =	sor.u32 $0x280, s19;
	s19 =	sor.u32 $0x380, s25;
	v25 =	vadd.s32 v1, v15;
	v20 =	vld.idx.msk [tilespmem:v16+s21+$0x0], $0xffff  }
0x211: {  	s25 =	simm.s32 $0x2;
	v26 =	vadd.s32 v1, v10;
	s0 =	sor.u32 $0x380, s16;
	s23 =	simm.s32 $0x1;
	v16 =	vld.idx.msk [tilespmem:v30+s21+$0x0], $0xffff  }
.LBB2_9:
0x212: {  	v27 =	vld [tilespmem:s11+$0xFFFFFFE0];
	s15 =	sand.u32 $0x40, s2;
	s16 =	sand.u32 $0x3C00, s1;
	v28 =	vadd.s32 v1, v12;
	s22 =	sor.u32 $0x280, s29  }
0x213: {  	v30 =	vadd.s32 v1, v13;
	v29 =	vld [tilespmem:s11+$0xFFFFFFF0];
	s15 =	sor.u32 s15, s16;
	[tilespmem:s22+$0x14000] =	vst v22  }
0x214: {  	[tilespmem:s15+$0x14000] =	vst v24;
	v22 =	vld.idx.msk [tilespmem:v23+s21+$0x0], $0xffff;
	v23 =	vadd.s32 v6, v11  }
0x215: {  	v24 =	vld.idx.msk [tilespmem:v25+s21+$0x0], $0xffff;
	[tilespmem:s15+$0x14010] =	vst v17;
	v17 =	vadd.s32 v6, v9  }
0x216: {  	v25 =	vld.idx.msk [tilespmem:v26+s21+$0x0], $0xffff;
	[tilespmem:s15+$0x14020] =	vst v18;
	v18 =	vadd.s32 v7, v14;
	v14 =	vmov v15  }
0x217: {  	v15 =	vadd.s32 v2, v14;
	v26 =	vld.idx.msk [tilespmem:v28+s21+$0x0], $0xffff;
	[tilespmem:s15+$0x14030] =	vst v19  }
0x218: {  	v19 =	vadd.s32 v2, v10;
	v28 =	vld.idx.msk [tilespmem:v30+s21+$0x0], $0xffff;
	[tilespmem:s8+$0x14000] =	vst v21  }
0x219: {  	v21 =	vadd.s32 v2, v12;
	s8 =	sor.u32 $0x300, s29;
	v23 =	vld.idx.msk [tilespmem:v23+s21+$0x0], $0xffff;
	[tilespmem:s14+$0x14000] =	vst v20  }
0x21a: {  	v20 =	vadd.s32 v2, v13;
	[tilespmem:s8+$0x14000] =	vst v22;
	v17 =	vld.idx.msk [tilespmem:v17+s21+$0x0], $0xffff  }
0x21b: {  	v22 =	vadd.s32 v6, v8;
	[tilespmem:s15+$0x14080] =	vst v24;
	v18 =	vld.idx.msk [tilespmem:v18+s21+$0x0], $0xffff  }
0x21c: {  	v24 =	vadd.s32 v7, v11;
	v11 =	vmov v10;
	v10 =	vmov v27;
	v15 =	vld.idx.msk [tilespmem:v15+s21+$0x0], $0xffff;
	[tilespmem:s15+$0x14090] =	vst v25  }
0x21d: {  	v19 =	vld.idx.msk [tilespmem:v19+s21+$0x0], $0xffff;
	[tilespmem:s15+$0x140A0] =	vst v26  }
0x21e: {  	v25 =	vadd.s32 v4, v14;
	v21 =	vld.idx.msk [tilespmem:v21+s21+$0x0], $0xffff;
	[tilespmem:s15+$0x140B0] =	vst v28  }
0x21f: {  	v26 =	vadd.s32 v4, v11;
	v20 =	vld.idx.msk [tilespmem:v20+s21+$0x0], $0xffff;
	[tilespmem:s13+$0x14000] =	vst v16  }
0x220: {  	s8 =	sor.u32 $0x380, s29;
	v16 =	vadd.s32 v4, v12;
	[tilespmem:s12+$0x14000] =	vst v23;
	v22 =	vld.idx.msk [tilespmem:v22+s21+$0x0], $0xffff  }
0x221: {  	v23 =	vadd.s32 v4, v13;
	[tilespmem:s8+$0x14000] =	vst v18;
	v18 =	vld.idx.msk [tilespmem:v24+s21+$0x0], $0xffff  }
0x222: {  	v24 =	vld [tilespmem:s11+$0x0];
	[tilespmem:s15+$0x14100] =	vst v15;
	v15 =	vadd.s32 v7, v9;
	v9 =	vmov v12;
	v12 =	vmov v29  }
0x223: {  	v25 =	vld.idx.msk [tilespmem:v25+s21+$0x0], $0xffff;
	[tilespmem:s15+$0x14110] =	vst v19  }
0x224: {  	v19 =	vld.idx.msk [tilespmem:v26+s21+$0x0], $0xffff;
	[tilespmem:s15+$0x14120] =	vst v21;
	v21 =	vadd.s32 v7, v8;
	v8 =	vmov v13  }
0x225: {  	v26 =	vadd.s32 v3, v14;
	v16 =	vld.idx.msk [tilespmem:v16+s21+$0x0], $0xffff;
	[tilespmem:s15+$0x14130] =	vst v20  }
0x226: {  	s2 =	sadd.s32 $0x40, s2;
	v20 =	vadd.s32 v3, v11;
	v23 =	vld.idx.msk [tilespmem:v23+s21+$0x0], $0xffff;
	[tilespmem:s3+$0x14000] =	vst v17  }
0x227: {  	s10 =	sadd.s32 $0x4, s10;
	s3 =	sand.u32 $0x7C0, s2;
	v17 =	vadd.s32 v3, v9;
	v27 =	vld.idx.msk [tilespmem:v15+s21+$0x0], $0xffff;
	[tilespmem:s30+$0x14000] =	vst v22;
	v13 =	vmov v24  }
0x228: {  	p4 =	slt.u32 s10, $0x7C;
	v22 =	vadd.s32 v3, v8;
	v15 =	vld [tilespmem:s3+$0x1800];
	[tilespmem:s0+$0x14000] =	vst v18  }
0x229: {  	v18 =	vadd.s32 v0, v10;
	[tilespmem:s15+$0x14180] =	vst v25;
	v21 =	vld.idx.msk [tilespmem:v21+s21+$0x0], $0xffff  }
0x22a: {  	p3 =	por !p3, !p3;
	v24 =	vadd.s32 v0, v12;
	s0 =	simm.s32 $0x1;
	v25 =	vld.idx.msk [tilespmem:v26+s21+$0x0], $0xffff;
	[tilespmem:s15+$0x14190] =	vst v19  }
0x22b: {  	s0 =	simm.s32 @!p3 $0x0;
	v19 =	vadd.s32 v0, v13;
	v20 =	vld.idx.msk [tilespmem:v20+s21+$0x0], $0xffff;
	[tilespmem:s15+$0x141A0] =	vst v16  }
0x22c: {  	s0 =	sshll.u32 s0, $0x6;
	v16 =	vadd.s32 v5, v14;
	v26 =	vld.idx.msk [tilespmem:v17+s21+$0x0], $0xffff;
	[tilespmem:s15+$0x141B0] =	vst v23  }
0x22d: {  	s29 =	sadd.s32 s0, s1;
	v23 =	vadd.s32 v0, v15;
	v28 =	vld.idx.msk [tilespmem:v22+s21+$0x0], $0xffff;
	[tilespmem:s4+$0x14000] =	vst v27  }
0x22e: {  	s0 =	sor.u32 $0x200, s29;
	v27 =	vadd.s32 v5, v11;
	v17 =	vld.idx.msk [tilespmem:v18+s21+$0x0], $0xffff  }
0x22f: {  	v29 =	vadd.s32 v5, v9;
	s15 =	sadd.s32 $0x20, s29;
	s16 =	sadd.s32 $0x30, s29;
	s4 =	sadd.s32 $0x10, s29;
	v18 =	vld.idx.msk [tilespmem:v24+s21+$0x0], $0xffff;
	[tilespmem:s19+$0x14000] =	vst v21  }
0x230: {  	v30 =	vadd.s32 v5, v8;
	s3 =	sor.u32 $0x200, s15;
	s14 =	sor.u32 $0x280, s15;
	v19 =	vld.idx.msk [tilespmem:v19+s21+$0x0], $0xffff;
	[tilespmem:s0+$0x14000] =	vst v25;
	s0 =	sor.u32 $0x200, s4  }
.Ltmp4:
0x231: {  	s8 =	sor.u32 $0x280, s4;
	s19 =	sor.u32 $0x200, s16;
	v22 =	vld.idx.msk [tilespmem:v16+s21+$0x0], $0xffff;
	[tilespmem:s0+$0x14000] =	vst v20;
	(pc) =	sbr.rel @p4 .LBB2_9-.Ltmp4, $4  }
0x232: {  	s13 =	sor.u32 $0x280, s16;
	s12 =	sor.u32 $0x300, s4;
	v24 =	vld.idx.msk [tilespmem:v23+s21+$0x0], $0xffff;
	[tilespmem:s3+$0x14000] =	vst v26;
	s3 =	sor.u32 $0x300, s15  }
0x233: {  	s30 =	sor.u32 $0x300, s16;
	s0 =	sor.u32 $0x380, s4;
	s4 =	sor.u32 $0x380, s15;
	v23 =	vadd.s32 v6, v14;
	v21 =	vld.idx.msk [tilespmem:v27+s21+$0x0], $0xffff;
	[tilespmem:s19+$0x14000] =	vst v28  }
0x234: {  	v25 =	vadd.s32 v1, v15;
	s19 =	sor.u32 $0x380, s16;
	v20 =	vld.idx.msk [tilespmem:v29+s21+$0x0], $0xffff  }
0x235: {  	s11 =	sadd.s32 $0x40, s11;
	s1 =	sadd.s32 $0x200, s1;
	v26 =	vadd.s32 v1, v10;
	v16 =	vld.idx.msk [tilespmem:v30+s21+$0x0], $0xffff  }
0x236: {  	_ = 	snop  }
0x237: {  	s2 =	sand.u32 $0x40, s2;
	s10 =	sand.u32 $0x3C00, s1;
	v27 =	vadd.s32 v1, v12  }
0x238: {  	v28 =	vadd.s32 v1, v13;
	s2 =	sor.u32 s2, s10  }
0x239: {  	[tilespmem:s2+$0x14000] =	vst v24  }
0x23a: {  	[tilespmem:s2+$0x14010] =	vst v17;
	v24 =	vld.idx.msk [tilespmem:v25+s21+$0x0], $0xffff  }
0x23b: {  	[tilespmem:s2+$0x14020] =	vst v18;
	v18 =	vadd.s32 v2, v15;
	v17 =	vld.idx.msk [tilespmem:v26+s21+$0x0], $0xffff  }
0x23c: {  	[tilespmem:s2+$0x14030] =	vst v19;
	v19 =	vadd.s32 v2, v10;
	v25 =	vld.idx.msk [tilespmem:v27+s21+$0x0], $0xffff  }
0x23d: {  	s22 =	sor.u32 $0x280, s29;
	v26 =	vld.idx.msk [tilespmem:v28+s21+$0x0], $0xffff;
	v27 =	vadd.s32 v2, v12  }
0x23e: {  	v62 =	vadd.s32 v2, v13;
	[tilespmem:s22+$0x14000] =	vst v22  }
0x23f: {  	[tilespmem:s2+$0x14080] =	vst v24  }
0x240: {  	[tilespmem:s2+$0x14090] =	vst v17;
	v18 =	vld.idx.msk [tilespmem:v18+s21+$0x0], $0xffff  }
0x241: {  	v17 =	vld.idx.msk [tilespmem:v19+s21+$0x0], $0xffff;
	v19 =	vadd.s32 v4, v15;
	[tilespmem:s2+$0x140A0] =	vst v25  }
0x242: {  	[tilespmem:s2+$0x140B0] =	vst v26;
	v25 =	vadd.s32 v4, v10;
	v24 =	vld.idx.msk [tilespmem:v27+s21+$0x0], $0xffff  }
0x243: {  	[tilespmem:s8+$0x14000] =	vst v21;
	v26 =	vadd.s32 v4, v12;
	v22 =	vld.idx.msk [tilespmem:v62+s21+$0x0], $0xffff  }
0x244: {  	v21 =	vadd.s32 v4, v13;
	v23 =	vld.idx.msk [tilespmem:v23+s21+$0x0], $0xffff;
	[tilespmem:s14+$0x14000] =	vst v20  }
0x245: {  	v14 =	vadd.s32 v7, v14;
	[tilespmem:s2+$0x14100] =	vst v18  }
0x246: {  	v18 =	vadd.s32 v6, v11;
	[tilespmem:s2+$0x14110] =	vst v17;
	v19 =	vld.idx.msk [tilespmem:v19+s21+$0x0], $0xffff  }
0x247: {  	v17 =	vld.idx.msk [tilespmem:v25+s21+$0x0], $0xffff;
	[tilespmem:s2+$0x14120] =	vst v24;
	v24 =	vadd.s32 v3, v15  }
0x248: {  	s10 =	sor.u32 $0x300, s29;
	[tilespmem:s2+$0x14130] =	vst v22;
	v22 =	vadd.s32 v3, v10;
	v25 =	vld.idx.msk [tilespmem:v26+s21+$0x0], $0xffff  }
0x249: {  	[tilespmem:s10+$0x14000] =	vst v23;
	v20 =	vld.idx.msk [tilespmem:v21+s21+$0x0], $0xffff;
	v21 =	vadd.s32 v3, v12  }
0x24a: {  	v23 =	vadd.s32 v3, v13;
	v14 =	vld.idx.msk [tilespmem:v14+s21+$0x0], $0xffff  }
0x24b: {  	v18 =	vld.idx.msk [tilespmem:v18+s21+$0x0], $0xffff;
	[tilespmem:s2+$0x14180] =	vst v19;
	v19 =	vadd.s32 v6, v9  }
0x24c: {  	p3 =	por !p3, !p3;
	s8 =	simm.s32 $0x1;
	v11 =	vadd.s32 v7, v11;
	[tilespmem:s2+$0x14190] =	vst v17;
	v24 =	vld.idx.msk [tilespmem:v24+s21+$0x0], $0xffff  }
0x24d: {  	s8 =	simm.s32 @!p3 $0x0;
	v17 =	vld.idx.msk [tilespmem:v22+s21+$0x0], $0xffff;
	v22 =	vadd.s32 v5, v15;
	[tilespmem:s2+$0x141A0] =	vst v25  }
0x24e: {  	s11 =	sshll.u32 s8, $0x6;
	[tilespmem:s2+$0x141B0] =	vst v20;
	v20 =	vadd.s32 v5, v10;
	v21 =	vld.idx.msk [tilespmem:v21+s21+$0x0], $0xffff  }
0x24f: {  	[tilespmem:s13+$0x14000] =	vst v16;
	s1 =	sadd.s32 s11, s1;
	v16 =	vld.idx.msk [tilespmem:v23+s21+$0x0], $0xffff;
	v23 =	vadd.s32 v5, v12  }
0x250: {  	s2 =	sadd.s32 $0x10, s1;
	[tilespmem:s12+$0x14000] =	vst v18;
	s12 =	sor.u32 $0x200, s1;
	v18 =	vadd.s32 v5, v13;
	v19 =	vld.idx.msk [tilespmem:v19+s21+$0x0], $0xffff  }
0x251: {  	s8 =	sadd.s32 $0x20, s1;
	s13 =	sor.u32 $0x200, s2;
	v11 =	vld.idx.msk [tilespmem:v11+s21+$0x0], $0xffff;
	[tilespmem:s12+$0x14000] =	vst v24  }
0x252: {  	s11 =	sor.u32 $0x200, s8;
	v25 =	vadd.s32 v6, v8;
	s12 =	sadd.s32 $0x30, s1;
	[tilespmem:s13+$0x14000] =	vst v17;
	v22 =	vld.idx.msk [tilespmem:v22+s21+$0x0], $0xffff  }
0x253: {  	v17 =	vadd.s32 v6, v15;
	s14 =	sor.u32 $0x200, s12;
	v20 =	vld.idx.msk [tilespmem:v20+s21+$0x0], $0xffff;
	[tilespmem:s11+$0x14000] =	vst v21  }
0x254: {  	s15 =	sor.u32 $0x380, s29;
	[tilespmem:s14+$0x14000] =	vst v16;
	v21 =	vadd.s32 v6, v10;
	v16 =	vld.idx.msk [tilespmem:v23+s21+$0x0], $0xffff  }
0x255: {  	[tilespmem:s15+$0x14000] =	vst v14;
	v14 =	vld.idx.msk [tilespmem:v18+s21+$0x0], $0xffff;
	v18 =	vadd.s32 v6, v12  }
0x256: {  	s16 =	sor.u32 $0x280, s1;
	v9 =	vadd.s32 v7, v9;
	[tilespmem:s3+$0x14000] =	vst v19  }
0x257: {  	s22 =	sor.u32 $0x280, s2;
	v23 =	vld.idx.msk [tilespmem:v25+s21+$0x0], $0xffff;
	v19 =	vadd.s32 v6, v13;
	[tilespmem:s16+$0x14000] =	vst v22  }
0x258: {  	v8 =	vadd.s32 v7, v8;
	s11 =	sor.u32 $0x280, s8;
	[tilespmem:s22+$0x14000] =	vst v20;
	v17 =	vld.idx.msk [tilespmem:v17+s21+$0x0], $0xffff  }
0x259: {  	v15 =	vadd.s32 v7, v15;
	v20 =	vld.idx.msk [tilespmem:v21+s21+$0x0], $0xffff;
	[tilespmem:s11+$0x14000] =	vst v16  }
0x25a: {  	s13 =	sor.u32 $0x280, s12;
	v10 =	vadd.s32 v7, v10;
	[tilespmem:s0+$0x14000] =	vst v11;
	v16 =	vld.idx.msk [tilespmem:v18+s21+$0x0], $0xffff  }
0x25b: {  	v12 =	vadd.s32 v7, v12;
	v9 =	vld.idx.msk [tilespmem:v9+s21+$0x0], $0xffff;
	[tilespmem:s13+$0x14000] =	vst v14  }
0x25c: {  	s14 =	sor.u32 $0x300, s1;
	[tilespmem:s30+$0x14000] =	vst v23;
	v14 =	vld.idx.msk [tilespmem:v19+s21+$0x0], $0xffff  }
0x25d: {  	s15 =	sor.u32 $0x300, s2;
	v8 =	vld.idx.msk [tilespmem:v8+s21+$0x0], $0xffff;
	[tilespmem:s14+$0x14000] =	vst v17  }
0x25e: {  	v11 =	vadd.s32 v7, v13;
	s16 =	sor.u32 $0x300, s8;
	[tilespmem:s15+$0x14000] =	vst v20;
	v13 =	vld.idx.msk [tilespmem:v15+s21+$0x0], $0xffff  }
0x25f: {  	v10 =	vld.idx.msk [tilespmem:v10+s21+$0x0], $0xffff;
	[tilespmem:s16+$0x14000] =	vst v16  }
0x260: {  	s22 =	sor.u32 $0x300, s12;
	[tilespmem:s4+$0x14000] =	vst v9;
	v12 =	vld.idx.msk [tilespmem:v12+s21+$0x0], $0xffff  }
0x261: {  	[tilespmem:s22+$0x14000] =	vst v14  }
0x262: {  	s3 =	sor.u32 $0x380, s1;
	[tilespmem:s19+$0x14000] =	vst v8  }
0x263: {  	s4 =	sor.u32 $0x380, s2;
	v9 =	vld.idx.msk [tilespmem:v11+s21+$0x0], $0xffff;
	[tilespmem:s3+$0x14000] =	vst v13  }
0x264: {  	s10 =	sor.u32 $0x380, s8;
	[tilespmem:s4+$0x14000] =	vst v10  }
0x265: {  	s0 =	sadd.s32 @p1 $0xFF06C000, s18;
	[tilespmem:s10+$0x14000] =	vst v12  }
0x266: {  	s0 =	sshrl.u32 @p1 s0, $0x3;
	s2 =	rddreg [dreg:$0xb]  }
0x267: {  	s0 =	sadd.s32 @p1 s5, s0;
	s11 =	sor.u32 $0x380, s12;
	s2 =	sadd.s32 @!p1 s9, s2  }
0x268: {  	s12 =	simm.s32 $0x14000;
	[tilespmem:s11+$0x14000] =	vst v9;
	s2 =	smov.u32 @p1 s0;
	s0 =	simm.s32 @!p2 $0x5  }
0x269: {  	[hbm4b:s2+s6] =	stream.linear.scatter [tilespmem:s12], [sflag:$0x4], $0x4000, $0x38;
	[tilespmem:$0x1C300] =	vst v63  }
0x26a: {  	_ =	swait.ge @!p2 [sflag:s0], $0x4000  }
0x26b: {  	s13 =	simm.s32 $0x0;
	[sflag:s0] =	ssyncset.done @!p2 $0x0  }
0x26c: {  	s14 =	sand.u32 $0x7C0, s13;
	[sflag:s0] =	ssyncadd.s32 @!p2 $0xFFFFC000  }
0x26d: {  	s15 =	simm.s32 $0x2030;
	v14 =	vld [tilespmem:s14+$0x2000]  }
0x26e: {  	v11 =	vld [tilespmem:s15+$0xFFFFFFE0]  }
0x26f: {  	v9 =	vld [tilespmem:s15+$0xFFFFFFF0]  }
0x270: {  	v8 =	vld [tilespmem:s15+$0x0];
	_ =	sdelay $0x1  }
0x271: {  	v10 =	vadd.s32 v0, v14  }
0x272: {  	v12 =	vadd.s32 v0, v11  }
0x273: {  	v13 =	vadd.s32 v0, v9  }
0x274: {  	v15 =	vadd.s32 v0, v8;
	_ =	sdelay $0x1  }
0x275: {  	v10 =	vld.idx.msk [tilespmem:v10+s21+$0x0], $0xffff  }
0x276: {  	v16 =	vadd.s32 v1, v14;
	v12 =	vld.idx.msk [tilespmem:v12+s21+$0x0], $0xffff  }
0x277: {  	v17 =	vadd.s32 v1, v11;
	v13 =	vld.idx.msk [tilespmem:v13+s21+$0x0], $0xffff  }
0x278: {  	s1 =	sand.u32 $0x3C00, s13;
	s16 =	sand.u32 $0x40, s13;
	v15 =	vld.idx.msk [tilespmem:v15+s21+$0x0], $0xffff  }
0x279: {  	s0 =	sor.u32 s16, s1;
	v18 =	vadd.s32 v1, v9  }
0x27a: {  	v19 =	vadd.s32 v1, v8;
	[tilespmem:s0+$0x18000] =	vst v10  }
0x27b: {  	[tilespmem:s0+$0x18010] =	vst v12;
	v16 =	vld.idx.msk [tilespmem:v16+s21+$0x0], $0xffff  }
0x27c: {  	[tilespmem:s0+$0x18020] =	vst v13;
	v13 =	vadd.s32 v2, v14;
	v12 =	vld.idx.msk [tilespmem:v17+s21+$0x0], $0xffff  }
0x27d: {  	[tilespmem:s0+$0x18030] =	vst v15;
	v15 =	vadd.s32 v2, v11  }
0x27e: {  	v17 =	vld.idx.msk [tilespmem:v18+s21+$0x0], $0xffff  }
0x27f: {  	s19 =	simm.s32 $0x2070;
	v18 =	vld.idx.msk [tilespmem:v19+s21+$0x0], $0xffff;
	v19 =	vadd.s32 v2, v9  }
0x280: {  	v20 =	vadd.s32 v2, v8;
	v10 =	vld [tilespmem:s19+$0xFFFFFFE0];
	[tilespmem:s0+$0x18080] =	vst v16  }
0x281: {  	[tilespmem:s0+$0x18090] =	vst v12;
	v16 =	vld.idx.msk [tilespmem:v13+s21+$0x0], $0xffff  }
0x282: {  	v15 =	vld.idx.msk [tilespmem:v15+s21+$0x0], $0xffff  }
0x283: {  	[tilespmem:s0+$0x180A0] =	vst v17;
	v17 =	vadd.s32 v4, v14;
	v12 =	vld [tilespmem:s19+$0xFFFFFFF0]  }
0x284: {  	[tilespmem:s0+$0x180B0] =	vst v18;
	v18 =	vadd.s32 v4, v11;
	v19 =	vld.idx.msk [tilespmem:v19+s21+$0x0], $0xffff  }
0x285: {  	s2 =	simm.s32 $0x40;
	v21 =	vadd.s32 v4, v9;
	v20 =	vld.idx.msk [tilespmem:v20+s21+$0x0], $0xffff  }
0x286: {  	s22 =	sand.u32 $0x7C0, s2;
	v22 =	vadd.s32 v4, v8;
	v13 =	vld [tilespmem:s19+$0x0];
	[tilespmem:s0+$0x18100] =	vst v16  }
0x287: {  	[tilespmem:s0+$0x18110] =	vst v15;
	v15 =	vld [tilespmem:s22+$0x2000]  }
0x288: {  	v16 =	vld.idx.msk [tilespmem:v17+s21+$0x0], $0xffff  }
0x289: {  	v24 =	vadd.s32 v0, v10;
	[tilespmem:s0+$0x18120] =	vst v19;
	v17 =	vld.idx.msk [tilespmem:v18+s21+$0x0], $0xffff  }
0x28a: {  	[tilespmem:s0+$0x18130] =	vst v20;
	v18 =	vadd.s32 v3, v14;
	v19 =	vld.idx.msk [tilespmem:v21+s21+$0x0], $0xffff  }
0x28b: {  	v20 =	vadd.s32 v3, v11;
	v21 =	vld.idx.msk [tilespmem:v22+s21+$0x0], $0xffff  }
0x28c: {  	v22 =	vadd.s32 v3, v9  }
0x28d: {  	v23 =	vadd.s32 v3, v8;
	[tilespmem:s0+$0x18180] =	vst v16  }
0x28e: {  	v16 =	vadd.s32 v0, v12;
	[tilespmem:s0+$0x18190] =	vst v17;
	v17 =	vld.idx.msk [tilespmem:v24+s21+$0x0], $0xffff  }
0x28f: {  	p2 =	por $0x0, $0x0;
	s1 =	simm.s32 $0x1;
	v26 =	vadd.s32 v0, v13;
	[tilespmem:s0+$0x181A0] =	vst v19;
	v25 =	vld.idx.msk [tilespmem:v18+s21+$0x0], $0xffff  }
0x290: {  	s1 =	simm.s32 @!p2 $0x0;
	[tilespmem:s0+$0x181B0] =	vst v21;
	v21 =	vadd.s32 v0, v15;
	v20 =	vld.idx.msk [tilespmem:v20+s21+$0x0], $0xffff  }
0x291: {  	s3 =	sshll.u32 s1, $0x6;
	v27 =	vadd.s32 v5, v14;
	v63 =	vld.idx.msk [tilespmem:v22+s21+$0x0], $0xffff  }
0x292: {  	s29 =	sadd.s32 $0x0, s3;
	v29 =	vadd.s32 v5, v11;
	v23 =	vld.idx.msk [tilespmem:v23+s21+$0x0], $0xffff  }
0x293: {  	s4 =	sadd.s32 $0x10, s29;
	s0 =	sor.u32 $0x200, s29;
	v18 =	vld.idx.msk [tilespmem:v16+s21+$0x0], $0xffff;
	v16 =	vadd.s32 v5, v9  }
0x294: {  	s11 =	sadd.s32 $0x20, s29;
	s16 =	sor.u32 $0x200, s4;
	v30 =	vadd.s32 v5, v8;
	v19 =	vld.idx.msk [tilespmem:v26+s21+$0x0], $0xffff;
	[tilespmem:s0+$0x18000] =	vst v25  }
0x295: {  	s10 =	simm.s32 $0x4;
	s19 =	sor.u32 $0x200, s11;
	s22 =	sadd.s32 $0x30, s29;
	v24 =	vld.idx.msk [tilespmem:v21+s21+$0x0], $0xffff;
	[tilespmem:s16+$0x18000] =	vst v20  }
0x296: {  	s1 =	simm.s32 $0x200;
	s8 =	sor.u32 $0x280, s4;
	s15 =	sor.u32 $0x200, s22;
	[tilespmem:s19+$0x18000] =	vst v63;
	v22 =	vld.idx.msk [tilespmem:v27+s21+$0x0], $0xffff  }
0x297: {  	s14 =	sor.u32 $0x280, s11;
	s12 =	sor.u32 $0x300, s4;
	s3 =	sor.u32 $0x300, s11;
	[tilespmem:s15+$0x18000] =	vst v23;
	v23 =	vadd.s32 v6, v14;
	v21 =	vld.idx.msk [tilespmem:v29+s21+$0x0], $0xffff  }
0x298: {  	s13 =	sor.u32 $0x280, s22;
	s30 =	sor.u32 $0x300, s22;
	s0 =	sor.u32 $0x380, s4;
	v25 =	vadd.s32 v1, v15;
	v20 =	vld.idx.msk [tilespmem:v16+s21+$0x0], $0xffff  }
0x299: {  	v26 =	vadd.s32 v1, v10;
	s4 =	sor.u32 $0x380, s11;
	s19 =	sor.u32 $0x380, s22;
	s11 =	simm.s32 $0x20B0;
	v16 =	vld.idx.msk [tilespmem:v30+s21+$0x0], $0xffff  }
.LBB2_11:
0x29a: {  	v27 =	vld [tilespmem:s11+$0xFFFFFFE0];
	s15 =	sand.u32 $0x40, s2;
	s16 =	sand.u32 $0x3C00, s1;
	v28 =	vadd.s32 v1, v12;
	s22 =	sor.u32 $0x280, s29  }
0x29b: {  	v30 =	vadd.s32 v1, v13;
	v29 =	vld [tilespmem:s11+$0xFFFFFFF0];
	s15 =	sor.u32 s15, s16;
	[tilespmem:s22+$0x18000] =	vst v22  }
0x29c: {  	[tilespmem:s15+$0x18000] =	vst v24;
	v22 =	vld.idx.msk [tilespmem:v23+s21+$0x0], $0xffff;
	v23 =	vadd.s32 v6, v11  }
0x29d: {  	v24 =	vld.idx.msk [tilespmem:v25+s21+$0x0], $0xffff;
	[tilespmem:s15+$0x18010] =	vst v17;
	v17 =	vadd.s32 v6, v9  }
0x29e: {  	v25 =	vld.idx.msk [tilespmem:v26+s21+$0x0], $0xffff;
	[tilespmem:s15+$0x18020] =	vst v18;
	v18 =	vadd.s32 v7, v14;
	v14 =	vmov v15  }
0x29f: {  	v15 =	vadd.s32 v2, v14;
	v26 =	vld.idx.msk [tilespmem:v28+s21+$0x0], $0xffff;
	[tilespmem:s15+$0x18030] =	vst v19  }
0x2a0: {  	v19 =	vadd.s32 v2, v10;
	v28 =	vld.idx.msk [tilespmem:v30+s21+$0x0], $0xffff;
	[tilespmem:s8+$0x18000] =	vst v21  }
0x2a1: {  	v21 =	vadd.s32 v2, v12;
	s8 =	sor.u32 $0x300, s29;
	v23 =	vld.idx.msk [tilespmem:v23+s21+$0x0], $0xffff;
	[tilespmem:s14+$0x18000] =	vst v20  }
0x2a2: {  	v20 =	vadd.s32 v2, v13;
	[tilespmem:s8+$0x18000] =	vst v22;
	v17 =	vld.idx.msk [tilespmem:v17+s21+$0x0], $0xffff  }
0x2a3: {  	v22 =	vadd.s32 v6, v8;
	[tilespmem:s15+$0x18080] =	vst v24;
	v18 =	vld.idx.msk [tilespmem:v18+s21+$0x0], $0xffff  }
0x2a4: {  	v24 =	vadd.s32 v7, v11;
	v11 =	vmov v10;
	v10 =	vmov v27;
	v15 =	vld.idx.msk [tilespmem:v15+s21+$0x0], $0xffff;
	[tilespmem:s15+$0x18090] =	vst v25  }
0x2a5: {  	v19 =	vld.idx.msk [tilespmem:v19+s21+$0x0], $0xffff;
	[tilespmem:s15+$0x180A0] =	vst v26  }
0x2a6: {  	v25 =	vadd.s32 v4, v14;
	v21 =	vld.idx.msk [tilespmem:v21+s21+$0x0], $0xffff;
	[tilespmem:s15+$0x180B0] =	vst v28  }
0x2a7: {  	v26 =	vadd.s32 v4, v11;
	v20 =	vld.idx.msk [tilespmem:v20+s21+$0x0], $0xffff;
	[tilespmem:s13+$0x18000] =	vst v16  }
0x2a8: {  	s8 =	sor.u32 $0x380, s29;
	v16 =	vadd.s32 v4, v12;
	[tilespmem:s12+$0x18000] =	vst v23;
	v22 =	vld.idx.msk [tilespmem:v22+s21+$0x0], $0xffff  }
0x2a9: {  	v23 =	vadd.s32 v4, v13;
	[tilespmem:s8+$0x18000] =	vst v18;
	v18 =	vld.idx.msk [tilespmem:v24+s21+$0x0], $0xffff  }
0x2aa: {  	v24 =	vld [tilespmem:s11+$0x0];
	[tilespmem:s15+$0x18100] =	vst v15;
	v15 =	vadd.s32 v7, v9;
	v9 =	vmov v12;
	v12 =	vmov v29  }
0x2ab: {  	v25 =	vld.idx.msk [tilespmem:v25+s21+$0x0], $0xffff;
	[tilespmem:s15+$0x18110] =	vst v19  }
0x2ac: {  	v19 =	vld.idx.msk [tilespmem:v26+s21+$0x0], $0xffff;
	[tilespmem:s15+$0x18120] =	vst v21;
	v21 =	vadd.s32 v7, v8;
	v8 =	vmov v13  }
0x2ad: {  	v26 =	vadd.s32 v3, v14;
	v16 =	vld.idx.msk [tilespmem:v16+s21+$0x0], $0xffff;
	[tilespmem:s15+$0x18130] =	vst v20  }
0x2ae: {  	s2 =	sadd.s32 $0x40, s2;
	v20 =	vadd.s32 v3, v11;
	v23 =	vld.idx.msk [tilespmem:v23+s21+$0x0], $0xffff;
	[tilespmem:s3+$0x18000] =	vst v17  }
0x2af: {  	s10 =	sadd.s32 $0x4, s10;
	s3 =	sand.u32 $0x7C0, s2;
	v17 =	vadd.s32 v3, v9;
	v27 =	vld.idx.msk [tilespmem:v15+s21+$0x0], $0xffff;
	[tilespmem:s30+$0x18000] =	vst v22;
	v13 =	vmov v24  }
0x2b0: {  	p3 =	slt.u32 s10, $0x7C;
	v22 =	vadd.s32 v3, v8;
	v15 =	vld [tilespmem:s3+$0x2000];
	[tilespmem:s0+$0x18000] =	vst v18  }
0x2b1: {  	v18 =	vadd.s32 v0, v10;
	[tilespmem:s15+$0x18180] =	vst v25;
	v21 =	vld.idx.msk [tilespmem:v21+s21+$0x0], $0xffff  }
0x2b2: {  	p2 =	por !p2, !p2;
	v24 =	vadd.s32 v0, v12;
	s0 =	simm.s32 $0x1;
	v25 =	vld.idx.msk [tilespmem:v26+s21+$0x0], $0xffff;
	[tilespmem:s15+$0x18190] =	vst v19  }
0x2b3: {  	s0 =	simm.s32 @!p2 $0x0;
	v19 =	vadd.s32 v0, v13;
	v20 =	vld.idx.msk [tilespmem:v20+s21+$0x0], $0xffff;
	[tilespmem:s15+$0x181A0] =	vst v16  }
0x2b4: {  	s0 =	sshll.u32 s0, $0x6;
	v16 =	vadd.s32 v5, v14;
	v26 =	vld.idx.msk [tilespmem:v17+s21+$0x0], $0xffff;
	[tilespmem:s15+$0x181B0] =	vst v23  }
0x2b5: {  	s29 =	sadd.s32 s0, s1;
	v23 =	vadd.s32 v0, v15;
	v28 =	vld.idx.msk [tilespmem:v22+s21+$0x0], $0xffff;
	[tilespmem:s4+$0x18000] =	vst v27  }
0x2b6: {  	s0 =	sor.u32 $0x200, s29;
	v27 =	vadd.s32 v5, v11;
	v17 =	vld.idx.msk [tilespmem:v18+s21+$0x0], $0xffff  }
0x2b7: {  	v29 =	vadd.s32 v5, v9;
	s15 =	sadd.s32 $0x20, s29;
	s16 =	sadd.s32 $0x30, s29;
	s4 =	sadd.s32 $0x10, s29;
	v18 =	vld.idx.msk [tilespmem:v24+s21+$0x0], $0xffff;
	[tilespmem:s19+$0x18000] =	vst v21  }
0x2b8: {  	v30 =	vadd.s32 v5, v8;
	s3 =	sor.u32 $0x200, s15;
	s14 =	sor.u32 $0x280, s15;
	v19 =	vld.idx.msk [tilespmem:v19+s21+$0x0], $0xffff;
	[tilespmem:s0+$0x18000] =	vst v25;
	s0 =	sor.u32 $0x200, s4  }
.Ltmp5:
0x2b9: {  	s8 =	sor.u32 $0x280, s4;
	s19 =	sor.u32 $0x200, s16;
	v22 =	vld.idx.msk [tilespmem:v16+s21+$0x0], $0xffff;
	[tilespmem:s0+$0x18000] =	vst v20;
	(pc) =	sbr.rel @p3 .LBB2_11-.Ltmp5, $4  }
0x2ba: {  	s13 =	sor.u32 $0x280, s16;
	s12 =	sor.u32 $0x300, s4;
	v24 =	vld.idx.msk [tilespmem:v23+s21+$0x0], $0xffff;
	[tilespmem:s3+$0x18000] =	vst v26;
	s3 =	sor.u32 $0x300, s15  }
0x2bb: {  	s30 =	sor.u32 $0x300, s16;
	s0 =	sor.u32 $0x380, s4;
	s4 =	sor.u32 $0x380, s15;
	v23 =	vadd.s32 v6, v14;
	v21 =	vld.idx.msk [tilespmem:v27+s21+$0x0], $0xffff;
	[tilespmem:s19+$0x18000] =	vst v28  }
0x2bc: {  	v25 =	vadd.s32 v1, v15;
	s19 =	sor.u32 $0x380, s16;
	v20 =	vld.idx.msk [tilespmem:v29+s21+$0x0], $0xffff  }
0x2bd: {  	s11 =	sadd.s32 $0x40, s11;
	s1 =	sadd.s32 $0x200, s1;
	v26 =	vadd.s32 v1, v10;
	v16 =	vld.idx.msk [tilespmem:v30+s21+$0x0], $0xffff  }
0x2be: {  	_ = 	snop  }
0x2bf: {  	s2 =	sand.u32 $0x40, s2;
	s10 =	sand.u32 $0x3C00, s1;
	v27 =	vadd.s32 v1, v12  }
0x2c0: {  	v28 =	vadd.s32 v1, v13;
	s2 =	sor.u32 s2, s10  }
0x2c1: {  	[tilespmem:s2+$0x18000] =	vst v24  }
0x2c2: {  	[tilespmem:s2+$0x18010] =	vst v17;
	v24 =	vld.idx.msk [tilespmem:v25+s21+$0x0], $0xffff  }
0x2c3: {  	[tilespmem:s2+$0x18020] =	vst v18;
	v18 =	vadd.s32 v2, v15;
	v17 =	vld.idx.msk [tilespmem:v26+s21+$0x0], $0xffff  }
0x2c4: {  	[tilespmem:s2+$0x18030] =	vst v19;
	v19 =	vadd.s32 v2, v10;
	v25 =	vld.idx.msk [tilespmem:v27+s21+$0x0], $0xffff  }
0x2c5: {  	s22 =	sor.u32 $0x280, s29;
	v26 =	vld.idx.msk [tilespmem:v28+s21+$0x0], $0xffff;
	v27 =	vadd.s32 v2, v12  }
0x2c6: {  	v62 =	vadd.s32 v2, v13;
	[tilespmem:s22+$0x18000] =	vst v22  }
0x2c7: {  	[tilespmem:s2+$0x18080] =	vst v24  }
0x2c8: {  	[tilespmem:s2+$0x18090] =	vst v17;
	v18 =	vld.idx.msk [tilespmem:v18+s21+$0x0], $0xffff  }
0x2c9: {  	v17 =	vld.idx.msk [tilespmem:v19+s21+$0x0], $0xffff;
	v19 =	vadd.s32 v4, v15;
	[tilespmem:s2+$0x180A0] =	vst v25  }
0x2ca: {  	[tilespmem:s2+$0x180B0] =	vst v26;
	v25 =	vadd.s32 v4, v10;
	v24 =	vld.idx.msk [tilespmem:v27+s21+$0x0], $0xffff  }
0x2cb: {  	[tilespmem:s8+$0x18000] =	vst v21;
	v26 =	vadd.s32 v4, v12;
	v22 =	vld.idx.msk [tilespmem:v62+s21+$0x0], $0xffff  }
0x2cc: {  	v21 =	vadd.s32 v4, v13;
	v23 =	vld.idx.msk [tilespmem:v23+s21+$0x0], $0xffff;
	[tilespmem:s14+$0x18000] =	vst v20  }
0x2cd: {  	v14 =	vadd.s32 v7, v14;
	[tilespmem:s2+$0x18100] =	vst v18  }
0x2ce: {  	v18 =	vadd.s32 v6, v11;
	[tilespmem:s2+$0x18110] =	vst v17;
	v19 =	vld.idx.msk [tilespmem:v19+s21+$0x0], $0xffff  }
0x2cf: {  	v17 =	vld.idx.msk [tilespmem:v25+s21+$0x0], $0xffff;
	[tilespmem:s2+$0x18120] =	vst v24;
	v24 =	vadd.s32 v3, v15  }
0x2d0: {  	s10 =	sor.u32 $0x300, s29;
	[tilespmem:s2+$0x18130] =	vst v22;
	v22 =	vadd.s32 v3, v10;
	v25 =	vld.idx.msk [tilespmem:v26+s21+$0x0], $0xffff  }
0x2d1: {  	[tilespmem:s10+$0x18000] =	vst v23;
	v20 =	vld.idx.msk [tilespmem:v21+s21+$0x0], $0xffff;
	v21 =	vadd.s32 v3, v12  }
0x2d2: {  	v23 =	vadd.s32 v3, v13;
	v14 =	vld.idx.msk [tilespmem:v14+s21+$0x0], $0xffff  }
0x2d3: {  	v18 =	vld.idx.msk [tilespmem:v18+s21+$0x0], $0xffff;
	[tilespmem:s2+$0x18180] =	vst v19;
	v19 =	vadd.s32 v6, v9  }
0x2d4: {  	p2 =	por !p2, !p2;
	s8 =	simm.s32 $0x1;
	v11 =	vadd.s32 v7, v11;
	[tilespmem:s2+$0x18190] =	vst v17;
	v24 =	vld.idx.msk [tilespmem:v24+s21+$0x0], $0xffff  }
0x2d5: {  	s8 =	simm.s32 @!p2 $0x0;
	v17 =	vld.idx.msk [tilespmem:v22+s21+$0x0], $0xffff;
	v22 =	vadd.s32 v5, v15;
	[tilespmem:s2+$0x181A0] =	vst v25  }
0x2d6: {  	s11 =	sshll.u32 s8, $0x6;
	[tilespmem:s2+$0x181B0] =	vst v20;
	v20 =	vadd.s32 v5, v10;
	v21 =	vld.idx.msk [tilespmem:v21+s21+$0x0], $0xffff  }
0x2d7: {  	[tilespmem:s13+$0x18000] =	vst v16;
	s1 =	sadd.s32 s11, s1;
	v16 =	vld.idx.msk [tilespmem:v23+s21+$0x0], $0xffff;
	v23 =	vadd.s32 v5, v12  }
0x2d8: {  	s2 =	sadd.s32 $0x10, s1;
	[tilespmem:s12+$0x18000] =	vst v18;
	s12 =	sor.u32 $0x200, s1;
	v18 =	vadd.s32 v5, v13;
	v19 =	vld.idx.msk [tilespmem:v19+s21+$0x0], $0xffff  }
0x2d9: {  	s8 =	sadd.s32 $0x20, s1;
	s13 =	sor.u32 $0x200, s2;
	v11 =	vld.idx.msk [tilespmem:v11+s21+$0x0], $0xffff;
	[tilespmem:s12+$0x18000] =	vst v24  }
0x2da: {  	s11 =	sor.u32 $0x200, s8;
	v25 =	vadd.s32 v6, v8;
	s12 =	sadd.s32 $0x30, s1;
	[tilespmem:s13+$0x18000] =	vst v17;
	v22 =	vld.idx.msk [tilespmem:v22+s21+$0x0], $0xffff  }
0x2db: {  	v17 =	vadd.s32 v6, v15;
	s14 =	sor.u32 $0x200, s12;
	v20 =	vld.idx.msk [tilespmem:v20+s21+$0x0], $0xffff;
	[tilespmem:s11+$0x18000] =	vst v21  }
0x2dc: {  	s15 =	sor.u32 $0x380, s29;
	[tilespmem:s14+$0x18000] =	vst v16;
	v21 =	vadd.s32 v6, v10;
	v16 =	vld.idx.msk [tilespmem:v23+s21+$0x0], $0xffff  }
0x2dd: {  	[tilespmem:s15+$0x18000] =	vst v14;
	v14 =	vld.idx.msk [tilespmem:v18+s21+$0x0], $0xffff;
	v18 =	vadd.s32 v6, v12  }
0x2de: {  	s16 =	sor.u32 $0x280, s1;
	v9 =	vadd.s32 v7, v9;
	[tilespmem:s3+$0x18000] =	vst v19  }
0x2df: {  	s22 =	sor.u32 $0x280, s2;
	v23 =	vld.idx.msk [tilespmem:v25+s21+$0x0], $0xffff;
	v19 =	vadd.s32 v6, v13;
	[tilespmem:s16+$0x18000] =	vst v22  }
0x2e0: {  	v8 =	vadd.s32 v7, v8;
	s11 =	sor.u32 $0x280, s8;
	[tilespmem:s22+$0x18000] =	vst v20;
	v17 =	vld.idx.msk [tilespmem:v17+s21+$0x0], $0xffff  }
0x2e1: {  	v15 =	vadd.s32 v7, v15;
	v20 =	vld.idx.msk [tilespmem:v21+s21+$0x0], $0xffff;
	[tilespmem:s11+$0x18000] =	vst v16  }
0x2e2: {  	s13 =	sor.u32 $0x280, s12;
	v10 =	vadd.s32 v7, v10;
	[tilespmem:s0+$0x18000] =	vst v11;
	v16 =	vld.idx.msk [tilespmem:v18+s21+$0x0], $0xffff  }
0x2e3: {  	v12 =	vadd.s32 v7, v12;
	v9 =	vld.idx.msk [tilespmem:v9+s21+$0x0], $0xffff;
	[tilespmem:s13+$0x18000] =	vst v14  }
0x2e4: {  	s14 =	sor.u32 $0x300, s1;
	[tilespmem:s30+$0x18000] =	vst v23;
	v14 =	vld.idx.msk [tilespmem:v19+s21+$0x0], $0xffff  }
0x2e5: {  	s15 =	sor.u32 $0x300, s2;
	v8 =	vld.idx.msk [tilespmem:v8+s21+$0x0], $0xffff;
	[tilespmem:s14+$0x18000] =	vst v17  }
0x2e6: {  	v11 =	vadd.s32 v7, v13;
	s16 =	sor.u32 $0x300, s8;
	[tilespmem:s15+$0x18000] =	vst v20;
	v13 =	vld.idx.msk [tilespmem:v15+s21+$0x0], $0xffff  }
0x2e7: {  	v10 =	vld.idx.msk [tilespmem:v10+s21+$0x0], $0xffff;
	[tilespmem:s16+$0x18000] =	vst v16  }
0x2e8: {  	s22 =	sor.u32 $0x300, s12;
	[tilespmem:s4+$0x18000] =	vst v9;
	v12 =	vld.idx.msk [tilespmem:v12+s21+$0x0], $0xffff  }
0x2e9: {  	[tilespmem:s22+$0x18000] =	vst v14  }
0x2ea: {  	s3 =	sor.u32 $0x380, s1;
	[tilespmem:s19+$0x18000] =	vst v8  }
0x2eb: {  	s4 =	sor.u32 $0x380, s2;
	v9 =	vld.idx.msk [tilespmem:v11+s21+$0x0], $0xffff;
	[tilespmem:s3+$0x18000] =	vst v13  }
0x2ec: {  	s10 =	sor.u32 $0x380, s8;
	[tilespmem:s4+$0x18000] =	vst v10  }
0x2ed: {  	s0 =	sadd.s32 @p1 $0xFF070000, s18;
	[tilespmem:s10+$0x18000] =	vst v12  }
0x2ee: {  	s0 =	sshrl.u32 @p1 s0, $0x3;
	s2 =	rddreg [dreg:$0xc]  }
0x2ef: {  	s0 =	sadd.s32 @p1 s5, s0;
	s11 =	sor.u32 $0x380, s12;
	s2 =	sadd.s32 @!p1 s9, s2  }
0x2f0: {  	s12 =	simm.s32 $0x0;
	s13 =	simm.s32 $0x18000;
	[tilespmem:s11+$0x18000] =	vst v9;
	s2 =	smov.u32 @p1 s0  }
0x2f1: {  	[hbm4b:s2+s12] =	stream.linear.scatter [tilespmem:s13], [sflag:$0x5], $0x4000, $0x38;
	[tilespmem:$0x1C300] =	vst v63  }
0x2f2: {  	_ =	swait.ge [sflag:s23], $0x4000  }
0x2f3: {  	[sflag:s23] =	ssyncset.done $0x0  }
0x2f4: {  	s14 =	sand.u32 $0x7C0, s12;
	[sflag:s23] =	ssyncadd.s32 $0xFFFFC000  }
0x2f5: {  	s15 =	simm.s32 $0x2830;
	v14 =	vld [tilespmem:s14+$0x2800]  }
0x2f6: {  	v11 =	vld [tilespmem:s15+$0xFFFFFFE0]  }
0x2f7: {  	v9 =	vld [tilespmem:s15+$0xFFFFFFF0]  }
0x2f8: {  	v8 =	vld [tilespmem:s15+$0x0];
	_ =	sdelay $0x1  }
0x2f9: {  	v10 =	vadd.s32 v0, v14  }
0x2fa: {  	v12 =	vadd.s32 v0, v11  }
0x2fb: {  	v13 =	vadd.s32 v0, v9  }
0x2fc: {  	v15 =	vadd.s32 v0, v8;
	_ =	sdelay $0x1  }
0x2fd: {  	v10 =	vld.idx.msk [tilespmem:v10+s21+$0x0], $0xffff  }
0x2fe: {  	v16 =	vadd.s32 v1, v14;
	v12 =	vld.idx.msk [tilespmem:v12+s21+$0x0], $0xffff  }
0x2ff: {  	v17 =	vadd.s32 v1, v11;
	v13 =	vld.idx.msk [tilespmem:v13+s21+$0x0], $0xffff  }
0x300: {  	s16 =	sand.u32 $0x40, s12;
	s0 =	sand.u32 $0x3C00, s12;
	v15 =	vld.idx.msk [tilespmem:v15+s21+$0x0], $0xffff  }
0x301: {  	s0 =	sor.u32 s16, s0;
	v18 =	vadd.s32 v1, v9  }
0x302: {  	v19 =	vadd.s32 v1, v8;
	[tilespmem:s0+$0x8000] =	vst v10  }
0x303: {  	[tilespmem:s0+$0x8010] =	vst v12;
	v16 =	vld.idx.msk [tilespmem:v16+s21+$0x0], $0xffff  }
0x304: {  	[tilespmem:s0+$0x8020] =	vst v13;
	v13 =	vadd.s32 v2, v14;
	v12 =	vld.idx.msk [tilespmem:v17+s21+$0x0], $0xffff  }
0x305: {  	[tilespmem:s0+$0x8030] =	vst v15;
	v15 =	vadd.s32 v2, v11  }
0x306: {  	v17 =	vld.idx.msk [tilespmem:v18+s21+$0x0], $0xffff  }
0x307: {  	s19 =	simm.s32 $0x2870;
	v18 =	vld.idx.msk [tilespmem:v19+s21+$0x0], $0xffff;
	v19 =	vadd.s32 v2, v9  }
0x308: {  	v20 =	vadd.s32 v2, v8;
	v10 =	vld [tilespmem:s19+$0xFFFFFFE0];
	[tilespmem:s0+$0x8080] =	vst v16  }
0x309: {  	[tilespmem:s0+$0x8090] =	vst v12;
	v16 =	vld.idx.msk [tilespmem:v13+s21+$0x0], $0xffff  }
0x30a: {  	v15 =	vld.idx.msk [tilespmem:v15+s21+$0x0], $0xffff  }
0x30b: {  	[tilespmem:s0+$0x80A0] =	vst v17;
	v17 =	vadd.s32 v4, v14;
	v12 =	vld [tilespmem:s19+$0xFFFFFFF0]  }
0x30c: {  	[tilespmem:s0+$0x80B0] =	vst v18;
	v18 =	vadd.s32 v4, v11;
	v19 =	vld.idx.msk [tilespmem:v19+s21+$0x0], $0xffff  }
0x30d: {  	s2 =	simm.s32 $0x40;
	v21 =	vadd.s32 v4, v9;
	v20 =	vld.idx.msk [tilespmem:v20+s21+$0x0], $0xffff  }
0x30e: {  	s22 =	sand.u32 $0x7C0, s2;
	v22 =	vadd.s32 v4, v8;
	v13 =	vld [tilespmem:s19+$0x0];
	[tilespmem:s0+$0x8100] =	vst v16  }
0x30f: {  	[tilespmem:s0+$0x8110] =	vst v15;
	v15 =	vld [tilespmem:s22+$0x2800]  }
0x310: {  	v16 =	vld.idx.msk [tilespmem:v17+s21+$0x0], $0xffff  }
0x311: {  	v24 =	vadd.s32 v0, v10;
	[tilespmem:s0+$0x8120] =	vst v19;
	v17 =	vld.idx.msk [tilespmem:v18+s21+$0x0], $0xffff  }
0x312: {  	[tilespmem:s0+$0x8130] =	vst v20;
	v18 =	vadd.s32 v3, v14;
	v19 =	vld.idx.msk [tilespmem:v21+s21+$0x0], $0xffff  }
0x313: {  	v20 =	vadd.s32 v3, v11;
	v21 =	vld.idx.msk [tilespmem:v22+s21+$0x0], $0xffff  }
0x314: {  	v22 =	vadd.s32 v3, v9  }
0x315: {  	v23 =	vadd.s32 v3, v8;
	[tilespmem:s0+$0x8180] =	vst v16  }
0x316: {  	v16 =	vadd.s32 v0, v12;
	[tilespmem:s0+$0x8190] =	vst v17;
	v17 =	vld.idx.msk [tilespmem:v24+s21+$0x0], $0xffff  }
0x317: {  	p2 =	por $0x0, $0x0;
	s1 =	simm.s32 $0x1;
	v26 =	vadd.s32 v0, v13;
	[tilespmem:s0+$0x81A0] =	vst v19;
	v25 =	vld.idx.msk [tilespmem:v18+s21+$0x0], $0xffff  }
0x318: {  	s1 =	simm.s32 @!p2 $0x0;
	[tilespmem:s0+$0x81B0] =	vst v21;
	v21 =	vadd.s32 v0, v15;
	v20 =	vld.idx.msk [tilespmem:v20+s21+$0x0], $0xffff  }
0x319: {  	s3 =	sshll.u32 s1, $0x6;
	v27 =	vadd.s32 v5, v14;
	v63 =	vld.idx.msk [tilespmem:v22+s21+$0x0], $0xffff  }
0x31a: {  	s29 =	sadd.s32 $0x0, s3;
	v29 =	vadd.s32 v5, v11;
	v23 =	vld.idx.msk [tilespmem:v23+s21+$0x0], $0xffff  }
0x31b: {  	s4 =	sadd.s32 $0x10, s29;
	s0 =	sor.u32 $0x200, s29;
	v18 =	vld.idx.msk [tilespmem:v16+s21+$0x0], $0xffff;
	v16 =	vadd.s32 v5, v9  }
0x31c: {  	s11 =	sadd.s32 $0x20, s29;
	s16 =	sor.u32 $0x200, s4;
	v30 =	vadd.s32 v5, v8;
	v19 =	vld.idx.msk [tilespmem:v26+s21+$0x0], $0xffff;
	[tilespmem:s0+$0x8000] =	vst v25  }
0x31d: {  	s1 =	simm.s32 $0x200;
	s19 =	sor.u32 $0x200, s11;
	s22 =	sadd.s32 $0x30, s29;
	v24 =	vld.idx.msk [tilespmem:v21+s21+$0x0], $0xffff;
	[tilespmem:s16+$0x8000] =	vst v20  }
0x31e: {  	s10 =	simm.s32 $0x4;
	s8 =	sor.u32 $0x280, s4;
	s15 =	sor.u32 $0x200, s22;
	[tilespmem:s19+$0x8000] =	vst v63;
	v22 =	vld.idx.msk [tilespmem:v27+s21+$0x0], $0xffff  }
0x31f: {  	s3 =	sor.u32 $0x300, s11;
	s12 =	sor.u32 $0x300, s4;
	s14 =	sor.u32 $0x280, s11;
	[tilespmem:s15+$0x8000] =	vst v23;
	v23 =	vadd.s32 v6, v14;
	v21 =	vld.idx.msk [tilespmem:v29+s21+$0x0], $0xffff  }
0x320: {  	s13 =	sor.u32 $0x280, s22;
	s30 =	sor.u32 $0x300, s22;
	s0 =	sor.u32 $0x380, s4;
	v25 =	vadd.s32 v1, v15;
	v20 =	vld.idx.msk [tilespmem:v16+s21+$0x0], $0xffff  }
0x321: {  	v26 =	vadd.s32 v1, v10;
	s4 =	sor.u32 $0x380, s11;
	s19 =	sor.u32 $0x380, s22;
	s11 =	simm.s32 $0x28B0;
	v16 =	vld.idx.msk [tilespmem:v30+s21+$0x0], $0xffff  }
.LBB2_13:
0x322: {  	v27 =	vld [tilespmem:s11+$0xFFFFFFE0];
	s15 =	sand.u32 $0x40, s2;
	s16 =	sand.u32 $0x3C00, s1;
	v28 =	vadd.s32 v1, v12;
	s22 =	sor.u32 $0x280, s29  }
0x323: {  	v30 =	vadd.s32 v1, v13;
	v29 =	vld [tilespmem:s11+$0xFFFFFFF0];
	s15 =	sor.u32 s15, s16;
	[tilespmem:s22+$0x8000] =	vst v22  }
0x324: {  	[tilespmem:s15+$0x8000] =	vst v24;
	v22 =	vld.idx.msk [tilespmem:v23+s21+$0x0], $0xffff;
	v23 =	vadd.s32 v6, v11  }
0x325: {  	v24 =	vld.idx.msk [tilespmem:v25+s21+$0x0], $0xffff;
	[tilespmem:s15+$0x8010] =	vst v17;
	v17 =	vadd.s32 v6, v9  }
0x326: {  	v25 =	vld.idx.msk [tilespmem:v26+s21+$0x0], $0xffff;
	[tilespmem:s15+$0x8020] =	vst v18;
	v18 =	vadd.s32 v7, v14;
	v14 =	vmov v15  }
0x327: {  	v15 =	vadd.s32 v2, v14;
	v26 =	vld.idx.msk [tilespmem:v28+s21+$0x0], $0xffff;
	[tilespmem:s15+$0x8030] =	vst v19  }
0x328: {  	v19 =	vadd.s32 v2, v10;
	v28 =	vld.idx.msk [tilespmem:v30+s21+$0x0], $0xffff;
	[tilespmem:s8+$0x8000] =	vst v21  }
0x329: {  	v21 =	vadd.s32 v2, v12;
	s8 =	sor.u32 $0x300, s29;
	v23 =	vld.idx.msk [tilespmem:v23+s21+$0x0], $0xffff;
	[tilespmem:s14+$0x8000] =	vst v20  }
0x32a: {  	v20 =	vadd.s32 v2, v13;
	[tilespmem:s8+$0x8000] =	vst v22;
	v17 =	vld.idx.msk [tilespmem:v17+s21+$0x0], $0xffff  }
0x32b: {  	v22 =	vadd.s32 v6, v8;
	[tilespmem:s15+$0x8080] =	vst v24;
	v18 =	vld.idx.msk [tilespmem:v18+s21+$0x0], $0xffff  }
0x32c: {  	v24 =	vadd.s32 v7, v11;
	v11 =	vmov v10;
	v10 =	vmov v27;
	v15 =	vld.idx.msk [tilespmem:v15+s21+$0x0], $0xffff;
	[tilespmem:s15+$0x8090] =	vst v25  }
0x32d: {  	v19 =	vld.idx.msk [tilespmem:v19+s21+$0x0], $0xffff;
	[tilespmem:s15+$0x80A0] =	vst v26  }
0x32e: {  	v25 =	vadd.s32 v4, v14;
	v21 =	vld.idx.msk [tilespmem:v21+s21+$0x0], $0xffff;
	[tilespmem:s15+$0x80B0] =	vst v28  }
0x32f: {  	v26 =	vadd.s32 v4, v11;
	v20 =	vld.idx.msk [tilespmem:v20+s21+$0x0], $0xffff;
	[tilespmem:s13+$0x8000] =	vst v16  }
0x330: {  	s8 =	sor.u32 $0x380, s29;
	v16 =	vadd.s32 v4, v12;
	[tilespmem:s12+$0x8000] =	vst v23;
	v22 =	vld.idx.msk [tilespmem:v22+s21+$0x0], $0xffff  }
0x331: {  	v23 =	vadd.s32 v4, v13;
	[tilespmem:s8+$0x8000] =	vst v18;
	v18 =	vld.idx.msk [tilespmem:v24+s21+$0x0], $0xffff  }
0x332: {  	v24 =	vld [tilespmem:s11+$0x0];
	[tilespmem:s15+$0x8100] =	vst v15;
	v15 =	vadd.s32 v7, v9;
	v9 =	vmov v12;
	v12 =	vmov v29  }
0x333: {  	v25 =	vld.idx.msk [tilespmem:v25+s21+$0x0], $0xffff;
	[tilespmem:s15+$0x8110] =	vst v19  }
0x334: {  	v19 =	vld.idx.msk [tilespmem:v26+s21+$0x0], $0xffff;
	[tilespmem:s15+$0x8120] =	vst v21;
	v21 =	vadd.s32 v7, v8;
	v8 =	vmov v13  }
0x335: {  	v26 =	vadd.s32 v3, v14;
	v16 =	vld.idx.msk [tilespmem:v16+s21+$0x0], $0xffff;
	[tilespmem:s15+$0x8130] =	vst v20  }
0x336: {  	s2 =	sadd.s32 $0x40, s2;
	v20 =	vadd.s32 v3, v11;
	v23 =	vld.idx.msk [tilespmem:v23+s21+$0x0], $0xffff;
	[tilespmem:s3+$0x8000] =	vst v17  }
0x337: {  	s10 =	sadd.s32 $0x4, s10;
	s3 =	sand.u32 $0x7C0, s2;
	v17 =	vadd.s32 v3, v9;
	v27 =	vld.idx.msk [tilespmem:v15+s21+$0x0], $0xffff;
	[tilespmem:s30+$0x8000] =	vst v22;
	v13 =	vmov v24  }
0x338: {  	p3 =	slt.u32 s10, $0x7C;
	v22 =	vadd.s32 v3, v8;
	v15 =	vld [tilespmem:s3+$0x2800];
	[tilespmem:s0+$0x8000] =	vst v18  }
0x339: {  	v18 =	vadd.s32 v0, v10;
	[tilespmem:s15+$0x8180] =	vst v25;
	v21 =	vld.idx.msk [tilespmem:v21+s21+$0x0], $0xffff  }
0x33a: {  	p2 =	por !p2, !p2;
	v24 =	vadd.s32 v0, v12;
	s0 =	simm.s32 $0x1;
	v25 =	vld.idx.msk [tilespmem:v26+s21+$0x0], $0xffff;
	[tilespmem:s15+$0x8190] =	vst v19  }
0x33b: {  	s0 =	simm.s32 @!p2 $0x0;
	v19 =	vadd.s32 v0, v13;
	v20 =	vld.idx.msk [tilespmem:v20+s21+$0x0], $0xffff;
	[tilespmem:s15+$0x81A0] =	vst v16  }
0x33c: {  	s0 =	sshll.u32 s0, $0x6;
	v16 =	vadd.s32 v5, v14;
	v26 =	vld.idx.msk [tilespmem:v17+s21+$0x0], $0xffff;
	[tilespmem:s15+$0x81B0] =	vst v23  }
0x33d: {  	s29 =	sadd.s32 s0, s1;
	v23 =	vadd.s32 v0, v15;
	v28 =	vld.idx.msk [tilespmem:v22+s21+$0x0], $0xffff;
	[tilespmem:s4+$0x8000] =	vst v27  }
0x33e: {  	s0 =	sor.u32 $0x200, s29;
	v27 =	vadd.s32 v5, v11;
	v17 =	vld.idx.msk [tilespmem:v18+s21+$0x0], $0xffff  }
0x33f: {  	v29 =	vadd.s32 v5, v9;
	s15 =	sadd.s32 $0x20, s29;
	s16 =	sadd.s32 $0x30, s29;
	s4 =	sadd.s32 $0x10, s29;
	v18 =	vld.idx.msk [tilespmem:v24+s21+$0x0], $0xffff;
	[tilespmem:s19+$0x8000] =	vst v21  }
0x340: {  	v30 =	vadd.s32 v5, v8;
	s3 =	sor.u32 $0x200, s15;
	s14 =	sor.u32 $0x280, s15;
	v19 =	vld.idx.msk [tilespmem:v19+s21+$0x0], $0xffff;
	[tilespmem:s0+$0x8000] =	vst v25;
	s0 =	sor.u32 $0x200, s4  }
.Ltmp6:
0x341: {  	s8 =	sor.u32 $0x280, s4;
	s19 =	sor.u32 $0x200, s16;
	v22 =	vld.idx.msk [tilespmem:v16+s21+$0x0], $0xffff;
	[tilespmem:s0+$0x8000] =	vst v20;
	(pc) =	sbr.rel @p3 .LBB2_13-.Ltmp6, $4  }
0x342: {  	s13 =	sor.u32 $0x280, s16;
	s12 =	sor.u32 $0x300, s4;
	v24 =	vld.idx.msk [tilespmem:v23+s21+$0x0], $0xffff;
	[tilespmem:s3+$0x8000] =	vst v26;
	s3 =	sor.u32 $0x300, s15  }
0x343: {  	s30 =	sor.u32 $0x300, s16;
	s0 =	sor.u32 $0x380, s4;
	s4 =	sor.u32 $0x380, s15;
	v23 =	vadd.s32 v6, v14;
	v21 =	vld.idx.msk [tilespmem:v27+s21+$0x0], $0xffff;
	[tilespmem:s19+$0x8000] =	vst v28  }
0x344: {  	v25 =	vadd.s32 v1, v15;
	s19 =	sor.u32 $0x380, s16;
	v20 =	vld.idx.msk [tilespmem:v29+s21+$0x0], $0xffff  }
0x345: {  	s11 =	sadd.s32 $0x40, s11;
	s1 =	sadd.s32 $0x200, s1;
	v26 =	vadd.s32 v1, v10;
	v16 =	vld.idx.msk [tilespmem:v30+s21+$0x0], $0xffff  }
0x346: {  	_ = 	snop  }
0x347: {  	s2 =	sand.u32 $0x40, s2;
	s10 =	sand.u32 $0x3C00, s1;
	v27 =	vadd.s32 v1, v12  }
0x348: {  	v28 =	vadd.s32 v1, v13;
	s2 =	sor.u32 s2, s10  }
0x349: {  	[tilespmem:s2+$0x8000] =	vst v24  }
0x34a: {  	[tilespmem:s2+$0x8010] =	vst v17;
	v24 =	vld.idx.msk [tilespmem:v25+s21+$0x0], $0xffff  }
0x34b: {  	[tilespmem:s2+$0x8020] =	vst v18;
	v18 =	vadd.s32 v2, v15;
	v17 =	vld.idx.msk [tilespmem:v26+s21+$0x0], $0xffff  }
0x34c: {  	[tilespmem:s2+$0x8030] =	vst v19;
	v19 =	vadd.s32 v2, v10;
	v25 =	vld.idx.msk [tilespmem:v27+s21+$0x0], $0xffff  }
0x34d: {  	s22 =	sor.u32 $0x280, s29;
	v26 =	vld.idx.msk [tilespmem:v28+s21+$0x0], $0xffff;
	v27 =	vadd.s32 v2, v12  }
0x34e: {  	v62 =	vadd.s32 v2, v13;
	[tilespmem:s22+$0x8000] =	vst v22  }
0x34f: {  	[tilespmem:s2+$0x8080] =	vst v24  }
0x350: {  	[tilespmem:s2+$0x8090] =	vst v17;
	v18 =	vld.idx.msk [tilespmem:v18+s21+$0x0], $0xffff  }
0x351: {  	v17 =	vld.idx.msk [tilespmem:v19+s21+$0x0], $0xffff;
	v19 =	vadd.s32 v4, v15;
	[tilespmem:s2+$0x80A0] =	vst v25  }
0x352: {  	[tilespmem:s2+$0x80B0] =	vst v26;
	v25 =	vadd.s32 v4, v10;
	v24 =	vld.idx.msk [tilespmem:v27+s21+$0x0], $0xffff  }
0x353: {  	[tilespmem:s8+$0x8000] =	vst v21;
	v26 =	vadd.s32 v4, v12;
	v22 =	vld.idx.msk [tilespmem:v62+s21+$0x0], $0xffff  }
0x354: {  	v21 =	vadd.s32 v4, v13;
	v23 =	vld.idx.msk [tilespmem:v23+s21+$0x0], $0xffff;
	[tilespmem:s14+$0x8000] =	vst v20  }
0x355: {  	v14 =	vadd.s32 v7, v14;
	[tilespmem:s2+$0x8100] =	vst v18  }
0x356: {  	v18 =	vadd.s32 v6, v11;
	[tilespmem:s2+$0x8110] =	vst v17;
	v19 =	vld.idx.msk [tilespmem:v19+s21+$0x0], $0xffff  }
0x357: {  	v17 =	vld.idx.msk [tilespmem:v25+s21+$0x0], $0xffff;
	[tilespmem:s2+$0x8120] =	vst v24;
	v24 =	vadd.s32 v3, v15  }
0x358: {  	s10 =	sor.u32 $0x300, s29;
	[tilespmem:s2+$0x8130] =	vst v22;
	v22 =	vadd.s32 v3, v10;
	v25 =	vld.idx.msk [tilespmem:v26+s21+$0x0], $0xffff  }
0x359: {  	[tilespmem:s10+$0x8000] =	vst v23;
	v20 =	vld.idx.msk [tilespmem:v21+s21+$0x0], $0xffff;
	v21 =	vadd.s32 v3, v12  }
0x35a: {  	v23 =	vadd.s32 v3, v13;
	v14 =	vld.idx.msk [tilespmem:v14+s21+$0x0], $0xffff  }
0x35b: {  	v18 =	vld.idx.msk [tilespmem:v18+s21+$0x0], $0xffff;
	[tilespmem:s2+$0x8180] =	vst v19;
	v19 =	vadd.s32 v6, v9  }
0x35c: {  	p2 =	por !p2, !p2;
	s8 =	simm.s32 $0x1;
	v11 =	vadd.s32 v7, v11;
	[tilespmem:s2+$0x8190] =	vst v17;
	v24 =	vld.idx.msk [tilespmem:v24+s21+$0x0], $0xffff  }
0x35d: {  	s8 =	simm.s32 @!p2 $0x0;
	v17 =	vld.idx.msk [tilespmem:v22+s21+$0x0], $0xffff;
	v22 =	vadd.s32 v5, v15;
	[tilespmem:s2+$0x81A0] =	vst v25  }
0x35e: {  	s11 =	sshll.u32 s8, $0x6;
	[tilespmem:s2+$0x81B0] =	vst v20;
	v20 =	vadd.s32 v5, v10;
	v21 =	vld.idx.msk [tilespmem:v21+s21+$0x0], $0xffff  }
0x35f: {  	[tilespmem:s13+$0x8000] =	vst v16;
	s1 =	sadd.s32 s11, s1;
	v16 =	vld.idx.msk [tilespmem:v23+s21+$0x0], $0xffff;
	v23 =	vadd.s32 v5, v12  }
0x360: {  	s2 =	sadd.s32 $0x10, s1;
	[tilespmem:s12+$0x8000] =	vst v18;
	s12 =	sor.u32 $0x200, s1;
	v18 =	vadd.s32 v5, v13;
	v19 =	vld.idx.msk [tilespmem:v19+s21+$0x0], $0xffff  }
0x361: {  	s8 =	sadd.s32 $0x20, s1;
	s13 =	sor.u32 $0x200, s2;
	v11 =	vld.idx.msk [tilespmem:v11+s21+$0x0], $0xffff;
	[tilespmem:s12+$0x8000] =	vst v24  }
0x362: {  	s11 =	sor.u32 $0x200, s8;
	v25 =	vadd.s32 v6, v8;
	s12 =	sadd.s32 $0x30, s1;
	[tilespmem:s13+$0x8000] =	vst v17;
	v22 =	vld.idx.msk [tilespmem:v22+s21+$0x0], $0xffff  }
0x363: {  	v17 =	vadd.s32 v6, v15;
	s14 =	sor.u32 $0x200, s12;
	v20 =	vld.idx.msk [tilespmem:v20+s21+$0x0], $0xffff;
	[tilespmem:s11+$0x8000] =	vst v21  }
0x364: {  	s15 =	sor.u32 $0x380, s29;
	[tilespmem:s14+$0x8000] =	vst v16;
	v21 =	vadd.s32 v6, v10;
	v16 =	vld.idx.msk [tilespmem:v23+s21+$0x0], $0xffff  }
0x365: {  	[tilespmem:s15+$0x8000] =	vst v14;
	v14 =	vld.idx.msk [tilespmem:v18+s21+$0x0], $0xffff;
	v18 =	vadd.s32 v6, v12  }
0x366: {  	s16 =	sor.u32 $0x280, s1;
	v9 =	vadd.s32 v7, v9;
	[tilespmem:s3+$0x8000] =	vst v19  }
0x367: {  	s22 =	sor.u32 $0x280, s2;
	v23 =	vld.idx.msk [tilespmem:v25+s21+$0x0], $0xffff;
	v19 =	vadd.s32 v6, v13;
	[tilespmem:s16+$0x8000] =	vst v22  }
0x368: {  	v8 =	vadd.s32 v7, v8;
	s11 =	sor.u32 $0x280, s8;
	[tilespmem:s22+$0x8000] =	vst v20;
	v17 =	vld.idx.msk [tilespmem:v17+s21+$0x0], $0xffff  }
0x369: {  	v15 =	vadd.s32 v7, v15;
	v20 =	vld.idx.msk [tilespmem:v21+s21+$0x0], $0xffff;
	[tilespmem:s11+$0x8000] =	vst v16  }
0x36a: {  	s13 =	sor.u32 $0x280, s12;
	v10 =	vadd.s32 v7, v10;
	[tilespmem:s0+$0x8000] =	vst v11;
	v16 =	vld.idx.msk [tilespmem:v18+s21+$0x0], $0xffff  }
0x36b: {  	v12 =	vadd.s32 v7, v12;
	v9 =	vld.idx.msk [tilespmem:v9+s21+$0x0], $0xffff;
	[tilespmem:s13+$0x8000] =	vst v14  }
0x36c: {  	s14 =	sor.u32 $0x300, s1;
	[tilespmem:s30+$0x8000] =	vst v23;
	v14 =	vld.idx.msk [tilespmem:v19+s21+$0x0], $0xffff  }
0x36d: {  	s15 =	sor.u32 $0x300, s2;
	v8 =	vld.idx.msk [tilespmem:v8+s21+$0x0], $0xffff;
	[tilespmem:s14+$0x8000] =	vst v17  }
0x36e: {  	v11 =	vadd.s32 v7, v13;
	s16 =	sor.u32 $0x300, s8;
	[tilespmem:s15+$0x8000] =	vst v20;
	v13 =	vld.idx.msk [tilespmem:v15+s21+$0x0], $0xffff  }
0x36f: {  	v10 =	vld.idx.msk [tilespmem:v10+s21+$0x0], $0xffff;
	[tilespmem:s16+$0x8000] =	vst v16  }
0x370: {  	s22 =	sor.u32 $0x300, s12;
	[tilespmem:s4+$0x8000] =	vst v9;
	v12 =	vld.idx.msk [tilespmem:v12+s21+$0x0], $0xffff  }
0x371: {  	[tilespmem:s22+$0x8000] =	vst v14  }
0x372: {  	s3 =	sor.u32 $0x380, s1;
	[tilespmem:s19+$0x8000] =	vst v8  }
0x373: {  	s4 =	sor.u32 $0x380, s2;
	v9 =	vld.idx.msk [tilespmem:v11+s21+$0x0], $0xffff;
	[tilespmem:s3+$0x8000] =	vst v13  }
0x374: {  	s10 =	sor.u32 $0x380, s8;
	[tilespmem:s4+$0x8000] =	vst v10  }
0x375: {  	s0 =	sadd.s32 @p1 $0xFF074000, s18;
	[tilespmem:s10+$0x8000] =	vst v12  }
0x376: {  	s0 =	sshrl.u32 @p1 s0, $0x3;
	s2 =	rddreg [dreg:$0xd]  }
0x377: {  	s0 =	sadd.s32 @p1 s5, s0;
	s11 =	sor.u32 $0x380, s12;
	s2 =	sadd.s32 @!p1 s9, s2  }
0x378: {  	s12 =	simm.s32 $0x0;
	s13 =	simm.s32 $0x8000;
	[tilespmem:s11+$0x8000] =	vst v9;
	s2 =	smov.u32 @p1 s0  }
0x379: {  	[hbm4b:s2+s12] =	stream.linear.scatter [tilespmem:s13], [sflag:$0x1], $0x4000, $0x38;
	[tilespmem:$0x1C300] =	vst v63  }
0x37a: {  	_ =	swait.ge [sflag:s25], $0x4000  }
0x37b: {  	[sflag:s25] =	ssyncset.done $0x0  }
0x37c: {  	s14 =	sand.u32 $0x7C0, s12;
	[sflag:s25] =	ssyncadd.s32 $0xFFFFC000  }
0x37d: {  	s15 =	simm.s32 $0x3030;
	v14 =	vld [tilespmem:s14+$0x3000]  }
0x37e: {  	v11 =	vld [tilespmem:s15+$0xFFFFFFE0]  }
0x37f: {  	v9 =	vld [tilespmem:s15+$0xFFFFFFF0]  }
0x380: {  	v8 =	vld [tilespmem:s15+$0x0];
	_ =	sdelay $0x1  }
0x381: {  	v10 =	vadd.s32 v0, v14  }
0x382: {  	v12 =	vadd.s32 v0, v11  }
0x383: {  	v13 =	vadd.s32 v0, v9  }
0x384: {  	v15 =	vadd.s32 v0, v8;
	_ =	sdelay $0x1  }
0x385: {  	v10 =	vld.idx.msk [tilespmem:v10+s21+$0x0], $0xffff  }
0x386: {  	v16 =	vadd.s32 v1, v14;
	v12 =	vld.idx.msk [tilespmem:v12+s21+$0x0], $0xffff  }
0x387: {  	v17 =	vadd.s32 v1, v11;
	v13 =	vld.idx.msk [tilespmem:v13+s21+$0x0], $0xffff  }
0x388: {  	s16 =	sand.u32 $0x40, s12;
	s0 =	sand.u32 $0x3C00, s12;
	v15 =	vld.idx.msk [tilespmem:v15+s21+$0x0], $0xffff  }
0x389: {  	s0 =	sor.u32 s16, s0;
	v18 =	vadd.s32 v1, v9  }
0x38a: {  	v19 =	vadd.s32 v1, v8;
	[tilespmem:s0+$0xC000] =	vst v10  }
0x38b: {  	[tilespmem:s0+$0xC010] =	vst v12;
	v16 =	vld.idx.msk [tilespmem:v16+s21+$0x0], $0xffff  }
0x38c: {  	[tilespmem:s0+$0xC020] =	vst v13;
	v13 =	vadd.s32 v2, v14;
	v12 =	vld.idx.msk [tilespmem:v17+s21+$0x0], $0xffff  }
0x38d: {  	[tilespmem:s0+$0xC030] =	vst v15;
	v15 =	vadd.s32 v2, v11  }
0x38e: {  	v17 =	vld.idx.msk [tilespmem:v18+s21+$0x0], $0xffff  }
0x38f: {  	s19 =	simm.s32 $0x3070;
	v18 =	vld.idx.msk [tilespmem:v19+s21+$0x0], $0xffff;
	v19 =	vadd.s32 v2, v9  }
0x390: {  	v20 =	vadd.s32 v2, v8;
	v10 =	vld [tilespmem:s19+$0xFFFFFFE0];
	[tilespmem:s0+$0xC080] =	vst v16  }
0x391: {  	[tilespmem:s0+$0xC090] =	vst v12;
	v16 =	vld.idx.msk [tilespmem:v13+s21+$0x0], $0xffff  }
0x392: {  	v15 =	vld.idx.msk [tilespmem:v15+s21+$0x0], $0xffff  }
0x393: {  	[tilespmem:s0+$0xC0A0] =	vst v17;
	v17 =	vadd.s32 v4, v14;
	v12 =	vld [tilespmem:s19+$0xFFFFFFF0]  }
0x394: {  	[tilespmem:s0+$0xC0B0] =	vst v18;
	v18 =	vadd.s32 v4, v11;
	v19 =	vld.idx.msk [tilespmem:v19+s21+$0x0], $0xffff  }
0x395: {  	s2 =	simm.s32 $0x40;
	v21 =	vadd.s32 v4, v9;
	v20 =	vld.idx.msk [tilespmem:v20+s21+$0x0], $0xffff  }
0x396: {  	s22 =	sand.u32 $0x7C0, s2;
	v22 =	vadd.s32 v4, v8;
	v13 =	vld [tilespmem:s19+$0x0];
	[tilespmem:s0+$0xC100] =	vst v16  }
0x397: {  	[tilespmem:s0+$0xC110] =	vst v15;
	v15 =	vld [tilespmem:s22+$0x3000]  }
0x398: {  	v16 =	vld.idx.msk [tilespmem:v17+s21+$0x0], $0xffff  }
0x399: {  	v24 =	vadd.s32 v0, v10;
	[tilespmem:s0+$0xC120] =	vst v19;
	v17 =	vld.idx.msk [tilespmem:v18+s21+$0x0], $0xffff  }
0x39a: {  	[tilespmem:s0+$0xC130] =	vst v20;
	v18 =	vadd.s32 v3, v14;
	v19 =	vld.idx.msk [tilespmem:v21+s21+$0x0], $0xffff  }
0x39b: {  	v20 =	vadd.s32 v3, v11;
	v21 =	vld.idx.msk [tilespmem:v22+s21+$0x0], $0xffff  }
0x39c: {  	v22 =	vadd.s32 v3, v9  }
0x39d: {  	v23 =	vadd.s32 v3, v8;
	[tilespmem:s0+$0xC180] =	vst v16  }
0x39e: {  	v16 =	vadd.s32 v0, v12;
	[tilespmem:s0+$0xC190] =	vst v17;
	v17 =	vld.idx.msk [tilespmem:v24+s21+$0x0], $0xffff  }
0x39f: {  	p2 =	por $0x0, $0x0;
	s1 =	simm.s32 $0x1;
	v26 =	vadd.s32 v0, v13;
	[tilespmem:s0+$0xC1A0] =	vst v19;
	v25 =	vld.idx.msk [tilespmem:v18+s21+$0x0], $0xffff  }
0x3a0: {  	s1 =	simm.s32 @!p2 $0x0;
	[tilespmem:s0+$0xC1B0] =	vst v21;
	v21 =	vadd.s32 v0, v15;
	v20 =	vld.idx.msk [tilespmem:v20+s21+$0x0], $0xffff  }
0x3a1: {  	s3 =	sshll.u32 s1, $0x6;
	v27 =	vadd.s32 v5, v14;
	v63 =	vld.idx.msk [tilespmem:v22+s21+$0x0], $0xffff  }
0x3a2: {  	s29 =	sadd.s32 $0x0, s3;
	v29 =	vadd.s32 v5, v11;
	v23 =	vld.idx.msk [tilespmem:v23+s21+$0x0], $0xffff  }
0x3a3: {  	s4 =	sadd.s32 $0x10, s29;
	s0 =	sor.u32 $0x200, s29;
	v18 =	vld.idx.msk [tilespmem:v16+s21+$0x0], $0xffff;
	v16 =	vadd.s32 v5, v9  }
0x3a4: {  	s11 =	sadd.s32 $0x20, s29;
	s16 =	sor.u32 $0x200, s4;
	v30 =	vadd.s32 v5, v8;
	v19 =	vld.idx.msk [tilespmem:v26+s21+$0x0], $0xffff;
	[tilespmem:s0+$0xC000] =	vst v25  }
0x3a5: {  	s1 =	simm.s32 $0x200;
	s19 =	sor.u32 $0x200, s11;
	s22 =	sadd.s32 $0x30, s29;
	v24 =	vld.idx.msk [tilespmem:v21+s21+$0x0], $0xffff;
	[tilespmem:s16+$0xC000] =	vst v20  }
0x3a6: {  	s10 =	simm.s32 $0x4;
	s8 =	sor.u32 $0x280, s4;
	s15 =	sor.u32 $0x200, s22;
	[tilespmem:s19+$0xC000] =	vst v63;
	v22 =	vld.idx.msk [tilespmem:v27+s21+$0x0], $0xffff  }
0x3a7: {  	s3 =	sor.u32 $0x300, s11;
	s12 =	sor.u32 $0x300, s4;
	s14 =	sor.u32 $0x280, s11;
	[tilespmem:s15+$0xC000] =	vst v23;
	v23 =	vadd.s32 v6, v14;
	v21 =	vld.idx.msk [tilespmem:v29+s21+$0x0], $0xffff  }
0x3a8: {  	s13 =	sor.u32 $0x280, s22;
	s30 =	sor.u32 $0x300, s22;
	s0 =	sor.u32 $0x380, s4;
	v25 =	vadd.s32 v1, v15;
	v20 =	vld.idx.msk [tilespmem:v16+s21+$0x0], $0xffff  }
0x3a9: {  	v26 =	vadd.s32 v1, v10;
	s4 =	sor.u32 $0x380, s11;
	s19 =	sor.u32 $0x380, s22;
	s11 =	simm.s32 $0x30B0;
	v16 =	vld.idx.msk [tilespmem:v30+s21+$0x0], $0xffff  }
.LBB2_15:
0x3aa: {  	v27 =	vld [tilespmem:s11+$0xFFFFFFE0];
	s15 =	sand.u32 $0x40, s2;
	s16 =	sand.u32 $0x3C00, s1;
	v28 =	vadd.s32 v1, v12;
	s22 =	sor.u32 $0x280, s29  }
0x3ab: {  	v30 =	vadd.s32 v1, v13;
	v29 =	vld [tilespmem:s11+$0xFFFFFFF0];
	s15 =	sor.u32 s15, s16;
	[tilespmem:s22+$0xC000] =	vst v22  }
0x3ac: {  	[tilespmem:s15+$0xC000] =	vst v24;
	v22 =	vld.idx.msk [tilespmem:v23+s21+$0x0], $0xffff;
	v23 =	vadd.s32 v6, v11  }
0x3ad: {  	v24 =	vld.idx.msk [tilespmem:v25+s21+$0x0], $0xffff;
	[tilespmem:s15+$0xC010] =	vst v17;
	v17 =	vadd.s32 v6, v9  }
0x3ae: {  	v25 =	vld.idx.msk [tilespmem:v26+s21+$0x0], $0xffff;
	[tilespmem:s15+$0xC020] =	vst v18;
	v18 =	vadd.s32 v7, v14;
	v14 =	vmov v15  }
0x3af: {  	v15 =	vadd.s32 v2, v14;
	v26 =	vld.idx.msk [tilespmem:v28+s21+$0x0], $0xffff;
	[tilespmem:s15+$0xC030] =	vst v19  }
0x3b0: {  	v19 =	vadd.s32 v2, v10;
	v28 =	vld.idx.msk [tilespmem:v30+s21+$0x0], $0xffff;
	[tilespmem:s8+$0xC000] =	vst v21  }
0x3b1: {  	v21 =	vadd.s32 v2, v12;
	s8 =	sor.u32 $0x300, s29;
	v23 =	vld.idx.msk [tilespmem:v23+s21+$0x0], $0xffff;
	[tilespmem:s14+$0xC000] =	vst v20  }
0x3b2: {  	v20 =	vadd.s32 v2, v13;
	[tilespmem:s8+$0xC000] =	vst v22;
	v17 =	vld.idx.msk [tilespmem:v17+s21+$0x0], $0xffff  }
0x3b3: {  	v22 =	vadd.s32 v6, v8;
	[tilespmem:s15+$0xC080] =	vst v24;
	v18 =	vld.idx.msk [tilespmem:v18+s21+$0x0], $0xffff  }
0x3b4: {  	v24 =	vadd.s32 v7, v11;
	v11 =	vmov v10;
	v10 =	vmov v27;
	v15 =	vld.idx.msk [tilespmem:v15+s21+$0x0], $0xffff;
	[tilespmem:s15+$0xC090] =	vst v25  }
0x3b5: {  	v19 =	vld.idx.msk [tilespmem:v19+s21+$0x0], $0xffff;
	[tilespmem:s15+$0xC0A0] =	vst v26  }
0x3b6: {  	v25 =	vadd.s32 v4, v14;
	v21 =	vld.idx.msk [tilespmem:v21+s21+$0x0], $0xffff;
	[tilespmem:s15+$0xC0B0] =	vst v28  }
0x3b7: {  	v26 =	vadd.s32 v4, v11;
	v20 =	vld.idx.msk [tilespmem:v20+s21+$0x0], $0xffff;
	[tilespmem:s13+$0xC000] =	vst v16  }
0x3b8: {  	s8 =	sor.u32 $0x380, s29;
	v16 =	vadd.s32 v4, v12;
	[tilespmem:s12+$0xC000] =	vst v23;
	v22 =	vld.idx.msk [tilespmem:v22+s21+$0x0], $0xffff  }
0x3b9: {  	v23 =	vadd.s32 v4, v13;
	[tilespmem:s8+$0xC000] =	vst v18;
	v18 =	vld.idx.msk [tilespmem:v24+s21+$0x0], $0xffff  }
0x3ba: {  	v24 =	vld [tilespmem:s11+$0x0];
	[tilespmem:s15+$0xC100] =	vst v15;
	v15 =	vadd.s32 v7, v9;
	v9 =	vmov v12;
	v12 =	vmov v29  }
0x3bb: {  	v25 =	vld.idx.msk [tilespmem:v25+s21+$0x0], $0xffff;
	[tilespmem:s15+$0xC110] =	vst v19  }
0x3bc: {  	v19 =	vld.idx.msk [tilespmem:v26+s21+$0x0], $0xffff;
	[tilespmem:s15+$0xC120] =	vst v21;
	v21 =	vadd.s32 v7, v8;
	v8 =	vmov v13  }
0x3bd: {  	v26 =	vadd.s32 v3, v14;
	v16 =	vld.idx.msk [tilespmem:v16+s21+$0x0], $0xffff;
	[tilespmem:s15+$0xC130] =	vst v20  }
0x3be: {  	s2 =	sadd.s32 $0x40, s2;
	v20 =	vadd.s32 v3, v11;
	v23 =	vld.idx.msk [tilespmem:v23+s21+$0x0], $0xffff;
	[tilespmem:s3+$0xC000] =	vst v17  }
0x3bf: {  	s10 =	sadd.s32 $0x4, s10;
	s3 =	sand.u32 $0x7C0, s2;
	v17 =	vadd.s32 v3, v9;
	v27 =	vld.idx.msk [tilespmem:v15+s21+$0x0], $0xffff;
	[tilespmem:s30+$0xC000] =	vst v22;
	v13 =	vmov v24  }
0x3c0: {  	p3 =	slt.u32 s10, $0x7C;
	v22 =	vadd.s32 v3, v8;
	v15 =	vld [tilespmem:s3+$0x3000];
	[tilespmem:s0+$0xC000] =	vst v18  }
0x3c1: {  	v18 =	vadd.s32 v0, v10;
	[tilespmem:s15+$0xC180] =	vst v25;
	v21 =	vld.idx.msk [tilespmem:v21+s21+$0x0], $0xffff  }
0x3c2: {  	p2 =	por !p2, !p2;
	v24 =	vadd.s32 v0, v12;
	s0 =	simm.s32 $0x1;
	v25 =	vld.idx.msk [tilespmem:v26+s21+$0x0], $0xffff;
	[tilespmem:s15+$0xC190] =	vst v19  }
0x3c3: {  	s0 =	simm.s32 @!p2 $0x0;
	v19 =	vadd.s32 v0, v13;
	v20 =	vld.idx.msk [tilespmem:v20+s21+$0x0], $0xffff;
	[tilespmem:s15+$0xC1A0] =	vst v16  }
0x3c4: {  	s0 =	sshll.u32 s0, $0x6;
	v16 =	vadd.s32 v5, v14;
	v26 =	vld.idx.msk [tilespmem:v17+s21+$0x0], $0xffff;
	[tilespmem:s15+$0xC1B0] =	vst v23  }
0x3c5: {  	s29 =	sadd.s32 s0, s1;
	v23 =	vadd.s32 v0, v15;
	v28 =	vld.idx.msk [tilespmem:v22+s21+$0x0], $0xffff;
	[tilespmem:s4+$0xC000] =	vst v27  }
0x3c6: {  	s0 =	sor.u32 $0x200, s29;
	v27 =	vadd.s32 v5, v11;
	v17 =	vld.idx.msk [tilespmem:v18+s21+$0x0], $0xffff  }
0x3c7: {  	v29 =	vadd.s32 v5, v9;
	s15 =	sadd.s32 $0x20, s29;
	s16 =	sadd.s32 $0x30, s29;
	s4 =	sadd.s32 $0x10, s29;
	v18 =	vld.idx.msk [tilespmem:v24+s21+$0x0], $0xffff;
	[tilespmem:s19+$0xC000] =	vst v21  }
0x3c8: {  	v30 =	vadd.s32 v5, v8;
	s3 =	sor.u32 $0x200, s15;
	s14 =	sor.u32 $0x280, s15;
	v19 =	vld.idx.msk [tilespmem:v19+s21+$0x0], $0xffff;
	[tilespmem:s0+$0xC000] =	vst v25;
	s0 =	sor.u32 $0x200, s4  }
.Ltmp7:
0x3c9: {  	s8 =	sor.u32 $0x280, s4;
	s19 =	sor.u32 $0x200, s16;
	v22 =	vld.idx.msk [tilespmem:v16+s21+$0x0], $0xffff;
	[tilespmem:s0+$0xC000] =	vst v20;
	(pc) =	sbr.rel @p3 .LBB2_15-.Ltmp7, $4  }
0x3ca: {  	s13 =	sor.u32 $0x280, s16;
	s12 =	sor.u32 $0x300, s4;
	v24 =	vld.idx.msk [tilespmem:v23+s21+$0x0], $0xffff;
	[tilespmem:s3+$0xC000] =	vst v26;
	s3 =	sor.u32 $0x300, s15  }
0x3cb: {  	s30 =	sor.u32 $0x300, s16;
	s0 =	sor.u32 $0x380, s4;
	s4 =	sor.u32 $0x380, s15;
	v23 =	vadd.s32 v6, v14;
	v21 =	vld.idx.msk [tilespmem:v27+s21+$0x0], $0xffff;
	[tilespmem:s19+$0xC000] =	vst v28  }
0x3cc: {  	v25 =	vadd.s32 v1, v15;
	s19 =	sor.u32 $0x380, s16;
	v20 =	vld.idx.msk [tilespmem:v29+s21+$0x0], $0xffff  }
0x3cd: {  	s11 =	sadd.s32 $0x40, s11;
	s1 =	sadd.s32 $0x200, s1;
	v26 =	vadd.s32 v1, v10;
	v16 =	vld.idx.msk [tilespmem:v30+s21+$0x0], $0xffff  }
0x3ce: {  	_ = 	snop  }
0x3cf: {  	s2 =	sand.u32 $0x40, s2;
	s10 =	sand.u32 $0x3C00, s1;
	v27 =	vadd.s32 v1, v12  }
0x3d0: {  	v28 =	vadd.s32 v1, v13;
	s2 =	sor.u32 s2, s10  }
0x3d1: {  	[tilespmem:s2+$0xC000] =	vst v24  }
0x3d2: {  	[tilespmem:s2+$0xC010] =	vst v17;
	v24 =	vld.idx.msk [tilespmem:v25+s21+$0x0], $0xffff  }
0x3d3: {  	[tilespmem:s2+$0xC020] =	vst v18;
	v18 =	vadd.s32 v2, v15;
	v17 =	vld.idx.msk [tilespmem:v26+s21+$0x0], $0xffff  }
0x3d4: {  	[tilespmem:s2+$0xC030] =	vst v19;
	v19 =	vadd.s32 v2, v10;
	v25 =	vld.idx.msk [tilespmem:v27+s21+$0x0], $0xffff  }
0x3d5: {  	s22 =	sor.u32 $0x280, s29;
	v26 =	vld.idx.msk [tilespmem:v28+s21+$0x0], $0xffff;
	v27 =	vadd.s32 v2, v12  }
0x3d6: {  	v62 =	vadd.s32 v2, v13;
	[tilespmem:s22+$0xC000] =	vst v22  }
0x3d7: {  	[tilespmem:s2+$0xC080] =	vst v24  }
0x3d8: {  	[tilespmem:s2+$0xC090] =	vst v17;
	v18 =	vld.idx.msk [tilespmem:v18+s21+$0x0], $0xffff  }
0x3d9: {  	v17 =	vld.idx.msk [tilespmem:v19+s21+$0x0], $0xffff;
	v19 =	vadd.s32 v4, v15;
	[tilespmem:s2+$0xC0A0] =	vst v25  }
0x3da: {  	[tilespmem:s2+$0xC0B0] =	vst v26;
	v25 =	vadd.s32 v4, v10;
	v24 =	vld.idx.msk [tilespmem:v27+s21+$0x0], $0xffff  }
0x3db: {  	[tilespmem:s8+$0xC000] =	vst v21;
	v26 =	vadd.s32 v4, v12;
	v22 =	vld.idx.msk [tilespmem:v62+s21+$0x0], $0xffff  }
0x3dc: {  	v21 =	vadd.s32 v4, v13;
	v23 =	vld.idx.msk [tilespmem:v23+s21+$0x0], $0xffff;
	[tilespmem:s14+$0xC000] =	vst v20  }
0x3dd: {  	v14 =	vadd.s32 v7, v14;
	[tilespmem:s2+$0xC100] =	vst v18  }
0x3de: {  	v18 =	vadd.s32 v6, v11;
	[tilespmem:s2+$0xC110] =	vst v17;
	v19 =	vld.idx.msk [tilespmem:v19+s21+$0x0], $0xffff  }
0x3df: {  	v17 =	vld.idx.msk [tilespmem:v25+s21+$0x0], $0xffff;
	[tilespmem:s2+$0xC120] =	vst v24;
	v24 =	vadd.s32 v3, v15  }
0x3e0: {  	s10 =	sor.u32 $0x300, s29;
	[tilespmem:s2+$0xC130] =	vst v22;
	v22 =	vadd.s32 v3, v10;
	v25 =	vld.idx.msk [tilespmem:v26+s21+$0x0], $0xffff  }
0x3e1: {  	[tilespmem:s10+$0xC000] =	vst v23;
	v20 =	vld.idx.msk [tilespmem:v21+s21+$0x0], $0xffff;
	v21 =	vadd.s32 v3, v12  }
0x3e2: {  	v23 =	vadd.s32 v3, v13;
	v14 =	vld.idx.msk [tilespmem:v14+s21+$0x0], $0xffff  }
0x3e3: {  	v18 =	vld.idx.msk [tilespmem:v18+s21+$0x0], $0xffff;
	[tilespmem:s2+$0xC180] =	vst v19;
	v19 =	vadd.s32 v6, v9  }
0x3e4: {  	p2 =	por !p2, !p2;
	s8 =	simm.s32 $0x1;
	v11 =	vadd.s32 v7, v11;
	[tilespmem:s2+$0xC190] =	vst v17;
	v24 =	vld.idx.msk [tilespmem:v24+s21+$0x0], $0xffff  }
0x3e5: {  	s8 =	simm.s32 @!p2 $0x0;
	v17 =	vld.idx.msk [tilespmem:v22+s21+$0x0], $0xffff;
	v22 =	vadd.s32 v5, v15;
	[tilespmem:s2+$0xC1A0] =	vst v25  }
0x3e6: {  	s11 =	sshll.u32 s8, $0x6;
	[tilespmem:s2+$0xC1B0] =	vst v20;
	v20 =	vadd.s32 v5, v10;
	v21 =	vld.idx.msk [tilespmem:v21+s21+$0x0], $0xffff  }
0x3e7: {  	[tilespmem:s13+$0xC000] =	vst v16;
	s1 =	sadd.s32 s11, s1;
	v16 =	vld.idx.msk [tilespmem:v23+s21+$0x0], $0xffff;
	v23 =	vadd.s32 v5, v12  }
0x3e8: {  	s14 =	sor.u32 $0x200, s1;
	s2 =	sadd.s32 $0x10, s1;
	[tilespmem:s12+$0xC000] =	vst v18;
	v18 =	vadd.s32 v5, v13;
	v19 =	vld.idx.msk [tilespmem:v19+s21+$0x0], $0xffff  }
0x3e9: {  	s8 =	sadd.s32 $0x20, s1;
	s15 =	sor.u32 $0x200, s2;
	v11 =	vld.idx.msk [tilespmem:v11+s21+$0x0], $0xffff;
	[tilespmem:s14+$0xC000] =	vst v24  }
0x3ea: {  	s11 =	sor.u32 $0x200, s8;
	v25 =	vadd.s32 v6, v8;
	s12 =	sadd.s32 $0x30, s1;
	[tilespmem:s15+$0xC000] =	vst v17;
	v22 =	vld.idx.msk [tilespmem:v22+s21+$0x0], $0xffff  }
0x3eb: {  	s16 =	sor.u32 $0x200, s12;
	v17 =	vadd.s32 v6, v15;
	v20 =	vld.idx.msk [tilespmem:v20+s21+$0x0], $0xffff;
	[tilespmem:s11+$0xC000] =	vst v21  }
0x3ec: {  	s22 =	sor.u32 $0x380, s29;
	[tilespmem:s16+$0xC000] =	vst v16;
	v21 =	vadd.s32 v6, v10;
	v16 =	vld.idx.msk [tilespmem:v23+s21+$0x0], $0xffff  }
0x3ed: {  	[tilespmem:s22+$0xC000] =	vst v14;
	v14 =	vld.idx.msk [tilespmem:v18+s21+$0x0], $0xffff;
	v18 =	vadd.s32 v6, v12  }
0x3ee: {  	v9 =	vadd.s32 v7, v9;
	s11 =	sor.u32 $0x280, s1;
	[tilespmem:s3+$0xC000] =	vst v19  }
0x3ef: {  	s13 =	sor.u32 $0x280, s2;
	v23 =	vld.idx.msk [tilespmem:v25+s21+$0x0], $0xffff;
	v19 =	vadd.s32 v6, v13;
	[tilespmem:s11+$0xC000] =	vst v22  }
0x3f0: {  	v8 =	vadd.s32 v7, v8;
	s14 =	sor.u32 $0x280, s8;
	[tilespmem:s13+$0xC000] =	vst v20;
	v17 =	vld.idx.msk [tilespmem:v17+s21+$0x0], $0xffff  }
0x3f1: {  	v15 =	vadd.s32 v7, v15;
	v20 =	vld.idx.msk [tilespmem:v21+s21+$0x0], $0xffff;
	[tilespmem:s14+$0xC000] =	vst v16  }
0x3f2: {  	s15 =	sor.u32 $0x280, s12;
	v10 =	vadd.s32 v7, v10;
	[tilespmem:s0+$0xC000] =	vst v11;
	v16 =	vld.idx.msk [tilespmem:v18+s21+$0x0], $0xffff  }
0x3f3: {  	v12 =	vadd.s32 v7, v12;
	v9 =	vld.idx.msk [tilespmem:v9+s21+$0x0], $0xffff;
	[tilespmem:s15+$0xC000] =	vst v14  }
0x3f4: {  	s16 =	sor.u32 $0x300, s1;
	[tilespmem:s30+$0xC000] =	vst v23;
	v14 =	vld.idx.msk [tilespmem:v19+s21+$0x0], $0xffff  }
0x3f5: {  	s22 =	sor.u32 $0x300, s2;
	v8 =	vld.idx.msk [tilespmem:v8+s21+$0x0], $0xffff;
	[tilespmem:s16+$0xC000] =	vst v17  }
0x3f6: {  	s10 =	sor.u32 $0x300, s8;
	v11 =	vadd.s32 v7, v13;
	[tilespmem:s22+$0xC000] =	vst v20;
	v13 =	vld.idx.msk [tilespmem:v15+s21+$0x0], $0xffff  }
0x3f7: {  	v10 =	vld.idx.msk [tilespmem:v10+s21+$0x0], $0xffff;
	[tilespmem:s10+$0xC000] =	vst v16  }
0x3f8: {  	s11 =	sor.u32 $0x300, s12;
	[tilespmem:s4+$0xC000] =	vst v9;
	v12 =	vld.idx.msk [tilespmem:v12+s21+$0x0], $0xffff  }
0x3f9: {  	[tilespmem:s11+$0xC000] =	vst v14  }
0x3fa: {  	s13 =	sor.u32 $0x380, s1;
	[tilespmem:s19+$0xC000] =	vst v8  }
0x3fb: {  	s14 =	sor.u32 $0x380, s2;
	v9 =	vld.idx.msk [tilespmem:v11+s21+$0x0], $0xffff;
	[tilespmem:s13+$0xC000] =	vst v13  }
0x3fc: {  	s15 =	sor.u32 $0x380, s8;
	[tilespmem:s14+$0xC000] =	vst v10  }
0x3fd: {  	s0 =	sadd.s32 @p1 $0xFF078000, s18;
	[tilespmem:s15+$0xC000] =	vst v12  }
0x3fe: {  	s0 =	sshrl.u32 @p1 s0, $0x3;
	s2 =	rddreg [dreg:$0xe]  }
0x3ff: {  	s0 =	sadd.s32 @p1 s5, s0;
	s16 =	sor.u32 $0x380, s12;
	s2 =	sadd.s32 @!p1 s9, s2  }
0x400: {  	s19 =	simm.s32 $0x0;
	[tilespmem:s16+$0xC000] =	vst v9;
	s2 =	smov.u32 @p1 s0  }
0x401: {  	[hbm4b:s2+s19] =	stream.linear.scatter [tilespmem:s26], [sflag:$0x2], $0x4000, $0x38;
	[tilespmem:$0x1C300] =	vst v63  }
0x402: {  	_ =	swait.ge [sflag:s24], $0x4000  }
0x403: {  	[sflag:s24] =	ssyncset.done $0x0  }
0x404: {  	s22 =	sand.u32 $0x7C0, s19;
	[sflag:s24] =	ssyncadd.s32 $0xFFFFC000  }
0x405: {  	s26 =	simm.s32 $0x3830;
	v14 =	vld [tilespmem:s22+$0x3800]  }
0x406: {  	v11 =	vld [tilespmem:s26+$0xFFFFFFE0]  }
0x407: {  	v9 =	vld [tilespmem:s26+$0xFFFFFFF0]  }
0x408: {  	v8 =	vld [tilespmem:s26+$0x0];
	_ =	sdelay $0x1  }
0x409: {  	v10 =	vadd.s32 v0, v14  }
0x40a: {  	v12 =	vadd.s32 v0, v11  }
0x40b: {  	v13 =	vadd.s32 v0, v9  }
0x40c: {  	v15 =	vadd.s32 v0, v8;
	_ =	sdelay $0x1  }
0x40d: {  	v10 =	vld.idx.msk [tilespmem:v10+s21+$0x0], $0xffff  }
0x40e: {  	v16 =	vadd.s32 v1, v14;
	v12 =	vld.idx.msk [tilespmem:v12+s21+$0x0], $0xffff  }
0x40f: {  	v17 =	vadd.s32 v1, v11;
	v13 =	vld.idx.msk [tilespmem:v13+s21+$0x0], $0xffff  }
0x410: {  	s3 =	sand.u32 $0x40, s19;
	s0 =	sand.u32 $0x3C00, s19;
	v15 =	vld.idx.msk [tilespmem:v15+s21+$0x0], $0xffff  }
0x411: {  	s0 =	sor.u32 s3, s0;
	v18 =	vadd.s32 v1, v9  }
0x412: {  	v19 =	vadd.s32 v1, v8;
	[tilespmem:s0+$0x10000] =	vst v10  }
0x413: {  	[tilespmem:s0+$0x10010] =	vst v12;
	v16 =	vld.idx.msk [tilespmem:v16+s21+$0x0], $0xffff  }
0x414: {  	[tilespmem:s0+$0x10020] =	vst v13;
	v13 =	vadd.s32 v2, v14;
	v12 =	vld.idx.msk [tilespmem:v17+s21+$0x0], $0xffff  }
0x415: {  	[tilespmem:s0+$0x10030] =	vst v15;
	v15 =	vadd.s32 v2, v11  }
0x416: {  	v17 =	vld.idx.msk [tilespmem:v18+s21+$0x0], $0xffff  }
0x417: {  	s4 =	simm.s32 $0x3870;
	v18 =	vld.idx.msk [tilespmem:v19+s21+$0x0], $0xffff;
	v19 =	vadd.s32 v2, v9  }
0x418: {  	v20 =	vadd.s32 v2, v8;
	v10 =	vld [tilespmem:s4+$0xFFFFFFE0];
	[tilespmem:s0+$0x10080] =	vst v16  }
0x419: {  	[tilespmem:s0+$0x10090] =	vst v12;
	v16 =	vld.idx.msk [tilespmem:v13+s21+$0x0], $0xffff  }
0x41a: {  	v15 =	vld.idx.msk [tilespmem:v15+s21+$0x0], $0xffff  }
0x41b: {  	[tilespmem:s0+$0x100A0] =	vst v17;
	v17 =	vadd.s32 v4, v14;
	v12 =	vld [tilespmem:s4+$0xFFFFFFF0]  }
0x41c: {  	[tilespmem:s0+$0x100B0] =	vst v18;
	v18 =	vadd.s32 v4, v11;
	v19 =	vld.idx.msk [tilespmem:v19+s21+$0x0], $0xffff  }
0x41d: {  	s2 =	simm.s32 $0x40;
	v21 =	vadd.s32 v4, v9;
	v20 =	vld.idx.msk [tilespmem:v20+s21+$0x0], $0xffff  }
0x41e: {  	s8 =	sand.u32 $0x7C0, s2;
	v22 =	vadd.s32 v4, v8;
	v13 =	vld [tilespmem:s4+$0x0];
	[tilespmem:s0+$0x10100] =	vst v16  }
0x41f: {  	[tilespmem:s0+$0x10110] =	vst v15;
	v15 =	vld [tilespmem:s8+$0x3800]  }
0x420: {  	v16 =	vld.idx.msk [tilespmem:v17+s21+$0x0], $0xffff  }
0x421: {  	v24 =	vadd.s32 v0, v10;
	[tilespmem:s0+$0x10120] =	vst v19;
	v17 =	vld.idx.msk [tilespmem:v18+s21+$0x0], $0xffff  }
0x422: {  	[tilespmem:s0+$0x10130] =	vst v20;
	v18 =	vadd.s32 v3, v14;
	v19 =	vld.idx.msk [tilespmem:v21+s21+$0x0], $0xffff  }
0x423: {  	v20 =	vadd.s32 v3, v11;
	v21 =	vld.idx.msk [tilespmem:v22+s21+$0x0], $0xffff  }
0x424: {  	v22 =	vadd.s32 v3, v9  }
0x425: {  	v23 =	vadd.s32 v3, v8;
	[tilespmem:s0+$0x10180] =	vst v16  }
0x426: {  	v16 =	vadd.s32 v0, v12;
	[tilespmem:s0+$0x10190] =	vst v17;
	v17 =	vld.idx.msk [tilespmem:v24+s21+$0x0], $0xffff  }
0x427: {  	p2 =	por $0x0, $0x0;
	s1 =	simm.s32 $0x1;
	v26 =	vadd.s32 v0, v13;
	[tilespmem:s0+$0x101A0] =	vst v19;
	v25 =	vld.idx.msk [tilespmem:v18+s21+$0x0], $0xffff  }
0x428: {  	s1 =	simm.s32 @!p2 $0x0;
	[tilespmem:s0+$0x101B0] =	vst v21;
	v21 =	vadd.s32 v0, v15;
	v20 =	vld.idx.msk [tilespmem:v20+s21+$0x0], $0xffff  }
0x429: {  	s10 =	sshll.u32 s1, $0x6;
	v27 =	vadd.s32 v5, v14;
	v63 =	vld.idx.msk [tilespmem:v22+s21+$0x0], $0xffff  }
0x42a: {  	s29 =	sadd.s32 $0x0, s10;
	v29 =	vadd.s32 v5, v11;
	v23 =	vld.idx.msk [tilespmem:v23+s21+$0x0], $0xffff  }
0x42b: {  	s11 =	sadd.s32 $0x10, s29;
	s0 =	sor.u32 $0x200, s29;
	v18 =	vld.idx.msk [tilespmem:v16+s21+$0x0], $0xffff;
	v16 =	vadd.s32 v5, v9  }
0x42c: {  	s16 =	sadd.s32 $0x20, s29;
	s19 =	sor.u32 $0x200, s11;
	v30 =	vadd.s32 v5, v8;
	v19 =	vld.idx.msk [tilespmem:v26+s21+$0x0], $0xffff;
	[tilespmem:s0+$0x10000] =	vst v25  }
0x42d: {  	s1 =	simm.s32 $0x200;
	s22 =	sor.u32 $0x200, s16;
	s26 =	sadd.s32 $0x30, s29;
	v24 =	vld.idx.msk [tilespmem:v21+s21+$0x0], $0xffff;
	[tilespmem:s19+$0x10000] =	vst v20  }
0x42e: {  	s10 =	simm.s32 $0x4;
	s12 =	sor.u32 $0x300, s11;
	s15 =	sor.u32 $0x200, s26;
	[tilespmem:s22+$0x10000] =	vst v63;
	v22 =	vld.idx.msk [tilespmem:v27+s21+$0x0], $0xffff  }
0x42f: {  	s14 =	sor.u32 $0x280, s16;
	s3 =	sor.u32 $0x300, s16;
	s13 =	sor.u32 $0x280, s26;
	[tilespmem:s15+$0x10000] =	vst v23;
	v23 =	vadd.s32 v6, v14;
	v21 =	vld.idx.msk [tilespmem:v29+s21+$0x0], $0xffff  }
0x430: {  	s30 =	sor.u32 $0x300, s26;
	s4 =	sor.u32 $0x380, s16;
	s8 =	sor.u32 $0x280, s11;
	v25 =	vadd.s32 v1, v15;
	v20 =	vld.idx.msk [tilespmem:v16+s21+$0x0], $0xffff  }
0x431: {  	v26 =	vadd.s32 v1, v10;
	s0 =	sor.u32 $0x380, s11;
	s19 =	sor.u32 $0x380, s26;
	s11 =	simm.s32 $0x38B0;
	v16 =	vld.idx.msk [tilespmem:v30+s21+$0x0], $0xffff  }
.LBB2_17:
0x432: {  	v27 =	vld [tilespmem:s11+$0xFFFFFFE0];
	s15 =	sand.u32 $0x40, s2;
	s16 =	sand.u32 $0x3C00, s1;
	v28 =	vadd.s32 v1, v12;
	s22 =	sor.u32 $0x280, s29  }
0x433: {  	v30 =	vadd.s32 v1, v13;
	v29 =	vld [tilespmem:s11+$0xFFFFFFF0];
	s15 =	sor.u32 s15, s16;
	[tilespmem:s22+$0x10000] =	vst v22  }
0x434: {  	[tilespmem:s15+$0x10000] =	vst v24;
	v22 =	vld.idx.msk [tilespmem:v23+s21+$0x0], $0xffff;
	v23 =	vadd.s32 v6, v11  }
0x435: {  	v24 =	vld.idx.msk [tilespmem:v25+s21+$0x0], $0xffff;
	[tilespmem:s15+$0x10010] =	vst v17;
	v17 =	vadd.s32 v6, v9  }
0x436: {  	v25 =	vld.idx.msk [tilespmem:v26+s21+$0x0], $0xffff;
	[tilespmem:s15+$0x10020] =	vst v18;
	v18 =	vadd.s32 v7, v14;
	v14 =	vmov v15  }
0x437: {  	v15 =	vadd.s32 v2, v14;
	v26 =	vld.idx.msk [tilespmem:v28+s21+$0x0], $0xffff;
	[tilespmem:s15+$0x10030] =	vst v19  }
0x438: {  	v19 =	vadd.s32 v2, v10;
	v28 =	vld.idx.msk [tilespmem:v30+s21+$0x0], $0xffff;
	[tilespmem:s8+$0x10000] =	vst v21  }
0x439: {  	v21 =	vadd.s32 v2, v12;
	s8 =	sor.u32 $0x300, s29;
	v23 =	vld.idx.msk [tilespmem:v23+s21+$0x0], $0xffff;
	[tilespmem:s14+$0x10000] =	vst v20  }
0x43a: {  	v20 =	vadd.s32 v2, v13;
	[tilespmem:s8+$0x10000] =	vst v22;
	v17 =	vld.idx.msk [tilespmem:v17+s21+$0x0], $0xffff  }
0x43b: {  	v22 =	vadd.s32 v6, v8;
	[tilespmem:s15+$0x10080] =	vst v24;
	v18 =	vld.idx.msk [tilespmem:v18+s21+$0x0], $0xffff  }
0x43c: {  	v24 =	vadd.s32 v7, v11;
	v11 =	vmov v10;
	v10 =	vmov v27;
	v15 =	vld.idx.msk [tilespmem:v15+s21+$0x0], $0xffff;
	[tilespmem:s15+$0x10090] =	vst v25  }
0x43d: {  	v19 =	vld.idx.msk [tilespmem:v19+s21+$0x0], $0xffff;
	[tilespmem:s15+$0x100A0] =	vst v26  }
0x43e: {  	v25 =	vadd.s32 v4, v14;
	v21 =	vld.idx.msk [tilespmem:v21+s21+$0x0], $0xffff;
	[tilespmem:s15+$0x100B0] =	vst v28  }
0x43f: {  	v26 =	vadd.s32 v4, v11;
	v20 =	vld.idx.msk [tilespmem:v20+s21+$0x0], $0xffff;
	[tilespmem:s13+$0x10000] =	vst v16  }
0x440: {  	s8 =	sor.u32 $0x380, s29;
	v16 =	vadd.s32 v4, v12;
	[tilespmem:s12+$0x10000] =	vst v23;
	v22 =	vld.idx.msk [tilespmem:v22+s21+$0x0], $0xffff  }
0x441: {  	v23 =	vadd.s32 v4, v13;
	[tilespmem:s8+$0x10000] =	vst v18;
	v18 =	vld.idx.msk [tilespmem:v24+s21+$0x0], $0xffff  }
0x442: {  	v24 =	vld [tilespmem:s11+$0x0];
	[tilespmem:s15+$0x10100] =	vst v15;
	v15 =	vadd.s32 v7, v9;
	v9 =	vmov v12;
	v12 =	vmov v29  }
0x443: {  	v25 =	vld.idx.msk [tilespmem:v25+s21+$0x0], $0xffff;
	[tilespmem:s15+$0x10110] =	vst v19  }
0x444: {  	v19 =	vld.idx.msk [tilespmem:v26+s21+$0x0], $0xffff;
	[tilespmem:s15+$0x10120] =	vst v21;
	v21 =	vadd.s32 v7, v8;
	v8 =	vmov v13  }
0x445: {  	v26 =	vadd.s32 v3, v14;
	v16 =	vld.idx.msk [tilespmem:v16+s21+$0x0], $0xffff;
	[tilespmem:s15+$0x10130] =	vst v20  }
0x446: {  	s2 =	sadd.s32 $0x40, s2;
	v20 =	vadd.s32 v3, v11;
	v23 =	vld.idx.msk [tilespmem:v23+s21+$0x0], $0xffff;
	[tilespmem:s3+$0x10000] =	vst v17  }
0x447: {  	s10 =	sadd.s32 $0x4, s10;
	s3 =	sand.u32 $0x7C0, s2;
	v17 =	vadd.s32 v3, v9;
	v27 =	vld.idx.msk [tilespmem:v15+s21+$0x0], $0xffff;
	[tilespmem:s30+$0x10000] =	vst v22;
	v13 =	vmov v24  }
0x448: {  	p3 =	slt.u32 s10, $0x7C;
	v22 =	vadd.s32 v3, v8;
	v15 =	vld [tilespmem:s3+$0x3800];
	[tilespmem:s0+$0x10000] =	vst v18  }
0x449: {  	v18 =	vadd.s32 v0, v10;
	[tilespmem:s15+$0x10180] =	vst v25;
	v21 =	vld.idx.msk [tilespmem:v21+s21+$0x0], $0xffff  }
0x44a: {  	p2 =	por !p2, !p2;
	v24 =	vadd.s32 v0, v12;
	s0 =	simm.s32 $0x1;
	v25 =	vld.idx.msk [tilespmem:v26+s21+$0x0], $0xffff;
	[tilespmem:s15+$0x10190] =	vst v19  }
0x44b: {  	s0 =	simm.s32 @!p2 $0x0;
	v19 =	vadd.s32 v0, v13;
	v20 =	vld.idx.msk [tilespmem:v20+s21+$0x0], $0xffff;
	[tilespmem:s15+$0x101A0] =	vst v16  }
0x44c: {  	s0 =	sshll.u32 s0, $0x6;
	v16 =	vadd.s32 v5, v14;
	v26 =	vld.idx.msk [tilespmem:v17+s21+$0x0], $0xffff;
	[tilespmem:s15+$0x101B0] =	vst v23  }
0x44d: {  	s29 =	sadd.s32 s0, s1;
	v23 =	vadd.s32 v0, v15;
	v28 =	vld.idx.msk [tilespmem:v22+s21+$0x0], $0xffff;
	[tilespmem:s4+$0x10000] =	vst v27  }
0x44e: {  	s0 =	sor.u32 $0x200, s29;
	v27 =	vadd.s32 v5, v11;
	v17 =	vld.idx.msk [tilespmem:v18+s21+$0x0], $0xffff  }
0x44f: {  	v29 =	vadd.s32 v5, v9;
	s15 =	sadd.s32 $0x20, s29;
	s16 =	sadd.s32 $0x30, s29;
	s4 =	sadd.s32 $0x10, s29;
	v18 =	vld.idx.msk [tilespmem:v24+s21+$0x0], $0xffff;
	[tilespmem:s19+$0x10000] =	vst v21  }
0x450: {  	v30 =	vadd.s32 v5, v8;
	s3 =	sor.u32 $0x200, s15;
	s14 =	sor.u32 $0x280, s15;
	v19 =	vld.idx.msk [tilespmem:v19+s21+$0x0], $0xffff;
	[tilespmem:s0+$0x10000] =	vst v25;
	s0 =	sor.u32 $0x200, s4  }
.Ltmp8:
0x451: {  	s8 =	sor.u32 $0x280, s4;
	s19 =	sor.u32 $0x200, s16;
	v22 =	vld.idx.msk [tilespmem:v16+s21+$0x0], $0xffff;
	[tilespmem:s0+$0x10000] =	vst v20;
	(pc) =	sbr.rel @p3 .LBB2_17-.Ltmp8, $4  }
0x452: {  	s13 =	sor.u32 $0x280, s16;
	s12 =	sor.u32 $0x300, s4;
	v24 =	vld.idx.msk [tilespmem:v23+s21+$0x0], $0xffff;
	[tilespmem:s3+$0x10000] =	vst v26;
	s3 =	sor.u32 $0x300, s15  }
0x453: {  	s30 =	sor.u32 $0x300, s16;
	s0 =	sor.u32 $0x380, s4;
	s4 =	sor.u32 $0x380, s15;
	v23 =	vadd.s32 v6, v14;
	v21 =	vld.idx.msk [tilespmem:v27+s21+$0x0], $0xffff;
	[tilespmem:s19+$0x10000] =	vst v28  }
0x454: {  	v25 =	vadd.s32 v1, v15;
	s19 =	sor.u32 $0x380, s16;
	v20 =	vld.idx.msk [tilespmem:v29+s21+$0x0], $0xffff  }
0x455: {  	s11 =	sadd.s32 $0x40, s11;
	s1 =	sadd.s32 $0x200, s1;
	v26 =	vadd.s32 v1, v10;
	v16 =	vld.idx.msk [tilespmem:v30+s21+$0x0], $0xffff  }
0x456: {  	_ = 	snop  }
0x457: {  	s2 =	sand.u32 $0x40, s2;
	s10 =	sand.u32 $0x3C00, s1;
	v0 =	vadd.s32 v1, v12  }
0x458: {  	v62 =	vadd.s32 v1, v13;
	s2 =	sor.u32 s2, s10  }
0x459: {  	[tilespmem:s2+$0x10000] =	vst v24  }
0x45a: {  	[tilespmem:s2+$0x10010] =	vst v17;
	v24 =	vld.idx.msk [tilespmem:v25+s21+$0x0], $0xffff  }
0x45b: {  	v63 =	vadd.s32 v2, v15;
	[tilespmem:s2+$0x10020] =	vst v18;
	v17 =	vld.idx.msk [tilespmem:v26+s21+$0x0], $0xffff  }
0x45c: {  	v28 =	vadd.s32 v2, v10;
	[tilespmem:s2+$0x10030] =	vst v19;
	v0 =	vld.idx.msk [tilespmem:v0+s21+$0x0], $0xffff  }
0x45d: {  	v29 =	vadd.s32 v2, v12;
	v1 =	vld.idx.msk [tilespmem:v62+s21+$0x0], $0xffff  }
0x45e: {  	v30 =	vadd.s32 v2, v13  }
0x45f: {  	[tilespmem:s2+$0x10080] =	vst v24  }
0x460: {  	[tilespmem:s2+$0x10090] =	vst v17;
	v18 =	vld.idx.msk [tilespmem:v63+s21+$0x0], $0xffff  }
0x461: {  	v31 =	vadd.s32 v4, v15;
	v17 =	vld.idx.msk [tilespmem:v28+s21+$0x0], $0xffff;
	[tilespmem:s2+$0x100A0] =	vst v0  }
0x462: {  	s26 =	sor.u32 $0x280, s29;
	v33 =	vadd.s32 v4, v10;
	[tilespmem:s2+$0x100B0] =	vst v1;
	v32 =	vld.idx.msk [tilespmem:v29+s21+$0x0], $0xffff  }
0x463: {  	v34 =	vadd.s32 v4, v12;
	[tilespmem:s26+$0x10000] =	vst v22;
	v2 =	vld.idx.msk [tilespmem:v30+s21+$0x0], $0xffff  }
0x464: {  	v35 =	vadd.s32 v4, v13;
	[tilespmem:s8+$0x10000] =	vst v21  }
0x465: {  	[tilespmem:s2+$0x10100] =	vst v18  }
0x466: {  	v37 =	vadd.s32 v6, v11;
	[tilespmem:s2+$0x10110] =	vst v17;
	v0 =	vld.idx.msk [tilespmem:v31+s21+$0x0], $0xffff  }
0x467: {  	v38 =	vadd.s32 v3, v15;
	v1 =	vld.idx.msk [tilespmem:v33+s21+$0x0], $0xffff;
	[tilespmem:s2+$0x10120] =	vst v32  }
0x468: {  	v39 =	vadd.s32 v3, v10;
	[tilespmem:s2+$0x10130] =	vst v2;
	v19 =	vld.idx.msk [tilespmem:v34+s21+$0x0], $0xffff  }
0x469: {  	v40 =	vadd.s32 v3, v12;
	[tilespmem:s14+$0x10000] =	vst v20;
	v4 =	vld.idx.msk [tilespmem:v35+s21+$0x0], $0xffff  }
0x46a: {  	v41 =	vadd.s32 v3, v13;
	v36 =	vld.idx.msk [tilespmem:v23+s21+$0x0], $0xffff;
	[tilespmem:s13+$0x10000] =	vst v16  }
0x46b: {  	v47 =	vadd.s32 v6, v8;
	v18 =	vld.idx.msk [tilespmem:v37+s21+$0x0], $0xffff;
	[tilespmem:s2+$0x10180] =	vst v0  }
0x46c: {  	v14 =	vadd.s32 v7, v14;
	p2 =	por !p2, !p2;
	s8 =	simm.s32 $0x1;
	[tilespmem:s2+$0x10190] =	vst v1;
	v17 =	vld.idx.msk [tilespmem:v38+s21+$0x0], $0xffff  }
0x46d: {  	v43 =	vadd.s32 v5, v15;
	s8 =	simm.s32 @!p2 $0x0;
	v1 =	vld.idx.msk [tilespmem:v39+s21+$0x0], $0xffff;
	[tilespmem:s2+$0x101A0] =	vst v19  }
0x46e: {  	v44 =	vadd.s32 v5, v10;
	s10 =	sor.u32 $0x300, s29;
	s11 =	sshll.u32 s8, $0x6;
	[tilespmem:s2+$0x101B0] =	vst v4;
	v19 =	vld.idx.msk [tilespmem:v40+s21+$0x0], $0xffff  }
0x46f: {  	v45 =	vadd.s32 v5, v12;
	s1 =	sadd.s32 s11, s1;
	[tilespmem:s10+$0x10000] =	vst v36;
	v3 =	vld.idx.msk [tilespmem:v41+s21+$0x0], $0xffff  }
0x470: {  	v46 =	vadd.s32 v5, v13;
	v53 =	vld.idx.msk [tilespmem:v47+s21+$0x0], $0xffff;
	s13 =	sor.u32 $0x200, s1;
	[tilespmem:s12+$0x10000] =	vst v18;
	s2 =	sadd.s32 $0x10, s1  }
0x471: {  	v42 =	vadd.s32 v6, v9;
	s8 =	sadd.s32 $0x20, s1;
	v14 =	vld.idx.msk [tilespmem:v14+s21+$0x0], $0xffff;
	s14 =	sor.u32 $0x200, s2;
	[tilespmem:s13+$0x10000] =	vst v17  }
0x472: {  	v48 =	vadd.s32 v7, v11;
	s11 =	sor.u32 $0x200, s8;
	s12 =	sadd.s32 $0x30, s1;
	[tilespmem:s14+$0x10000] =	vst v1;
	v2 =	vld.idx.msk [tilespmem:v43+s21+$0x0], $0xffff  }
0x473: {  	v49 =	vadd.s32 v6, v15;
	s15 =	sor.u32 $0x200, s12;
	v4 =	vld.idx.msk [tilespmem:v44+s21+$0x0], $0xffff;
	[tilespmem:s11+$0x10000] =	vst v19  }
0x474: {  	v51 =	vadd.s32 v6, v10;
	[tilespmem:s15+$0x10000] =	vst v3;
	v50 =	vld.idx.msk [tilespmem:v45+s21+$0x0], $0xffff  }
0x475: {  	s16 =	sor.u32 $0x380, s29;
	v52 =	vadd.s32 v6, v12;
	[tilespmem:s30+$0x10000] =	vst v53;
	v5 =	vld.idx.msk [tilespmem:v46+s21+$0x0], $0xffff  }
0x476: {  	v54 =	vadd.s32 v6, v13;
	s22 =	sor.u32 $0x280, s1;
	[tilespmem:s16+$0x10000] =	vst v14;
	v0 =	vld.idx.msk [tilespmem:v42+s21+$0x0], $0xffff  }
0x477: {  	v56 =	vadd.s32 v7, v9;
	v55 =	vld.idx.msk [tilespmem:v48+s21+$0x0], $0xffff;
	s26 =	sor.u32 $0x280, s2;
	[tilespmem:s22+$0x10000] =	vst v2  }
0x478: {  	v57 =	vadd.s32 v7, v8;
	s29 =	sor.u32 $0x280, s8;
	[tilespmem:s26+$0x10000] =	vst v4;
	v1 =	vld.idx.msk [tilespmem:v49+s21+$0x0], $0xffff  }
0x479: {  	v58 =	vadd.s32 v7, v15;
	s11 =	sor.u32 $0x280, s12;
	v59 =	vld.idx.msk [tilespmem:v51+s21+$0x0], $0xffff;
	[tilespmem:s29+$0x10000] =	vst v50  }
0x47a: {  	v60 =	vadd.s32 v7, v10;
	[tilespmem:s11+$0x10000] =	vst v5;
	v3 =	vld.idx.msk [tilespmem:v52+s21+$0x0], $0xffff  }
0x47b: {  	v61 =	vadd.s32 v7, v12;
	[tilespmem:s3+$0x10000] =	vst v0;
	v0 =	vld.idx.msk [tilespmem:v54+s21+$0x0], $0xffff  }
0x47c: {  	v62 =	vadd.s32 v7, v13;
	[tilespmem:s0+$0x10000] =	vst v55;
	v9 =	vld.idx.msk [tilespmem:v56+s21+$0x0], $0xffff;
	s13 =	sor.u32 $0x300, s1  }
0x47d: {  	s14 =	sor.u32 $0x300, s2;
	v2 =	vld.idx.msk [tilespmem:v57+s21+$0x0], $0xffff;
	[tilespmem:s13+$0x10000] =	vst v1  }
0x47e: {  	s15 =	sor.u32 $0x300, s8;
	[tilespmem:s14+$0x10000] =	vst v59;
	v1 =	vld.idx.msk [tilespmem:v58+s21+$0x0], $0xffff  }
0x47f: {  	s16 =	sor.u32 $0x300, s12;
	v63 =	vld.idx.msk [tilespmem:v60+s21+$0x0], $0xffff;
	[tilespmem:s15+$0x10000] =	vst v3  }
0x480: {  	[tilespmem:s16+$0x10000] =	vst v0;
	v3 =	vld.idx.msk [tilespmem:v61+s21+$0x0], $0xffff  }
0x481: {  	[tilespmem:s4+$0x10000] =	vst v9;
	v0 =	vld.idx.msk [tilespmem:v62+s21+$0x0], $0xffff  }
0x482: {  	[tilespmem:s19+$0x10000] =	vst v2;
	s19 =	sor.u32 $0x380, s1  }
0x483: {  	s22 =	sor.u32 $0x380, s2;
	[tilespmem:s19+$0x10000] =	vst v1  }
0x484: {  	s26 =	sor.u32 $0x380, s8;
	[tilespmem:s22+$0x10000] =	vst v63  }
0x485: {  	s0 =	sadd.s32 @p1 $0xFF07C000, s18;
	s29 =	sor.u32 $0x380, s12;
	[tilespmem:s26+$0x10000] =	vst v3  }
0x486: {  	s7 =	sadd.s32 $0x1, s7;
	s0 =	sshrl.u32 @p1 s0, $0x3;
	s2 =	rddreg [dreg:$0xf];
	[tilespmem:s29+$0x10000] =	vst v0  }
0x487: {  	s0 =	sadd.s32 @p1 s5, s0;
	s2 =	sadd.s32 @!p1 s9, s2;
	s30 =	rddreg [dreg:$0x7]  }
0x488: {  	s2 =	smov.u32 @p1 s0;
	p1 =	slt.u32 s7, s30  }
.Ltmp9:
0x489: {  	_ = 	snop;
	(pc) =	sbr.rel @p1 .LBB2_2-.Ltmp9, $2  }
0x48a: {  	_ =	sdelay $0x2  }
0x48b: {  	[hbm4b:s2+s6] =	stream.linear.scatter [tilespmem:s28], [sflag:$0x3], $0x4000, $0x38;
	[tilespmem:$0x1C300] =	vst v63  }
.LBB2_19:
0x48c: {  	s0 =	simm.s32 $0x0  }
0x48d: {  	s2 =	simm.s32 $0x30;
	s1 =	sand.u32 $0x180, s0  }
0x48e: {  	s2 =	sand.u32 $0x70, s2;
	s1 =	sadd.s32 s1, s17  }
0x48f: {  	s2 =	sadd.s32 s2, s1  }
0x490: {  	s0 =	sand.u32 $0x40, s0;
	v0 =	vld [tilespmem:s2+$0x0]  }
0x491: {  	s0 =	sadd.s32 s0, s1  }
0x492: {  	s18 =	simm.s32 $0x10;
	s19 =	simm.s32 $0x20;
	v1 =	vld [tilespmem:s0+$0x0]  }
0x493: {  	s3 =	simm.s32 $0x40;
	s29 =	simm.s32 $0x50;
	s0 =	sand.u32 $0x50, s18  }
0x494: {  	s22 =	sand.u32 $0x180, s3;
	s2 =	sand.u32 $0x60, s19;
	s0 =	sadd.s32 s0, s1  }
0x495: {  	s1 =	sadd.s32 s2, s1;
	s2 =	sand.u32 $0x50, s29;
	v5 =	vld [tilespmem:s0+$0x0];
	s0 =	sadd.s32 s22, s17  }
0x496: {  	s26 =	simm.s32 $0x70;
	v2 =	vld [tilespmem:s1+$0x0];
	s2 =	sadd.s32 s2, s0  }
0x497: {  	s28 =	sand.u32 $0x70, s26;
	v6 =	vld [tilespmem:s2+$0x0]  }
0x498: {  	s1 =	sadd.s32 s28, s0;
	v7 =	vld.idx.msk [tilespmem:v0+s20+$0x0], $0xffff  }
0x499: {  	s30 =	simm.s32 $0x60;
	s3 =	sand.u32 $0x40, s3;
	v0 =	vld [tilespmem:s1+$0x0]  }
0x49a: {  	s3 =	sadd.s32 s3, s0;
	v3 =	vld.idx.msk [tilespmem:v1+s20+$0x0], $0xffff;
	s1 =	sand.u32 $0x60, s30  }
0x49b: {  	v1 =	vld [tilespmem:s3+$0x0];
	s1 =	sadd.s32 s1, s0  }
0x49c: {  	s0 =	simm.s32 $0x1C120;
	v4 =	vld [tilespmem:s1+$0x0]  }
0x49d: {  	s2 =	simm.s32 $0x80;
	s1 =	simm.s32 $0x4;
	v5 =	vld.idx.msk [tilespmem:v5+s20+$0x0], $0xffff;
	[tilespmem:s0+$0x10] =	vst v7  }
.LBB2_20:
0x49e: {  	s3 =	sand.u32 $0x180, s2  }
0x49f: {  	s4 =	sadd.s32 $0x30, s2;
	s1 =	sadd.s32 $0x4, s1;
	v7 =	vld.idx.msk [tilespmem:v2+s20+$0x0], $0xffff;
	s7 =	sadd.s32 $0x10, s2  }
0x4a0: {  	s3 =	sadd.s32 s3, s17;
	s4 =	sand.u32 $0x70, s4;
	p1 =	slt.u32 s1, $0x1C;
	[tilespmem:s0+$0xFFFFFFE0] =	vst v3  }
0x4a1: {  	s8 =	sadd.s32 $0x20, s2;
	s7 =	sand.u32 $0x50, s7;
	s4 =	sadd.s32 s4, s3;
	v8 =	vld.idx.msk [tilespmem:v0+s20+$0x0], $0xffff;
	v9 =	vmov v6  }
0x4a2: {  	s9 =	sand.u32 $0x40, s2;
	s8 =	sand.u32 $0x60, s8;
	s7 =	sadd.s32 s7, s3;
	v0 =	vld [tilespmem:s4+$0x0];
	v2 =	vmov v4  }
.Ltmp10:
0x4a3: {  	s4 =	sadd.s32 s9, s3;
	s3 =	sadd.s32 s8, s3;
	v3 =	vld.idx.msk [tilespmem:v1+s20+$0x0], $0xffff;
	(pc) =	sbr.rel @p1 .LBB2_20-.Ltmp10, $4  }
0x4a4: {  	v1 =	vld [tilespmem:s4+$0x0];
	[tilespmem:s0+$0xFFFFFFF0] =	vst v5  }
0x4a5: {  	v6 =	vld [tilespmem:s7+$0x0];
	[tilespmem:s0+$0x0] =	vst v7  }
0x4a6: {  	s0 =	sadd.s32 $0x40, s0;
	v4 =	vld [tilespmem:s3+$0x0]  }
0x4a7: {  	s2 =	sadd.s32 $0x40, s2;
	v5 =	vld.idx.msk [tilespmem:v9+s20+$0x0], $0xffff;
	[tilespmem:s0+$0x10] =	vst v8  }
0x4a8: {  	_ =	sdelay $0x3  }
0x4a9: {  	v2 =	vld.idx.msk [tilespmem:v2+s20+$0x0], $0xffff  }
0x4aa: {  	v0 =	vld.idx.msk [tilespmem:v0+s20+$0x0], $0xffff  }
0x4ab: {  	v1 =	vld.idx.msk [tilespmem:v1+s20+$0x0], $0xffff  }
0x4ac: {  	[tilespmem:s0+$0xFFFFFFE0] =	vst v3;
	v63 =	vld.idx.msk [tilespmem:v6+s20+$0x0], $0xffff  }
0x4ad: {  	v4 =	vld.idx.msk [tilespmem:v4+s20+$0x0], $0xffff;
	[tilespmem:s0+$0xFFFFFFF0] =	vst v5  }
0x4ae: {  	s22 =	sadd.s32 $0x40, s0;
	[tilespmem:s0+$0x0] =	vst v2  }
0x4af: {  	[tilespmem:s22+$0x10] =	vst v0  }
0x4b0: {  	[tilespmem:s22+$0xFFFFFFE0] =	vst v1  }
0x4b1: {  	[tilespmem:s22+$0xFFFFFFF0] =	vst v63  }
0x4b2: {  	[tilespmem:s22+$0x0] =	vst v4  }
0x4b3: {  	s1 =	simm.s32 $0x1C100;
	s26 =	simm.s32 $0x6;
	s0 =	rddreg [dreg:$0x10]  }
0x4b4: {  	[hbm4b:s0+s6] =	stream.linear.scatter [tilespmem:s1], [sflag:$0x6], $0x200, $0x38;
	[tilespmem:$0x1C300] =	vst v63  }
0x4b5: {  	_ =	swait.ge [sflag:s26], $0x200  }
0x4b6: {  	[sflag:s26] =	ssyncset.done $0x0  }
0x4b7: {  	[sflag:s26] =	ssyncadd.s32 $0xFFFFFE00  }
0x4b8: {  	_ =	swait.ge [sflag:s23], $0x4000  }
0x4b9: {  	[sflag:s23] =	ssyncset.done $0x0  }
0x4ba: {  	[sflag:s23] =	ssyncadd.s32 $0xFFFFC000  }
0x4bb: {  	_ =	swait.ge [sflag:s25], $0x4000  }
0x4bc: {  	[sflag:s25] =	ssyncset.done $0x0  }
0x4bd: {  	[sflag:s25] =	ssyncadd.s32 $0xFFFFC000  }
0x4be: {  	_ =	swait.ge [sflag:s24], $0x4000  }
0x4bf: {  	[sflag:s24] =	ssyncset.done $0x0  }
0x4c0: {  	s28 =	simm.s32 $0x4;
	[sflag:s24] =	ssyncadd.s32 $0xFFFFC000  }
0x4c1: {  	_ =	swait.ge [sflag:s28], $0x4000  }
0x4c2: {  	[sflag:s28] =	ssyncset.done $0x0  }
0x4c3: {  	s29 =	simm.s32 $0x5;
	[sflag:s28] =	ssyncadd.s32 $0xFFFFC000  }
0x4c4: {  	_ =	swait.ge [sflag:s29], $0x4000  }
0x4c5: {  	s2 =	rddreg [dreg:$0x12]  }
0x4c6: {  	s30 =	rddreg [dreg:$0x11];
	s2 =	sadd.s32 $0x1, s2  }
0x4c7: {  	p1 =	sne.s32 s2, s30  }
.Ltmp11:
0x4c8: {  	_ = 	snop;
	(pc) =	sbr.rel @p1 .LBB2_1-.Ltmp11, $3  }
0x4c9: {  	_ =	sdelay $0x1  }
0x4ca: {  	[sflag:s29] =	ssyncset.done $0x0  }
0x4cb: {  	[sflag:s29] =	ssyncadd.s32 $0xFFFFC000  }
0x4cc: {  	_ =	sfence.sel $0x180000  }
0x4cd: {  	[bflag:$0x0] =	sbarrier.arrive $0xFFFF  }
0x4ce: {  	_ =	strace $0x90000047  }
0x4cf: {  	s0 =	stileid.u32;
	[bflag:$0x2] =	sbarrier.arrive $0xFFFF  }
0x4d0: {  	p0 =	sne.s32 s0, $0x0;
	s0 =	rddreg [dreg:$0x6]  }
0x4d1: {  	s0 =	sadd.s32 @!p0 $0x100000, s0  }
0x4d2: {  	[sflag:s0] =	ssyncadd.tile.s32 @!p0 $0x1;
	_ =	shalt  }
.Lfunc_end2:
_tile_overlayer_lowered:
.L_overlay_start_2:
0x4d3: {  	(tag) =	ssettag $0x2  }
0x4d4: {  	s0 =	rddreg [dreg:$0x0];
	s2 =	stileid.u32  }
0x4d5: {  	s1 =	rddreg [dreg:$0x1];
	p0 =	sne.s32 s2, $0x0  }
0x4d6: {  	s3 =	rddreg [dreg:$0x2];
	[bflag:$0x3] =	sbarrier.arrive $0xFFFF;
	s2 =	simm.s32 @!p0 $0x1C06  }
0x4d7: {  	[timem:s3], [sflag:s2] =	dma.local @!p0 [hbm:s0], s1  }
0x4d8: {  	s0 =	simm.s32 @!p0 $0x6  }
0x4d9: {  	_ =	swait.ge @!p0 [sflag:s0], s1  }
0x4da: {  	s1 =	ssub.s32 @!p0 $0x0, s1;
	[sflag:s0] =	ssyncset.done @!p0 $0x0  }
0x4db: {  	[sflag:s0] =	ssyncadd.s32 @!p0 s1  }
0x4dc: {  	[bflag:$0x3] =	sbarrier.arrive $0xFFFF  }
0x4dd: {  	_ =	shalt  }

</sc_bundles>
